<compile_context>
chip_gen: v7x
topology: tpu7x:2x2x1
jax: 0.10.2.dev20260603
libtpu: 0.0.44.dev20260713+nightly
codegen_flags: <defaults>
</compile_context>

<pallas_src>
import functools

import jax
import jax.numpy as jnp
from jax import lax
from jax.experimental import pallas as pl
from jax.experimental.pallas import tpu as pltpu
from jax.experimental.pallas import tpu_sc as plsc

N_STOCKS = 2048
N_MARKET = 32
HIDDEN = 256
N_CLUSTERS = 8
N_SUBCLUSTERS = 4
N_HEADS = 4
DH = HIDDEN // N_HEADS
CSIZE = N_STOCKS // N_CLUSTERS
ISIZE = CSIZE // N_SUBCLUSTERS
QB = CSIZE
W3 = 3 * N_SUBCLUSTERS * HIDDEN
NEG = -1000000000.0
_HI = jax.lax.Precision.HIGHEST


def _norm_rows(v, eps=1e-12):
    n = jnp.sqrt(jnp.sum(v * v, axis=-1, keepdims=True))
    return v / jnp.maximum(n, eps)


def _rank_kernel(sims_ref, cl_ref, idxs_ref):
    sims_r = sims_ref[...]
    sims_c = jnp.transpose(sims_r)
    idx_c = jax.lax.broadcasted_iota(jnp.int32, (N_STOCKS, 1), 0)
    idx_r = jax.lax.broadcasted_iota(jnp.int32, (1, N_STOCKS), 1)

    lt = (sims_r < sims_c) | ((sims_r == sims_c) & (idx_r < idx_c))
    rank = jnp.sum(lt.astype(jnp.float32), axis=1, keepdims=True)
    cl_c = (N_CLUSTERS - 1
            - (rank * (1.0 / CSIZE)).astype(jnp.int32)).astype(jnp.int32)
    cl_r = jnp.transpose(cl_c)

    same = (cl_r == cl_c)
    pos = jnp.sum((same & (idx_r < idx_c)).astype(jnp.float32), axis=1,
                  keepdims=True)
    piota = jax.lax.broadcasted_iota(jnp.int32, (1, CSIZE), 1)
    pos_i = pos.astype(jnp.int32)
    jf_r = idx_r.astype(jnp.float32)

    cl_ref[...] = cl_r
    for c in range(N_CLUSTERS):
        memb_c = (cl_c == c)
        ph = ((pos_i == piota) & memb_c).astype(jnp.float32)
        row = jax.lax.dot_general(jf_r, ph, (((1,), (0,)), ((), ())),
                                  preferred_element_type=jnp.float32,
                                  precision=_HI)
        idxs_ref[c, :] = row.astype(jnp.int32)[0]


def _interval_sc_kernel(s_hbm, iv_hbm, s_v, iv_v):
    wid = lax.axis_index("s") * 2 + lax.axis_index("c")
    c = wid // N_SUBCLUSTERS
    q = wid % N_SUBCLUSTERS
    pltpu.sync_copy(s_hbm.at[c], s_v)
    for t in range(ISIZE // 16):
        base = q * ISIZE + t * 16
        s_mine = s_v[pl.ds(base, 16)]
        posv = lax.iota(jnp.int32, 16) + base

        def body(jb, cnt):
            sb = s_v[pl.ds(jb * 16, 16)]
            for l in range(16):
                j = jb * 16 + l
                sj = sb[l]
                beats = (sj < s_mine) | ((sj == s_mine) & (j < posv))
                cnt = cnt + jnp.where(beats, 1, 0)
            return cnt

        cnt = lax.fori_loop(0, CSIZE // 16, body,
                            jnp.zeros((16,), jnp.int32))
        iv_v[pl.ds(t * 16, 16)] = (N_SUBCLUSTERS - 1
                                   - jax.lax.shift_right_logical(cnt, 6))
    pltpu.sync_copy(iv_v, iv_hbm.at[c, pl.ds(q * ISIZE, ISIZE)])


_interval_sc = functools.partial(
    pl.kernel,
    mesh=plsc.VectorSubcoreMesh(core_axis_name="c", subcore_axis_name="s"),
    out_type=jax.ShapeDtypeStruct((N_CLUSTERS, CSIZE), jnp.int32),
    scratch_types=[
        pltpu.VMEM((CSIZE,), jnp.float32),
        pltpu.VMEM((ISIZE,), jnp.int32),
    ],
)(_interval_sc_kernel)


def _attn_kernel(x_ref, xs_ref, w_ref, b_ref, ivr_ref, ivc_ref,
                 wd_ref, bd_ref, g_ref, bln_ref, wc_ref, bc_ref, o_ref):
    xb = x_ref[...]
    xsum = xs_ref[...]
    iv_r = ivr_ref[0]
    iv_c = ivc_ref[0]

    qs, ks, vs, mvs = [], [], [], []
    for kidx in range(N_SUBCLUSTERS):
        off = 3 * kidx * HIDDEN
        wq = w_ref[:, off:off + HIDDEN]
        wk = w_ref[:, off + HIDDEN:off + 2 * HIDDEN]
        wv = w_ref[:, off + 2 * HIDDEN:off + 3 * HIDDEN]
        bq = b_ref[:, off:off + HIDDEN]
        bk = b_ref[:, off + HIDDEN:off + 2 * HIDDEN]
        bv = b_ref[:, off + 2 * HIDDEN:off + 3 * HIDDEN]
        qs.append(jnp.dot(xb, wq, preferred_element_type=jnp.float32) + bq)
        ks.append(jnp.dot(xb, wk, preferred_element_type=jnp.float32) + bk)
        vs.append(jnp.dot(xb, wv, preferred_element_type=jnp.float32) + bv)
        mvs.append((jnp.dot(xsum, wv, preferred_element_type=jnp.float32)
                    + float(N_STOCKS) * bv) * (1.0 / N_STOCKS))

    qm = qs[0]
    km = ks[0]
    vm = vs[0]
    for kidx in range(1, N_SUBCLUSTERS):
        sel = (iv_c == kidx)
        qm = jnp.where(sel, qs[kidx], qm)
        km = jnp.where(sel, ks[kidx], km)
        vm = jnp.where(sel, vs[kidx], vm)

    same_iv = (iv_c == iv_r)
    addmask = jnp.where(same_iv, 0.0, NEG)

    ctxs = []
    for h in range(N_HEADS):
        qh = qm[:, h * DH:(h + 1) * DH]
        kh = km[:, h * DH:(h + 1) * DH]
        vh = vm[:, h * DH:(h + 1) * DH]
        s = jax.lax.dot_general(qh, kh, (((1,), (1,)), ((), ())),
                                preferred_element_type=jnp.float32)
        s = s * (1.0 / (DH ** 0.5)) + addmask
        m = jnp.max(s, axis=1, keepdims=True)
        p = jnp.exp(s - m)
        l = jnp.sum(p, axis=1, keepdims=True)
        ctxs.append(jnp.dot(p / l, vh, preferred_element_type=jnp.float32))
    ctx_m = jnp.concatenate(ctxs, axis=1)

    acc = jnp.zeros((QB, HIDDEN), jnp.float32)
    for kidx in range(N_SUBCLUSTERS):
        ctx = jnp.where(iv_c == kidx, ctx_m, mvs[kidx])
        out = jnp.dot(ctx, wd_ref[kidx],
                      preferred_element_type=jnp.float32) + bd_ref[kidx] + xb
        mu = jnp.mean(out, axis=1, keepdims=True)
        d = out - mu
        var = jnp.mean(d * d, axis=1, keepdims=True)
        y = d / jnp.sqrt(var + 1e-12) * g_ref[kidx] + bln_ref[kidx]
        acc = acc + jnp.dot(y, wc_ref[kidx],
                            preferred_element_type=jnp.float32)
    o_ref[...] = acc + bc_ref[...]


def kernel(stock_reps, market_reps, params):
    x = stock_reps
    mr = jnp.transpose(jnp.squeeze(market_reps, axis=0), (1, 0))
    sims = jnp.mean(_norm_rows(x) @ _norm_rows(mr).T, axis=1)

    cl_r, idxs = pl.pallas_call(
        _rank_kernel,
        out_shape=[
            jax.ShapeDtypeStruct((1, N_STOCKS), jnp.int32),
            jax.ShapeDtypeStruct((N_CLUSTERS, CSIZE), jnp.int32),
        ],
    )(sims.reshape(1, N_STOCKS))

    perm = idxs.reshape(N_STOCKS)
    x_perm = x[perm]

    s_rows = []
    for c in range(N_CLUSTERS):
        cs = x_perm[c * CSIZE:(c + 1) * CSIZE]
        centroid = jnp.mean(cs, axis=0, keepdims=True)
        s_rows.append(jnp.squeeze(_norm_rows(cs) @ _norm_rows(centroid).T))
    s8 = jnp.stack(s_rows)

    iv8 = _interval_sc(s8)

    attn = params['attn']
    wcat = jnp.concatenate(
        [attn[k][nm] for k in range(N_SUBCLUSTERS)
         for nm in ('Wq', 'Wk', 'Wv')], axis=1)
    bcat = jnp.concatenate(
        [attn[k][nm] for k in range(N_SUBCLUSTERS)
         for nm in ('bq', 'bk', 'bv')], axis=0)[None, :]

    xsum = jnp.sum(x_perm, axis=0, keepdims=True)

    wd = jnp.stack([attn[k]['Wd'] for k in range(N_SUBCLUSTERS)])
    bd = jnp.stack([attn[k]['bd'] for k in range(N_SUBCLUSTERS)])[:, None, :]
    g = jnp.stack([attn[k]['g'] for k in range(N_SUBCLUSTERS)])[:, None, :]
    bln = jnp.stack([attn[k]['b_ln']
                     for k in range(N_SUBCLUSTERS)])[:, None, :]
    wc = params['Wc'].reshape(N_SUBCLUSTERS, HIDDEN, HIDDEN)
    bc = params['bc'][None, :]
    iv_row = iv8.reshape(N_CLUSTERS, 1, CSIZE)
    iv_col = iv8.reshape(N_CLUSTERS, CSIZE, 1)

    out_perm = pl.pallas_call(
        _attn_kernel,
        grid=(N_CLUSTERS,),
        in_specs=[
            pl.BlockSpec((QB, HIDDEN), lambda i: (i, 0)),
            pl.BlockSpec((1, HIDDEN), lambda i: (0, 0)),
            pl.BlockSpec((HIDDEN, W3), lambda i: (0, 0)),
            pl.BlockSpec((1, W3), lambda i: (0, 0)),
            pl.BlockSpec((1, 1, CSIZE), lambda i: (i, 0, 0)),
            pl.BlockSpec((1, CSIZE, 1), lambda i: (i, 0, 0)),
            pl.BlockSpec((N_SUBCLUSTERS, HIDDEN, HIDDEN),
                         lambda i: (0, 0, 0)),
            pl.BlockSpec((N_SUBCLUSTERS, 1, HIDDEN), lambda i: (0, 0, 0)),
            pl.BlockSpec((N_SUBCLUSTERS, 1, HIDDEN), lambda i: (0, 0, 0)),
            pl.BlockSpec((N_SUBCLUSTERS, 1, HIDDEN), lambda i: (0, 0, 0)),
            pl.BlockSpec((N_SUBCLUSTERS, HIDDEN, HIDDEN),
                         lambda i: (0, 0, 0)),
            pl.BlockSpec((1, HIDDEN), lambda i: (0, 0)),
        ],
        out_specs=pl.BlockSpec((QB, HIDDEN), lambda i: (i, 0)),
        out_shape=jax.ShapeDtypeStruct((N_STOCKS, HIDDEN), jnp.float32),
    )(x_perm, xsum, wcat, bcat, iv_row, iv_col, wd, bd, g, bln, wc, bc)

    reps = jnp.zeros((N_STOCKS, HIDDEN), jnp.float32).at[perm].set(out_perm)
    return reps, cl_r.reshape(-1), sims

# --- scband reference (transcript-rebuilt; emitter-appended) ---
"""Pipeline reference for scband-dynamic-stock-clustering-29953101922746 (READ-ONLY COPY).

The authoritative reference and input builder live on the scoring server;
editing this copy changes nothing except your own understanding.
"""

import jax, jax.numpy as jnp
import numpy as np

N_STOCKS = 2048
N_MARKET = 32
HIDDEN = 256
N_CLUSTERS = 8
N_SUBCLUSTERS = 4
N_HEADS = 4


def _normalize(x, eps=1e-12):
    n = jnp.sqrt(jnp.sum(x * x, axis=-1, keepdims=True))
    return x / jnp.maximum(n, eps)


def _layernorm(x, g, b, eps=1e-12):
    mu = jnp.mean(x, axis=-1, keepdims=True)
    var = jnp.var(x, axis=-1, keepdims=True)
    return (x - mu) / jnp.sqrt(var + eps) * g + b


def _mha(x, mask, p):
    # Equivalent to the torch module: query = x.unsqueeze(1), key/value = x expanded to [N,N,H].
    # Since every expanded key row is identical, this reduces exactly to standard NxN self-attention
    # with a per-(query,key) additive mask, followed by dense + residual + LayerNorm (dropout in eval mode).
    N, H = x.shape
    dh = H // N_HEADS
    q = (x @ p['Wq'] + p['bq']).reshape(N, N_HEADS, dh)
    k = (x @ p['Wk'] + p['bk']).reshape(N, N_HEADS, dh)
    v = (x @ p['Wv'] + p['bv']).reshape(N, N_HEADS, dh)
    scores = jnp.einsum('ihd,jhd->hij', q, k) / jnp.sqrt(float(dh))
    scores = scores + mask[None, :, :]
    probs = jax.nn.softmax(scores, axis=-1)
    ctx = jnp.einsum('hij,jhd->ihd', probs, v).reshape(N, H)
    out = ctx @ p['Wd'] + p['bd']
    return _layernorm(out + x, p['g'], p['b_ln'])


def _lin(k, fan_in, fan_out):
    lim = 1.0 / np.sqrt(fan_in)
    return jax.random.uniform(k, (fan_in, fan_out), minval=-lim, maxval=lim, dtype=jnp.float32)


def setup_inputs(seed: int = 0):
    key = jax.random.key(seed)
    stock_reps = jax.random.normal(jax.random.fold_in(key, 1), (N_STOCKS, HIDDEN), dtype=jnp.float32)
    market_reps = jax.random.normal(jax.random.fold_in(key, 2), (1, HIDDEN, N_MARKET), dtype=jnp.float32)
    c = 10
    attn = []
    for _ in range(N_SUBCLUSTERS):
        p = {}
        for nm in ['Wq', 'Wk', 'Wv', 'Wd']:
            p[nm] = _lin(jax.random.fold_in(key, c), HIDDEN, HIDDEN)
            c += 1
        p['bq'] = jnp.zeros((HIDDEN,), jnp.float32)
        p['bk'] = jnp.zeros((HIDDEN,), jnp.float32)
        p['bv'] = jnp.zeros((HIDDEN,), jnp.float32)
        p['bd'] = jnp.zeros((HIDDEN,), jnp.float32)
        p['g'] = jnp.ones((HIDDEN,), jnp.float32)
        p['b_ln'] = jnp.zeros((HIDDEN,), jnp.float32)
        attn.append(p)
    Wc = _lin(jax.random.fold_in(key, c), HIDDEN * N_SUBCLUSTERS, HIDDEN)
    bc = jnp.zeros((HIDDEN,), jnp.float32)
    params = {'attn': attn, 'Wc': Wc, 'bc': bc}
    return {'stock_reps': stock_reps, 'market_reps': market_reps, 'params': params}


def _clustering(stock_reps, market_reps):
    mr = jnp.transpose(jnp.squeeze(market_reps, axis=0), (1, 0))
    sims = jnp.mean(_normalize(stock_reps) @ _normalize(mr).T, axis=1)
    N = stock_reps.shape[0]
    cluster_size = N // N_CLUSTERS
    sorted_idx = jnp.argsort(sims)
    pos_cluster = (N_CLUSTERS - 1 - jnp.minimum(jnp.arange(N) // cluster_size, N_CLUSTERS - 1)).astype(jnp.int32)
    cluster_indices = jnp.zeros((N,), jnp.int32).at[sorted_idx].set(pos_cluster)
    interval_indices = jnp.zeros((N,), jnp.int32)
    for cidx in range(N_CLUSTERS):
        idxs = jnp.where(cluster_indices == cidx, size=cluster_size)[0]
        n_c = cluster_size
        if n_c == 0:
            continue
        cs = stock_reps[idxs]
        centroid = jnp.mean(cs, axis=0, keepdims=True)
        s = jnp.squeeze(_normalize(cs) @ _normalize(centroid).T)
        order = jnp.argsort(s)
        isize = n_c // N_SUBCLUSTERS
        for i in range(N_SUBCLUSTERS):
            st = i * isize
            en = (i + 1) * isize if i < N_SUBCLUSTERS - 1 else n_c
            interval_indices = interval_indices.at[idxs[order[st:en]]].set(N_SUBCLUSTERS - 1 - i)
    same_cluster = cluster_indices[:, None] == cluster_indices[None, :]
    masks = []
    for k in range(N_SUBCLUSTERS):
        same_int = (interval_indices[:, None] == k) & (interval_indices[None, :] == k)
        valid = same_cluster & same_int
        masks.append(jnp.where(valid, 0.0, -1000000000.0).astype(jnp.float32))
    return sims, cluster_indices, masks


def reference(stock_reps, market_reps, params):
    sims, cluster_indices, masks = _clustering(stock_reps, market_reps)
    outs = [_mha(stock_reps, masks[k], params['attn'][k]) for k in range(N_SUBCLUSTERS)]
    combined = jnp.concatenate(outs, axis=-1)
    clustering_reps = combined @ params['Wc'] + params['bc']
    return clustering_reps, cluster_indices, sims

if __name__ == "__main__":
    import jax
    _d = setup_inputs()
    print(jax.jit(kernel)(*tuple(_d.values())))

</pallas_src>

<mosaic_0001>
#map = affine_map<(d0, d1) -> (0, 0)>
module attributes {stable_mosaic.version = 14 : i64} {
  func.func @_interval_sc_kernel(%arg0: i32, %arg1: i32, %arg2: memref<8x256xf32, #tpu.memory_space<hbm>>, %arg3: memref<8x256xi32, #tpu.memory_space<hbm>>, %arg4: memref<256xf32, #tpu.memory_space<vmem>>, %arg5: memref<64xi32, #tpu.memory_space<vmem>>) attributes {dimension_semantics = [#tpu.dimension_semantics<core_parallel>, #tpu.dimension_semantics<subcore_parallel>], iteration_bounds = array<i64: 2, 16>, scalar_prefetch = 0 : i64, scratch_operands = 2 : i64, tpu.core_type = #tpu.core_type<sc_vector_subcore>, window_params = [{transform_indices = #map}, {transform_indices = #map}]} {
    %mul3A = arith.constant 2 : i32
    %mul3A_0 = arith.muli %arg1, %mul3A : i32
    %add3A = arith.addi %mul3A_0, %arg0 : i32
    %jit3A = arith.constant 4 : i32
    %div3A = arith.divsi %add3A, %jit3A : i32
    %sign3A = arith.constant 0 : i32
    %sign3A_1 = arith.cmpi sgt, %add3A, %sign3A : i32
    %sign3A_2 = arith.extui %sign3A_1 : i1 to i32
    %sign3A_3 = arith.constant 0 : i32
    %sign3A_4 = arith.cmpi slt, %add3A, %sign3A_3 : i32
    %sign3A_5 = arith.extui %sign3A_4 : i1 to i32
    %sign3A_6 = arith.subi %sign3A_2, %sign3A_5 : i32
    %sign3A_7 = arith.constant 0 : i32
    %sign3A_8 = arith.cmpi sgt, %jit3A, %sign3A_7 : i32
    %sign3A_9 = arith.extui %sign3A_8 : i1 to i32
    %sign3A_10 = arith.constant 0 : i32
    %sign3A_11 = arith.cmpi slt, %jit3A, %sign3A_10 : i32
    %sign3A_12 = arith.extui %sign3A_11 : i1 to i32
    %sign3A_13 = arith.subi %sign3A_9, %sign3A_12 : i32
    %ne3A = arith.cmpi ne, %sign3A_6, %sign3A_13 : i32
    %rem3A = arith.remsi %add3A, %jit3A : i32
    %ne3A_14 = arith.constant 0 : i32
    %ne3A_15 = arith.cmpi ne, %rem3A, %ne3A_14 : i32
    %and3A = arith.andi %ne3A, %ne3A_15 : i1
    %sub3A = arith.constant 1 : i32
    %sub3A_16 = arith.subi %div3A, %sub3A : i32
    %select_n3A = arith.select %and3A, %sub3A_16, %div3A : i32
    %jit3A_17 = arith.constant 4 : i32
    %eq3A = arith.constant 0 : i32
    %eq3A_18 = arith.cmpi eq, %jit3A_17, %eq3A : i32
    %jit3A_19 = arith.constant 1 : i32
    %select_n3A_20 = arith.select %eq3A_18, %jit3A_19, %jit3A_17 : i32
    %rem3A_21 = arith.remsi %add3A, %select_n3A_20 : i32
    %ne3A_22 = arith.constant 0 : i32
    %ne3A_23 = arith.cmpi ne, %rem3A_21, %ne3A_22 : i32
    %lt3A = arith.constant 0 : i32
    %lt3A_24 = arith.cmpi slt, %rem3A_21, %lt3A : i32
    %lt3A_25 = arith.constant 0 : i32
    %lt3A_26 = arith.cmpi slt, %select_n3A_20, %lt3A_25 : i32
    %ne3A_27 = arith.xori %lt3A_24, %lt3A_26 : i1
    %and3A_28 = arith.andi %ne3A_27, %ne3A_23 : i1
    %add3A_29 = arith.addi %rem3A_21, %select_n3A_20 : i32
    %select_n3A_30 = arith.select %and3A_28, %add3A_29, %rem3A_21 : i32
    "tpu.region"() ({
      %run_scoped3A = tpu.sem_alloc : memref<!tpu.dma_semaphore, #tpu.memory_space<semaphore_mem>>
      %dma_start3A = arith.constant 0 : i32
      %dma_start3A_139 = tpu.memref_slice %arg2[%select_n3A, %dma_start3A] : memref<8x256xf32, #tpu.memory_space<hbm>> -> memref<1x256xf32, #tpu.memory_space<hbm>>
      %dma_start3A_140 = tpu.memref_squeeze %dma_start3A_139 : memref<1x256xf32, #tpu.memory_space<hbm>> -> memref<256xf32, #tpu.memory_space<hbm>>
      %dma_start3A_141 = arith.constant 0 : i32
      %dma_start3A_142 = tpu.memref_slice %arg2[%select_n3A, %dma_start3A_141] : memref<8x256xf32, #tpu.memory_space<hbm>> -> memref<1x256xf32, #tpu.memory_space<hbm>>
      %dma_start3A_143 = tpu.memref_squeeze %dma_start3A_142 : memref<1x256xf32, #tpu.memory_space<hbm>> -> memref<256xf32, #tpu.memory_space<hbm>>
      tpu.enqueue_dma source(%dma_start3A_143 : memref<256xf32, #tpu.memory_space<hbm>>) target(%arg4 : memref<256xf32, #tpu.memory_space<vmem>>) target_semaphore(%run_scoped3A : memref<!tpu.dma_semaphore, #tpu.memory_space<semaphore_mem>>)
      %dma_wait3A = arith.constant 0 : i32
      %dma_wait3A_144 = tpu.memref_slice %arg2[%select_n3A, %dma_wait3A] : memref<8x256xf32, #tpu.memory_space<hbm>> -> memref<1x256xf32, #tpu.memory_space<hbm>>
      %dma_wait3A_145 = tpu.memref_squeeze %dma_wait3A_144 : memref<1x256xf32, #tpu.memory_space<hbm>> -> memref<256xf32, #tpu.memory_space<hbm>>
      %dma_wait3A_146 = arith.constant 0 : i32
      %dma_wait3A_147 = tpu.memref_slice %arg2[%select_n3A, %dma_wait3A_146] : memref<8x256xf32, #tpu.memory_space<hbm>> -> memref<1x256xf32, #tpu.memory_space<hbm>>
      %dma_wait3A_148 = tpu.memref_squeeze %dma_wait3A_147 : memref<1x256xf32, #tpu.memory_space<hbm>> -> memref<256xf32, #tpu.memory_space<hbm>>
      tpu.wait_dma2 semaphore(%run_scoped3A : memref<!tpu.dma_semaphore, #tpu.memory_space<semaphore_mem>>) src(%dma_wait3A_148 : memref<256xf32, #tpu.memory_space<hbm>>) dst(%arg4 : memref<256xf32, #tpu.memory_space<vmem>>)
      tpu.yield
    }) : () -> ()
    %mul3A_31 = arith.constant 64 : i32
    %mul3A_32 = arith.muli %select_n3A_30, %mul3A_31 : i32
    %add3A_33 = arith.constant 0 : i32
    %add3A_34 = arith.addi %mul3A_32, %add3A_33 : i32
    %get3A = arith.index_cast %add3A_34 : i32 to index
    %get3A_35 = tpu.vector_load %arg4[%get3A] {strides = array<i32>} : memref<256xf32, #tpu.memory_space<vmem>>, vector<16xf32>,
    %get3A_36 = vector.shape_cast %get3A_35 : vector<16xf32> to vector<16xf32>
    %iota3A = tpu.iota {dimensions = array<i32: 0>} : vector<16xi32>
    %add3A_37 = vector.broadcast %add3A_34 : i32 to vector<16xi32>
    %add3A_38 = arith.addi %iota3A, %add3A_37 : vector<16xi32>
    %broadcast_in_dim3A = arith.constant 0 : i32
    %broadcast_in_dim3A_39 = vector.broadcast %broadcast_in_dim3A : i32 to vector<16xi32>
    %scan3A = arith.constant 0 : i32
    %scan3A_40 = arith.constant 16 : i32
    %scan3A_41 = arith.addi %scan3A, %scan3A_40 : i32
    %scan3A_42 = arith.constant 1 : i32
    %scan3A_43 = scf.for %scan3A_139 = %scan3A to %scan3A_41 step %scan3A_42 iter_args(%scan3A_140 = %broadcast_in_dim3A_39) -> (vector<16xi32>)  : i32 {
      %mul3A_141 = arith.constant 16 : i32
      %mul3A_142 = arith.muli %scan3A_139, %mul3A_141 : i32
      %get3A_143 = arith.index_cast %mul3A_142 : i32 to index
      %get3A_144 = tpu.vector_load %arg4[%get3A_143] {strides = array<i32>} : memref<256xf32, #tpu.memory_space<vmem>>, vector<16xf32>,
      %get3A_145 = vector.shape_cast %get3A_144 : vector<16xf32> to vector<16xf32>
      %mul3A_146 = arith.constant 16 : i32
      %mul3A_147 = arith.muli %scan3A_139, %mul3A_146 : i32
      %add3A_148 = arith.constant 0 : i32
      %add3A_149 = arith.addi %mul3A_147, %add3A_148 : i32
      %slice3A = vector.extract_strided_slice %get3A_145 {offsets = [0], sizes = [1], strides = [1]} : vector<16xf32> to vector<1xf32>
      %squeeze3A = vector.extract %slice3A[0] : f32 from vector<1xf32>
      %lt3A_150 = vector.broadcast %squeeze3A : f32 to vector<16xf32>
      %lt3A_151 = arith.cmpf olt, %lt3A_150, %get3A_36 : vector<16xf32>
      %eq3A_152 = vector.broadcast %squeeze3A : f32 to vector<16xf32>
      %eq3A_153 = arith.cmpf oeq, %eq3A_152, %get3A_36 : vector<16xf32>
      %lt3A_154 = vector.broadcast %add3A_149 : i32 to vector<16xi32>
      %lt3A_155 = arith.cmpi slt, %lt3A_154, %add3A_38 : vector<16xi32>
      %and3A_156 = arith.andi %eq3A_153, %lt3A_155 : vector<16xi1>
      %or3A = arith.ori %lt3A_151, %and3A_156 : vector<16xi1>
      %jit3A_157 = arith.constant 1 : i32
      %jit3A_158 = arith.constant 0 : i32
      %broadcast_in_dim3A_159 = vector.broadcast %jit3A_157 : i32 to vector<16xi32>
      %broadcast_in_dim3A_160 = vector.broadcast %jit3A_158 : i32 to vector<16xi32>
      %select_n3A_161 = arith.select %or3A, %broadcast_in_dim3A_159, %broadcast_in_dim3A_160 : vector<16xi1>, vector<16xi32>
      %add3A_162 = arith.addi %scan3A_140, %select_n3A_161 : vector<16xi32>
      %mul3A_163 = arith.constant 16 : i32
      %mul3A_164 = arith.muli %scan3A_139, %mul3A_163 : i32
      %add3A_165 = arith.constant 1 : i32
      %add3A_166 = arith.addi %mul3A_164, %add3A_165 : i32
      %slice3A_167 = vector.extract_strided_slice %get3A_145 {offsets = [1], sizes = [1], strides = [1]} : vector<16xf32> to vector<1xf32>
      %squeeze3A_168 = vector.extract %slice3A_167[0] : f32 from vector<1xf32>
      %lt3A_169 = vector.broadcast %squeeze3A_168 : f32 to vector<16xf32>
      %lt3A_170 = arith.cmpf olt, %lt3A_169, %get3A_36 : vector<16xf32>
      %eq3A_171 = vector.broadcast %squeeze3A_168 : f32 to vector<16xf32>
      %eq3A_172 = arith.cmpf oeq, %eq3A_171, %get3A_36 : vector<16xf32>
      %lt3A_173 = vector.broadcast %add3A_166 : i32 to vector<16xi32>
      %lt3A_174 = arith.cmpi slt, %lt3A_173, %add3A_38 : vector<16xi32>
      %and3A_175 = arith.andi %eq3A_172, %lt3A_174 : vector<16xi1>
      %or3A_176 = arith.ori %lt3A_170, %and3A_175 : vector<16xi1>
      %jit3A_177 = arith.constant 1 : i32
      %jit3A_178 = arith.constant 0 : i32
      %broadcast_in_dim3A_179 = vector.broadcast %jit3A_177 : i32 to vector<16xi32>
      %broadcast_in_dim3A_180 = vector.broadcast %jit3A_178 : i32 to vector<16xi32>
      %select_n3A_181 = arith.select %or3A_176, %broadcast_in_dim3A_179, %broadcast_in_dim3A_180 : vector<16xi1>, vector<16xi32>
      %add3A_182 = arith.addi %add3A_162, %select_n3A_181 : vector<16xi32>
      %mul3A_183 = arith.constant 16 : i32
      %mul3A_184 = arith.muli %scan3A_139, %mul3A_183 : i32
      %add3A_185 = arith.constant 2 : i32
      %add3A_186 = arith.addi %mul3A_184, %add3A_185 : i32
      %slice3A_187 = vector.extract_strided_slice %get3A_145 {offsets = [2], sizes = [1], strides = [1]} : vector<16xf32> to vector<1xf32>
      %squeeze3A_188 = vector.extract %slice3A_187[0] : f32 from vector<1xf32>
      %lt3A_189 = vector.broadcast %squeeze3A_188 : f32 to vector<16xf32>
      %lt3A_190 = arith.cmpf olt, %lt3A_189, %get3A_36 : vector<16xf32>
      %eq3A_191 = vector.broadcast %squeeze3A_188 : f32 to vector<16xf32>
      %eq3A_192 = arith.cmpf oeq, %eq3A_191, %get3A_36 : vector<16xf32>
      %lt3A_193 = vector.broadcast %add3A_186 : i32 to vector<16xi32>
      %lt3A_194 = arith.cmpi slt, %lt3A_193, %add3A_38 : vector<16xi32>
      %and3A_195 = arith.andi %eq3A_192, %lt3A_194 : vector<16xi1>
      %or3A_196 = arith.ori %lt3A_190, %and3A_195 : vector<16xi1>
      %jit3A_197 = arith.constant 1 : i32
      %jit3A_198 = arith.constant 0 : i32
      %broadcast_in_dim3A_199 = vector.broadcast %jit3A_197 : i32 to vector<16xi32>
      %broadcast_in_dim3A_200 = vector.broadcast %jit3A_198 : i32 to vector<16xi32>
      %select_n3A_201 = arith.select %or3A_196, %broadcast_in_dim3A_199, %broadcast_in_dim3A_200 : vector<16xi1>, vector<16xi32>
      %add3A_202 = arith.addi %add3A_182, %select_n3A_201 : vector<16xi32>
      %mul3A_203 = arith.constant 16 : i32
      %mul3A_204 = arith.muli %scan3A_139, %mul3A_203 : i32
      %add3A_205 = arith.constant 3 : i32
      %add3A_206 = arith.addi %mul3A_204, %add3A_205 : i32
      %slice3A_207 = vector.extract_strided_slice %get3A_145 {offsets = [3], sizes = [1], strides = [1]} : vector<16xf32> to vector<1xf32>
      %squeeze3A_208 = vector.extract %slice3A_207[0] : f32 from vector<1xf32>
      %lt3A_209 = vector.broadcast %squeeze3A_208 : f32 to vector<16xf32>
      %lt3A_210 = arith.cmpf olt, %lt3A_209, %get3A_36 : vector<16xf32>
      %eq3A_211 = vector.broadcast %squeeze3A_208 : f32 to vector<16xf32>
      %eq3A_212 = arith.cmpf oeq, %eq3A_211, %get3A_36 : vector<16xf32>
      %lt3A_213 = vector.broadcast %add3A_206 : i32 to vector<16xi32>
      %lt3A_214 = arith.cmpi slt, %lt3A_213, %add3A_38 : vector<16xi32>
      %and3A_215 = arith.andi %eq3A_212, %lt3A_214 : vector<16xi1>
      %or3A_216 = arith.ori %lt3A_210, %and3A_215 : vector<16xi1>
      %jit3A_217 = arith.constant 1 : i32
      %jit3A_218 = arith.constant 0 : i32
      %broadcast_in_dim3A_219 = vector.broadcast %jit3A_217 : i32 to vector<16xi32>
      %broadcast_in_dim3A_220 = vector.broadcast %jit3A_218 : i32 to vector<16xi32>
      %select_n3A_221 = arith.select %or3A_216, %broadcast_in_dim3A_219, %broadcast_in_dim3A_220 : vector<16xi1>, vector<16xi32>
      %add3A_222 = arith.addi %add3A_202, %select_n3A_221 : vector<16xi32>
      %mul3A_223 = arith.constant 16 : i32
      %mul3A_224 = arith.muli %scan3A_139, %mul3A_223 : i32
      %add3A_225 = arith.constant 4 : i32
      %add3A_226 = arith.addi %mul3A_224, %add3A_225 : i32
      %slice3A_227 = vector.extract_strided_slice %get3A_145 {offsets = [4], sizes = [1], strides = [1]} : vector<16xf32> to vector<1xf32>
      %squeeze3A_228 = vector.extract %slice3A_227[0] : f32 from vector<1xf32>
      %lt3A_229 = vector.broadcast %squeeze3A_228 : f32 to vector<16xf32>
      %lt3A_230 = arith.cmpf olt, %lt3A_229, %get3A_36 : vector<16xf32>
      %eq3A_231 = vector.broadcast %squeeze3A_228 : f32 to vector<16xf32>
      %eq3A_232 = arith.cmpf oeq, %eq3A_231, %get3A_36 : vector<16xf32>
      %lt3A_233 = vector.broadcast %add3A_226 : i32 to vector<16xi32>
      %lt3A_234 = arith.cmpi slt, %lt3A_233, %add3A_38 : vector<16xi32>
      %and3A_235 = arith.andi %eq3A_232, %lt3A_234 : vector<16xi1>
      %or3A_236 = arith.ori %lt3A_230, %and3A_235 : vector<16xi1>
      %jit3A_237 = arith.constant 1 : i32
      %jit3A_238 = arith.constant 0 : i32
      %broadcast_in_dim3A_239 = vector.broadcast %jit3A_237 : i32 to vector<16xi32>
      %broadcast_in_dim3A_240 = vector.broadcast %jit3A_238 : i32 to vector<16xi32>
      %select_n3A_241 = arith.select %or3A_236, %broadcast_in_dim3A_239, %broadcast_in_dim3A_240 : vector<16xi1>, vector<16xi32>
      %add3A_242 = arith.addi %add3A_222, %select_n3A_241 : vector<16xi32>
      %mul3A_243 = arith.constant 16 : i32
      %mul3A_244 = arith.muli %scan3A_139, %mul3A_243 : i32
      %add3A_245 = arith.constant 5 : i32
      %add3A_246 = arith.addi %mul3A_244, %add3A_245 : i32
      %slice3A_247 = vector.extract_strided_slice %get3A_145 {offsets = [5], sizes = [1], strides = [1]} : vector<16xf32> to vector<1xf32>
      %squeeze3A_248 = vector.extract %slice3A_247[0] : f32 from vector<1xf32>
      %lt3A_249 = vector.broadcast %squeeze3A_248 : f32 to vector<16xf32>
      %lt3A_250 = arith.cmpf olt, %lt3A_249, %get3A_36 : vector<16xf32>
      %eq3A_251 = vector.broadcast %squeeze3A_248 : f32 to vector<16xf32>
      %eq3A_252 = arith.cmpf oeq, %eq3A_251, %get3A_36 : vector<16xf32>
      %lt3A_253 = vector.broadcast %add3A_246 : i32 to vector<16xi32>
      %lt3A_254 = arith.cmpi slt, %lt3A_253, %add3A_38 : vector<16xi32>
      %and3A_255 = arith.andi %eq3A_252, %lt3A_254 : vector<16xi1>
      %or3A_256 = arith.ori %lt3A_250, %and3A_255 : vector<16xi1>
      %jit3A_257 = arith.constant 1 : i32
      %jit3A_258 = arith.constant 0 : i32
      %broadcast_in_dim3A_259 = vector.broadcast %jit3A_257 : i32 to vector<16xi32>
      %broadcast_in_dim3A_260 = vector.broadcast %jit3A_258 : i32 to vector<16xi32>
      %select_n3A_261 = arith.select %or3A_256, %broadcast_in_dim3A_259, %broadcast_in_dim3A_260 : vector<16xi1>, vector<16xi32>
      %add3A_262 = arith.addi %add3A_242, %select_n3A_261 : vector<16xi32>
      %mul3A_263 = arith.constant 16 : i32
      %mul3A_264 = arith.muli %scan3A_139, %mul3A_263 : i32
      %add3A_265 = arith.constant 6 : i32
      %add3A_266 = arith.addi %mul3A_264, %add3A_265 : i32
      %slice3A_267 = vector.extract_strided_slice %get3A_145 {offsets = [6], sizes = [1], strides = [1]} : vector<16xf32> to vector<1xf32>
      %squeeze3A_268 = vector.extract %slice3A_267[0] : f32 from vector<1xf32>
      %lt3A_269 = vector.broadcast %squeeze3A_268 : f32 to vector<16xf32>
      %lt3A_270 = arith.cmpf olt, %lt3A_269, %get3A_36 : vector<16xf32>
      %eq3A_271 = vector.broadcast %squeeze3A_268 : f32 to vector<16xf32>
      %eq3A_272 = arith.cmpf oeq, %eq3A_271, %get3A_36 : vector<16xf32>
      %lt3A_273 = vector.broadcast %add3A_266 : i32 to vector<16xi32>
      %lt3A_274 = arith.cmpi slt, %lt3A_273, %add3A_38 : vector<16xi32>
      %and3A_275 = arith.andi %eq3A_272, %lt3A_274 : vector<16xi1>
      %or3A_276 = arith.ori %lt3A_270, %and3A_275 : vector<16xi1>
      %jit3A_277 = arith.constant 1 : i32
      %jit3A_278 = arith.constant 0 : i32
      %broadcast_in_dim3A_279 = vector.broadcast %jit3A_277 : i32 to vector<16xi32>
      %broadcast_in_dim3A_280 = vector.broadcast %jit3A_278 : i32 to vector<16xi32>
      %select_n3A_281 = arith.select %or3A_276, %broadcast_in_dim3A_279, %broadcast_in_dim3A_280 : vector<16xi1>, vector<16xi32>
      %add3A_282 = arith.addi %add3A_262, %select_n3A_281 : vector<16xi32>
      %mul3A_283 = arith.constant 16 : i32
      %mul3A_284 = arith.muli %scan3A_139, %mul3A_283 : i32
      %add3A_285 = arith.constant 7 : i32
      %add3A_286 = arith.addi %mul3A_284, %add3A_285 : i32
      %slice3A_287 = vector.extract_strided_slice %get3A_145 {offsets = [7], sizes = [1], strides = [1]} : vector<16xf32> to vector<1xf32>
      %squeeze3A_288 = vector.extract %slice3A_287[0] : f32 from vector<1xf32>
      %lt3A_289 = vector.broadcast %squeeze3A_288 : f32 to vector<16xf32>
      %lt3A_290 = arith.cmpf olt, %lt3A_289, %get3A_36 : vector<16xf32>
      %eq3A_291 = vector.broadcast %squeeze3A_288 : f32 to vector<16xf32>
      %eq3A_292 = arith.cmpf oeq, %eq3A_291, %get3A_36 : vector<16xf32>
      %lt3A_293 = vector.broadcast %add3A_286 : i32 to vector<16xi32>
      %lt3A_294 = arith.cmpi slt, %lt3A_293, %add3A_38 : vector<16xi32>
      %and3A_295 = arith.andi %eq3A_292, %lt3A_294 : vector<16xi1>
      %or3A_296 = arith.ori %lt3A_290, %and3A_295 : vector<16xi1>
      %jit3A_297 = arith.constant 1 : i32
      %jit3A_298 = arith.constant 0 : i32
      %broadcast_in_dim3A_299 = vector.broadcast %jit3A_297 : i32 to vector<16xi32>
      %broadcast_in_dim3A_300 = vector.broadcast %jit3A_298 : i32 to vector<16xi32>
      %select_n3A_301 = arith.select %or3A_296, %broadcast_in_dim3A_299, %broadcast_in_dim3A_300 : vector<16xi1>, vector<16xi32>
      %add3A_302 = arith.addi %add3A_282, %select_n3A_301 : vector<16xi32>
      %mul3A_303 = arith.constant 16 : i32
      %mul3A_304 = arith.muli %scan3A_139, %mul3A_303 : i32
      %add3A_305 = arith.constant 8 : i32
      %add3A_306 = arith.addi %mul3A_304, %add3A_305 : i32
      %slice3A_307 = vector.extract_strided_slice %get3A_145 {offsets = [8], sizes = [1], strides = [1]} : vector<16xf32> to vector<1xf32>
      %squeeze3A_308 = vector.extract %slice3A_307[0] : f32 from vector<1xf32>
      %lt3A_309 = vector.broadcast %squeeze3A_308 : f32 to vector<16xf32>
      %lt3A_310 = arith.cmpf olt, %lt3A_309, %get3A_36 : vector<16xf32>
      %eq3A_311 = vector.broadcast %squeeze3A_308 : f32 to vector<16xf32>
      %eq3A_312 = arith.cmpf oeq, %eq3A_311, %get3A_36 : vector<16xf32>
      %lt3A_313 = vector.broadcast %add3A_306 : i32 to vector<16xi32>
      %lt3A_314 = arith.cmpi slt, %lt3A_313, %add3A_38 : vector<16xi32>
      %and3A_315 = arith.andi %eq3A_312, %lt3A_314 : vector<16xi1>
      %or3A_316 = arith.ori %lt3A_310, %and3A_315 : vector<16xi1>
      %jit3A_317 = arith.constant 1 : i32
      %jit3A_318 = arith.constant 0 : i32
      %broadcast_in_dim3A_319 = vector.broadcast %jit3A_317 : i32 to vector<16xi32>
      %broadcast_in_dim3A_320 = vector.broadcast %jit3A_318 : i32 to vector<16xi32>
      %select_n3A_321 = arith.select %or3A_316, %broadcast_in_dim3A_319, %broadcast_in_dim3A_320 : vector<16xi1>, vector<16xi32>
      %add3A_322 = arith.addi %add3A_302, %select_n3A_321 : vector<16xi32>
      %mul3A_323 = arith.constant 16 : i32
      %mul3A_324 = arith.muli %scan3A_139, %mul3A_323 : i32
      %add3A_325 = arith.constant 9 : i32
      %add3A_326 = arith.addi %mul3A_324, %add3A_325 : i32
      %slice3A_327 = vector.extract_strided_slice %get3A_145 {offsets = [9], sizes = [1], strides = [1]} : vector<16xf32> to vector<1xf32>
      %squeeze3A_328 = vector.extract %slice3A_327[0] : f32 from vector<1xf32>
      %lt3A_329 = vector.broadcast %squeeze3A_328 : f32 to vector<16xf32>
      %lt3A_330 = arith.cmpf olt, %lt3A_329, %get3A_36 : vector<16xf32>
      %eq3A_331 = vector.broadcast %squeeze3A_328 : f32 to vector<16xf32>
      %eq3A_332 = arith.cmpf oeq, %eq3A_331, %get3A_36 : vector<16xf32>
      %lt3A_333 = vector.broadcast %add3A_326 : i32 to vector<16xi32>
      %lt3A_334 = arith.cmpi slt, %lt3A_333, %add3A_38 : vector<16xi32>
      %and3A_335 = arith.andi %eq3A_332, %lt3A_334 : vector<16xi1>
      %or3A_336 = arith.ori %lt3A_330, %and3A_335 : vector<16xi1>
      %jit3A_337 = arith.constant 1 : i32
      %jit3A_338 = arith.constant 0 : i32
      %broadcast_in_dim3A_339 = vector.broadcast %jit3A_337 : i32 to vector<16xi32>
      %broadcast_in_dim3A_340 = vector.broadcast %jit3A_338 : i32 to vector<16xi32>
      %select_n3A_341 = arith.select %or3A_336, %broadcast_in_dim3A_339, %broadcast_in_dim3A_340 : vector<16xi1>, vector<16xi32>
      %add3A_342 = arith.addi %add3A_322, %select_n3A_341 : vector<16xi32>
      %mul3A_343 = arith.constant 16 : i32
      %mul3A_344 = arith.muli %scan3A_139, %mul3A_343 : i32
      %add3A_345 = arith.constant 10 : i32
      %add3A_346 = arith.addi %mul3A_344, %add3A_345 : i32
      %slice3A_347 = vector.extract_strided_slice %get3A_145 {offsets = [10], sizes = [1], strides = [1]} : vector<16xf32> to vector<1xf32>
      %squeeze3A_348 = vector.extract %slice3A_347[0] : f32 from vector<1xf32>
      %lt3A_349 = vector.broadcast %squeeze3A_348 : f32 to vector<16xf32>
      %lt3A_350 = arith.cmpf olt, %lt3A_349, %get3A_36 : vector<16xf32>
      %eq3A_351 = vector.broadcast %squeeze3A_348 : f32 to vector<16xf32>
      %eq3A_352 = arith.cmpf oeq, %eq3A_351, %get3A_36 : vector<16xf32>
      %lt3A_353 = vector.broadcast %add3A_346 : i32 to vector<16xi32>
      %lt3A_354 = arith.cmpi slt, %lt3A_353, %add3A_38 : vector<16xi32>
      %and3A_355 = arith.andi %eq3A_352, %lt3A_354 : vector<16xi1>
      %or3A_356 = arith.ori %lt3A_350, %and3A_355 : vector<16xi1>
      %jit3A_357 = arith.constant 1 : i32
      %jit3A_358 = arith.constant 0 : i32
      %broadcast_in_dim3A_359 = vector.broadcast %jit3A_357 : i32 to vector<16xi32>
      %broadcast_in_dim3A_360 = vector.broadcast %jit3A_358 : i32 to vector<16xi32>
      %select_n3A_361 = arith.select %or3A_356, %broadcast_in_dim3A_359, %broadcast_in_dim3A_360 : vector<16xi1>, vector<16xi32>
      %add3A_362 = arith.addi %add3A_342, %select_n3A_361 : vector<16xi32>
      %mul3A_363 = arith.constant 16 : i32
      %mul3A_364 = arith.muli %scan3A_139, %mul3A_363 : i32
      %add3A_365 = arith.constant 11 : i32
      %add3A_366 = arith.addi %mul3A_364, %add3A_365 : i32
      %slice3A_367 = vector.extract_strided_slice %get3A_145 {offsets = [11], sizes = [1], strides = [1]} : vector<16xf32> to vector<1xf32>
      %squeeze3A_368 = vector.extract %slice3A_367[0] : f32 from vector<1xf32>
      %lt3A_369 = vector.broadcast %squeeze3A_368 : f32 to vector<16xf32>
      %lt3A_370 = arith.cmpf olt, %lt3A_369, %get3A_36 : vector<16xf32>
      %eq3A_371 = vector.broadcast %squeeze3A_368 : f32 to vector<16xf32>
      %eq3A_372 = arith.cmpf oeq, %eq3A_371, %get3A_36 : vector<16xf32>
      %lt3A_373 = vector.broadcast %add3A_366 : i32 to vector<16xi32>
      %lt3A_374 = arith.cmpi slt, %lt3A_373, %add3A_38 : vector<16xi32>
      %and3A_375 = arith.andi %eq3A_372, %lt3A_374 : vector<16xi1>
      %or3A_376 = arith.ori %lt3A_370, %and3A_375 : vector<16xi1>
      %jit3A_377 = arith.constant 1 : i32
      %jit3A_378 = arith.constant 0 : i32
      %broadcast_in_dim3A_379 = vector.broadcast %jit3A_377 : i32 to vector<16xi32>
      %broadcast_in_dim3A_380 = vector.broadcast %jit3A_378 : i32 to vector<16xi32>
      %select_n3A_381 = arith.select %or3A_376, %broadcast_in_dim3A_379, %broadcast_in_dim3A_380 : vector<16xi1>, vector<16xi32>
      %add3A_382 = arith.addi %add3A_362, %select_n3A_381 : vector<16xi32>
      %mul3A_383 = arith.constant 16 : i32
      %mul3A_384 = arith.muli %scan3A_139, %mul3A_383 : i32
      %add3A_385 = arith.constant 12 : i32
      %add3A_386 = arith.addi %mul3A_384, %add3A_385 : i32
      %slice3A_387 = vector.extract_strided_slice %get3A_145 {offsets = [12], sizes = [1], strides = [1]} : vector<16xf32> to vector<1xf32>
      %squeeze3A_388 = vector.extract %slice3A_387[0] : f32 from vector<1xf32>
      %lt3A_389 = vector.broadcast %squeeze3A_388 : f32 to vector<16xf32>
      %lt3A_390 = arith.cmpf olt, %lt3A_389, %get3A_36 : vector<16xf32>
      %eq3A_391 = vector.broadcast %squeeze3A_388 : f32 to vector<16xf32>
      %eq3A_392 = arith.cmpf oeq, %eq3A_391, %get3A_36 : vector<16xf32>
      %lt3A_393 = vector.broadcast %add3A_386 : i32 to vector<16xi32>
      %lt3A_394 = arith.cmpi slt, %lt3A_393, %add3A_38 : vector<16xi32>
      %and3A_395 = arith.andi %eq3A_392, %lt3A_394 : vector<16xi1>
      %or3A_396 = arith.ori %lt3A_390, %and3A_395 : vector<16xi1>
      %jit3A_397 = arith.constant 1 : i32
      %jit3A_398 = arith.constant 0 : i32
      %broadcast_in_dim3A_399 = vector.broadcast %jit3A_397 : i32 to vector<16xi32>
      %broadcast_in_dim3A_400 = vector.broadcast %jit3A_398 : i32 to vector<16xi32>
      %select_n3A_401 = arith.select %or3A_396, %broadcast_in_dim3A_399, %broadcast_in_dim3A_400 : vector<16xi1>, vector<16xi32>
      %add3A_402 = arith.addi %add3A_382, %select_n3A_401 : vector<16xi32>
      %mul3A_403 = arith.constant 16 : i32
      %mul3A_404 = arith.muli %scan3A_139, %mul3A_403 : i32
      %add3A_405 = arith.constant 13 : i32
      %add3A_406 = arith.addi %mul3A_404, %add3A_405 : i32
      %slice3A_407 = vector.extract_strided_slice %get3A_145 {offsets = [13], sizes = [1], strides = [1]} : vector<16xf32> to vector<1xf32>
      %squeeze3A_408 = vector.extract %slice3A_407[0] : f32 from vector<1xf32>
      %lt3A_409 = vector.broadcast %squeeze3A_408 : f32 to vector<16xf32>
      %lt3A_410 = arith.cmpf olt, %lt3A_409, %get3A_36 : vector<16xf32>
      %eq3A_411 = vector.broadcast %squeeze3A_408 : f32 to vector<16xf32>
      %eq3A_412 = arith.cmpf oeq, %eq3A_411, %get3A_36 : vector<16xf32>
      %lt3A_413 = vector.broadcast %add3A_406 : i32 to vector<16xi32>
      %lt3A_414 = arith.cmpi slt, %lt3A_413, %add3A_38 : vector<16xi32>
      %and3A_415 = arith.andi %eq3A_412, %lt3A_414 : vector<16xi1>
      %or3A_416 = arith.ori %lt3A_410, %and3A_415 : vector<16xi1>
      %jit3A_417 = arith.constant 1 : i32
      %jit3A_418 = arith.constant 0 : i32
      %broadcast_in_dim3A_419 = vector.broadcast %jit3A_417 : i32 to vector<16xi32>
      %broadcast_in_dim3A_420 = vector.broadcast %jit3A_418 : i32 to vector<16xi32>
      %select_n3A_421 = arith.select %or3A_416, %broadcast_in_dim3A_419, %broadcast_in_dim3A_420 : vector<16xi1>, vector<16xi32>
      %add3A_422 = arith.addi %add3A_402, %select_n3A_421 : vector<16xi32>
      %mul3A_423 = arith.constant 16 : i32
      %mul3A_424 = arith.muli %scan3A_139, %mul3A_423 : i32
      %add3A_425 = arith.constant 14 : i32
      %add3A_426 = arith.addi %mul3A_424, %add3A_425 : i32
      %slice3A_427 = vector.extract_strided_slice %get3A_145 {offsets = [14], sizes = [1], strides = [1]} : vector<16xf32> to vector<1xf32>
      %squeeze3A_428 = vector.extract %slice3A_427[0] : f32 from vector<1xf32>
      %lt3A_429 = vector.broadcast %squeeze3A_428 : f32 to vector<16xf32>
      %lt3A_430 = arith.cmpf olt, %lt3A_429, %get3A_36 : vector<16xf32>
      %eq3A_431 = vector.broadcast %squeeze3A_428 : f32 to vector<16xf32>
      %eq3A_432 = arith.cmpf oeq, %eq3A_431, %get3A_36 : vector<16xf32>
      %lt3A_433 = vector.broadcast %add3A_426 : i32 to vector<16xi32>
      %lt3A_434 = arith.cmpi slt, %lt3A_433, %add3A_38 : vector<16xi32>
      %and3A_435 = arith.andi %eq3A_432, %lt3A_434 : vector<16xi1>
      %or3A_436 = arith.ori %lt3A_430, %and3A_435 : vector<16xi1>
      %jit3A_437 = arith.constant 1 : i32
      %jit3A_438 = arith.constant 0 : i32
      %broadcast_in_dim3A_439 = vector.broadcast %jit3A_437 : i32 to vector<16xi32>
      %broadcast_in_dim3A_440 = vector.broadcast %jit3A_438 : i32 to vector<16xi32>
      %select_n3A_441 = arith.select %or3A_436, %broadcast_in_dim3A_439, %broadcast_in_dim3A_440 : vector<16xi1>, vector<16xi32>
      %add3A_442 = arith.addi %add3A_422, %select_n3A_441 : vector<16xi32>
      %mul3A_443 = arith.constant 16 : i32
      %mul3A_444 = arith.muli %scan3A_139, %mul3A_443 : i32
      %add3A_445 = arith.constant 15 : i32
      %add3A_446 = arith.addi %mul3A_444, %add3A_445 : i32
      %slice3A_447 = vector.extract_strided_slice %get3A_145 {offsets = [15], sizes = [1], strides = [1]} : vector<16xf32> to vector<1xf32>
      %squeeze3A_448 = vector.extract %slice3A_447[0] : f32 from vector<1xf32>
      %lt3A_449 = vector.broadcast %squeeze3A_448 : f32 to vector<16xf32>
      %lt3A_450 = arith.cmpf olt, %lt3A_449, %get3A_36 : vector<16xf32>
      %eq3A_451 = vector.broadcast %squeeze3A_448 : f32 to vector<16xf32>
      %eq3A_452 = arith.cmpf oeq, %eq3A_451, %get3A_36 : vector<16xf32>
      %lt3A_453 = vector.broadcast %add3A_446 : i32 to vector<16xi32>
      %lt3A_454 = arith.cmpi slt, %lt3A_453, %add3A_38 : vector<16xi32>
      %and3A_455 = arith.andi %eq3A_452, %lt3A_454 : vector<16xi1>
      %or3A_456 = arith.ori %lt3A_450, %and3A_455 : vector<16xi1>
      %jit3A_457 = arith.constant 1 : i32
      %jit3A_458 = arith.constant 0 : i32
      %broadcast_in_dim3A_459 = vector.broadcast %jit3A_457 : i32 to vector<16xi32>
      %broadcast_in_dim3A_460 = vector.broadcast %jit3A_458 : i32 to vector<16xi32>
      %select_n3A_461 = arith.select %or3A_456, %broadcast_in_dim3A_459, %broadcast_in_dim3A_460 : vector<16xi1>, vector<16xi32>
      %add3A_462 = arith.addi %add3A_442, %select_n3A_461 : vector<16xi32>
      scf.yield %add3A_462 : vector<16xi32>
    }
    %scan3A_44 = arith.constant 16 : i32
    %shift_right_logical3A = arith.constant 6 : i32
    %shift_right_logical3A_45 = vector.broadcast %shift_right_logical3A : i32 to vector<16xi32>
    %shift_right_logical3A_46 = arith.shrui %scan3A_43, %shift_right_logical3A_45 : vector<16xi32>
    %sub3A_47 = arith.constant 3 : i32
    %sub3A_48 = vector.broadcast %sub3A_47 : i32 to vector<16xi32>
    %sub3A_49 = arith.subi %sub3A_48, %shift_right_logical3A_46 : vector<16xi32>
    %swap3A = arith.constant 0 : index
    %swap3A_50 = tpu.vector_load %arg5[%swap3A] {strides = array<i32>} : memref<64xi32, #tpu.memory_space<vmem>>, vector<16xi32>,
    %swap3A_51 = vector.shape_cast %swap3A_50 : vector<16xi32> to vector<16xi32>
    %swap3A_52 = vector.shape_cast %sub3A_49 : vector<16xi32> to vector<16xi32>
    tpu.vector_store %arg5[%swap3A], %swap3A_52 {strides = array<i32>} : memref<64xi32, #tpu.memory_space<vmem>>, vector<16xi32>,
    %mul3A_53 = arith.constant 64 : i32
    %mul3A_54 = arith.muli %select_n3A_30, %mul3A_53 : i32
    %add3A_55 = arith.constant 16 : i32
    %add3A_56 = arith.addi %mul3A_54, %add3A_55 : i32
    %get3A_57 = arith.index_cast %add3A_56 : i32 to index
    %get3A_58 = tpu.vector_load %arg4[%get3A_57] {strides = array<i32>} : memref<256xf32, #tpu.memory_space<vmem>>, vector<16xf32>,
    %get3A_59 = vector.shape_cast %get3A_58 : vector<16xf32> to vector<16xf32>
    %iota3A_60 = tpu.iota {dimensions = array<i32: 0>} : vector<16xi32>
    %add3A_61 = vector.broadcast %add3A_56 : i32 to vector<16xi32>
    %add3A_62 = arith.addi %iota3A_60, %add3A_61 : vector<16xi32>
    %broadcast_in_dim3A_63 = arith.constant 0 : i32
    %broadcast_in_dim3A_64 = vector.broadcast %broadcast_in_dim3A_63 : i32 to vector<16xi32>
    %scan3A_65 = arith.constant 0 : i32
    %scan3A_66 = arith.constant 16 : i32
    %scan3A_67 = arith.addi %scan3A_65, %scan3A_66 : i32
    %scan3A_68 = arith.constant 1 : i32
    %scan3A_69 = scf.for %scan3A_139 = %scan3A_65 to %scan3A_67 step %scan3A_68 iter_args(%scan3A_140 = %broadcast_in_dim3A_64) -> (vector<16xi32>)  : i32 {
      %mul3A_141 = arith.constant 16 : i32
      %mul3A_142 = arith.muli %scan3A_139, %mul3A_141 : i32
      %get3A_143 = arith.index_cast %mul3A_142 : i32 to index
      %get3A_144 = tpu.vector_load %arg4[%get3A_143] {strides = array<i32>} : memref<256xf32, #tpu.memory_space<vmem>>, vector<16xf32>,
      %get3A_145 = vector.shape_cast %get3A_144 : vector<16xf32> to vector<16xf32>
      %mul3A_146 = arith.constant 16 : i32
      %mul3A_147 = arith.muli %scan3A_139, %mul3A_146 : i32
      %add3A_148 = arith.constant 0 : i32
      %add3A_149 = arith.addi %mul3A_147, %add3A_148 : i32
      %slice3A = vector.extract_strided_slice %get3A_145 {offsets = [0], sizes = [1], strides = [1]} : vector<16xf32> to vector<1xf32>
      %squeeze3A = vector.extract %slice3A[0] : f32 from vector<1xf32>
      %lt3A_150 = vector.broadcast %squeeze3A : f32 to vector<16xf32>
      %lt3A_151 = arith.cmpf olt, %lt3A_150, %get3A_59 : vector<16xf32>
      %eq3A_152 = vector.broadcast %squeeze3A : f32 to vector<16xf32>
      %eq3A_153 = arith.cmpf oeq, %eq3A_152, %get3A_59 : vector<16xf32>
      %lt3A_154 = vector.broadcast %add3A_149 : i32 to vector<16xi32>
      %lt3A_155 = arith.cmpi slt, %lt3A_154, %add3A_62 : vector<16xi32>
      %and3A_156 = arith.andi %eq3A_153, %lt3A_155 : vector<16xi1>
      %or3A = arith.ori %lt3A_151, %and3A_156 : vector<16xi1>
      %jit3A_157 = arith.constant 1 : i32
      %jit3A_158 = arith.constant 0 : i32
      %broadcast_in_dim3A_159 = vector.broadcast %jit3A_157 : i32 to vector<16xi32>
      %broadcast_in_dim3A_160 = vector.broadcast %jit3A_158 : i32 to vector<16xi32>
      %select_n3A_161 = arith.select %or3A, %broadcast_in_dim3A_159, %broadcast_in_dim3A_160 : vector<16xi1>, vector<16xi32>
      %add3A_162 = arith.addi %scan3A_140, %select_n3A_161 : vector<16xi32>
      %mul3A_163 = arith.constant 16 : i32
      %mul3A_164 = arith.muli %scan3A_139, %mul3A_163 : i32
      %add3A_165 = arith.constant 1 : i32
      %add3A_166 = arith.addi %mul3A_164, %add3A_165 : i32
      %slice3A_167 = vector.extract_strided_slice %get3A_145 {offsets = [1], sizes = [1], strides = [1]} : vector<16xf32> to vector<1xf32>
      %squeeze3A_168 = vector.extract %slice3A_167[0] : f32 from vector<1xf32>
      %lt3A_169 = vector.broadcast %squeeze3A_168 : f32 to vector<16xf32>
      %lt3A_170 = arith.cmpf olt, %lt3A_169, %get3A_59 : vector<16xf32>
      %eq3A_171 = vector.broadcast %squeeze3A_168 : f32 to vector<16xf32>
      %eq3A_172 = arith.cmpf oeq, %eq3A_171, %get3A_59 : vector<16xf32>
      %lt3A_173 = vector.broadcast %add3A_166 : i32 to vector<16xi32>
      %lt3A_174 = arith.cmpi slt, %lt3A_173, %add3A_62 : vector<16xi32>
      %and3A_175 = arith.andi %eq3A_172, %lt3A_174 : vector<16xi1>
      %or3A_176 = arith.ori %lt3A_170, %and3A_175 : vector<16xi1>
      %jit3A_177 = arith.constant 1 : i32
      %jit3A_178 = arith.constant 0 : i32
      %broadcast_in_dim3A_179 = vector.broadcast %jit3A_177 : i32 to vector<16xi32>
      %broadcast_in_dim3A_180 = vector.broadcast %jit3A_178 : i32 to vector<16xi32>
      %select_n3A_181 = arith.select %or3A_176, %broadcast_in_dim3A_179, %broadcast_in_dim3A_180 : vector<16xi1>, vector<16xi32>
      %add3A_182 = arith.addi %add3A_162, %select_n3A_181 : vector<16xi32>
      %mul3A_183 = arith.constant 16 : i32
      %mul3A_184 = arith.muli %scan3A_139, %mul3A_183 : i32
      %add3A_185 = arith.constant 2 : i32
      %add3A_186 = arith.addi %mul3A_184, %add3A_185 : i32
      %slice3A_187 = vector.extract_strided_slice %get3A_145 {offsets = [2], sizes = [1], strides = [1]} : vector<16xf32> to vector<1xf32>
      %squeeze3A_188 = vector.extract %slice3A_187[0] : f32 from vector<1xf32>
      %lt3A_189 = vector.broadcast %squeeze3A_188 : f32 to vector<16xf32>
      %lt3A_190 = arith.cmpf olt, %lt3A_189, %get3A_59 : vector<16xf32>
      %eq3A_191 = vector.broadcast %squeeze3A_188 : f32 to vector<16xf32>
      %eq3A_192 = arith.cmpf oeq, %eq3A_191, %get3A_59 : vector<16xf32>
      %lt3A_193 = vector.broadcast %add3A_186 : i32 to vector<16xi32>
      %lt3A_194 = arith.cmpi slt, %lt3A_193, %add3A_62 : vector<16xi32>
      %and3A_195 = arith.andi %eq3A_192, %lt3A_194 : vector<16xi1>
      %or3A_196 = arith.ori %lt3A_190, %and3A_195 : vector<16xi1>
      %jit3A_197 = arith.constant 1 : i32
      %jit3A_198 = arith.constant 0 : i32
      %broadcast_in_dim3A_199 = vector.broadcast %jit3A_197 : i32 to vector<16xi32>
      %broadcast_in_dim3A_200 = vector.broadcast %jit3A_198 : i32 to vector<16xi32>
      %select_n3A_201 = arith.select %or3A_196, %broadcast_in_dim3A_199, %broadcast_in_dim3A_200 : vector<16xi1>, vector<16xi32>
      %add3A_202 = arith.addi %add3A_182, %select_n3A_201 : vector<16xi32>
      %mul3A_203 = arith.constant 16 : i32
      %mul3A_204 = arith.muli %scan3A_139, %mul3A_203 : i32
      %add3A_205 = arith.constant 3 : i32
      %add3A_206 = arith.addi %mul3A_204, %add3A_205 : i32
      %slice3A_207 = vector.extract_strided_slice %get3A_145 {offsets = [3], sizes = [1], strides = [1]} : vector<16xf32> to vector<1xf32>
      %squeeze3A_208 = vector.extract %slice3A_207[0] : f32 from vector<1xf32>
      %lt3A_209 = vector.broadcast %squeeze3A_208 : f32 to vector<16xf32>
      %lt3A_210 = arith.cmpf olt, %lt3A_209, %get3A_59 : vector<16xf32>
      %eq3A_211 = vector.broadcast %squeeze3A_208 : f32 to vector<16xf32>
      %eq3A_212 = arith.cmpf oeq, %eq3A_211, %get3A_59 : vector<16xf32>
      %lt3A_213 = vector.broadcast %add3A_206 : i32 to vector<16xi32>
      %lt3A_214 = arith.cmpi slt, %lt3A_213, %add3A_62 : vector<16xi32>
      %and3A_215 = arith.andi %eq3A_212, %lt3A_214 : vector<16xi1>
      %or3A_216 = arith.ori %lt3A_210, %and3A_215 : vector<16xi1>
      %jit3A_217 = arith.constant 1 : i32
      %jit3A_218 = arith.constant 0 : i32
      %broadcast_in_dim3A_219 = vector.broadcast %jit3A_217 : i32 to vector<16xi32>
      %broadcast_in_dim3A_220 = vector.broadcast %jit3A_218 : i32 to vector<16xi32>
      %select_n3A_221 = arith.select %or3A_216, %broadcast_in_dim3A_219, %broadcast_in_dim3A_220 : vector<16xi1>, vector<16xi32>
      %add3A_222 = arith.addi %add3A_202, %select_n3A_221 : vector<16xi32>
      %mul3A_223 = arith.constant 16 : i32
      %mul3A_224 = arith.muli %scan3A_139, %mul3A_223 : i32
      %add3A_225 = arith.constant 4 : i32
      %add3A_226 = arith.addi %mul3A_224, %add3A_225 : i32
      %slice3A_227 = vector.extract_strided_slice %get3A_145 {offsets = [4], sizes = [1], strides = [1]} : vector<16xf32> to vector<1xf32>
      %squeeze3A_228 = vector.extract %slice3A_227[0] : f32 from vector<1xf32>
      %lt3A_229 = vector.broadcast %squeeze3A_228 : f32 to vector<16xf32>
      %lt3A_230 = arith.cmpf olt, %lt3A_229, %get3A_59 : vector<16xf32>
      %eq3A_231 = vector.broadcast %squeeze3A_228 : f32 to vector<16xf32>
      %eq3A_232 = arith.cmpf oeq, %eq3A_231, %get3A_59 : vector<16xf32>
      %lt3A_233 = vector.broadcast %add3A_226 : i32 to vector<16xi32>
      %lt3A_234 = arith.cmpi slt, %lt3A_233, %add3A_62 : vector<16xi32>
      %and3A_235 = arith.andi %eq3A_232, %lt3A_234 : vector<16xi1>
      %or3A_236 = arith.ori %lt3A_230, %and3A_235 : vector<16xi1>
      %jit3A_237 = arith.constant 1 : i32
      %jit3A_238 = arith.constant 0 : i32
      %broadcast_in_dim3A_239 = vector.broadcast %jit3A_237 : i32 to vector<16xi32>
      %broadcast_in_dim3A_240 = vector.broadcast %jit3A_238 : i32 to vector<16xi32>
      %select_n3A_241 = arith.select %or3A_236, %broadcast_in_dim3A_239, %broadcast_in_dim3A_240 : vector<16xi1>, vector<16xi32>
      %add3A_242 = arith.addi %add3A_222, %select_n3A_241 : vector<16xi32>
      %mul3A_243 = arith.constant 16 : i32
      %mul3A_244 = arith.muli %scan3A_139, %mul3A_243 : i32
      %add3A_245 = arith.constant 5 : i32
      %add3A_246 = arith.addi %mul3A_244, %add3A_245 : i32
      %slice3A_247 = vector.extract_strided_slice %get3A_145 {offsets = [5], sizes = [1], strides = [1]} : vector<16xf32> to vector<1xf32>
      %squeeze3A_248 = vector.extract %slice3A_247[0] : f32 from vector<1xf32>
      %lt3A_249 = vector.broadcast %squeeze3A_248 : f32 to vector<16xf32>
      %lt3A_250 = arith.cmpf olt, %lt3A_249, %get3A_59 : vector<16xf32>
      %eq3A_251 = vector.broadcast %squeeze3A_248 : f32 to vector<16xf32>
      %eq3A_252 = arith.cmpf oeq, %eq3A_251, %get3A_59 : vector<16xf32>
      %lt3A_253 = vector.broadcast %add3A_246 : i32 to vector<16xi32>
      %lt3A_254 = arith.cmpi slt, %lt3A_253, %add3A_62 : vector<16xi32>
      %and3A_255 = arith.andi %eq3A_252, %lt3A_254 : vector<16xi1>
      %or3A_256 = arith.ori %lt3A_250, %and3A_255 : vector<16xi1>
      %jit3A_257 = arith.constant 1 : i32
      %jit3A_258 = arith.constant 0 : i32
      %broadcast_in_dim3A_259 = vector.broadcast %jit3A_257 : i32 to vector<16xi32>
      %broadcast_in_dim3A_260 = vector.broadcast %jit3A_258 : i32 to vector<16xi32>
      %select_n3A_261 = arith.select %or3A_256, %broadcast_in_dim3A_259, %broadcast_in_dim3A_260 : vector<16xi1>, vector<16xi32>
      %add3A_262 = arith.addi %add3A_242, %select_n3A_261 : vector<16xi32>
      %mul3A_263 = arith.constant 16 : i32
      %mul3A_264 = arith.muli %scan3A_139, %mul3A_263 : i32
      %add3A_265 = arith.constant 6 : i32
      %add3A_266 = arith.addi %mul3A_264, %add3A_265 : i32
      %slice3A_267 = vector.extract_strided_slice %get3A_145 {offsets = [6], sizes = [1], strides = [1]} : vector<16xf32> to vector<1xf32>
      %squeeze3A_268 = vector.extract %slice3A_267[0] : f32 from vector<1xf32>
      %lt3A_269 = vector.broadcast %squeeze3A_268 : f32 to vector<16xf32>
      %lt3A_270 = arith.cmpf olt, %lt3A_269, %get3A_59 : vector<16xf32>
      %eq3A_271 = vector.broadcast %squeeze3A_268 : f32 to vector<16xf32>
      %eq3A_272 = arith.cmpf oeq, %eq3A_271, %get3A_59 : vector<16xf32>
      %lt3A_273 = vector.broadcast %add3A_266 : i32 to vector<16xi32>
      %lt3A_274 = arith.cmpi slt, %lt3A_273, %add3A_62 : vector<16xi32>
      %and3A_275 = arith.andi %eq3A_272, %lt3A_274 : vector<16xi1>
      %or3A_276 = arith.ori %lt3A_270, %and3A_275 : vector<16xi1>
      %jit3A_277 = arith.constant 1 : i32
      %jit3A_278 = arith.constant 0 : i32
      %broadcast_in_dim3A_279 = vector.broadcast %jit3A_277 : i32 to vector<16xi32>
      %broadcast_in_dim3A_280 = vector.broadcast %jit3A_278 : i32 to vector<16xi32>
      %select_n3A_281 = arith.select %or3A_276, %broadcast_in_dim3A_279, %broadcast_in_dim3A_280 : vector<16xi1>, vector<16xi32>
      %add3A_282 = arith.addi %add3A_262, %select_n3A_281 : vector<16xi32>
      %mul3A_283 = arith.constant 16 : i32
      %mul3A_284 = arith.muli %scan3A_139, %mul3A_283 : i32
      %add3A_285 = arith.constant 7 : i32
      %add3A_286 = arith.addi %mul3A_284, %add3A_285 : i32
      %slice3A_287 = vector.extract_strided_slice %get3A_145 {offsets = [7], sizes = [1], strides = [1]} : vector<16xf32> to vector<1xf32>
      %squeeze3A_288 = vector.extract %slice3A_287[0] : f32 from vector<1xf32>
      %lt3A_289 = vector.broadcast %squeeze3A_288 : f32 to vector<16xf32>
      %lt3A_290 = arith.cmpf olt, %lt3A_289, %get3A_59 : vector<16xf32>
      %eq3A_291 = vector.broadcast %squeeze3A_288 : f32 to vector<16xf32>
      %eq3A_292 = arith.cmpf oeq, %eq3A_291, %get3A_59 : vector<16xf32>
      %lt3A_293 = vector.broadcast %add3A_286 : i32 to vector<16xi32>
      %lt3A_294 = arith.cmpi slt, %lt3A_293, %add3A_62 : vector<16xi32>
      %and3A_295 = arith.andi %eq3A_292, %lt3A_294 : vector<16xi1>
      %or3A_296 = arith.ori %lt3A_290, %and3A_295 : vector<16xi1>
      %jit3A_297 = arith.constant 1 : i32
      %jit3A_298 = arith.constant 0 : i32
      %broadcast_in_dim3A_299 = vector.broadcast %jit3A_297 : i32 to vector<16xi32>
      %broadcast_in_dim3A_300 = vector.broadcast %jit3A_298 : i32 to vector<16xi32>
      %select_n3A_301 = arith.select %or3A_296, %broadcast_in_dim3A_299, %broadcast_in_dim3A_300 : vector<16xi1>, vector<16xi32>
      %add3A_302 = arith.addi %add3A_282, %select_n3A_301 : vector<16xi32>
      %mul3A_303 = arith.constant 16 : i32
      %mul3A_304 = arith.muli %scan3A_139, %mul3A_303 : i32
      %add3A_305 = arith.constant 8 : i32
      %add3A_306 = arith.addi %mul3A_304, %add3A_305 : i32
      %slice3A_307 = vector.extract_strided_slice %get3A_145 {offsets = [8], sizes = [1], strides = [1]} : vector<16xf32> to vector<1xf32>
      %squeeze3A_308 = vector.extract %slice3A_307[0] : f32 from vector<1xf32>
      %lt3A_309 = vector.broadcast %squeeze3A_308 : f32 to vector<16xf32>
      %lt3A_310 = arith.cmpf olt, %lt3A_309, %get3A_59 : vector<16xf32>
      %eq3A_311 = vector.broadcast %squeeze3A_308 : f32 to vector<16xf32>
      %eq3A_312 = arith.cmpf oeq, %eq3A_311, %get3A_59 : vector<16xf32>
      %lt3A_313 = vector.broadcast %add3A_306 : i32 to vector<16xi32>
      %lt3A_314 = arith.cmpi slt, %lt3A_313, %add3A_62 : vector<16xi32>
      %and3A_315 = arith.andi %eq3A_312, %lt3A_314 : vector<16xi1>
      %or3A_316 = arith.ori %lt3A_310, %and3A_315 : vector<16xi1>
      %jit3A_317 = arith.constant 1 : i32
      %jit3A_318 = arith.constant 0 : i32
      %broadcast_in_dim3A_319 = vector.broadcast %jit3A_317 : i32 to vector<16xi32>
      %broadcast_in_dim3A_320 = vector.broadcast %jit3A_318 : i32 to vector<16xi32>
      %select_n3A_321 = arith.select %or3A_316, %broadcast_in_dim3A_319, %broadcast_in_dim3A_320 : vector<16xi1>, vector<16xi32>
      %add3A_322 = arith.addi %add3A_302, %select_n3A_321 : vector<16xi32>
      %mul3A_323 = arith.constant 16 : i32
      %mul3A_324 = arith.muli %scan3A_139, %mul3A_323 : i32
      %add3A_325 = arith.constant 9 : i32
      %add3A_326 = arith.addi %mul3A_324, %add3A_325 : i32
      %slice3A_327 = vector.extract_strided_slice %get3A_145 {offsets = [9], sizes = [1], strides = [1]} : vector<16xf32> to vector<1xf32>
      %squeeze3A_328 = vector.extract %slice3A_327[0] : f32 from vector<1xf32>
      %lt3A_329 = vector.broadcast %squeeze3A_328 : f32 to vector<16xf32>
      %lt3A_330 = arith.cmpf olt, %lt3A_329, %get3A_59 : vector<16xf32>
      %eq3A_331 = vector.broadcast %squeeze3A_328 : f32 to vector<16xf32>
      %eq3A_332 = arith.cmpf oeq, %eq3A_331, %get3A_59 : vector<16xf32>
      %lt3A_333 = vector.broadcast %add3A_326 : i32 to vector<16xi32>
      %lt3A_334 = arith.cmpi slt, %lt3A_333, %add3A_62 : vector<16xi32>
      %and3A_335 = arith.andi %eq3A_332, %lt3A_334 : vector<16xi1>
      %or3A_336 = arith.ori %lt3A_330, %and3A_335 : vector<16xi1>
      %jit3A_337 = arith.constant 1 : i32
      %jit3A_338 = arith.constant 0 : i32
      %broadcast_in_dim3A_339 = vector.broadcast %jit3A_337 : i32 to vector<16xi32>
      %broadcast_in_dim3A_340 = vector.broadcast %jit3A_338 : i32 to vector<16xi32>
      %select_n3A_341 = arith.select %or3A_336, %broadcast_in_dim3A_339, %broadcast_in_dim3A_340 : vector<16xi1>, vector<16xi32>
      %add3A_342 = arith.addi %add3A_322, %select_n3A_341 : vector<16xi32>
      %mul3A_343 = arith.constant 16 : i32
      %mul3A_344 = arith.muli %scan3A_139, %mul3A_343 : i32
      %add3A_345 = arith.constant 10 : i32
      %add3A_346 = arith.addi %mul3A_344, %add3A_345 : i32
      %slice3A_347 = vector.extract_strided_slice %get3A_145 {offsets = [10], sizes = [1], strides = [1]} : vector<16xf32> to vector<1xf32>
      %squeeze3A_348 = vector.extract %slice3A_347[0] : f32 from vector<1xf32>
      %lt3A_349 = vector.broadcast %squeeze3A_348 : f32 to vector<16xf32>
      %lt3A_350 = arith.cmpf olt, %lt3A_349, %get3A_59 : vector<16xf32>
      %eq3A_351 = vector.broadcast %squeeze3A_348 : f32 to vector<16xf32>
      %eq3A_352 = arith.cmpf oeq, %eq3A_351, %get3A_59 : vector<16xf32>
      %lt3A_353 = vector.broadcast %add3A_346 : i32 to vector<16xi32>
      %lt3A_354 = arith.cmpi slt, %lt3A_353, %add3A_62 : vector<16xi32>
      %and3A_355 = arith.andi %eq3A_352, %lt3A_354 : vector<16xi1>
      %or3A_356 = arith.ori %lt3A_350, %and3A_355 : vector<16xi1>
      %jit3A_357 = arith.constant 1 : i32
      %jit3A_358 = arith.constant 0 : i32
      %broadcast_in_dim3A_359 = vector.broadcast %jit3A_357 : i32 to vector<16xi32>
      %broadcast_in_dim3A_360 = vector.broadcast %jit3A_358 : i32 to vector<16xi32>
      %select_n3A_361 = arith.select %or3A_356, %broadcast_in_dim3A_359, %broadcast_in_dim3A_360 : vector<16xi1>, vector<16xi32>
      %add3A_362 = arith.addi %add3A_342, %select_n3A_361 : vector<16xi32>
      %mul3A_363 = arith.constant 16 : i32
      %mul3A_364 = arith.muli %scan3A_139, %mul3A_363 : i32
      %add3A_365 = arith.constant 11 : i32
      %add3A_366 = arith.addi %mul3A_364, %add3A_365 : i32
      %slice3A_367 = vector.extract_strided_slice %get3A_145 {offsets = [11], sizes = [1], strides = [1]} : vector<16xf32> to vector<1xf32>
      %squeeze3A_368 = vector.extract %slice3A_367[0] : f32 from vector<1xf32>
      %lt3A_369 = vector.broadcast %squeeze3A_368 : f32 to vector<16xf32>
      %lt3A_370 = arith.cmpf olt, %lt3A_369, %get3A_59 : vector<16xf32>
      %eq3A_371 = vector.broadcast %squeeze3A_368 : f32 to vector<16xf32>
      %eq3A_372 = arith.cmpf oeq, %eq3A_371, %get3A_59 : vector<16xf32>
      %lt3A_373 = vector.broadcast %add3A_366 : i32 to vector<16xi32>
      %lt3A_374 = arith.cmpi slt, %lt3A_373, %add3A_62 : vector<16xi32>
      %and3A_375 = arith.andi %eq3A_372, %lt3A_374 : vector<16xi1>
      %or3A_376 = arith.ori %lt3A_370, %and3A_375 : vector<16xi1>
      %jit3A_377 = arith.constant 1 : i32
      %jit3A_378 = arith.constant 0 : i32
      %broadcast_in_dim3A_379 = vector.broadcast %jit3A_377 : i32 to vector<16xi32>
      %broadcast_in_dim3A_380 = vector.broadcast %jit3A_378 : i32 to vector<16xi32>
      %select_n3A_381 = arith.select %or3A_376, %broadcast_in_dim3A_379, %broadcast_in_dim3A_380 : vector<16xi1>, vector<16xi32>
      %add3A_382 = arith.addi %add3A_362, %select_n3A_381 : vector<16xi32>
      %mul3A_383 = arith.constant 16 : i32
      %mul3A_384 = arith.muli %scan3A_139, %mul3A_383 : i32
      %add3A_385 = arith.constant 12 : i32
      %add3A_386 = arith.addi %mul3A_384, %add3A_385 : i32
      %slice3A_387 = vector.extract_strided_slice %get3A_145 {offsets = [12], sizes = [1], strides = [1]} : vector<16xf32> to vector<1xf32>
      %squeeze3A_388 = vector.extract %slice3A_387[0] : f32 from vector<1xf32>
      %lt3A_389 = vector.broadcast %squeeze3A_388 : f32 to vector<16xf32>
      %lt3A_390 = arith.cmpf olt, %lt3A_389, %get3A_59 : vector<16xf32>
      %eq3A_391 = vector.broadcast %squeeze3A_388 : f32 to vector<16xf32>
      %eq3A_392 = arith.cmpf oeq, %eq3A_391, %get3A_59 : vector<16xf32>
      %lt3A_393 = vector.broadcast %add3A_386 : i32 to vector<16xi32>
      %lt3A_394 = arith.cmpi slt, %lt3A_393, %add3A_62 : vector<16xi32>
      %and3A_395 = arith.andi %eq3A_392, %lt3A_394 : vector<16xi1>
      %or3A_396 = arith.ori %lt3A_390, %and3A_395 : vector<16xi1>
      %jit3A_397 = arith.constant 1 : i32
      %jit3A_398 = arith.constant 0 : i32
      %broadcast_in_dim3A_399 = vector.broadcast %jit3A_397 : i32 to vector<16xi32>
      %broadcast_in_dim3A_400 = vector.broadcast %jit3A_398 : i32 to vector<16xi32>
      %select_n3A_401 = arith.select %or3A_396, %broadcast_in_dim3A_399, %broadcast_in_dim3A_400 : vector<16xi1>, vector<16xi32>
      %add3A_402 = arith.addi %add3A_382, %select_n3A_401 : vector<16xi32>
      %mul3A_403 = arith.constant 16 : i32
      %mul3A_404 = arith.muli %scan3A_139, %mul3A_403 : i32
      %add3A_405 = arith.constant 13 : i32
      %add3A_406 = arith.addi %mul3A_404, %add3A_405 : i32
      %slice3A_407 = vector.extract_strided_slice %get3A_145 {offsets = [13], sizes = [1], strides = [1]} : vector<16xf32> to vector<1xf32>
      %squeeze3A_408 = vector.extract %slice3A_407[0] : f32 from vector<1xf32>
      %lt3A_409 = vector.broadcast %squeeze3A_408 : f32 to vector<16xf32>
      %lt3A_410 = arith.cmpf olt, %lt3A_409, %get3A_59 : vector<16xf32>
      %eq3A_411 = vector.broadcast %squeeze3A_408 : f32 to vector<16xf32>
      %eq3A_412 = arith.cmpf oeq, %eq3A_411, %get3A_59 : vector<16xf32>
      %lt3A_413 = vector.broadcast %add3A_406 : i32 to vector<16xi32>
      %lt3A_414 = arith.cmpi slt, %lt3A_413, %add3A_62 : vector<16xi32>
      %and3A_415 = arith.andi %eq3A_412, %lt3A_414 : vector<16xi1>
      %or3A_416 = arith.ori %lt3A_410, %and3A_415 : vector<16xi1>
      %jit3A_417 = arith.constant 1 : i32
      %jit3A_418 = arith.constant 0 : i32
      %broadcast_in_dim3A_419 = vector.broadcast %jit3A_417 : i32 to vector<16xi32>
      %broadcast_in_dim3A_420 = vector.broadcast %jit3A_418 : i32 to vector<16xi32>
      %select_n3A_421 = arith.select %or3A_416, %broadcast_in_dim3A_419, %broadcast_in_dim3A_420 : vector<16xi1>, vector<16xi32>
      %add3A_422 = arith.addi %add3A_402, %select_n3A_421 : vector<16xi32>
      %mul3A_423 = arith.constant 16 : i32
      %mul3A_424 = arith.muli %scan3A_139, %mul3A_423 : i32
      %add3A_425 = arith.constant 14 : i32
      %add3A_426 = arith.addi %mul3A_424, %add3A_425 : i32
      %slice3A_427 = vector.extract_strided_slice %get3A_145 {offsets = [14], sizes = [1], strides = [1]} : vector<16xf32> to vector<1xf32>
      %squeeze3A_428 = vector.extract %slice3A_427[0] : f32 from vector<1xf32>
      %lt3A_429 = vector.broadcast %squeeze3A_428 : f32 to vector<16xf32>
      %lt3A_430 = arith.cmpf olt, %lt3A_429, %get3A_59 : vector<16xf32>
      %eq3A_431 = vector.broadcast %squeeze3A_428 : f32 to vector<16xf32>
      %eq3A_432 = arith.cmpf oeq, %eq3A_431, %get3A_59 : vector<16xf32>
      %lt3A_433 = vector.broadcast %add3A_426 : i32 to vector<16xi32>
      %lt3A_434 = arith.cmpi slt, %lt3A_433, %add3A_62 : vector<16xi32>
      %and3A_435 = arith.andi %eq3A_432, %lt3A_434 : vector<16xi1>
      %or3A_436 = arith.ori %lt3A_430, %and3A_435 : vector<16xi1>
      %jit3A_437 = arith.constant 1 : i32
      %jit3A_438 = arith.constant 0 : i32
      %broadcast_in_dim3A_439 = vector.broadcast %jit3A_437 : i32 to vector<16xi32>
      %broadcast_in_dim3A_440 = vector.broadcast %jit3A_438 : i32 to vector<16xi32>
      %select_n3A_441 = arith.select %or3A_436, %broadcast_in_dim3A_439, %broadcast_in_dim3A_440 : vector<16xi1>, vector<16xi32>
      %add3A_442 = arith.addi %add3A_422, %select_n3A_441 : vector<16xi32>
      %mul3A_443 = arith.constant 16 : i32
      %mul3A_444 = arith.muli %scan3A_139, %mul3A_443 : i32
      %add3A_445 = arith.constant 15 : i32
      %add3A_446 = arith.addi %mul3A_444, %add3A_445 : i32
      %slice3A_447 = vector.extract_strided_slice %get3A_145 {offsets = [15], sizes = [1], strides = [1]} : vector<16xf32> to vector<1xf32>
      %squeeze3A_448 = vector.extract %slice3A_447[0] : f32 from vector<1xf32>
      %lt3A_449 = vector.broadcast %squeeze3A_448 : f32 to vector<16xf32>
      %lt3A_450 = arith.cmpf olt, %lt3A_449, %get3A_59 : vector<16xf32>
      %eq3A_451 = vector.broadcast %squeeze3A_448 : f32 to vector<16xf32>
      %eq3A_452 = arith.cmpf oeq, %eq3A_451, %get3A_59 : vector<16xf32>
      %lt3A_453 = vector.broadcast %add3A_446 : i32 to vector<16xi32>
      %lt3A_454 = arith.cmpi slt, %lt3A_453, %add3A_62 : vector<16xi32>
      %and3A_455 = arith.andi %eq3A_452, %lt3A_454 : vector<16xi1>
      %or3A_456 = arith.ori %lt3A_450, %and3A_455 : vector<16xi1>
      %jit3A_457 = arith.constant 1 : i32
      %jit3A_458 = arith.constant 0 : i32
      %broadcast_in_dim3A_459 = vector.broadcast %jit3A_457 : i32 to vector<16xi32>
      %broadcast_in_dim3A_460 = vector.broadcast %jit3A_458 : i32 to vector<16xi32>
      %select_n3A_461 = arith.select %or3A_456, %broadcast_in_dim3A_459, %broadcast_in_dim3A_460 : vector<16xi1>, vector<16xi32>
      %add3A_462 = arith.addi %add3A_442, %select_n3A_461 : vector<16xi32>
      scf.yield %add3A_462 : vector<16xi32>
    }
    %scan3A_70 = arith.constant 16 : i32
    %shift_right_logical3A_71 = arith.constant 6 : i32
    %shift_right_logical3A_72 = vector.broadcast %shift_right_logical3A_71 : i32 to vector<16xi32>
    %shift_right_logical3A_73 = arith.shrui %scan3A_69, %shift_right_logical3A_72 : vector<16xi32>
    %sub3A_74 = arith.constant 3 : i32
    %sub3A_75 = vector.broadcast %sub3A_74 : i32 to vector<16xi32>
    %sub3A_76 = arith.subi %sub3A_75, %shift_right_logical3A_73 : vector<16xi32>
    %swap3A_77 = arith.constant 16 : index
    %swap3A_78 = tpu.vector_load %arg5[%swap3A_77] {strides = array<i32>} : memref<64xi32, #tpu.memory_space<vmem>>, vector<16xi32>,
    %swap3A_79 = vector.shape_cast %swap3A_78 : vector<16xi32> to vector<16xi32>
    %swap3A_80 = vector.shape_cast %sub3A_76 : vector<16xi32> to vector<16xi32>
    tpu.vector_store %arg5[%swap3A_77], %swap3A_80 {strides = array<i32>} : memref<64xi32, #tpu.memory_space<vmem>>, vector<16xi32>,
    %mul3A_81 = arith.constant 64 : i32
    %mul3A_82 = arith.muli %select_n3A_30, %mul3A_81 : i32
    %add3A_83 = arith.constant 32 : i32
    %add3A_84 = arith.addi %mul3A_82, %add3A_83 : i32
    %get3A_85 = arith.index_cast %add3A_84 : i32 to index
    %get3A_86 = tpu.vector_load %arg4[%get3A_85] {strides = array<i32>} : memref<256xf32, #tpu.memory_space<vmem>>, vector<16xf32>,
    %get3A_87 = vector.shape_cast %get3A_86 : vector<16xf32> to vector<16xf32>
    %iota3A_88 = tpu.iota {dimensions = array<i32: 0>} : vector<16xi32>
    %add3A_89 = vector.broadcast %add3A_84 : i32 to vector<16xi32>
    %add3A_90 = arith.addi %iota3A_88, %add3A_89 : vector<16xi32>
    %broadcast_in_dim3A_91 = arith.constant 0 : i32
    %broadcast_in_dim3A_92 = vector.broadcast %broadcast_in_dim3A_91 : i32 to vector<16xi32>
    %scan3A_93 = arith.constant 0 : i32
    %scan3A_94 = arith.constant 16 : i32
    %scan3A_95 = arith.addi %scan3A_93, %scan3A_94 : i32
    %scan3A_96 = arith.constant 1 : i32
    %scan3A_97 = scf.for %scan3A_139 = %scan3A_93 to %scan3A_95 step %scan3A_96 iter_args(%scan3A_140 = %broadcast_in_dim3A_92) -> (vector<16xi32>)  : i32 {
      %mul3A_141 = arith.constant 16 : i32
      %mul3A_142 = arith.muli %scan3A_139, %mul3A_141 : i32
      %get3A_143 = arith.index_cast %mul3A_142 : i32 to index
      %get3A_144 = tpu.vector_load %arg4[%get3A_143] {strides = array<i32>} : memref<256xf32, #tpu.memory_space<vmem>>, vector<16xf32>,
      %get3A_145 = vector.shape_cast %get3A_144 : vector<16xf32> to vector<16xf32>
      %mul3A_146 = arith.constant 16 : i32
      %mul3A_147 = arith.muli %scan3A_139, %mul3A_146 : i32
      %add3A_148 = arith.constant 0 : i32
      %add3A_149 = arith.addi %mul3A_147, %add3A_148 : i32
      %slice3A = vector.extract_strided_slice %get3A_145 {offsets = [0], sizes = [1], strides = [1]} : vector<16xf32> to vector<1xf32>
      %squeeze3A = vector.extract %slice3A[0] : f32 from vector<1xf32>
      %lt3A_150 = vector.broadcast %squeeze3A : f32 to vector<16xf32>
      %lt3A_151 = arith.cmpf olt, %lt3A_150, %get3A_87 : vector<16xf32>
      %eq3A_152 = vector.broadcast %squeeze3A : f32 to vector<16xf32>
      %eq3A_153 = arith.cmpf oeq, %eq3A_152, %get3A_87 : vector<16xf32>
      %lt3A_154 = vector.broadcast %add3A_149 : i32 to vector<16xi32>
      %lt3A_155 = arith.cmpi slt, %lt3A_154, %add3A_90 : vector<16xi32>
      %and3A_156 = arith.andi %eq3A_153, %lt3A_155 : vector<16xi1>
      %or3A = arith.ori %lt3A_151, %and3A_156 : vector<16xi1>
      %jit3A_157 = arith.constant 1 : i32
      %jit3A_158 = arith.constant 0 : i32
      %broadcast_in_dim3A_159 = vector.broadcast %jit3A_157 : i32 to vector<16xi32>
      %broadcast_in_dim3A_160 = vector.broadcast %jit3A_158 : i32 to vector<16xi32>
      %select_n3A_161 = arith.select %or3A, %broadcast_in_dim3A_159, %broadcast_in_dim3A_160 : vector<16xi1>, vector<16xi32>
      %add3A_162 = arith.addi %scan3A_140, %select_n3A_161 : vector<16xi32>
      %mul3A_163 = arith.constant 16 : i32
      %mul3A_164 = arith.muli %scan3A_139, %mul3A_163 : i32
      %add3A_165 = arith.constant 1 : i32
      %add3A_166 = arith.addi %mul3A_164, %add3A_165 : i32
      %slice3A_167 = vector.extract_strided_slice %get3A_145 {offsets = [1], sizes = [1], strides = [1]} : vector<16xf32> to vector<1xf32>
      %squeeze3A_168 = vector.extract %slice3A_167[0] : f32 from vector<1xf32>
      %lt3A_169 = vector.broadcast %squeeze3A_168 : f32 to vector<16xf32>
      %lt3A_170 = arith.cmpf olt, %lt3A_169, %get3A_87 : vector<16xf32>
      %eq3A_171 = vector.broadcast %squeeze3A_168 : f32 to vector<16xf32>
      %eq3A_172 = arith.cmpf oeq, %eq3A_171, %get3A_87 : vector<16xf32>
      %lt3A_173 = vector.broadcast %add3A_166 : i32 to vector<16xi32>
      %lt3A_174 = arith.cmpi slt, %lt3A_173, %add3A_90 : vector<16xi32>
      %and3A_175 = arith.andi %eq3A_172, %lt3A_174 : vector<16xi1>
      %or3A_176 = arith.ori %lt3A_170, %and3A_175 : vector<16xi1>
      %jit3A_177 = arith.constant 1 : i32
      %jit3A_178 = arith.constant 0 : i32
      %broadcast_in_dim3A_179 = vector.broadcast %jit3A_177 : i32 to vector<16xi32>
      %broadcast_in_dim3A_180 = vector.broadcast %jit3A_178 : i32 to vector<16xi32>
      %select_n3A_181 = arith.select %or3A_176, %broadcast_in_dim3A_179, %broadcast_in_dim3A_180 : vector<16xi1>, vector<16xi32>
      %add3A_182 = arith.addi %add3A_162, %select_n3A_181 : vector<16xi32>
      %mul3A_183 = arith.constant 16 : i32
      %mul3A_184 = arith.muli %scan3A_139, %mul3A_183 : i32
      %add3A_185 = arith.constant 2 : i32
      %add3A_186 = arith.addi %mul3A_184, %add3A_185 : i32
      %slice3A_187 = vector.extract_strided_slice %get3A_145 {offsets = [2], sizes = [1], strides = [1]} : vector<16xf32> to vector<1xf32>
      %squeeze3A_188 = vector.extract %slice3A_187[0] : f32 from vector<1xf32>
      %lt3A_189 = vector.broadcast %squeeze3A_188 : f32 to vector<16xf32>
      %lt3A_190 = arith.cmpf olt, %lt3A_189, %get3A_87 : vector<16xf32>
      %eq3A_191 = vector.broadcast %squeeze3A_188 : f32 to vector<16xf32>
      %eq3A_192 = arith.cmpf oeq, %eq3A_191, %get3A_87 : vector<16xf32>
      %lt3A_193 = vector.broadcast %add3A_186 : i32 to vector<16xi32>
      %lt3A_194 = arith.cmpi slt, %lt3A_193, %add3A_90 : vector<16xi32>
      %and3A_195 = arith.andi %eq3A_192, %lt3A_194 : vector<16xi1>
      %or3A_196 = arith.ori %lt3A_190, %and3A_195 : vector<16xi1>
      %jit3A_197 = arith.constant 1 : i32
      %jit3A_198 = arith.constant 0 : i32
      %broadcast_in_dim3A_199 = vector.broadcast %jit3A_197 : i32 to vector<16xi32>
      %broadcast_in_dim3A_200 = vector.broadcast %jit3A_198 : i32 to vector<16xi32>
      %select_n3A_201 = arith.select %or3A_196, %broadcast_in_dim3A_199, %broadcast_in_dim3A_200 : vector<16xi1>, vector<16xi32>
      %add3A_202 = arith.addi %add3A_182, %select_n3A_201 : vector<16xi32>
      %mul3A_203 = arith.constant 16 : i32
      %mul3A_204 = arith.muli %scan3A_139, %mul3A_203 : i32
      %add3A_205 = arith.constant 3 : i32
      %add3A_206 = arith.addi %mul3A_204, %add3A_205 : i32
      %slice3A_207 = vector.extract_strided_slice %get3A_145 {offsets = [3], sizes = [1], strides = [1]} : vector<16xf32> to vector<1xf32>
      %squeeze3A_208 = vector.extract %slice3A_207[0] : f32 from vector<1xf32>
      %lt3A_209 = vector.broadcast %squeeze3A_208 : f32 to vector<16xf32>
      %lt3A_210 = arith.cmpf olt, %lt3A_209, %get3A_87 : vector<16xf32>
      %eq3A_211 = vector.broadcast %squeeze3A_208 : f32 to vector<16xf32>
      %eq3A_212 = arith.cmpf oeq, %eq3A_211, %get3A_87 : vector<16xf32>
      %lt3A_213 = vector.broadcast %add3A_206 : i32 to vector<16xi32>
      %lt3A_214 = arith.cmpi slt, %lt3A_213, %add3A_90 : vector<16xi32>
      %and3A_215 = arith.andi %eq3A_212, %lt3A_214 : vector<16xi1>
      %or3A_216 = arith.ori %lt3A_210, %and3A_215 : vector<16xi1>
      %jit3A_217 = arith.constant 1 : i32
      %jit3A_218 = arith.constant 0 : i32
      %broadcast_in_dim3A_219 = vector.broadcast %jit3A_217 : i32 to vector<16xi32>
      %broadcast_in_dim3A_220 = vector.broadcast %jit3A_218 : i32 to vector<16xi32>
      %select_n3A_221 = arith.select %or3A_216, %broadcast_in_dim3A_219, %broadcast_in_dim3A_220 : vector<16xi1>, vector<16xi32>
      %add3A_222 = arith.addi %add3A_202, %select_n3A_221 : vector<16xi32>
      %mul3A_223 = arith.constant 16 : i32
      %mul3A_224 = arith.muli %scan3A_139, %mul3A_223 : i32
      %add3A_225 = arith.constant 4 : i32
      %add3A_226 = arith.addi %mul3A_224, %add3A_225 : i32
      %slice3A_227 = vector.extract_strided_slice %get3A_145 {offsets = [4], sizes = [1], strides = [1]} : vector<16xf32> to vector<1xf32>
      %squeeze3A_228 = vector.extract %slice3A_227[0] : f32 from vector<1xf32>
      %lt3A_229 = vector.broadcast %squeeze3A_228 : f32 to vector<16xf32>
      %lt3A_230 = arith.cmpf olt, %lt3A_229, %get3A_87 : vector<16xf32>
      %eq3A_231 = vector.broadcast %squeeze3A_228 : f32 to vector<16xf32>
      %eq3A_232 = arith.cmpf oeq, %eq3A_231, %get3A_87 : vector<16xf32>
      %lt3A_233 = vector.broadcast %add3A_226 : i32 to vector<16xi32>
      %lt3A_234 = arith.cmpi slt, %lt3A_233, %add3A_90 : vector<16xi32>
      %and3A_235 = arith.andi %eq3A_232, %lt3A_234 : vector<16xi1>
      %or3A_236 = arith.ori %lt3A_230, %and3A_235 : vector<16xi1>
      %jit3A_237 = arith.constant 1 : i32
      %jit3A_238 = arith.constant 0 : i32
      %broadcast_in_dim3A_239 = vector.broadcast %jit3A_237 : i32 to vector<16xi32>
      %broadcast_in_dim3A_240 = vector.broadcast %jit3A_238 : i32 to vector<16xi32>
      %select_n3A_241 = arith.select %or3A_236, %broadcast_in_dim3A_239, %broadcast_in_dim3A_240 : vector<16xi1>, vector<16xi32>
      %add3A_242 = arith.addi %add3A_222, %select_n3A_241 : vector<16xi32>
      %mul3A_243 = arith.constant 16 : i32
      %mul3A_244 = arith.muli %scan3A_139, %mul3A_243 : i32
      %add3A_245 = arith.constant 5 : i32
      %add3A_246 = arith.addi %mul3A_244, %add3A_245 : i32
      %slice3A_247 = vector.extract_strided_slice %get3A_145 {offsets = [5], sizes = [1], strides = [1]} : vector<16xf32> to vector<1xf32>
      %squeeze3A_248 = vector.extract %slice3A_247[0] : f32 from vector<1xf32>
      %lt3A_249 = vector.broadcast %squeeze3A_248 : f32 to vector<16xf32>
      %lt3A_250 = arith.cmpf olt, %lt3A_249, %get3A_87 : vector<16xf32>
      %eq3A_251 = vector.broadcast %squeeze3A_248 : f32 to vector<16xf32>
      %eq3A_252 = arith.cmpf oeq, %eq3A_251, %get3A_87 : vector<16xf32>
      %lt3A_253 = vector.broadcast %add3A_246 : i32 to vector<16xi32>
      %lt3A_254 = arith.cmpi slt, %lt3A_253, %add3A_90 : vector<16xi32>
      %and3A_255 = arith.andi %eq3A_252, %lt3A_254 : vector<16xi1>
      %or3A_256 = arith.ori %lt3A_250, %and3A_255 : vector<16xi1>
      %jit3A_257 = arith.constant 1 : i32
      %jit3A_258 = arith.constant 0 : i32
      %broadcast_in_dim3A_259 = vector.broadcast %jit3A_257 : i32 to vector<16xi32>
      %broadcast_in_dim3A_260 = vector.broadcast %jit3A_258 : i32 to vector<16xi32>
      %select_n3A_261 = arith.select %or3A_256, %broadcast_in_dim3A_259, %broadcast_in_dim3A_260 : vector<16xi1>, vector<16xi32>
      %add3A_262 = arith.addi %add3A_242, %select_n3A_261 : vector<16xi32>
      %mul3A_263 = arith.constant 16 : i32
      %mul3A_264 = arith.muli %scan3A_139, %mul3A_263 : i32
      %add3A_265 = arith.constant 6 : i32
      %add3A_266 = arith.addi %mul3A_264, %add3A_265 : i32
      %slice3A_267 = vector.extract_strided_slice %get3A_145 {offsets = [6], sizes = [1], strides = [1]} : vector<16xf32> to vector<1xf32>
      %squeeze3A_268 = vector.extract %slice3A_267[0] : f32 from vector<1xf32>
      %lt3A_269 = vector.broadcast %squeeze3A_268 : f32 to vector<16xf32>
      %lt3A_270 = arith.cmpf olt, %lt3A_269, %get3A_87 : vector<16xf32>
      %eq3A_271 = vector.broadcast %squeeze3A_268 : f32 to vector<16xf32>
      %eq3A_272 = arith.cmpf oeq, %eq3A_271, %get3A_87 : vector<16xf32>
      %lt3A_273 = vector.broadcast %add3A_266 : i32 to vector<16xi32>
      %lt3A_274 = arith.cmpi slt, %lt3A_273, %add3A_90 : vector<16xi32>
      %and3A_275 = arith.andi %eq3A_272, %lt3A_274 : vector<16xi1>
      %or3A_276 = arith.ori %lt3A_270, %and3A_275 : vector<16xi1>
      %jit3A_277 = arith.constant 1 : i32
      %jit3A_278 = arith.constant 0 : i32
      %broadcast_in_dim3A_279 = vector.broadcast %jit3A_277 : i32 to vector<16xi32>
      %broadcast_in_dim3A_280 = vector.broadcast %jit3A_278 : i32 to vector<16xi32>
      %select_n3A_281 = arith.select %or3A_276, %broadcast_in_dim3A_279, %broadcast_in_dim3A_280 : vector<16xi1>, vector<16xi32>
      %add3A_282 = arith.addi %add3A_262, %select_n3A_281 : vector<16xi32>
      %mul3A_283 = arith.constant 16 : i32
      %mul3A_284 = arith.muli %scan3A_139, %mul3A_283 : i32
      %add3A_285 = arith.constant 7 : i32
      %add3A_286 = arith.addi %mul3A_284, %add3A_285 : i32
      %slice3A_287 = vector.extract_strided_slice %get3A_145 {offsets = [7], sizes = [1], strides = [1]} : vector<16xf32> to vector<1xf32>
      %squeeze3A_288 = vector.extract %slice3A_287[0] : f32 from vector<1xf32>
      %lt3A_289 = vector.broadcast %squeeze3A_288 : f32 to vector<16xf32>
      %lt3A_290 = arith.cmpf olt, %lt3A_289, %get3A_87 : vector<16xf32>
      %eq3A_291 = vector.broadcast %squeeze3A_288 : f32 to vector<16xf32>
      %eq3A_292 = arith.cmpf oeq, %eq3A_291, %get3A_87 : vector<16xf32>
      %lt3A_293 = vector.broadcast %add3A_286 : i32 to vector<16xi32>
      %lt3A_294 = arith.cmpi slt, %lt3A_293, %add3A_90 : vector<16xi32>
      %and3A_295 = arith.andi %eq3A_292, %lt3A_294 : vector<16xi1>
      %or3A_296 = arith.ori %lt3A_290, %and3A_295 : vector<16xi1>
      %jit3A_297 = arith.constant 1 : i32
      %jit3A_298 = arith.constant 0 : i32
      %broadcast_in_dim3A_299 = vector.broadcast %jit3A_297 : i32 to vector<16xi32>
      %broadcast_in_dim3A_300 = vector.broadcast %jit3A_298 : i32 to vector<16xi32>
      %select_n3A_301 = arith.select %or3A_296, %broadcast_in_dim3A_299, %broadcast_in_dim3A_300 : vector<16xi1>, vector<16xi32>
      %add3A_302 = arith.addi %add3A_282, %select_n3A_301 : vector<16xi32>
      %mul3A_303 = arith.constant 16 : i32
      %mul3A_304 = arith.muli %scan3A_139, %mul3A_303 : i32
      %add3A_305 = arith.constant 8 : i32
      %add3A_306 = arith.addi %mul3A_304, %add3A_305 : i32
      %slice3A_307 = vector.extract_strided_slice %get3A_145 {offsets = [8], sizes = [1], strides = [1]} : vector<16xf32> to vector<1xf32>
      %squeeze3A_308 = vector.extract %slice3A_307[0] : f32 from vector<1xf32>
      %lt3A_309 = vector.broadcast %squeeze3A_308 : f32 to vector<16xf32>
      %lt3A_310 = arith.cmpf olt, %lt3A_309, %get3A_87 : vector<16xf32>
      %eq3A_311 = vector.broadcast %squeeze3A_308 : f32 to vector<16xf32>
      %eq3A_312 = arith.cmpf oeq, %eq3A_311, %get3A_87 : vector<16xf32>
      %lt3A_313 = vector.broadcast %add3A_306 : i32 to vector<16xi32>
      %lt3A_314 = arith.cmpi slt, %lt3A_313, %add3A_90 : vector<16xi32>
      %and3A_315 = arith.andi %eq3A_312, %lt3A_314 : vector<16xi1>
      %or3A_316 = arith.ori %lt3A_310, %and3A_315 : vector<16xi1>
      %jit3A_317 = arith.constant 1 : i32
      %jit3A_318 = arith.constant 0 : i32
      %broadcast_in_dim3A_319 = vector.broadcast %jit3A_317 : i32 to vector<16xi32>
      %broadcast_in_dim3A_320 = vector.broadcast %jit3A_318 : i32 to vector<16xi32>
      %select_n3A_321 = arith.select %or3A_316, %broadcast_in_dim3A_319, %broadcast_in_dim3A_320 : vector<16xi1>, vector<16xi32>
      %add3A_322 = arith.addi %add3A_302, %select_n3A_321 : vector<16xi32>
      %mul3A_323 = arith.constant 16 : i32
      %mul3A_324 = arith.muli %scan3A_139, %mul3A_323 : i32
      %add3A_325 = arith.constant 9 : i32
      %add3A_326 = arith.addi %mul3A_324, %add3A_325 : i32
      %slice3A_327 = vector.extract_strided_slice %get3A_145 {offsets = [9], sizes = [1], strides = [1]} : vector<16xf32> to vector<1xf32>
      %squeeze3A_328 = vector.extract %slice3A_327[0] : f32 from vector<1xf32>
      %lt3A_329 = vector.broadcast %squeeze3A_328 : f32 to vector<16xf32>
      %lt3A_330 = arith.cmpf olt, %lt3A_329, %get3A_87 : vector<16xf32>
      %eq3A_331 = vector.broadcast %squeeze3A_328 : f32 to vector<16xf32>
      %eq3A_332 = arith.cmpf oeq, %eq3A_331, %get3A_87 : vector<16xf32>
      %lt3A_333 = vector.broadcast %add3A_326 : i32 to vector<16xi32>
      %lt3A_334 = arith.cmpi slt, %lt3A_333, %add3A_90 : vector<16xi32>
      %and3A_335 = arith.andi %eq3A_332, %lt3A_334 : vector<16xi1>
      %or3A_336 = arith.ori %lt3A_330, %and3A_335 : vector<16xi1>
      %jit3A_337 = arith.constant 1 : i32
      %jit3A_338 = arith.constant 0 : i32
      %broadcast_in_dim3A_339 = vector.broadcast %jit3A_337 : i32 to vector<16xi32>
      %broadcast_in_dim3A_340 = vector.broadcast %jit3A_338 : i32 to vector<16xi32>
      %select_n3A_341 = arith.select %or3A_336, %broadcast_in_dim3A_339, %broadcast_in_dim3A_340 : vector<16xi1>, vector<16xi32>
      %add3A_342 = arith.addi %add3A_322, %select_n3A_341 : vector<16xi32>
      %mul3A_343 = arith.constant 16 : i32
      %mul3A_344 = arith.muli %scan3A_139, %mul3A_343 : i32
      %add3A_345 = arith.constant 10 : i32
      %add3A_346 = arith.addi %mul3A_344, %add3A_345 : i32
      %slice3A_347 = vector.extract_strided_slice %get3A_145 {offsets = [10], sizes = [1], strides = [1]} : vector<16xf32> to vector<1xf32>
      %squeeze3A_348 = vector.extract %slice3A_347[0] : f32 from vector<1xf32>
      %lt3A_349 = vector.broadcast %squeeze3A_348 : f32 to vector<16xf32>
      %lt3A_350 = arith.cmpf olt, %lt3A_349, %get3A_87 : vector<16xf32>
      %eq3A_351 = vector.broadcast %squeeze3A_348 : f32 to vector<16xf32>
      %eq3A_352 = arith.cmpf oeq, %eq3A_351, %get3A_87 : vector<16xf32>
      %lt3A_353 = vector.broadcast %add3A_346 : i32 to vector<16xi32>
      %lt3A_354 = arith.cmpi slt, %lt3A_353, %add3A_90 : vector<16xi32>
      %and3A_355 = arith.andi %eq3A_352, %lt3A_354 : vector<16xi1>
      %or3A_356 = arith.ori %lt3A_350, %and3A_355 : vector<16xi1>
      %jit3A_357 = arith.constant 1 : i32
      %jit3A_358 = arith.constant 0 : i32
      %broadcast_in_dim3A_359 = vector.broadcast %jit3A_357 : i32 to vector<16xi32>
      %broadcast_in_dim3A_360 = vector.broadcast %jit3A_358 : i32 to vector<16xi32>
      %select_n3A_361 = arith.select %or3A_356, %broadcast_in_dim3A_359, %broadcast_in_dim3A_360 : vector<16xi1>, vector<16xi32>
      %add3A_362 = arith.addi %add3A_342, %select_n3A_361 : vector<16xi32>
      %mul3A_363 = arith.constant 16 : i32
      %mul3A_364 = arith.muli %scan3A_139, %mul3A_363 : i32
      %add3A_365 = arith.constant 11 : i32
      %add3A_366 = arith.addi %mul3A_364, %add3A_365 : i32
      %slice3A_367 = vector.extract_strided_slice %get3A_145 {offsets = [11], sizes = [1], strides = [1]} : vector<16xf32> to vector<1xf32>
      %squeeze3A_368 = vector.extract %slice3A_367[0] : f32 from vector<1xf32>
      %lt3A_369 = vector.broadcast %squeeze3A_368 : f32 to vector<16xf32>
      %lt3A_370 = arith.cmpf olt, %lt3A_369, %get3A_87 : vector<16xf32>
      %eq3A_371 = vector.broadcast %squeeze3A_368 : f32 to vector<16xf32>
      %eq3A_372 = arith.cmpf oeq, %eq3A_371, %get3A_87 : vector<16xf32>
      %lt3A_373 = vector.broadcast %add3A_366 : i32 to vector<16xi32>
      %lt3A_374 = arith.cmpi slt, %lt3A_373, %add3A_90 : vector<16xi32>
      %and3A_375 = arith.andi %eq3A_372, %lt3A_374 : vector<16xi1>
      %or3A_376 = arith.ori %lt3A_370, %and3A_375 : vector<16xi1>
      %jit3A_377 = arith.constant 1 : i32
      %jit3A_378 = arith.constant 0 : i32
      %broadcast_in_dim3A_379 = vector.broadcast %jit3A_377 : i32 to vector<16xi32>
      %broadcast_in_dim3A_380 = vector.broadcast %jit3A_378 : i32 to vector<16xi32>
      %select_n3A_381 = arith.select %or3A_376, %broadcast_in_dim3A_379, %broadcast_in_dim3A_380 : vector<16xi1>, vector<16xi32>
      %add3A_382 = arith.addi %add3A_362, %select_n3A_381 : vector<16xi32>
      %mul3A_383 = arith.constant 16 : i32
      %mul3A_384 = arith.muli %scan3A_139, %mul3A_383 : i32
      %add3A_385 = arith.constant 12 : i32
      %add3A_386 = arith.addi %mul3A_384, %add3A_385 : i32
      %slice3A_387 = vector.extract_strided_slice %get3A_145 {offsets = [12], sizes = [1], strides = [1]} : vector<16xf32> to vector<1xf32>
      %squeeze3A_388 = vector.extract %slice3A_387[0] : f32 from vector<1xf32>
      %lt3A_389 = vector.broadcast %squeeze3A_388 : f32 to vector<16xf32>
      %lt3A_390 = arith.cmpf olt, %lt3A_389, %get3A_87 : vector<16xf32>
      %eq3A_391 = vector.broadcast %squeeze3A_388 : f32 to vector<16xf32>
      %eq3A_392 = arith.cmpf oeq, %eq3A_391, %get3A_87 : vector<16xf32>
      %lt3A_393 = vector.broadcast %add3A_386 : i32 to vector<16xi32>
      %lt3A_394 = arith.cmpi slt, %lt3A_393, %add3A_90 : vector<16xi32>
      %and3A_395 = arith.andi %eq3A_392, %lt3A_394 : vector<16xi1>
      %or3A_396 = arith.ori %lt3A_390, %and3A_395 : vector<16xi1>
      %jit3A_397 = arith.constant 1 : i32
      %jit3A_398 = arith.constant 0 : i32
      %broadcast_in_dim3A_399 = vector.broadcast %jit3A_397 : i32 to vector<16xi32>
      %broadcast_in_dim3A_400 = vector.broadcast %jit3A_398 : i32 to vector<16xi32>
      %select_n3A_401 = arith.select %or3A_396, %broadcast_in_dim3A_399, %broadcast_in_dim3A_400 : vector<16xi1>, vector<16xi32>
      %add3A_402 = arith.addi %add3A_382, %select_n3A_401 : vector<16xi32>
      %mul3A_403 = arith.constant 16 : i32
      %mul3A_404 = arith.muli %scan3A_139, %mul3A_403 : i32
      %add3A_405 = arith.constant 13 : i32
      %add3A_406 = arith.addi %mul3A_404, %add3A_405 : i32
      %slice3A_407 = vector.extract_strided_slice %get3A_145 {offsets = [13], sizes = [1], strides = [1]} : vector<16xf32> to vector<1xf32>
      %squeeze3A_408 = vector.extract %slice3A_407[0] : f32 from vector<1xf32>
      %lt3A_409 = vector.broadcast %squeeze3A_408 : f32 to vector<16xf32>
      %lt3A_410 = arith.cmpf olt, %lt3A_409, %get3A_87 : vector<16xf32>
      %eq3A_411 = vector.broadcast %squeeze3A_408 : f32 to vector<16xf32>
      %eq3A_412 = arith.cmpf oeq, %eq3A_411, %get3A_87 : vector<16xf32>
      %lt3A_413 = vector.broadcast %add3A_406 : i32 to vector<16xi32>
      %lt3A_414 = arith.cmpi slt, %lt3A_413, %add3A_90 : vector<16xi32>
      %and3A_415 = arith.andi %eq3A_412, %lt3A_414 : vector<16xi1>
      %or3A_416 = arith.ori %lt3A_410, %and3A_415 : vector<16xi1>
      %jit3A_417 = arith.constant 1 : i32
      %jit3A_418 = arith.constant 0 : i32
      %broadcast_in_dim3A_419 = vector.broadcast %jit3A_417 : i32 to vector<16xi32>
      %broadcast_in_dim3A_420 = vector.broadcast %jit3A_418 : i32 to vector<16xi32>
      %select_n3A_421 = arith.select %or3A_416, %broadcast_in_dim3A_419, %broadcast_in_dim3A_420 : vector<16xi1>, vector<16xi32>
      %add3A_422 = arith.addi %add3A_402, %select_n3A_421 : vector<16xi32>
      %mul3A_423 = arith.constant 16 : i32
      %mul3A_424 = arith.muli %scan3A_139, %mul3A_423 : i32
      %add3A_425 = arith.constant 14 : i32
      %add3A_426 = arith.addi %mul3A_424, %add3A_425 : i32
      %slice3A_427 = vector.extract_strided_slice %get3A_145 {offsets = [14], sizes = [1], strides = [1]} : vector<16xf32> to vector<1xf32>
      %squeeze3A_428 = vector.extract %slice3A_427[0] : f32 from vector<1xf32>
      %lt3A_429 = vector.broadcast %squeeze3A_428 : f32 to vector<16xf32>
      %lt3A_430 = arith.cmpf olt, %lt3A_429, %get3A_87 : vector<16xf32>
      %eq3A_431 = vector.broadcast %squeeze3A_428 : f32 to vector<16xf32>
      %eq3A_432 = arith.cmpf oeq, %eq3A_431, %get3A_87 : vector<16xf32>
      %lt3A_433 = vector.broadcast %add3A_426 : i32 to vector<16xi32>
      %lt3A_434 = arith.cmpi slt, %lt3A_433, %add3A_90 : vector<16xi32>
      %and3A_435 = arith.andi %eq3A_432, %lt3A_434 : vector<16xi1>
      %or3A_436 = arith.ori %lt3A_430, %and3A_435 : vector<16xi1>
      %jit3A_437 = arith.constant 1 : i32
      %jit3A_438 = arith.constant 0 : i32
      %broadcast_in_dim3A_439 = vector.broadcast %jit3A_437 : i32 to vector<16xi32>
      %broadcast_in_dim3A_440 = vector.broadcast %jit3A_438 : i32 to vector<16xi32>
      %select_n3A_441 = arith.select %or3A_436, %broadcast_in_dim3A_439, %broadcast_in_dim3A_440 : vector<16xi1>, vector<16xi32>
      %add3A_442 = arith.addi %add3A_422, %select_n3A_441 : vector<16xi32>
      %mul3A_443 = arith.constant 16 : i32
      %mul3A_444 = arith.muli %scan3A_139, %mul3A_443 : i32
      %add3A_445 = arith.constant 15 : i32
      %add3A_446 = arith.addi %mul3A_444, %add3A_445 : i32
      %slice3A_447 = vector.extract_strided_slice %get3A_145 {offsets = [15], sizes = [1], strides = [1]} : vector<16xf32> to vector<1xf32>
      %squeeze3A_448 = vector.extract %slice3A_447[0] : f32 from vector<1xf32>
      %lt3A_449 = vector.broadcast %squeeze3A_448 : f32 to vector<16xf32>
      %lt3A_450 = arith.cmpf olt, %lt3A_449, %get3A_87 : vector<16xf32>
      %eq3A_451 = vector.broadcast %squeeze3A_448 : f32 to vector<16xf32>
      %eq3A_452 = arith.cmpf oeq, %eq3A_451, %get3A_87 : vector<16xf32>
      %lt3A_453 = vector.broadcast %add3A_446 : i32 to vector<16xi32>
      %lt3A_454 = arith.cmpi slt, %lt3A_453, %add3A_90 : vector<16xi32>
      %and3A_455 = arith.andi %eq3A_452, %lt3A_454 : vector<16xi1>
      %or3A_456 = arith.ori %lt3A_450, %and3A_455 : vector<16xi1>
      %jit3A_457 = arith.constant 1 : i32
      %jit3A_458 = arith.constant 0 : i32
      %broadcast_in_dim3A_459 = vector.broadcast %jit3A_457 : i32 to vector<16xi32>
      %broadcast_in_dim3A_460 = vector.broadcast %jit3A_458 : i32 to vector<16xi32>
      %select_n3A_461 = arith.select %or3A_456, %broadcast_in_dim3A_459, %broadcast_in_dim3A_460 : vector<16xi1>, vector<16xi32>
      %add3A_462 = arith.addi %add3A_442, %select_n3A_461 : vector<16xi32>
      scf.yield %add3A_462 : vector<16xi32>
    }
    %scan3A_98 = arith.constant 16 : i32
    %shift_right_logical3A_99 = arith.constant 6 : i32
    %shift_right_logical3A_100 = vector.broadcast %shift_right_logical3A_99 : i32 to vector<16xi32>
    %shift_right_logical3A_101 = arith.shrui %scan3A_97, %shift_right_logical3A_100 : vector<16xi32>
    %sub3A_102 = arith.constant 3 : i32
    %sub3A_103 = vector.broadcast %sub3A_102 : i32 to vector<16xi32>
    %sub3A_104 = arith.subi %sub3A_103, %shift_right_logical3A_101 : vector<16xi32>
    %swap3A_105 = arith.constant 32 : index
    %swap3A_106 = tpu.vector_load %arg5[%swap3A_105] {strides = array<i32>} : memref<64xi32, #tpu.memory_space<vmem>>, vector<16xi32>,
    %swap3A_107 = vector.shape_cast %swap3A_106 : vector<16xi32> to vector<16xi32>
    %swap3A_108 = vector.shape_cast %sub3A_104 : vector<16xi32> to vector<16xi32>
    tpu.vector_store %arg5[%swap3A_105], %swap3A_108 {strides = array<i32>} : memref<64xi32, #tpu.memory_space<vmem>>, vector<16xi32>,
    %mul3A_109 = arith.constant 64 : i32
    %mul3A_110 = arith.muli %select_n3A_30, %mul3A_109 : i32
    %add3A_111 = arith.constant 48 : i32
    %add3A_112 = arith.addi %mul3A_110, %add3A_111 : i32
    %get3A_113 = arith.index_cast %add3A_112 : i32 to index
    %get3A_114 = tpu.vector_load %arg4[%get3A_113] {strides = array<i32>} : memref<256xf32, #tpu.memory_space<vmem>>, vector<16xf32>,
    %get3A_115 = vector.shape_cast %get3A_114 : vector<16xf32> to vector<16xf32>
    %iota3A_116 = tpu.iota {dimensions = array<i32: 0>} : vector<16xi32>
    %add3A_117 = vector.broadcast %add3A_112 : i32 to vector<16xi32>
    %add3A_118 = arith.addi %iota3A_116, %add3A_117 : vector<16xi32>
    %broadcast_in_dim3A_119 = arith.constant 0 : i32
    %broadcast_in_dim3A_120 = vector.broadcast %broadcast_in_dim3A_119 : i32 to vector<16xi32>
    %scan3A_121 = arith.constant 0 : i32
    %scan3A_122 = arith.constant 16 : i32
    %scan3A_123 = arith.addi %scan3A_121, %scan3A_122 : i32
    %scan3A_124 = arith.constant 1 : i32
    %scan3A_125 = scf.for %scan3A_139 = %scan3A_121 to %scan3A_123 step %scan3A_124 iter_args(%scan3A_140 = %broadcast_in_dim3A_120) -> (vector<16xi32>)  : i32 {
      %mul3A_141 = arith.constant 16 : i32
      %mul3A_142 = arith.muli %scan3A_139, %mul3A_141 : i32
      %get3A_143 = arith.index_cast %mul3A_142 : i32 to index
      %get3A_144 = tpu.vector_load %arg4[%get3A_143] {strides = array<i32>} : memref<256xf32, #tpu.memory_space<vmem>>, vector<16xf32>,
      %get3A_145 = vector.shape_cast %get3A_144 : vector<16xf32> to vector<16xf32>
      %mul3A_146 = arith.constant 16 : i32
      %mul3A_147 = arith.muli %scan3A_139, %mul3A_146 : i32
      %add3A_148 = arith.constant 0 : i32
      %add3A_149 = arith.addi %mul3A_147, %add3A_148 : i32
      %slice3A = vector.extract_strided_slice %get3A_145 {offsets = [0], sizes = [1], strides = [1]} : vector<16xf32> to vector<1xf32>
      %squeeze3A = vector.extract %slice3A[0] : f32 from vector<1xf32>
      %lt3A_150 = vector.broadcast %squeeze3A : f32 to vector<16xf32>
      %lt3A_151 = arith.cmpf olt, %lt3A_150, %get3A_115 : vector<16xf32>
      %eq3A_152 = vector.broadcast %squeeze3A : f32 to vector<16xf32>
      %eq3A_153 = arith.cmpf oeq, %eq3A_152, %get3A_115 : vector<16xf32>
      %lt3A_154 = vector.broadcast %add3A_149 : i32 to vector<16xi32>
      %lt3A_155 = arith.cmpi slt, %lt3A_154, %add3A_118 : vector<16xi32>
      %and3A_156 = arith.andi %eq3A_153, %lt3A_155 : vector<16xi1>
      %or3A = arith.ori %lt3A_151, %and3A_156 : vector<16xi1>
      %jit3A_157 = arith.constant 1 : i32
      %jit3A_158 = arith.constant 0 : i32
      %broadcast_in_dim3A_159 = vector.broadcast %jit3A_157 : i32 to vector<16xi32>
      %broadcast_in_dim3A_160 = vector.broadcast %jit3A_158 : i32 to vector<16xi32>
      %select_n3A_161 = arith.select %or3A, %broadcast_in_dim3A_159, %broadcast_in_dim3A_160 : vector<16xi1>, vector<16xi32>
      %add3A_162 = arith.addi %scan3A_140, %select_n3A_161 : vector<16xi32>
      %mul3A_163 = arith.constant 16 : i32
      %mul3A_164 = arith.muli %scan3A_139, %mul3A_163 : i32
      %add3A_165 = arith.constant 1 : i32
      %add3A_166 = arith.addi %mul3A_164, %add3A_165 : i32
      %slice3A_167 = vector.extract_strided_slice %get3A_145 {offsets = [1], sizes = [1], strides = [1]} : vector<16xf32> to vector<1xf32>
      %squeeze3A_168 = vector.extract %slice3A_167[0] : f32 from vector<1xf32>
      %lt3A_169 = vector.broadcast %squeeze3A_168 : f32 to vector<16xf32>
      %lt3A_170 = arith.cmpf olt, %lt3A_169, %get3A_115 : vector<16xf32>
      %eq3A_171 = vector.broadcast %squeeze3A_168 : f32 to vector<16xf32>
      %eq3A_172 = arith.cmpf oeq, %eq3A_171, %get3A_115 : vector<16xf32>
      %lt3A_173 = vector.broadcast %add3A_166 : i32 to vector<16xi32>
      %lt3A_174 = arith.cmpi slt, %lt3A_173, %add3A_118 : vector<16xi32>
      %and3A_175 = arith.andi %eq3A_172, %lt3A_174 : vector<16xi1>
      %or3A_176 = arith.ori %lt3A_170, %and3A_175 : vector<16xi1>
      %jit3A_177 = arith.constant 1 : i32
      %jit3A_178 = arith.constant 0 : i32
      %broadcast_in_dim3A_179 = vector.broadcast %jit3A_177 : i32 to vector<16xi32>
      %broadcast_in_dim3A_180 = vector.broadcast %jit3A_178 : i32 to vector<16xi32>
      %select_n3A_181 = arith.select %or3A_176, %broadcast_in_dim3A_179, %broadcast_in_dim3A_180 : vector<16xi1>, vector<16xi32>
      %add3A_182 = arith.addi %add3A_162, %select_n3A_181 : vector<16xi32>
      %mul3A_183 = arith.constant 16 : i32
      %mul3A_184 = arith.muli %scan3A_139, %mul3A_183 : i32
      %add3A_185 = arith.constant 2 : i32
      %add3A_186 = arith.addi %mul3A_184, %add3A_185 : i32
      %slice3A_187 = vector.extract_strided_slice %get3A_145 {offsets = [2], sizes = [1], strides = [1]} : vector<16xf32> to vector<1xf32>
      %squeeze3A_188 = vector.extract %slice3A_187[0] : f32 from vector<1xf32>
      %lt3A_189 = vector.broadcast %squeeze3A_188 : f32 to vector<16xf32>
      %lt3A_190 = arith.cmpf olt, %lt3A_189, %get3A_115 : vector<16xf32>
      %eq3A_191 = vector.broadcast %squeeze3A_188 : f32 to vector<16xf32>
      %eq3A_192 = arith.cmpf oeq, %eq3A_191, %get3A_115 : vector<16xf32>
      %lt3A_193 = vector.broadcast %add3A_186 : i32 to vector<16xi32>
      %lt3A_194 = arith.cmpi slt, %lt3A_193, %add3A_118 : vector<16xi32>
      %and3A_195 = arith.andi %eq3A_192, %lt3A_194 : vector<16xi1>
      %or3A_196 = arith.ori %lt3A_190, %and3A_195 : vector<16xi1>
      %jit3A_197 = arith.constant 1 : i32
      %jit3A_198 = arith.constant 0 : i32
      %broadcast_in_dim3A_199 = vector.broadcast %jit3A_197 : i32 to vector<16xi32>
      %broadcast_in_dim3A_200 = vector.broadcast %jit3A_198 : i32 to vector<16xi32>
      %select_n3A_201 = arith.select %or3A_196, %broadcast_in_dim3A_199, %broadcast_in_dim3A_200 : vector<16xi1>, vector<16xi32>
      %add3A_202 = arith.addi %add3A_182, %select_n3A_201 : vector<16xi32>
      %mul3A_203 = arith.constant 16 : i32
      %mul3A_204 = arith.muli %scan3A_139, %mul3A_203 : i32
      %add3A_205 = arith.constant 3 : i32
      %add3A_206 = arith.addi %mul3A_204, %add3A_205 : i32
      %slice3A_207 = vector.extract_strided_slice %get3A_145 {offsets = [3], sizes = [1], strides = [1]} : vector<16xf32> to vector<1xf32>
      %squeeze3A_208 = vector.extract %slice3A_207[0] : f32 from vector<1xf32>
      %lt3A_209 = vector.broadcast %squeeze3A_208 : f32 to vector<16xf32>
      %lt3A_210 = arith.cmpf olt, %lt3A_209, %get3A_115 : vector<16xf32>
      %eq3A_211 = vector.broadcast %squeeze3A_208 : f32 to vector<16xf32>
      %eq3A_212 = arith.cmpf oeq, %eq3A_211, %get3A_115 : vector<16xf32>
      %lt3A_213 = vector.broadcast %add3A_206 : i32 to vector<16xi32>
      %lt3A_214 = arith.cmpi slt, %lt3A_213, %add3A_118 : vector<16xi32>
      %and3A_215 = arith.andi %eq3A_212, %lt3A_214 : vector<16xi1>
      %or3A_216 = arith.ori %lt3A_210, %and3A_215 : vector<16xi1>
      %jit3A_217 = arith.constant 1 : i32
      %jit3A_218 = arith.constant 0 : i32
      %broadcast_in_dim3A_219 = vector.broadcast %jit3A_217 : i32 to vector<16xi32>
      %broadcast_in_dim3A_220 = vector.broadcast %jit3A_218 : i32 to vector<16xi32>
      %select_n3A_221 = arith.select %or3A_216, %broadcast_in_dim3A_219, %broadcast_in_dim3A_220 : vector<16xi1>, vector<16xi32>
      %add3A_222 = arith.addi %add3A_202, %select_n3A_221 : vector<16xi32>
      %mul3A_223 = arith.constant 16 : i32
      %mul3A_224 = arith.muli %scan3A_139, %mul3A_223 : i32
      %add3A_225 = arith.constant 4 : i32
      %add3A_226 = arith.addi %mul3A_224, %add3A_225 : i32
      %slice3A_227 = vector.extract_strided_slice %get3A_145 {offsets = [4], sizes = [1], strides = [1]} : vector<16xf32> to vector<1xf32>
      %squeeze3A_228 = vector.extract %slice3A_227[0] : f32 from vector<1xf32>
      %lt3A_229 = vector.broadcast %squeeze3A_228 : f32 to vector<16xf32>
      %lt3A_230 = arith.cmpf olt, %lt3A_229, %get3A_115 : vector<16xf32>
      %eq3A_231 = vector.broadcast %squeeze3A_228 : f32 to vector<16xf32>
      %eq3A_232 = arith.cmpf oeq, %eq3A_231, %get3A_115 : vector<16xf32>
      %lt3A_233 = vector.broadcast %add3A_226 : i32 to vector<16xi32>
      %lt3A_234 = arith.cmpi slt, %lt3A_233, %add3A_118 : vector<16xi32>
      %and3A_235 = arith.andi %eq3A_232, %lt3A_234 : vector<16xi1>
      %or3A_236 = arith.ori %lt3A_230, %and3A_235 : vector<16xi1>
      %jit3A_237 = arith.constant 1 : i32
      %jit3A_238 = arith.constant 0 : i32
      %broadcast_in_dim3A_239 = vector.broadcast %jit3A_237 : i32 to vector<16xi32>
      %broadcast_in_dim3A_240 = vector.broadcast %jit3A_238 : i32 to vector<16xi32>
      %select_n3A_241 = arith.select %or3A_236, %broadcast_in_dim3A_239, %broadcast_in_dim3A_240 : vector<16xi1>, vector<16xi32>
      %add3A_242 = arith.addi %add3A_222, %select_n3A_241 : vector<16xi32>
      %mul3A_243 = arith.constant 16 : i32
      %mul3A_244 = arith.muli %scan3A_139, %mul3A_243 : i32
      %add3A_245 = arith.constant 5 : i32
      %add3A_246 = arith.addi %mul3A_244, %add3A_245 : i32
      %slice3A_247 = vector.extract_strided_slice %get3A_145 {offsets = [5], sizes = [1], strides = [1]} : vector<16xf32> to vector<1xf32>
      %squeeze3A_248 = vector.extract %slice3A_247[0] : f32 from vector<1xf32>
      %lt3A_249 = vector.broadcast %squeeze3A_248 : f32 to vector<16xf32>
      %lt3A_250 = arith.cmpf olt, %lt3A_249, %get3A_115 : vector<16xf32>
      %eq3A_251 = vector.broadcast %squeeze3A_248 : f32 to vector<16xf32>
      %eq3A_252 = arith.cmpf oeq, %eq3A_251, %get3A_115 : vector<16xf32>
      %lt3A_253 = vector.broadcast %add3A_246 : i32 to vector<16xi32>
      %lt3A_254 = arith.cmpi slt, %lt3A_253, %add3A_118 : vector<16xi32>
      %and3A_255 = arith.andi %eq3A_252, %lt3A_254 : vector<16xi1>
      %or3A_256 = arith.ori %lt3A_250, %and3A_255 : vector<16xi1>
      %jit3A_257 = arith.constant 1 : i32
      %jit3A_258 = arith.constant 0 : i32
      %broadcast_in_dim3A_259 = vector.broadcast %jit3A_257 : i32 to vector<16xi32>
      %broadcast_in_dim3A_260 = vector.broadcast %jit3A_258 : i32 to vector<16xi32>
      %select_n3A_261 = arith.select %or3A_256, %broadcast_in_dim3A_259, %broadcast_in_dim3A_260 : vector<16xi1>, vector<16xi32>
      %add3A_262 = arith.addi %add3A_242, %select_n3A_261 : vector<16xi32>
      %mul3A_263 = arith.constant 16 : i32
      %mul3A_264 = arith.muli %scan3A_139, %mul3A_263 : i32
      %add3A_265 = arith.constant 6 : i32
      %add3A_266 = arith.addi %mul3A_264, %add3A_265 : i32
      %slice3A_267 = vector.extract_strided_slice %get3A_145 {offsets = [6], sizes = [1], strides = [1]} : vector<16xf32> to vector<1xf32>
      %squeeze3A_268 = vector.extract %slice3A_267[0] : f32 from vector<1xf32>
      %lt3A_269 = vector.broadcast %squeeze3A_268 : f32 to vector<16xf32>
      %lt3A_270 = arith.cmpf olt, %lt3A_269, %get3A_115 : vector<16xf32>
      %eq3A_271 = vector.broadcast %squeeze3A_268 : f32 to vector<16xf32>
      %eq3A_272 = arith.cmpf oeq, %eq3A_271, %get3A_115 : vector<16xf32>
      %lt3A_273 = vector.broadcast %add3A_266 : i32 to vector<16xi32>
      %lt3A_274 = arith.cmpi slt, %lt3A_273, %add3A_118 : vector<16xi32>
      %and3A_275 = arith.andi %eq3A_272, %lt3A_274 : vector<16xi1>
      %or3A_276 = arith.ori %lt3A_270, %and3A_275 : vector<16xi1>
      %jit3A_277 = arith.constant 1 : i32
      %jit3A_278 = arith.constant 0 : i32
      %broadcast_in_dim3A_279 = vector.broadcast %jit3A_277 : i32 to vector<16xi32>
      %broadcast_in_dim3A_280 = vector.broadcast %jit3A_278 : i32 to vector<16xi32>
      %select_n3A_281 = arith.select %or3A_276, %broadcast_in_dim3A_279, %broadcast_in_dim3A_280 : vector<16xi1>, vector<16xi32>
      %add3A_282 = arith.addi %add3A_262, %select_n3A_281 : vector<16xi32>
      %mul3A_283 = arith.constant 16 : i32
      %mul3A_284 = arith.muli %scan3A_139, %mul3A_283 : i32
      %add3A_285 = arith.constant 7 : i32
      %add3A_286 = arith.addi %mul3A_284, %add3A_285 : i32
      %slice3A_287 = vector.extract_strided_slice %get3A_145 {offsets = [7], sizes = [1], strides = [1]} : vector<16xf32> to vector<1xf32>
      %squeeze3A_288 = vector.extract %slice3A_287[0] : f32 from vector<1xf32>
      %lt3A_289 = vector.broadcast %squeeze3A_288 : f32 to vector<16xf32>
      %lt3A_290 = arith.cmpf olt, %lt3A_289, %get3A_115 : vector<16xf32>
      %eq3A_291 = vector.broadcast %squeeze3A_288 : f32 to vector<16xf32>
      %eq3A_292 = arith.cmpf oeq, %eq3A_291, %get3A_115 : vector<16xf32>
      %lt3A_293 = vector.broadcast %add3A_286 : i32 to vector<16xi32>
      %lt3A_294 = arith.cmpi slt, %lt3A_293, %add3A_118 : vector<16xi32>
      %and3A_295 = arith.andi %eq3A_292, %lt3A_294 : vector<16xi1>
      %or3A_296 = arith.ori %lt3A_290, %and3A_295 : vector<16xi1>
      %jit3A_297 = arith.constant 1 : i32
      %jit3A_298 = arith.constant 0 : i32
      %broadcast_in_dim3A_299 = vector.broadcast %jit3A_297 : i32 to vector<16xi32>
      %broadcast_in_dim3A_300 = vector.broadcast %jit3A_298 : i32 to vector<16xi32>
      %select_n3A_301 = arith.select %or3A_296, %broadcast_in_dim3A_299, %broadcast_in_dim3A_300 : vector<16xi1>, vector<16xi32>
      %add3A_302 = arith.addi %add3A_282, %select_n3A_301 : vector<16xi32>
      %mul3A_303 = arith.constant 16 : i32
      %mul3A_304 = arith.muli %scan3A_139, %mul3A_303 : i32
      %add3A_305 = arith.constant 8 : i32
      %add3A_306 = arith.addi %mul3A_304, %add3A_305 : i32
      %slice3A_307 = vector.extract_strided_slice %get3A_145 {offsets = [8], sizes = [1], strides = [1]} : vector<16xf32> to vector<1xf32>
      %squeeze3A_308 = vector.extract %slice3A_307[0] : f32 from vector<1xf32>
      %lt3A_309 = vector.broadcast %squeeze3A_308 : f32 to vector<16xf32>
      %lt3A_310 = arith.cmpf olt, %lt3A_309, %get3A_115 : vector<16xf32>
      %eq3A_311 = vector.broadcast %squeeze3A_308 : f32 to vector<16xf32>
      %eq3A_312 = arith.cmpf oeq, %eq3A_311, %get3A_115 : vector<16xf32>
      %lt3A_313 = vector.broadcast %add3A_306 : i32 to vector<16xi32>
      %lt3A_314 = arith.cmpi slt, %lt3A_313, %add3A_118 : vector<16xi32>
      %and3A_315 = arith.andi %eq3A_312, %lt3A_314 : vector<16xi1>
      %or3A_316 = arith.ori %lt3A_310, %and3A_315 : vector<16xi1>
      %jit3A_317 = arith.constant 1 : i32
      %jit3A_318 = arith.constant 0 : i32
      %broadcast_in_dim3A_319 = vector.broadcast %jit3A_317 : i32 to vector<16xi32>
      %broadcast_in_dim3A_320 = vector.broadcast %jit3A_318 : i32 to vector<16xi32>
      %select_n3A_321 = arith.select %or3A_316, %broadcast_in_dim3A_319, %broadcast_in_dim3A_320 : vector<16xi1>, vector<16xi32>
      %add3A_322 = arith.addi %add3A_302, %select_n3A_321 : vector<16xi32>
      %mul3A_323 = arith.constant 16 : i32
      %mul3A_324 = arith.muli %scan3A_139, %mul3A_323 : i32
      %add3A_325 = arith.constant 9 : i32
      %add3A_326 = arith.addi %mul3A_324, %add3A_325 : i32
      %slice3A_327 = vector.extract_strided_slice %get3A_145 {offsets = [9], sizes = [1], strides = [1]} : vector<16xf32> to vector<1xf32>
      %squeeze3A_328 = vector.extract %slice3A_327[0] : f32 from vector<1xf32>
      %lt3A_329 = vector.broadcast %squeeze3A_328 : f32 to vector<16xf32>
      %lt3A_330 = arith.cmpf olt, %lt3A_329, %get3A_115 : vector<16xf32>
      %eq3A_331 = vector.broadcast %squeeze3A_328 : f32 to vector<16xf32>
      %eq3A_332 = arith.cmpf oeq, %eq3A_331, %get3A_115 : vector<16xf32>
      %lt3A_333 = vector.broadcast %add3A_326 : i32 to vector<16xi32>
      %lt3A_334 = arith.cmpi slt, %lt3A_333, %add3A_118 : vector<16xi32>
      %and3A_335 = arith.andi %eq3A_332, %lt3A_334 : vector<16xi1>
      %or3A_336 = arith.ori %lt3A_330, %and3A_335 : vector<16xi1>
      %jit3A_337 = arith.constant 1 : i32
      %jit3A_338 = arith.constant 0 : i32
      %broadcast_in_dim3A_339 = vector.broadcast %jit3A_337 : i32 to vector<16xi32>
      %broadcast_in_dim3A_340 = vector.broadcast %jit3A_338 : i32 to vector<16xi32>
      %select_n3A_341 = arith.select %or3A_336, %broadcast_in_dim3A_339, %broadcast_in_dim3A_340 : vector<16xi1>, vector<16xi32>
      %add3A_342 = arith.addi %add3A_322, %select_n3A_341 : vector<16xi32>
      %mul3A_343 = arith.constant 16 : i32
      %mul3A_344 = arith.muli %scan3A_139, %mul3A_343 : i32
      %add3A_345 = arith.constant 10 : i32
      %add3A_346 = arith.addi %mul3A_344, %add3A_345 : i32
      %slice3A_347 = vector.extract_strided_slice %get3A_145 {offsets = [10], sizes = [1], strides = [1]} : vector<16xf32> to vector<1xf32>
      %squeeze3A_348 = vector.extract %slice3A_347[0] : f32 from vector<1xf32>
      %lt3A_349 = vector.broadcast %squeeze3A_348 : f32 to vector<16xf32>
      %lt3A_350 = arith.cmpf olt, %lt3A_349, %get3A_115 : vector<16xf32>
      %eq3A_351 = vector.broadcast %squeeze3A_348 : f32 to vector<16xf32>
      %eq3A_352 = arith.cmpf oeq, %eq3A_351, %get3A_115 : vector<16xf32>
      %lt3A_353 = vector.broadcast %add3A_346 : i32 to vector<16xi32>
      %lt3A_354 = arith.cmpi slt, %lt3A_353, %add3A_118 : vector<16xi32>
      %and3A_355 = arith.andi %eq3A_352, %lt3A_354 : vector<16xi1>
      %or3A_356 = arith.ori %lt3A_350, %and3A_355 : vector<16xi1>
      %jit3A_357 = arith.constant 1 : i32
      %jit3A_358 = arith.constant 0 : i32
      %broadcast_in_dim3A_359 = vector.broadcast %jit3A_357 : i32 to vector<16xi32>
      %broadcast_in_dim3A_360 = vector.broadcast %jit3A_358 : i32 to vector<16xi32>
      %select_n3A_361 = arith.select %or3A_356, %broadcast_in_dim3A_359, %broadcast_in_dim3A_360 : vector<16xi1>, vector<16xi32>
      %add3A_362 = arith.addi %add3A_342, %select_n3A_361 : vector<16xi32>
      %mul3A_363 = arith.constant 16 : i32
      %mul3A_364 = arith.muli %scan3A_139, %mul3A_363 : i32
      %add3A_365 = arith.constant 11 : i32
      %add3A_366 = arith.addi %mul3A_364, %add3A_365 : i32
      %slice3A_367 = vector.extract_strided_slice %get3A_145 {offsets = [11], sizes = [1], strides = [1]} : vector<16xf32> to vector<1xf32>
      %squeeze3A_368 = vector.extract %slice3A_367[0] : f32 from vector<1xf32>
      %lt3A_369 = vector.broadcast %squeeze3A_368 : f32 to vector<16xf32>
      %lt3A_370 = arith.cmpf olt, %lt3A_369, %get3A_115 : vector<16xf32>
      %eq3A_371 = vector.broadcast %squeeze3A_368 : f32 to vector<16xf32>
      %eq3A_372 = arith.cmpf oeq, %eq3A_371, %get3A_115 : vector<16xf32>
      %lt3A_373 = vector.broadcast %add3A_366 : i32 to vector<16xi32>
      %lt3A_374 = arith.cmpi slt, %lt3A_373, %add3A_118 : vector<16xi32>
      %and3A_375 = arith.andi %eq3A_372, %lt3A_374 : vector<16xi1>
      %or3A_376 = arith.ori %lt3A_370, %and3A_375 : vector<16xi1>
      %jit3A_377 = arith.constant 1 : i32
      %jit3A_378 = arith.constant 0 : i32
      %broadcast_in_dim3A_379 = vector.broadcast %jit3A_377 : i32 to vector<16xi32>
      %broadcast_in_dim3A_380 = vector.broadcast %jit3A_378 : i32 to vector<16xi32>
      %select_n3A_381 = arith.select %or3A_376, %broadcast_in_dim3A_379, %broadcast_in_dim3A_380 : vector<16xi1>, vector<16xi32>
      %add3A_382 = arith.addi %add3A_362, %select_n3A_381 : vector<16xi32>
      %mul3A_383 = arith.constant 16 : i32
      %mul3A_384 = arith.muli %scan3A_139, %mul3A_383 : i32
      %add3A_385 = arith.constant 12 : i32
      %add3A_386 = arith.addi %mul3A_384, %add3A_385 : i32
      %slice3A_387 = vector.extract_strided_slice %get3A_145 {offsets = [12], sizes = [1], strides = [1]} : vector<16xf32> to vector<1xf32>
      %squeeze3A_388 = vector.extract %slice3A_387[0] : f32 from vector<1xf32>
      %lt3A_389 = vector.broadcast %squeeze3A_388 : f32 to vector<16xf32>
      %lt3A_390 = arith.cmpf olt, %lt3A_389, %get3A_115 : vector<16xf32>
      %eq3A_391 = vector.broadcast %squeeze3A_388 : f32 to vector<16xf32>
      %eq3A_392 = arith.cmpf oeq, %eq3A_391, %get3A_115 : vector<16xf32>
      %lt3A_393 = vector.broadcast %add3A_386 : i32 to vector<16xi32>
      %lt3A_394 = arith.cmpi slt, %lt3A_393, %add3A_118 : vector<16xi32>
      %and3A_395 = arith.andi %eq3A_392, %lt3A_394 : vector<16xi1>
      %or3A_396 = arith.ori %lt3A_390, %and3A_395 : vector<16xi1>
      %jit3A_397 = arith.constant 1 : i32
      %jit3A_398 = arith.constant 0 : i32
      %broadcast_in_dim3A_399 = vector.broadcast %jit3A_397 : i32 to vector<16xi32>
      %broadcast_in_dim3A_400 = vector.broadcast %jit3A_398 : i32 to vector<16xi32>
      %select_n3A_401 = arith.select %or3A_396, %broadcast_in_dim3A_399, %broadcast_in_dim3A_400 : vector<16xi1>, vector<16xi32>
      %add3A_402 = arith.addi %add3A_382, %select_n3A_401 : vector<16xi32>
      %mul3A_403 = arith.constant 16 : i32
      %mul3A_404 = arith.muli %scan3A_139, %mul3A_403 : i32
      %add3A_405 = arith.constant 13 : i32
      %add3A_406 = arith.addi %mul3A_404, %add3A_405 : i32
      %slice3A_407 = vector.extract_strided_slice %get3A_145 {offsets = [13], sizes = [1], strides = [1]} : vector<16xf32> to vector<1xf32>
      %squeeze3A_408 = vector.extract %slice3A_407[0] : f32 from vector<1xf32>
      %lt3A_409 = vector.broadcast %squeeze3A_408 : f32 to vector<16xf32>
      %lt3A_410 = arith.cmpf olt, %lt3A_409, %get3A_115 : vector<16xf32>
      %eq3A_411 = vector.broadcast %squeeze3A_408 : f32 to vector<16xf32>
      %eq3A_412 = arith.cmpf oeq, %eq3A_411, %get3A_115 : vector<16xf32>
      %lt3A_413 = vector.broadcast %add3A_406 : i32 to vector<16xi32>
      %lt3A_414 = arith.cmpi slt, %lt3A_413, %add3A_118 : vector<16xi32>
      %and3A_415 = arith.andi %eq3A_412, %lt3A_414 : vector<16xi1>
      %or3A_416 = arith.ori %lt3A_410, %and3A_415 : vector<16xi1>
      %jit3A_417 = arith.constant 1 : i32
      %jit3A_418 = arith.constant 0 : i32
      %broadcast_in_dim3A_419 = vector.broadcast %jit3A_417 : i32 to vector<16xi32>
      %broadcast_in_dim3A_420 = vector.broadcast %jit3A_418 : i32 to vector<16xi32>
      %select_n3A_421 = arith.select %or3A_416, %broadcast_in_dim3A_419, %broadcast_in_dim3A_420 : vector<16xi1>, vector<16xi32>
      %add3A_422 = arith.addi %add3A_402, %select_n3A_421 : vector<16xi32>
      %mul3A_423 = arith.constant 16 : i32
      %mul3A_424 = arith.muli %scan3A_139, %mul3A_423 : i32
      %add3A_425 = arith.constant 14 : i32
      %add3A_426 = arith.addi %mul3A_424, %add3A_425 : i32
      %slice3A_427 = vector.extract_strided_slice %get3A_145 {offsets = [14], sizes = [1], strides = [1]} : vector<16xf32> to vector<1xf32>
      %squeeze3A_428 = vector.extract %slice3A_427[0] : f32 from vector<1xf32>
      %lt3A_429 = vector.broadcast %squeeze3A_428 : f32 to vector<16xf32>
      %lt3A_430 = arith.cmpf olt, %lt3A_429, %get3A_115 : vector<16xf32>
      %eq3A_431 = vector.broadcast %squeeze3A_428 : f32 to vector<16xf32>
      %eq3A_432 = arith.cmpf oeq, %eq3A_431, %get3A_115 : vector<16xf32>
      %lt3A_433 = vector.broadcast %add3A_426 : i32 to vector<16xi32>
      %lt3A_434 = arith.cmpi slt, %lt3A_433, %add3A_118 : vector<16xi32>
      %and3A_435 = arith.andi %eq3A_432, %lt3A_434 : vector<16xi1>
      %or3A_436 = arith.ori %lt3A_430, %and3A_435 : vector<16xi1>
      %jit3A_437 = arith.constant 1 : i32
      %jit3A_438 = arith.constant 0 : i32
      %broadcast_in_dim3A_439 = vector.broadcast %jit3A_437 : i32 to vector<16xi32>
      %broadcast_in_dim3A_440 = vector.broadcast %jit3A_438 : i32 to vector<16xi32>
      %select_n3A_441 = arith.select %or3A_436, %broadcast_in_dim3A_439, %broadcast_in_dim3A_440 : vector<16xi1>, vector<16xi32>
      %add3A_442 = arith.addi %add3A_422, %select_n3A_441 : vector<16xi32>
      %mul3A_443 = arith.constant 16 : i32
      %mul3A_444 = arith.muli %scan3A_139, %mul3A_443 : i32
      %add3A_445 = arith.constant 15 : i32
      %add3A_446 = arith.addi %mul3A_444, %add3A_445 : i32
      %slice3A_447 = vector.extract_strided_slice %get3A_145 {offsets = [15], sizes = [1], strides = [1]} : vector<16xf32> to vector<1xf32>
      %squeeze3A_448 = vector.extract %slice3A_447[0] : f32 from vector<1xf32>
      %lt3A_449 = vector.broadcast %squeeze3A_448 : f32 to vector<16xf32>
      %lt3A_450 = arith.cmpf olt, %lt3A_449, %get3A_115 : vector<16xf32>
      %eq3A_451 = vector.broadcast %squeeze3A_448 : f32 to vector<16xf32>
      %eq3A_452 = arith.cmpf oeq, %eq3A_451, %get3A_115 : vector<16xf32>
      %lt3A_453 = vector.broadcast %add3A_446 : i32 to vector<16xi32>
      %lt3A_454 = arith.cmpi slt, %lt3A_453, %add3A_118 : vector<16xi32>
      %and3A_455 = arith.andi %eq3A_452, %lt3A_454 : vector<16xi1>
      %or3A_456 = arith.ori %lt3A_450, %and3A_455 : vector<16xi1>
      %jit3A_457 = arith.constant 1 : i32
      %jit3A_458 = arith.constant 0 : i32
      %broadcast_in_dim3A_459 = vector.broadcast %jit3A_457 : i32 to vector<16xi32>
      %broadcast_in_dim3A_460 = vector.broadcast %jit3A_458 : i32 to vector<16xi32>
      %select_n3A_461 = arith.select %or3A_456, %broadcast_in_dim3A_459, %broadcast_in_dim3A_460 : vector<16xi1>, vector<16xi32>
      %add3A_462 = arith.addi %add3A_442, %select_n3A_461 : vector<16xi32>
      scf.yield %add3A_462 : vector<16xi32>
    }
    %scan3A_126 = arith.constant 16 : i32
    %shift_right_logical3A_127 = arith.constant 6 : i32
    %shift_right_logical3A_128 = vector.broadcast %shift_right_logical3A_127 : i32 to vector<16xi32>
    %shift_right_logical3A_129 = arith.shrui %scan3A_125, %shift_right_logical3A_128 : vector<16xi32>
    %sub3A_130 = arith.constant 3 : i32
    %sub3A_131 = vector.broadcast %sub3A_130 : i32 to vector<16xi32>
    %sub3A_132 = arith.subi %sub3A_131, %shift_right_logical3A_129 : vector<16xi32>
    %swap3A_133 = arith.constant 48 : index
    %swap3A_134 = tpu.vector_load %arg5[%swap3A_133] {strides = array<i32>} : memref<64xi32, #tpu.memory_space<vmem>>, vector<16xi32>,
    %swap3A_135 = vector.shape_cast %swap3A_134 : vector<16xi32> to vector<16xi32>
    %swap3A_136 = vector.shape_cast %sub3A_132 : vector<16xi32> to vector<16xi32>
    tpu.vector_store %arg5[%swap3A_133], %swap3A_136 {strides = array<i32>} : memref<64xi32, #tpu.memory_space<vmem>>, vector<16xi32>,
    %mul3A_137 = arith.constant 64 : i32
    %mul3A_138 = arith.muli %select_n3A_30, %mul3A_137 : i32
    "tpu.region"() ({
      %run_scoped3A = tpu.sem_alloc : memref<!tpu.dma_semaphore, #tpu.memory_space<semaphore_mem>>
      %dma_start3A = tpu.memref_slice %arg3[%select_n3A, %mul3A_138] : memref<8x256xi32, #tpu.memory_space<hbm>> -> memref<1x64xi32, #tpu.memory_space<hbm>>
      %dma_start3A_139 = tpu.memref_squeeze %dma_start3A : memref<1x64xi32, #tpu.memory_space<hbm>> -> memref<64xi32, #tpu.memory_space<hbm>>
      %dma_start3A_140 = tpu.memref_slice %arg3[%select_n3A, %mul3A_138] : memref<8x256xi32, #tpu.memory_space<hbm>> -> memref<1x64xi32, #tpu.memory_space<hbm>>
      %dma_start3A_141 = tpu.memref_squeeze %dma_start3A_140 : memref<1x64xi32, #tpu.memory_space<hbm>> -> memref<64xi32, #tpu.memory_space<hbm>>
      tpu.enqueue_dma source(%arg5 : memref<64xi32, #tpu.memory_space<vmem>>) target(%dma_start3A_141 : memref<64xi32, #tpu.memory_space<hbm>>) target_semaphore(%run_scoped3A : memref<!tpu.dma_semaphore, #tpu.memory_space<semaphore_mem>>)
      %dma_wait3A = tpu.memref_slice %arg3[%select_n3A, %mul3A_138] : memref<8x256xi32, #tpu.memory_space<hbm>> -> memref<1x64xi32, #tpu.memory_space<hbm>>
      %dma_wait3A_142 = tpu.memref_squeeze %dma_wait3A : memref<1x64xi32, #tpu.memory_space<hbm>> -> memref<64xi32, #tpu.memory_space<hbm>>
      %dma_wait3A_143 = tpu.memref_slice %arg3[%select_n3A, %mul3A_138] : memref<8x256xi32, #tpu.memory_space<hbm>> -> memref<1x64xi32, #tpu.memory_space<hbm>>
      %dma_wait3A_144 = tpu.memref_squeeze %dma_wait3A_143 : memref<1x64xi32, #tpu.memory_space<hbm>> -> memref<64xi32, #tpu.memory_space<hbm>>
      tpu.wait_dma2 semaphore(%run_scoped3A : memref<!tpu.dma_semaphore, #tpu.memory_space<semaphore_mem>>) src(%arg5 : memref<64xi32, #tpu.memory_space<vmem>>) dst(%dma_wait3A_144 : memref<64xi32, #tpu.memory_space<hbm>>)
      tpu.yield
    }) : () -> ()
    return
  }
}

module attributes {stable_mosaic.version = 14 : i64} {
  func.func @_rank_kernel(%arg0: memref<1x2048xf32, #tpu.memory_space<vmem>>, %arg1: memref<1x2048xi32, #tpu.memory_space<vmem>>, %arg2: memref<8x256xi32, #tpu.memory_space<vmem>>) attributes {dimension_semantics = [], scalar_prefetch = 0 : i64, scratch_operands = 0 : i64, tpu.core_type = #tpu.core_type<tc>} {
    %get3A = arith.constant 0 : index
    %get3A_0 = arith.constant 0 : index
    %get3A_1 = vector.load %arg0[%get3A, %get3A_0] : memref<1x2048xf32, #tpu.memory_space<vmem>>, vector<1x2048xf32>
    %transpose3A = tpu.transpose %get3A_1, [1, 0] : vector<1x2048xf32> -> vector<2048x1xf32>
    %iota3A = tpu.iota {dimensions = array<i32: 0>} : vector<2048x1xi32>
    %iota3A_2 = tpu.iota {dimensions = array<i32: 1>} : vector<1x2048xi32>
    %lt3A = vector.broadcast %get3A_1 : vector<1x2048xf32> to vector<2048x2048xf32>
    %lt3A_3 = vector.broadcast %transpose3A : vector<2048x1xf32> to vector<2048x2048xf32>
    %lt3A_4 = arith.cmpf olt, %lt3A, %lt3A_3 : vector<2048x2048xf32>
    %eq3A = vector.broadcast %get3A_1 : vector<1x2048xf32> to vector<2048x2048xf32>
    %eq3A_5 = vector.broadcast %transpose3A : vector<2048x1xf32> to vector<2048x2048xf32>
    %eq3A_6 = arith.cmpf oeq, %eq3A, %eq3A_5 : vector<2048x2048xf32>
    %lt3A_7 = vector.broadcast %iota3A_2 : vector<1x2048xi32> to vector<2048x2048xi32>
    %lt3A_8 = vector.broadcast %iota3A : vector<2048x1xi32> to vector<2048x2048xi32>
    %lt3A_9 = arith.cmpi slt, %lt3A_7, %lt3A_8 : vector<2048x2048xi32>
    %and3A = arith.andi %eq3A_6, %lt3A_9 : vector<2048x2048xi1>
    %or3A = arith.ori %lt3A_4, %and3A : vector<2048x2048xi1>
    %convert_element_type3A = arith.extui %or3A : vector<2048x2048xi1> to vector<2048x2048xi32>
    %convert_element_type3A_10 = arith.sitofp %convert_element_type3A : vector<2048x2048xi32> to vector<2048x2048xf32>
    %reduce_sum3A = arith.constant dense<0.000000e+00> : vector<2048xf32>
    %reduce_sum3A_11 = vector.multi_reduction <add>, %convert_element_type3A_10, %reduce_sum3A [1] : vector<2048x2048xf32> to vector<2048xf32>
    %broadcast_in_dim3A = vector.shape_cast %reduce_sum3A_11 : vector<2048xf32> to vector<2048x1xf32>
    %mul3A = arith.constant 3.906250e-03 : f32
    %mul3A_12 = vector.broadcast %mul3A : f32 to vector<2048x1xf32>
    %mul3A_13 = arith.mulf %broadcast_in_dim3A, %mul3A_12 : vector<2048x1xf32>
    %convert_element_type3A_14 = arith.fptosi %mul3A_13 : vector<2048x1xf32> to vector<2048x1xi32>
    %sub3A = arith.constant 7 : i32
    %sub3A_15 = vector.broadcast %sub3A : i32 to vector<2048x1xi32>
    %sub3A_16 = arith.subi %sub3A_15, %convert_element_type3A_14 : vector<2048x1xi32>
    %transpose3A_17 = tpu.transpose %sub3A_16, [1, 0] : vector<2048x1xi32> -> vector<1x2048xi32>
    %eq3A_18 = vector.broadcast %transpose3A_17 : vector<1x2048xi32> to vector<2048x2048xi32>
    %eq3A_19 = vector.broadcast %sub3A_16 : vector<2048x1xi32> to vector<2048x2048xi32>
    %eq3A_20 = arith.cmpi eq, %eq3A_18, %eq3A_19 : vector<2048x2048xi32>
    %lt3A_21 = vector.broadcast %iota3A_2 : vector<1x2048xi32> to vector<2048x2048xi32>
    %lt3A_22 = vector.broadcast %iota3A : vector<2048x1xi32> to vector<2048x2048xi32>
    %lt3A_23 = arith.cmpi slt, %lt3A_21, %lt3A_22 : vector<2048x2048xi32>
    %and3A_24 = arith.andi %eq3A_20, %lt3A_23 : vector<2048x2048xi1>
    %convert_element_type3A_25 = arith.extui %and3A_24 : vector<2048x2048xi1> to vector<2048x2048xi32>
    %convert_element_type3A_26 = arith.sitofp %convert_element_type3A_25 : vector<2048x2048xi32> to vector<2048x2048xf32>
    %reduce_sum3A_27 = arith.constant dense<0.000000e+00> : vector<2048xf32>
    %reduce_sum3A_28 = vector.multi_reduction <add>, %convert_element_type3A_26, %reduce_sum3A_27 [1] : vector<2048x2048xf32> to vector<2048xf32>
    %broadcast_in_dim3A_29 = vector.shape_cast %reduce_sum3A_28 : vector<2048xf32> to vector<2048x1xf32>
    %iota3A_30 = tpu.iota {dimensions = array<i32: 1>} : vector<1x256xi32>
    %convert_element_type3A_31 = arith.fptosi %broadcast_in_dim3A_29 : vector<2048x1xf32> to vector<2048x1xi32>
    %convert_element_type3A_32 = arith.sitofp %iota3A_2 : vector<1x2048xi32> to vector<1x2048xf32>
    %swap3A = arith.constant 0 : index
    %swap3A_33 = arith.constant 0 : index
    %swap3A_34 = vector.load %arg1[%swap3A, %swap3A_33] : memref<1x2048xi32, #tpu.memory_space<vmem>>, vector<1x2048xi32>
    tpu.vector_store %arg1[%swap3A, %swap3A_33], %transpose3A_17 {strides = array<i32>} : memref<1x2048xi32, #tpu.memory_space<vmem>>, vector<1x2048xi32>,
    %eq3A_35 = arith.constant 0 : i32
    %eq3A_36 = vector.broadcast %eq3A_35 : i32 to vector<2048x1xi32>
    %eq3A_37 = arith.cmpi eq, %sub3A_16, %eq3A_36 : vector<2048x1xi32>
    %eq3A_38 = vector.broadcast %convert_element_type3A_31 : vector<2048x1xi32> to vector<2048x256xi32>
    %eq3A_39 = vector.broadcast %iota3A_30 : vector<1x256xi32> to vector<2048x256xi32>
    %eq3A_40 = arith.cmpi eq, %eq3A_38, %eq3A_39 : vector<2048x256xi32>
    %and3A_41 = vector.broadcast %eq3A_37 : vector<2048x1xi1> to vector<2048x256xi1>
    %and3A_42 = arith.andi %eq3A_40, %and3A_41 : vector<2048x256xi1>
    %convert_element_type3A_43 = arith.extui %and3A_42 : vector<2048x256xi1> to vector<2048x256xi32>
    %convert_element_type3A_44 = arith.sitofp %convert_element_type3A_43 : vector<2048x256xi32> to vector<2048x256xf32>
    %dot_general3A = arith.constant dense<0.000000e+00> : vector<1x256xf32>
    %dot_general3A_45 = tpu.matmul %convert_element_type3A_32, %convert_element_type3A_44, %dot_general3A {dimension_numbers = #tpu.dot_dimension_numbers<[1], [0], [0], [1], [0, 0, 1, 1], [], []>, precision = #tpu.contract_precision<fp32>, transpose_lhs_hint = false} : vector<1x2048xf32>, vector<2048x256xf32>, vector<1x256xf32> -> vector<1x256xf32>
    %convert_element_type3A_46 = arith.fptosi %dot_general3A_45 : vector<1x256xf32> to vector<1x256xi32>
    %squeeze3A = vector.shape_cast %convert_element_type3A_46 : vector<1x256xi32> to vector<256xi32>
    %swap3A_47 = arith.constant 0 : index
    %swap3A_48 = arith.constant 0 : index
    %swap3A_49 = vector.load %arg2[%swap3A_47, %swap3A_48] : memref<8x256xi32, #tpu.memory_space<vmem>>, vector<1x256xi32>
    %swap3A_50 = vector.shape_cast %swap3A_49 : vector<1x256xi32> to vector<256xi32>
    %swap3A_51 = vector.shape_cast %squeeze3A : vector<256xi32> to vector<1x256xi32>
    tpu.vector_store %arg2[%swap3A_47, %swap3A_48], %swap3A_51 {strides = array<i32>} : memref<8x256xi32, #tpu.memory_space<vmem>>, vector<1x256xi32>,
    %eq3A_52 = arith.constant 1 : i32
    %eq3A_53 = vector.broadcast %eq3A_52 : i32 to vector<2048x1xi32>
    %eq3A_54 = arith.cmpi eq, %sub3A_16, %eq3A_53 : vector<2048x1xi32>
    %eq3A_55 = vector.broadcast %convert_element_type3A_31 : vector<2048x1xi32> to vector<2048x256xi32>
    %eq3A_56 = vector.broadcast %iota3A_30 : vector<1x256xi32> to vector<2048x256xi32>
    %eq3A_57 = arith.cmpi eq, %eq3A_55, %eq3A_56 : vector<2048x256xi32>
    %and3A_58 = vector.broadcast %eq3A_54 : vector<2048x1xi1> to vector<2048x256xi1>
    %and3A_59 = arith.andi %eq3A_57, %and3A_58 : vector<2048x256xi1>
    %convert_element_type3A_60 = arith.extui %and3A_59 : vector<2048x256xi1> to vector<2048x256xi32>
    %convert_element_type3A_61 = arith.sitofp %convert_element_type3A_60 : vector<2048x256xi32> to vector<2048x256xf32>
    %dot_general3A_62 = arith.constant dense<0.000000e+00> : vector<1x256xf32>
    %dot_general3A_63 = tpu.matmul %convert_element_type3A_32, %convert_element_type3A_61, %dot_general3A_62 {dimension_numbers = #tpu.dot_dimension_numbers<[1], [0], [0], [1], [0, 0, 1, 1], [], []>, precision = #tpu.contract_precision<fp32>, transpose_lhs_hint = false} : vector<1x2048xf32>, vector<2048x256xf32>, vector<1x256xf32> -> vector<1x256xf32>
    %convert_element_type3A_64 = arith.fptosi %dot_general3A_63 : vector<1x256xf32> to vector<1x256xi32>
    %squeeze3A_65 = vector.shape_cast %convert_element_type3A_64 : vector<1x256xi32> to vector<256xi32>
    %swap3A_66 = arith.constant 1 : index
    %swap3A_67 = arith.constant 0 : index
    %swap3A_68 = vector.load %arg2[%swap3A_66, %swap3A_67] : memref<8x256xi32, #tpu.memory_space<vmem>>, vector<1x256xi32>
    %swap3A_69 = vector.shape_cast %swap3A_68 : vector<1x256xi32> to vector<256xi32>
    %swap3A_70 = vector.shape_cast %squeeze3A_65 : vector<256xi32> to vector<1x256xi32>
    tpu.vector_store %arg2[%swap3A_66, %swap3A_67], %swap3A_70 {strides = array<i32>} : memref<8x256xi32, #tpu.memory_space<vmem>>, vector<1x256xi32>,
    %eq3A_71 = arith.constant 2 : i32
    %eq3A_72 = vector.broadcast %eq3A_71 : i32 to vector<2048x1xi32>
    %eq3A_73 = arith.cmpi eq, %sub3A_16, %eq3A_72 : vector<2048x1xi32>
    %eq3A_74 = vector.broadcast %convert_element_type3A_31 : vector<2048x1xi32> to vector<2048x256xi32>
    %eq3A_75 = vector.broadcast %iota3A_30 : vector<1x256xi32> to vector<2048x256xi32>
    %eq3A_76 = arith.cmpi eq, %eq3A_74, %eq3A_75 : vector<2048x256xi32>
    %and3A_77 = vector.broadcast %eq3A_73 : vector<2048x1xi1> to vector<2048x256xi1>
    %and3A_78 = arith.andi %eq3A_76, %and3A_77 : vector<2048x256xi1>
    %convert_element_type3A_79 = arith.extui %and3A_78 : vector<2048x256xi1> to vector<2048x256xi32>
    %convert_element_type3A_80 = arith.sitofp %convert_element_type3A_79 : vector<2048x256xi32> to vector<2048x256xf32>
    %dot_general3A_81 = arith.constant dense<0.000000e+00> : vector<1x256xf32>
    %dot_general3A_82 = tpu.matmul %convert_element_type3A_32, %convert_element_type3A_80, %dot_general3A_81 {dimension_numbers = #tpu.dot_dimension_numbers<[1], [0], [0], [1], [0, 0, 1, 1], [], []>, precision = #tpu.contract_precision<fp32>, transpose_lhs_hint = false} : vector<1x2048xf32>, vector<2048x256xf32>, vector<1x256xf32> -> vector<1x256xf32>
    %convert_element_type3A_83 = arith.fptosi %dot_general3A_82 : vector<1x256xf32> to vector<1x256xi32>
    %squeeze3A_84 = vector.shape_cast %convert_element_type3A_83 : vector<1x256xi32> to vector<256xi32>
    %swap3A_85 = arith.constant 2 : index
    %swap3A_86 = arith.constant 0 : index
    %swap3A_87 = vector.load %arg2[%swap3A_85, %swap3A_86] : memref<8x256xi32, #tpu.memory_space<vmem>>, vector<1x256xi32>
    %swap3A_88 = vector.shape_cast %swap3A_87 : vector<1x256xi32> to vector<256xi32>
    %swap3A_89 = vector.shape_cast %squeeze3A_84 : vector<256xi32> to vector<1x256xi32>
    tpu.vector_store %arg2[%swap3A_85, %swap3A_86], %swap3A_89 {strides = array<i32>} : memref<8x256xi32, #tpu.memory_space<vmem>>, vector<1x256xi32>,
    %eq3A_90 = arith.constant 3 : i32
    %eq3A_91 = vector.broadcast %eq3A_90 : i32 to vector<2048x1xi32>
    %eq3A_92 = arith.cmpi eq, %sub3A_16, %eq3A_91 : vector<2048x1xi32>
    %eq3A_93 = vector.broadcast %convert_element_type3A_31 : vector<2048x1xi32> to vector<2048x256xi32>
    %eq3A_94 = vector.broadcast %iota3A_30 : vector<1x256xi32> to vector<2048x256xi32>
    %eq3A_95 = arith.cmpi eq, %eq3A_93, %eq3A_94 : vector<2048x256xi32>
    %and3A_96 = vector.broadcast %eq3A_92 : vector<2048x1xi1> to vector<2048x256xi1>
    %and3A_97 = arith.andi %eq3A_95, %and3A_96 : vector<2048x256xi1>
    %convert_element_type3A_98 = arith.extui %and3A_97 : vector<2048x256xi1> to vector<2048x256xi32>
    %convert_element_type3A_99 = arith.sitofp %convert_element_type3A_98 : vector<2048x256xi32> to vector<2048x256xf32>
    %dot_general3A_100 = arith.constant dense<0.000000e+00> : vector<1x256xf32>
    %dot_general3A_101 = tpu.matmul %convert_element_type3A_32, %convert_element_type3A_99, %dot_general3A_100 {dimension_numbers = #tpu.dot_dimension_numbers<[1], [0], [0], [1], [0, 0, 1, 1], [], []>, precision = #tpu.contract_precision<fp32>, transpose_lhs_hint = false} : vector<1x2048xf32>, vector<2048x256xf32>, vector<1x256xf32> -> vector<1x256xf32>
    %convert_element_type3A_102 = arith.fptosi %dot_general3A_101 : vector<1x256xf32> to vector<1x256xi32>
    %squeeze3A_103 = vector.shape_cast %convert_element_type3A_102 : vector<1x256xi32> to vector<256xi32>
    %swap3A_104 = arith.constant 3 : index
    %swap3A_105 = arith.constant 0 : index
    %swap3A_106 = vector.load %arg2[%swap3A_104, %swap3A_105] : memref<8x256xi32, #tpu.memory_space<vmem>>, vector<1x256xi32>
    %swap3A_107 = vector.shape_cast %swap3A_106 : vector<1x256xi32> to vector<256xi32>
    %swap3A_108 = vector.shape_cast %squeeze3A_103 : vector<256xi32> to vector<1x256xi32>
    tpu.vector_store %arg2[%swap3A_104, %swap3A_105], %swap3A_108 {strides = array<i32>} : memref<8x256xi32, #tpu.memory_space<vmem>>, vector<1x256xi32>,
    %eq3A_109 = arith.constant 4 : i32
    %eq3A_110 = vector.broadcast %eq3A_109 : i32 to vector<2048x1xi32>
    %eq3A_111 = arith.cmpi eq, %sub3A_16, %eq3A_110 : vector<2048x1xi32>
    %eq3A_112 = vector.broadcast %convert_element_type3A_31 : vector<2048x1xi32> to vector<2048x256xi32>
    %eq3A_113 = vector.broadcast %iota3A_30 : vector<1x256xi32> to vector<2048x256xi32>
    %eq3A_114 = arith.cmpi eq, %eq3A_112, %eq3A_113 : vector<2048x256xi32>
    %and3A_115 = vector.broadcast %eq3A_111 : vector<2048x1xi1> to vector<2048x256xi1>
    %and3A_116 = arith.andi %eq3A_114, %and3A_115 : vector<2048x256xi1>
    %convert_element_type3A_117 = arith.extui %and3A_116 : vector<2048x256xi1> to vector<2048x256xi32>
    %convert_element_type3A_118 = arith.sitofp %convert_element_type3A_117 : vector<2048x256xi32> to vector<2048x256xf32>
    %dot_general3A_119 = arith.constant dense<0.000000e+00> : vector<1x256xf32>
    %dot_general3A_120 = tpu.matmul %convert_element_type3A_32, %convert_element_type3A_118, %dot_general3A_119 {dimension_numbers = #tpu.dot_dimension_numbers<[1], [0], [0], [1], [0, 0, 1, 1], [], []>, precision = #tpu.contract_precision<fp32>, transpose_lhs_hint = false} : vector<1x2048xf32>, vector<2048x256xf32>, vector<1x256xf32> -> vector<1x256xf32>
    %convert_element_type3A_121 = arith.fptosi %dot_general3A_120 : vector<1x256xf32> to vector<1x256xi32>
    %squeeze3A_122 = vector.shape_cast %convert_element_type3A_121 : vector<1x256xi32> to vector<256xi32>
    %swap3A_123 = arith.constant 4 : index
    %swap3A_124 = arith.constant 0 : index
    %swap3A_125 = vector.load %arg2[%swap3A_123, %swap3A_124] : memref<8x256xi32, #tpu.memory_space<vmem>>, vector<1x256xi32>
    %swap3A_126 = vector.shape_cast %swap3A_125 : vector<1x256xi32> to vector<256xi32>
    %swap3A_127 = vector.shape_cast %squeeze3A_122 : vector<256xi32> to vector<1x256xi32>
    tpu.vector_store %arg2[%swap3A_123, %swap3A_124], %swap3A_127 {strides = array<i32>} : memref<8x256xi32, #tpu.memory_space<vmem>>, vector<1x256xi32>,
    %eq3A_128 = arith.constant 5 : i32
    %eq3A_129 = vector.broadcast %eq3A_128 : i32 to vector<2048x1xi32>
    %eq3A_130 = arith.cmpi eq, %sub3A_16, %eq3A_129 : vector<2048x1xi32>
    %eq3A_131 = vector.broadcast %convert_element_type3A_31 : vector<2048x1xi32> to vector<2048x256xi32>
    %eq3A_132 = vector.broadcast %iota3A_30 : vector<1x256xi32> to vector<2048x256xi32>
    %eq3A_133 = arith.cmpi eq, %eq3A_131, %eq3A_132 : vector<2048x256xi32>
    %and3A_134 = vector.broadcast %eq3A_130 : vector<2048x1xi1> to vector<2048x256xi1>
    %and3A_135 = arith.andi %eq3A_133, %and3A_134 : vector<2048x256xi1>
    %convert_element_type3A_136 = arith.extui %and3A_135 : vector<2048x256xi1> to vector<2048x256xi32>
    %convert_element_type3A_137 = arith.sitofp %convert_element_type3A_136 : vector<2048x256xi32> to vector<2048x256xf32>
    %dot_general3A_138 = arith.constant dense<0.000000e+00> : vector<1x256xf32>
    %dot_general3A_139 = tpu.matmul %convert_element_type3A_32, %convert_element_type3A_137, %dot_general3A_138 {dimension_numbers = #tpu.dot_dimension_numbers<[1], [0], [0], [1], [0, 0, 1, 1], [], []>, precision = #tpu.contract_precision<fp32>, transpose_lhs_hint = false} : vector<1x2048xf32>, vector<2048x256xf32>, vector<1x256xf32> -> vector<1x256xf32>
    %convert_element_type3A_140 = arith.fptosi %dot_general3A_139 : vector<1x256xf32> to vector<1x256xi32>
    %squeeze3A_141 = vector.shape_cast %convert_element_type3A_140 : vector<1x256xi32> to vector<256xi32>
    %swap3A_142 = arith.constant 5 : index
    %swap3A_143 = arith.constant 0 : index
    %swap3A_144 = vector.load %arg2[%swap3A_142, %swap3A_143] : memref<8x256xi32, #tpu.memory_space<vmem>>, vector<1x256xi32>
    %swap3A_145 = vector.shape_cast %swap3A_144 : vector<1x256xi32> to vector<256xi32>
    %swap3A_146 = vector.shape_cast %squeeze3A_141 : vector<256xi32> to vector<1x256xi32>
    tpu.vector_store %arg2[%swap3A_142, %swap3A_143], %swap3A_146 {strides = array<i32>} : memref<8x256xi32, #tpu.memory_space<vmem>>, vector<1x256xi32>,
    %eq3A_147 = arith.constant 6 : i32
    %eq3A_148 = vector.broadcast %eq3A_147 : i32 to vector<2048x1xi32>
    %eq3A_149 = arith.cmpi eq, %sub3A_16, %eq3A_148 : vector<2048x1xi32>
    %eq3A_150 = vector.broadcast %convert_element_type3A_31 : vector<2048x1xi32> to vector<2048x256xi32>
    %eq3A_151 = vector.broadcast %iota3A_30 : vector<1x256xi32> to vector<2048x256xi32>
    %eq3A_152 = arith.cmpi eq, %eq3A_150, %eq3A_151 : vector<2048x256xi32>
    %and3A_153 = vector.broadcast %eq3A_149 : vector<2048x1xi1> to vector<2048x256xi1>
    %and3A_154 = arith.andi %eq3A_152, %and3A_153 : vector<2048x256xi1>
    %convert_element_type3A_155 = arith.extui %and3A_154 : vector<2048x256xi1> to vector<2048x256xi32>
    %convert_element_type3A_156 = arith.sitofp %convert_element_type3A_155 : vector<2048x256xi32> to vector<2048x256xf32>
    %dot_general3A_157 = arith.constant dense<0.000000e+00> : vector<1x256xf32>
    %dot_general3A_158 = tpu.matmul %convert_element_type3A_32, %convert_element_type3A_156, %dot_general3A_157 {dimension_numbers = #tpu.dot_dimension_numbers<[1], [0], [0], [1], [0, 0, 1, 1], [], []>, precision = #tpu.contract_precision<fp32>, transpose_lhs_hint = false} : vector<1x2048xf32>, vector<2048x256xf32>, vector<1x256xf32> -> vector<1x256xf32>
    %convert_element_type3A_159 = arith.fptosi %dot_general3A_158 : vector<1x256xf32> to vector<1x256xi32>
    %squeeze3A_160 = vector.shape_cast %convert_element_type3A_159 : vector<1x256xi32> to vector<256xi32>
    %swap3A_161 = arith.constant 6 : index
    %swap3A_162 = arith.constant 0 : index
    %swap3A_163 = vector.load %arg2[%swap3A_161, %swap3A_162] : memref<8x256xi32, #tpu.memory_space<vmem>>, vector<1x256xi32>
    %swap3A_164 = vector.shape_cast %swap3A_163 : vector<1x256xi32> to vector<256xi32>
    %swap3A_165 = vector.shape_cast %squeeze3A_160 : vector<256xi32> to vector<1x256xi32>
    tpu.vector_store %arg2[%swap3A_161, %swap3A_162], %swap3A_165 {strides = array<i32>} : memref<8x256xi32, #tpu.memory_space<vmem>>, vector<1x256xi32>,
    %eq3A_166 = arith.constant 7 : i32
    %eq3A_167 = vector.broadcast %eq3A_166 : i32 to vector<2048x1xi32>
    %eq3A_168 = arith.cmpi eq, %sub3A_16, %eq3A_167 : vector<2048x1xi32>
    %eq3A_169 = vector.broadcast %convert_element_type3A_31 : vector<2048x1xi32> to vector<2048x256xi32>
    %eq3A_170 = vector.broadcast %iota3A_30 : vector<1x256xi32> to vector<2048x256xi32>
    %eq3A_171 = arith.cmpi eq, %eq3A_169, %eq3A_170 : vector<2048x256xi32>
    %and3A_172 = vector.broadcast %eq3A_168 : vector<2048x1xi1> to vector<2048x256xi1>
    %and3A_173 = arith.andi %eq3A_171, %and3A_172 : vector<2048x256xi1>
    %convert_element_type3A_174 = arith.extui %and3A_173 : vector<2048x256xi1> to vector<2048x256xi32>
    %convert_element_type3A_175 = arith.sitofp %convert_element_type3A_174 : vector<2048x256xi32> to vector<2048x256xf32>
    %dot_general3A_176 = arith.constant dense<0.000000e+00> : vector<1x256xf32>
    %dot_general3A_177 = tpu.matmul %convert_element_type3A_32, %convert_element_type3A_175, %dot_general3A_176 {dimension_numbers = #tpu.dot_dimension_numbers<[1], [0], [0], [1], [0, 0, 1, 1], [], []>, precision = #tpu.contract_precision<fp32>, transpose_lhs_hint = false} : vector<1x2048xf32>, vector<2048x256xf32>, vector<1x256xf32> -> vector<1x256xf32>
    %convert_element_type3A_178 = arith.fptosi %dot_general3A_177 : vector<1x256xf32> to vector<1x256xi32>
    %squeeze3A_179 = vector.shape_cast %convert_element_type3A_178 : vector<1x256xi32> to vector<256xi32>
    %swap3A_180 = arith.constant 7 : index
    %swap3A_181 = arith.constant 0 : index
    %swap3A_182 = vector.load %arg2[%swap3A_180, %swap3A_181] : memref<8x256xi32, #tpu.memory_space<vmem>>, vector<1x256xi32>
    %swap3A_183 = vector.shape_cast %swap3A_182 : vector<1x256xi32> to vector<256xi32>
    %swap3A_184 = vector.shape_cast %squeeze3A_179 : vector<256xi32> to vector<1x256xi32>
    tpu.vector_store %arg2[%swap3A_180, %swap3A_181], %swap3A_184 {strides = array<i32>} : memref<8x256xi32, #tpu.memory_space<vmem>>, vector<1x256xi32>,
    return
  }
}

module attributes {stable_mosaic.version = 14 : i64} {
  func.func @_attn_kernel(%arg0: i32, %arg1: memref<256x256xf32, #tpu.memory_space<vmem>>, %arg2: memref<1x256xf32, #tpu.memory_space<vmem>>, %arg3: memref<256x3072xf32, #tpu.memory_space<vmem>>, %arg4: memref<1x3072xf32, #tpu.memory_space<vmem>>, %arg5: memref<1x1x256xi32, #tpu.memory_space<vmem>>, %arg6: memref<1x256x1xi32, #tpu.memory_space<vmem>>, %arg7: memref<4x256x256xf32, #tpu.memory_space<vmem>>, %arg8: memref<4x1x256xf32, #tpu.memory_space<vmem>>, %arg9: memref<4x1x256xf32, #tpu.memory_space<vmem>>, %arg10: memref<4x1x256xf32, #tpu.memory_space<vmem>>, %arg11: memref<4x256x256xf32, #tpu.memory_space<vmem>>, %arg12: memref<1x256xf32, #tpu.memory_space<vmem>>, %arg13: memref<256x256xf32, #tpu.memory_space<vmem>>) attributes {dimension_semantics = [#tpu.dimension_semantics<arbitrary>], iteration_bounds = array<i64: 8>, scalar_prefetch = 0 : i64, scratch_operands = 0 : i64, tpu.core_type = #tpu.core_type<tc>, window_params = [{transform_indices = @transform_0, window_bounds = array<i64: 256, 256>}, {pipeline_mode = #tpu.pipeline_mode<synchronous>, transform_indices = @transform_1, window_bounds = array<i64: 1, 256>}, {pipeline_mode = #tpu.pipeline_mode<synchronous>, transform_indices = @transform_2, window_bounds = array<i64: 256, 3072>}, {pipeline_mode = #tpu.pipeline_mode<synchronous>, transform_indices = @transform_3, window_bounds = array<i64: 1, 3072>}, {transform_indices = @transform_4, window_bounds = array<i64: 1, 1, 256>}, {transform_indices = @transform_5, window_bounds = array<i64: 1, 256, 1>}, {pipeline_mode = #tpu.pipeline_mode<synchronous>, transform_indices = @transform_6, window_bounds = array<i64: 4, 256, 256>}, {pipeline_mode = #tpu.pipeline_mode<synchronous>, transform_indices = @transform_7, window_bounds = array<i64: 4, 1, 256>}, {pipeline_mode = #tpu.pipeline_mode<synchronous>, transform_indices = @transform_8, window_bounds = array<i64: 4, 1, 256>}, {pipeline_mode = #tpu.pipeline_mode<synchronous>, transform_indices = @transform_9, window_bounds = array<i64: 4, 1, 256>}, {pipeline_mode = #tpu.pipeline_mode<synchronous>, transform_indices = @transform_10, window_bounds = array<i64: 4, 256, 256>}, {pipeline_mode = #tpu.pipeline_mode<synchronous>, transform_indices = @transform_11, window_bounds = array<i64: 1, 256>}, {transform_indices = @transform_12, window_bounds = array<i64: 256, 256>}]} {
    %get3A = arith.constant 0 : index
    %get3A_0 = arith.constant 0 : index
    %get3A_1 = vector.load %arg1[%get3A, %get3A_0] : memref<256x256xf32, #tpu.memory_space<vmem>>, vector<256x256xf32>
    %get3A_2 = arith.constant 0 : index
    %get3A_3 = arith.constant 0 : index
    %get3A_4 = vector.load %arg2[%get3A_2, %get3A_3] : memref<1x256xf32, #tpu.memory_space<vmem>>, vector<1x256xf32>
    %get3A_5 = arith.constant 0 : index
    %get3A_6 = arith.constant 0 : index
    %get3A_7 = arith.constant 0 : index
    %get3A_8 = vector.load %arg5[%get3A_5, %get3A_6, %get3A_7] : memref<1x1x256xi32, #tpu.memory_space<vmem>>, vector<1x1x256xi32>
    %get3A_9 = vector.shape_cast %get3A_8 : vector<1x1x256xi32> to vector<1x256xi32>
    %get3A_10 = arith.constant 0 : index
    %get3A_11 = arith.constant 0 : index
    %get3A_12 = arith.constant 0 : index
    %get3A_13 = vector.load %arg6[%get3A_10, %get3A_11, %get3A_12] : memref<1x256x1xi32, #tpu.memory_space<vmem>>, vector<1x256x1xi32>
    %get3A_14 = vector.shape_cast %get3A_13 : vector<1x256x1xi32> to vector<256x1xi32>
    %get3A_15 = arith.constant 0 : index
    %get3A_16 = arith.constant 0 : index
    %get3A_17 = vector.load %arg3[%get3A_15, %get3A_16] : memref<256x3072xf32, #tpu.memory_space<vmem>>, vector<256x256xf32>
    %get3A_18 = arith.constant 0 : index
    %get3A_19 = arith.constant 256 : index
    %get3A_20 = vector.load %arg3[%get3A_18, %get3A_19] : memref<256x3072xf32, #tpu.memory_space<vmem>>, vector<256x256xf32>
    %get3A_21 = arith.constant 0 : index
    %get3A_22 = arith.constant 512 : index
    %get3A_23 = vector.load %arg3[%get3A_21, %get3A_22] : memref<256x3072xf32, #tpu.memory_space<vmem>>, vector<256x256xf32>
    %get3A_24 = arith.constant 0 : index
    %get3A_25 = arith.constant 0 : index
    %get3A_26 = vector.load %arg4[%get3A_24, %get3A_25] : memref<1x3072xf32, #tpu.memory_space<vmem>>, vector<1x256xf32>
    %get3A_27 = arith.constant 0 : index
    %get3A_28 = arith.constant 256 : index
    %get3A_29 = vector.load %arg4[%get3A_27, %get3A_28] : memref<1x3072xf32, #tpu.memory_space<vmem>>, vector<1x256xf32>
    %get3A_30 = arith.constant 0 : index
    %get3A_31 = arith.constant 512 : index
    %get3A_32 = vector.load %arg4[%get3A_30, %get3A_31] : memref<1x3072xf32, #tpu.memory_space<vmem>>, vector<1x256xf32>
    %dot_general3A = arith.constant dense<0.000000e+00> : vector<256x256xf32>
    %dot_general3A_33 = tpu.matmul %get3A_1, %get3A_17, %dot_general3A {dimension_numbers = #tpu.dot_dimension_numbers<[1], [0], [0], [1], [0, 0, 1, 1], [], []>, transpose_lhs_hint = false} : vector<256x256xf32>, vector<256x256xf32>, vector<256x256xf32> -> vector<256x256xf32>
    %add3A = vector.broadcast %get3A_26 : vector<1x256xf32> to vector<256x256xf32>
    %add3A_34 = arith.addf %dot_general3A_33, %add3A : vector<256x256xf32>
    %dot_general3A_35 = arith.constant dense<0.000000e+00> : vector<256x256xf32>
    %dot_general3A_36 = tpu.matmul %get3A_1, %get3A_20, %dot_general3A_35 {dimension_numbers = #tpu.dot_dimension_numbers<[1], [0], [0], [1], [0, 0, 1, 1], [], []>, transpose_lhs_hint = false} : vector<256x256xf32>, vector<256x256xf32>, vector<256x256xf32> -> vector<256x256xf32>
    %add3A_37 = vector.broadcast %get3A_29 : vector<1x256xf32> to vector<256x256xf32>
    %add3A_38 = arith.addf %dot_general3A_36, %add3A_37 : vector<256x256xf32>
    %dot_general3A_39 = arith.constant dense<0.000000e+00> : vector<256x256xf32>
    %dot_general3A_40 = tpu.matmul %get3A_1, %get3A_23, %dot_general3A_39 {dimension_numbers = #tpu.dot_dimension_numbers<[1], [0], [0], [1], [0, 0, 1, 1], [], []>, transpose_lhs_hint = false} : vector<256x256xf32>, vector<256x256xf32>, vector<256x256xf32> -> vector<256x256xf32>
    %add3A_41 = vector.broadcast %get3A_32 : vector<1x256xf32> to vector<256x256xf32>
    %add3A_42 = arith.addf %dot_general3A_40, %add3A_41 : vector<256x256xf32>
    %dot_general3A_43 = arith.constant dense<0.000000e+00> : vector<1x256xf32>
    %dot_general3A_44 = tpu.matmul %get3A_4, %get3A_23, %dot_general3A_43 {dimension_numbers = #tpu.dot_dimension_numbers<[1], [0], [0], [1], [0, 0, 1, 1], [], []>, transpose_lhs_hint = false} : vector<1x256xf32>, vector<256x256xf32>, vector<1x256xf32> -> vector<1x256xf32>
    %mul3A = arith.constant 2.048000e+03 : f32
    %mul3A_45 = vector.broadcast %mul3A : f32 to vector<1x256xf32>
    %mul3A_46 = arith.mulf %mul3A_45, %get3A_32 : vector<1x256xf32>
    %add3A_47 = arith.addf %dot_general3A_44, %mul3A_46 : vector<1x256xf32>
    %mul3A_48 = arith.constant 4.8828125E-4 : f32
    %mul3A_49 = vector.broadcast %mul3A_48 : f32 to vector<1x256xf32>
    %mul3A_50 = arith.mulf %add3A_47, %mul3A_49 : vector<1x256xf32>
    %get3A_51 = arith.constant 0 : index
    %get3A_52 = arith.constant 768 : index
    %get3A_53 = vector.load %arg3[%get3A_51, %get3A_52] : memref<256x3072xf32, #tpu.memory_space<vmem>>, vector<256x256xf32>
    %get3A_54 = arith.constant 0 : index
    %get3A_55 = arith.constant 1024 : index
    %get3A_56 = vector.load %arg3[%get3A_54, %get3A_55] : memref<256x3072xf32, #tpu.memory_space<vmem>>, vector<256x256xf32>
    %get3A_57 = arith.constant 0 : index
    %get3A_58 = arith.constant 1280 : index
    %get3A_59 = vector.load %arg3[%get3A_57, %get3A_58] : memref<256x3072xf32, #tpu.memory_space<vmem>>, vector<256x256xf32>
    %get3A_60 = arith.constant 0 : index
    %get3A_61 = arith.constant 768 : index
    %get3A_62 = vector.load %arg4[%get3A_60, %get3A_61] : memref<1x3072xf32, #tpu.memory_space<vmem>>, vector<1x256xf32>
    %get3A_63 = arith.constant 0 : index
    %get3A_64 = arith.constant 1024 : index
    %get3A_65 = vector.load %arg4[%get3A_63, %get3A_64] : memref<1x3072xf32, #tpu.memory_space<vmem>>, vector<1x256xf32>
    %get3A_66 = arith.constant 0 : index
    %get3A_67 = arith.constant 1280 : index
    %get3A_68 = vector.load %arg4[%get3A_66, %get3A_67] : memref<1x3072xf32, #tpu.memory_space<vmem>>, vector<1x256xf32>
    %dot_general3A_69 = arith.constant dense<0.000000e+00> : vector<256x256xf32>
    %dot_general3A_70 = tpu.matmul %get3A_1, %get3A_53, %dot_general3A_69 {dimension_numbers = #tpu.dot_dimension_numbers<[1], [0], [0], [1], [0, 0, 1, 1], [], []>, transpose_lhs_hint = false} : vector<256x256xf32>, vector<256x256xf32>, vector<256x256xf32> -> vector<256x256xf32>
    %add3A_71 = vector.broadcast %get3A_62 : vector<1x256xf32> to vector<256x256xf32>
    %add3A_72 = arith.addf %dot_general3A_70, %add3A_71 : vector<256x256xf32>
    %dot_general3A_73 = arith.constant dense<0.000000e+00> : vector<256x256xf32>
    %dot_general3A_74 = tpu.matmul %get3A_1, %get3A_56, %dot_general3A_73 {dimension_numbers = #tpu.dot_dimension_numbers<[1], [0], [0], [1], [0, 0, 1, 1], [], []>, transpose_lhs_hint = false} : vector<256x256xf32>, vector<256x256xf32>, vector<256x256xf32> -> vector<256x256xf32>
    %add3A_75 = vector.broadcast %get3A_65 : vector<1x256xf32> to vector<256x256xf32>
    %add3A_76 = arith.addf %dot_general3A_74, %add3A_75 : vector<256x256xf32>
    %dot_general3A_77 = arith.constant dense<0.000000e+00> : vector<256x256xf32>
    %dot_general3A_78 = tpu.matmul %get3A_1, %get3A_59, %dot_general3A_77 {dimension_numbers = #tpu.dot_dimension_numbers<[1], [0], [0], [1], [0, 0, 1, 1], [], []>, transpose_lhs_hint = false} : vector<256x256xf32>, vector<256x256xf32>, vector<256x256xf32> -> vector<256x256xf32>
    %add3A_79 = vector.broadcast %get3A_68 : vector<1x256xf32> to vector<256x256xf32>
    %add3A_80 = arith.addf %dot_general3A_78, %add3A_79 : vector<256x256xf32>
    %dot_general3A_81 = arith.constant dense<0.000000e+00> : vector<1x256xf32>
    %dot_general3A_82 = tpu.matmul %get3A_4, %get3A_59, %dot_general3A_81 {dimension_numbers = #tpu.dot_dimension_numbers<[1], [0], [0], [1], [0, 0, 1, 1], [], []>, transpose_lhs_hint = false} : vector<1x256xf32>, vector<256x256xf32>, vector<1x256xf32> -> vector<1x256xf32>
    %mul3A_83 = arith.constant 2.048000e+03 : f32
    %mul3A_84 = vector.broadcast %mul3A_83 : f32 to vector<1x256xf32>
    %mul3A_85 = arith.mulf %mul3A_84, %get3A_68 : vector<1x256xf32>
    %add3A_86 = arith.addf %dot_general3A_82, %mul3A_85 : vector<1x256xf32>
    %mul3A_87 = arith.constant 4.8828125E-4 : f32
    %mul3A_88 = vector.broadcast %mul3A_87 : f32 to vector<1x256xf32>
    %mul3A_89 = arith.mulf %add3A_86, %mul3A_88 : vector<1x256xf32>
    %get3A_90 = arith.constant 0 : index
    %get3A_91 = arith.constant 1536 : index
    %get3A_92 = vector.load %arg3[%get3A_90, %get3A_91] : memref<256x3072xf32, #tpu.memory_space<vmem>>, vector<256x256xf32>
    %get3A_93 = arith.constant 0 : index
    %get3A_94 = arith.constant 1792 : index
    %get3A_95 = vector.load %arg3[%get3A_93, %get3A_94] : memref<256x3072xf32, #tpu.memory_space<vmem>>, vector<256x256xf32>
    %get3A_96 = arith.constant 0 : index
    %get3A_97 = arith.constant 2048 : index
    %get3A_98 = vector.load %arg3[%get3A_96, %get3A_97] : memref<256x3072xf32, #tpu.memory_space<vmem>>, vector<256x256xf32>
    %get3A_99 = arith.constant 0 : index
    %get3A_100 = arith.constant 1536 : index
    %get3A_101 = vector.load %arg4[%get3A_99, %get3A_100] : memref<1x3072xf32, #tpu.memory_space<vmem>>, vector<1x256xf32>
    %get3A_102 = arith.constant 0 : index
    %get3A_103 = arith.constant 1792 : index
    %get3A_104 = vector.load %arg4[%get3A_102, %get3A_103] : memref<1x3072xf32, #tpu.memory_space<vmem>>, vector<1x256xf32>
    %get3A_105 = arith.constant 0 : index
    %get3A_106 = arith.constant 2048 : index
    %get3A_107 = vector.load %arg4[%get3A_105, %get3A_106] : memref<1x3072xf32, #tpu.memory_space<vmem>>, vector<1x256xf32>
    %dot_general3A_108 = arith.constant dense<0.000000e+00> : vector<256x256xf32>
    %dot_general3A_109 = tpu.matmul %get3A_1, %get3A_92, %dot_general3A_108 {dimension_numbers = #tpu.dot_dimension_numbers<[1], [0], [0], [1], [0, 0, 1, 1], [], []>, transpose_lhs_hint = false} : vector<256x256xf32>, vector<256x256xf32>, vector<256x256xf32> -> vector<256x256xf32>
    %add3A_110 = vector.broadcast %get3A_101 : vector<1x256xf32> to vector<256x256xf32>
    %add3A_111 = arith.addf %dot_general3A_109, %add3A_110 : vector<256x256xf32>
    %dot_general3A_112 = arith.constant dense<0.000000e+00> : vector<256x256xf32>
    %dot_general3A_113 = tpu.matmul %get3A_1, %get3A_95, %dot_general3A_112 {dimension_numbers = #tpu.dot_dimension_numbers<[1], [0], [0], [1], [0, 0, 1, 1], [], []>, transpose_lhs_hint = false} : vector<256x256xf32>, vector<256x256xf32>, vector<256x256xf32> -> vector<256x256xf32>
    %add3A_114 = vector.broadcast %get3A_104 : vector<1x256xf32> to vector<256x256xf32>
    %add3A_115 = arith.addf %dot_general3A_113, %add3A_114 : vector<256x256xf32>
    %dot_general3A_116 = arith.constant dense<0.000000e+00> : vector<256x256xf32>
    %dot_general3A_117 = tpu.matmul %get3A_1, %get3A_98, %dot_general3A_116 {dimension_numbers = #tpu.dot_dimension_numbers<[1], [0], [0], [1], [0, 0, 1, 1], [], []>, transpose_lhs_hint = false} : vector<256x256xf32>, vector<256x256xf32>, vector<256x256xf32> -> vector<256x256xf32>
    %add3A_118 = vector.broadcast %get3A_107 : vector<1x256xf32> to vector<256x256xf32>
    %add3A_119 = arith.addf %dot_general3A_117, %add3A_118 : vector<256x256xf32>
    %dot_general3A_120 = arith.constant dense<0.000000e+00> : vector<1x256xf32>
    %dot_general3A_121 = tpu.matmul %get3A_4, %get3A_98, %dot_general3A_120 {dimension_numbers = #tpu.dot_dimension_numbers<[1], [0], [0], [1], [0, 0, 1, 1], [], []>, transpose_lhs_hint = false} : vector<1x256xf32>, vector<256x256xf32>, vector<1x256xf32> -> vector<1x256xf32>
    %mul3A_122 = arith.constant 2.048000e+03 : f32
    %mul3A_123 = vector.broadcast %mul3A_122 : f32 to vector<1x256xf32>
    %mul3A_124 = arith.mulf %mul3A_123, %get3A_107 : vector<1x256xf32>
    %add3A_125 = arith.addf %dot_general3A_121, %mul3A_124 : vector<1x256xf32>
    %mul3A_126 = arith.constant 4.8828125E-4 : f32
    %mul3A_127 = vector.broadcast %mul3A_126 : f32 to vector<1x256xf32>
    %mul3A_128 = arith.mulf %add3A_125, %mul3A_127 : vector<1x256xf32>
    %get3A_129 = arith.constant 0 : index
    %get3A_130 = arith.constant 2304 : index
    %get3A_131 = vector.load %arg3[%get3A_129, %get3A_130] : memref<256x3072xf32, #tpu.memory_space<vmem>>, vector<256x256xf32>
    %get3A_132 = arith.constant 0 : index
    %get3A_133 = arith.constant 2560 : index
    %get3A_134 = vector.load %arg3[%get3A_132, %get3A_133] : memref<256x3072xf32, #tpu.memory_space<vmem>>, vector<256x256xf32>
    %get3A_135 = arith.constant 0 : index
    %get3A_136 = arith.constant 2816 : index
    %get3A_137 = vector.load %arg3[%get3A_135, %get3A_136] : memref<256x3072xf32, #tpu.memory_space<vmem>>, vector<256x256xf32>
    %get3A_138 = arith.constant 0 : index
    %get3A_139 = arith.constant 2304 : index
    %get3A_140 = vector.load %arg4[%get3A_138, %get3A_139] : memref<1x3072xf32, #tpu.memory_space<vmem>>, vector<1x256xf32>
    %get3A_141 = arith.constant 0 : index
    %get3A_142 = arith.constant 2560 : index
    %get3A_143 = vector.load %arg4[%get3A_141, %get3A_142] : memref<1x3072xf32, #tpu.memory_space<vmem>>, vector<1x256xf32>
    %get3A_144 = arith.constant 0 : index
    %get3A_145 = arith.constant 2816 : index
    %get3A_146 = vector.load %arg4[%get3A_144, %get3A_145] : memref<1x3072xf32, #tpu.memory_space<vmem>>, vector<1x256xf32>
    %dot_general3A_147 = arith.constant dense<0.000000e+00> : vector<256x256xf32>
    %dot_general3A_148 = tpu.matmul %get3A_1, %get3A_131, %dot_general3A_147 {dimension_numbers = #tpu.dot_dimension_numbers<[1], [0], [0], [1], [0, 0, 1, 1], [], []>, transpose_lhs_hint = false} : vector<256x256xf32>, vector<256x256xf32>, vector<256x256xf32> -> vector<256x256xf32>
    %add3A_149 = vector.broadcast %get3A_140 : vector<1x256xf32> to vector<256x256xf32>
    %add3A_150 = arith.addf %dot_general3A_148, %add3A_149 : vector<256x256xf32>
    %dot_general3A_151 = arith.constant dense<0.000000e+00> : vector<256x256xf32>
    %dot_general3A_152 = tpu.matmul %get3A_1, %get3A_134, %dot_general3A_151 {dimension_numbers = #tpu.dot_dimension_numbers<[1], [0], [0], [1], [0, 0, 1, 1], [], []>, transpose_lhs_hint = false} : vector<256x256xf32>, vector<256x256xf32>, vector<256x256xf32> -> vector<256x256xf32>
    %add3A_153 = vector.broadcast %get3A_143 : vector<1x256xf32> to vector<256x256xf32>
    %add3A_154 = arith.addf %dot_general3A_152, %add3A_153 : vector<256x256xf32>
    %dot_general3A_155 = arith.constant dense<0.000000e+00> : vector<256x256xf32>
    %dot_general3A_156 = tpu.matmul %get3A_1, %get3A_137, %dot_general3A_155 {dimension_numbers = #tpu.dot_dimension_numbers<[1], [0], [0], [1], [0, 0, 1, 1], [], []>, transpose_lhs_hint = false} : vector<256x256xf32>, vector<256x256xf32>, vector<256x256xf32> -> vector<256x256xf32>
    %add3A_157 = vector.broadcast %get3A_146 : vector<1x256xf32> to vector<256x256xf32>
    %add3A_158 = arith.addf %dot_general3A_156, %add3A_157 : vector<256x256xf32>
    %dot_general3A_159 = arith.constant dense<0.000000e+00> : vector<1x256xf32>
    %dot_general3A_160 = tpu.matmul %get3A_4, %get3A_137, %dot_general3A_159 {dimension_numbers = #tpu.dot_dimension_numbers<[1], [0], [0], [1], [0, 0, 1, 1], [], []>, transpose_lhs_hint = false} : vector<1x256xf32>, vector<256x256xf32>, vector<1x256xf32> -> vector<1x256xf32>
    %mul3A_161 = arith.constant 2.048000e+03 : f32
    %mul3A_162 = vector.broadcast %mul3A_161 : f32 to vector<1x256xf32>
    %mul3A_163 = arith.mulf %mul3A_162, %get3A_146 : vector<1x256xf32>
    %add3A_164 = arith.addf %dot_general3A_160, %mul3A_163 : vector<1x256xf32>
    %mul3A_165 = arith.constant 4.8828125E-4 : f32
    %mul3A_166 = vector.broadcast %mul3A_165 : f32 to vector<1x256xf32>
    %mul3A_167 = arith.mulf %add3A_164, %mul3A_166 : vector<1x256xf32>
    %eq3A = arith.constant 1 : i32
    %eq3A_168 = vector.broadcast %eq3A : i32 to vector<256x1xi32>
    %eq3A_169 = arith.cmpi eq, %get3A_14, %eq3A_168 : vector<256x1xi32>
    %broadcast_in_dim3A = vector.shape_cast %eq3A_169 : vector<256x1xi1> to vector<256x1xi1>
    %broadcast_in_dim3A_170 = vector.broadcast %broadcast_in_dim3A : vector<256x1xi1> to vector<256x256xi1>
    %select_n3A = arith.select %broadcast_in_dim3A_170, %add3A_72, %add3A_34 : vector<256x256xi1>, vector<256x256xf32>
    %broadcast_in_dim3A_171 = vector.shape_cast %eq3A_169 : vector<256x1xi1> to vector<256x1xi1>
    %broadcast_in_dim3A_172 = vector.broadcast %broadcast_in_dim3A_171 : vector<256x1xi1> to vector<256x256xi1>
    %select_n3A_173 = arith.select %broadcast_in_dim3A_172, %add3A_76, %add3A_38 : vector<256x256xi1>, vector<256x256xf32>
    %broadcast_in_dim3A_174 = vector.shape_cast %eq3A_169 : vector<256x1xi1> to vector<256x1xi1>
    %broadcast_in_dim3A_175 = vector.broadcast %broadcast_in_dim3A_174 : vector<256x1xi1> to vector<256x256xi1>
    %select_n3A_176 = arith.select %broadcast_in_dim3A_175, %add3A_80, %add3A_42 : vector<256x256xi1>, vector<256x256xf32>
    %eq3A_177 = arith.constant 2 : i32
    %eq3A_178 = vector.broadcast %eq3A_177 : i32 to vector<256x1xi32>
    %eq3A_179 = arith.cmpi eq, %get3A_14, %eq3A_178 : vector<256x1xi32>
    %broadcast_in_dim3A_180 = vector.shape_cast %eq3A_179 : vector<256x1xi1> to vector<256x1xi1>
    %broadcast_in_dim3A_181 = vector.broadcast %broadcast_in_dim3A_180 : vector<256x1xi1> to vector<256x256xi1>
    %select_n3A_182 = arith.select %broadcast_in_dim3A_181, %add3A_111, %select_n3A : vector<256x256xi1>, vector<256x256xf32>
    %broadcast_in_dim3A_183 = vector.shape_cast %eq3A_179 : vector<256x1xi1> to vector<256x1xi1>
    %broadcast_in_dim3A_184 = vector.broadcast %broadcast_in_dim3A_183 : vector<256x1xi1> to vector<256x256xi1>
    %select_n3A_185 = arith.select %broadcast_in_dim3A_184, %add3A_115, %select_n3A_173 : vector<256x256xi1>, vector<256x256xf32>
    %broadcast_in_dim3A_186 = vector.shape_cast %eq3A_179 : vector<256x1xi1> to vector<256x1xi1>
    %broadcast_in_dim3A_187 = vector.broadcast %broadcast_in_dim3A_186 : vector<256x1xi1> to vector<256x256xi1>
    %select_n3A_188 = arith.select %broadcast_in_dim3A_187, %add3A_119, %select_n3A_176 : vector<256x256xi1>, vector<256x256xf32>
    %eq3A_189 = arith.constant 3 : i32
    %eq3A_190 = vector.broadcast %eq3A_189 : i32 to vector<256x1xi32>
    %eq3A_191 = arith.cmpi eq, %get3A_14, %eq3A_190 : vector<256x1xi32>
    %broadcast_in_dim3A_192 = vector.shape_cast %eq3A_191 : vector<256x1xi1> to vector<256x1xi1>
    %broadcast_in_dim3A_193 = vector.broadcast %broadcast_in_dim3A_192 : vector<256x1xi1> to vector<256x256xi1>
    %select_n3A_194 = arith.select %broadcast_in_dim3A_193, %add3A_150, %select_n3A_182 : vector<256x256xi1>, vector<256x256xf32>
    %broadcast_in_dim3A_195 = vector.shape_cast %eq3A_191 : vector<256x1xi1> to vector<256x1xi1>
    %broadcast_in_dim3A_196 = vector.broadcast %broadcast_in_dim3A_195 : vector<256x1xi1> to vector<256x256xi1>
    %select_n3A_197 = arith.select %broadcast_in_dim3A_196, %add3A_154, %select_n3A_185 : vector<256x256xi1>, vector<256x256xf32>
    %broadcast_in_dim3A_198 = vector.shape_cast %eq3A_191 : vector<256x1xi1> to vector<256x1xi1>
    %broadcast_in_dim3A_199 = vector.broadcast %broadcast_in_dim3A_198 : vector<256x1xi1> to vector<256x256xi1>
    %select_n3A_200 = arith.select %broadcast_in_dim3A_199, %add3A_158, %select_n3A_188 : vector<256x256xi1>, vector<256x256xf32>
    %eq3A_201 = vector.broadcast %get3A_14 : vector<256x1xi32> to vector<256x256xi32>
    %eq3A_202 = vector.broadcast %get3A_9 : vector<1x256xi32> to vector<256x256xi32>
    %eq3A_203 = arith.cmpi eq, %eq3A_201, %eq3A_202 : vector<256x256xi32>
    %jit3A = arith.constant 0.000000e+00 : f32
    %jit3A_204 = arith.constant -1.000000e+09 : f32
    %broadcast_in_dim3A_205 = vector.broadcast %jit3A : f32 to vector<256x256xf32>
    %broadcast_in_dim3A_206 = vector.broadcast %jit3A_204 : f32 to vector<256x256xf32>
    %select_n3A_207 = arith.select %eq3A_203, %broadcast_in_dim3A_205, %broadcast_in_dim3A_206 : vector<256x256xi1>, vector<256x256xf32>
    %slice3A = vector.extract_strided_slice %select_n3A_194 {offsets = [0, 0], sizes = [256, 64], strides = [1, 1]} : vector<256x256xf32> to vector<256x64xf32>
    %slice3A_208 = vector.extract_strided_slice %select_n3A_197 {offsets = [0, 0], sizes = [256, 64], strides = [1, 1]} : vector<256x256xf32> to vector<256x64xf32>
    %slice3A_209 = vector.extract_strided_slice %select_n3A_200 {offsets = [0, 0], sizes = [256, 64], strides = [1, 1]} : vector<256x256xf32> to vector<256x64xf32>
    %dot_general3A_210 = arith.constant dense<0.000000e+00> : vector<256x256xf32>
    %dot_general3A_211 = tpu.matmul %slice3A, %slice3A_208, %dot_general3A_210 {dimension_numbers = #tpu.dot_dimension_numbers<[1], [1], [0], [0], [0, 0, 1, 0], [], []>, transpose_lhs_hint = false} : vector<256x64xf32>, vector<256x64xf32>, vector<256x256xf32> -> vector<256x256xf32>
    %mul3A_212 = arith.constant 1.250000e-01 : f32
    %mul3A_213 = vector.broadcast %mul3A_212 : f32 to vector<256x256xf32>
    %mul3A_214 = arith.mulf %dot_general3A_211, %mul3A_213 : vector<256x256xf32>
    %add3A_215 = arith.addf %mul3A_214, %select_n3A_207 : vector<256x256xf32>
    %reduce_max3A = arith.constant dense<0xFF800000> : vector<256xf32>
    %reduce_max3A_216 = vector.multi_reduction <maximumf>, %add3A_215, %reduce_max3A [1] : vector<256x256xf32> to vector<256xf32>
    %broadcast_in_dim3A_217 = vector.shape_cast %reduce_max3A_216 : vector<256xf32> to vector<256x1xf32>
    %sub3A = vector.broadcast %broadcast_in_dim3A_217 : vector<256x1xf32> to vector<256x256xf32>
    %sub3A_218 = arith.subf %add3A_215, %sub3A : vector<256x256xf32>
    %exp3A = math.exp %sub3A_218 : vector<256x256xf32>
    %reduce_sum3A = arith.constant dense<0.000000e+00> : vector<256xf32>
    %reduce_sum3A_219 = vector.multi_reduction <add>, %exp3A, %reduce_sum3A [1] : vector<256x256xf32> to vector<256xf32>
    %broadcast_in_dim3A_220 = vector.shape_cast %reduce_sum3A_219 : vector<256xf32> to vector<256x1xf32>
    %div3A = vector.broadcast %broadcast_in_dim3A_220 : vector<256x1xf32> to vector<256x256xf32>
    %div3A_221 = arith.divf %exp3A, %div3A : vector<256x256xf32>
    %dot_general3A_222 = arith.constant dense<0.000000e+00> : vector<256x64xf32>
    %dot_general3A_223 = tpu.matmul %div3A_221, %slice3A_209, %dot_general3A_222 {dimension_numbers = #tpu.dot_dimension_numbers<[1], [0], [0], [1], [0, 0, 1, 1], [], []>, transpose_lhs_hint = false} : vector<256x256xf32>, vector<256x64xf32>, vector<256x64xf32> -> vector<256x64xf32>
    %slice3A_224 = vector.extract_strided_slice %select_n3A_194 {offsets = [0, 64], sizes = [256, 64], strides = [1, 1]} : vector<256x256xf32> to vector<256x64xf32>
    %slice3A_225 = vector.extract_strided_slice %select_n3A_197 {offsets = [0, 64], sizes = [256, 64], strides = [1, 1]} : vector<256x256xf32> to vector<256x64xf32>
    %slice3A_226 = vector.extract_strided_slice %select_n3A_200 {offsets = [0, 64], sizes = [256, 64], strides = [1, 1]} : vector<256x256xf32> to vector<256x64xf32>
    %dot_general3A_227 = arith.constant dense<0.000000e+00> : vector<256x256xf32>
    %dot_general3A_228 = tpu.matmul %slice3A_224, %slice3A_225, %dot_general3A_227 {dimension_numbers = #tpu.dot_dimension_numbers<[1], [1], [0], [0], [0, 0, 1, 0], [], []>, transpose_lhs_hint = false} : vector<256x64xf32>, vector<256x64xf32>, vector<256x256xf32> -> vector<256x256xf32>
    %mul3A_229 = arith.constant 1.250000e-01 : f32
    %mul3A_230 = vector.broadcast %mul3A_229 : f32 to vector<256x256xf32>
    %mul3A_231 = arith.mulf %dot_general3A_228, %mul3A_230 : vector<256x256xf32>
    %add3A_232 = arith.addf %mul3A_231, %select_n3A_207 : vector<256x256xf32>
    %reduce_max3A_233 = arith.constant dense<0xFF800000> : vector<256xf32>
    %reduce_max3A_234 = vector.multi_reduction <maximumf>, %add3A_232, %reduce_max3A_233 [1] : vector<256x256xf32> to vector<256xf32>
    %broadcast_in_dim3A_235 = vector.shape_cast %reduce_max3A_234 : vector<256xf32> to vector<256x1xf32>
    %sub3A_236 = vector.broadcast %broadcast_in_dim3A_235 : vector<256x1xf32> to vector<256x256xf32>
    %sub3A_237 = arith.subf %add3A_232, %sub3A_236 : vector<256x256xf32>
    %exp3A_238 = math.exp %sub3A_237 : vector<256x256xf32>
    %reduce_sum3A_239 = arith.constant dense<0.000000e+00> : vector<256xf32>
    %reduce_sum3A_240 = vector.multi_reduction <add>, %exp3A_238, %reduce_sum3A_239 [1] : vector<256x256xf32> to vector<256xf32>
    %broadcast_in_dim3A_241 = vector.shape_cast %reduce_sum3A_240 : vector<256xf32> to vector<256x1xf32>
    %div3A_242 = vector.broadcast %broadcast_in_dim3A_241 : vector<256x1xf32> to vector<256x256xf32>
    %div3A_243 = arith.divf %exp3A_238, %div3A_242 : vector<256x256xf32>
    %dot_general3A_244 = arith.constant dense<0.000000e+00> : vector<256x64xf32>
    %dot_general3A_245 = tpu.matmul %div3A_243, %slice3A_226, %dot_general3A_244 {dimension_numbers = #tpu.dot_dimension_numbers<[1], [0], [0], [1], [0, 0, 1, 1], [], []>, transpose_lhs_hint = false} : vector<256x256xf32>, vector<256x64xf32>, vector<256x64xf32> -> vector<256x64xf32>
    %slice3A_246 = vector.extract_strided_slice %select_n3A_194 {offsets = [0, 128], sizes = [256, 64], strides = [1, 1]} : vector<256x256xf32> to vector<256x64xf32>
    %slice3A_247 = vector.extract_strided_slice %select_n3A_197 {offsets = [0, 128], sizes = [256, 64], strides = [1, 1]} : vector<256x256xf32> to vector<256x64xf32>
    %slice3A_248 = vector.extract_strided_slice %select_n3A_200 {offsets = [0, 128], sizes = [256, 64], strides = [1, 1]} : vector<256x256xf32> to vector<256x64xf32>
    %dot_general3A_249 = arith.constant dense<0.000000e+00> : vector<256x256xf32>
    %dot_general3A_250 = tpu.matmul %slice3A_246, %slice3A_247, %dot_general3A_249 {dimension_numbers = #tpu.dot_dimension_numbers<[1], [1], [0], [0], [0, 0, 1, 0], [], []>, transpose_lhs_hint = false} : vector<256x64xf32>, vector<256x64xf32>, vector<256x256xf32> -> vector<256x256xf32>
    %mul3A_251 = arith.constant 1.250000e-01 : f32
    %mul3A_252 = vector.broadcast %mul3A_251 : f32 to vector<256x256xf32>
    %mul3A_253 = arith.mulf %dot_general3A_250, %mul3A_252 : vector<256x256xf32>
    %add3A_254 = arith.addf %mul3A_253, %select_n3A_207 : vector<256x256xf32>
    %reduce_max3A_255 = arith.constant dense<0xFF800000> : vector<256xf32>
    %reduce_max3A_256 = vector.multi_reduction <maximumf>, %add3A_254, %reduce_max3A_255 [1] : vector<256x256xf32> to vector<256xf32>
    %broadcast_in_dim3A_257 = vector.shape_cast %reduce_max3A_256 : vector<256xf32> to vector<256x1xf32>
    %sub3A_258 = vector.broadcast %broadcast_in_dim3A_257 : vector<256x1xf32> to vector<256x256xf32>
    %sub3A_259 = arith.subf %add3A_254, %sub3A_258 : vector<256x256xf32>
    %exp3A_260 = math.exp %sub3A_259 : vector<256x256xf32>
    %reduce_sum3A_261 = arith.constant dense<0.000000e+00> : vector<256xf32>
    %reduce_sum3A_262 = vector.multi_reduction <add>, %exp3A_260, %reduce_sum3A_261 [1] : vector<256x256xf32> to vector<256xf32>
    %broadcast_in_dim3A_263 = vector.shape_cast %reduce_sum3A_262 : vector<256xf32> to vector<256x1xf32>
    %div3A_264 = vector.broadcast %broadcast_in_dim3A_263 : vector<256x1xf32> to vector<256x256xf32>
    %div3A_265 = arith.divf %exp3A_260, %div3A_264 : vector<256x256xf32>
    %dot_general3A_266 = arith.constant dense<0.000000e+00> : vector<256x64xf32>
    %dot_general3A_267 = tpu.matmul %div3A_265, %slice3A_248, %dot_general3A_266 {dimension_numbers = #tpu.dot_dimension_numbers<[1], [0], [0], [1], [0, 0, 1, 1], [], []>, transpose_lhs_hint = false} : vector<256x256xf32>, vector<256x64xf32>, vector<256x64xf32> -> vector<256x64xf32>
    %slice3A_268 = vector.extract_strided_slice %select_n3A_194 {offsets = [0, 192], sizes = [256, 64], strides = [1, 1]} : vector<256x256xf32> to vector<256x64xf32>
    %slice3A_269 = vector.extract_strided_slice %select_n3A_197 {offsets = [0, 192], sizes = [256, 64], strides = [1, 1]} : vector<256x256xf32> to vector<256x64xf32>
    %slice3A_270 = vector.extract_strided_slice %select_n3A_200 {offsets = [0, 192], sizes = [256, 64], strides = [1, 1]} : vector<256x256xf32> to vector<256x64xf32>
    %dot_general3A_271 = arith.constant dense<0.000000e+00> : vector<256x256xf32>
    %dot_general3A_272 = tpu.matmul %slice3A_268, %slice3A_269, %dot_general3A_271 {dimension_numbers = #tpu.dot_dimension_numbers<[1], [1], [0], [0], [0, 0, 1, 0], [], []>, transpose_lhs_hint = false} : vector<256x64xf32>, vector<256x64xf32>, vector<256x256xf32> -> vector<256x256xf32>
    %mul3A_273 = arith.constant 1.250000e-01 : f32
    %mul3A_274 = vector.broadcast %mul3A_273 : f32 to vector<256x256xf32>
    %mul3A_275 = arith.mulf %dot_general3A_272, %mul3A_274 : vector<256x256xf32>
    %add3A_276 = arith.addf %mul3A_275, %select_n3A_207 : vector<256x256xf32>
    %reduce_max3A_277 = arith.constant dense<0xFF800000> : vector<256xf32>
    %reduce_max3A_278 = vector.multi_reduction <maximumf>, %add3A_276, %reduce_max3A_277 [1] : vector<256x256xf32> to vector<256xf32>
    %broadcast_in_dim3A_279 = vector.shape_cast %reduce_max3A_278 : vector<256xf32> to vector<256x1xf32>
    %sub3A_280 = vector.broadcast %broadcast_in_dim3A_279 : vector<256x1xf32> to vector<256x256xf32>
    %sub3A_281 = arith.subf %add3A_276, %sub3A_280 : vector<256x256xf32>
    %exp3A_282 = math.exp %sub3A_281 : vector<256x256xf32>
    %reduce_sum3A_283 = arith.constant dense<0.000000e+00> : vector<256xf32>
    %reduce_sum3A_284 = vector.multi_reduction <add>, %exp3A_282, %reduce_sum3A_283 [1] : vector<256x256xf32> to vector<256xf32>
    %broadcast_in_dim3A_285 = vector.shape_cast %reduce_sum3A_284 : vector<256xf32> to vector<256x1xf32>
    %div3A_286 = vector.broadcast %broadcast_in_dim3A_285 : vector<256x1xf32> to vector<256x256xf32>
    %div3A_287 = arith.divf %exp3A_282, %div3A_286 : vector<256x256xf32>
    %dot_general3A_288 = arith.constant dense<0.000000e+00> : vector<256x64xf32>
    %dot_general3A_289 = tpu.matmul %div3A_287, %slice3A_270, %dot_general3A_288 {dimension_numbers = #tpu.dot_dimension_numbers<[1], [0], [0], [1], [0, 0, 1, 1], [], []>, transpose_lhs_hint = false} : vector<256x256xf32>, vector<256x64xf32>, vector<256x64xf32> -> vector<256x64xf32>
    %concatenate3A = tpu.concatenate %dot_general3A_223, %dot_general3A_245, %dot_general3A_267, %dot_general3A_289 in 1 : vector<256x64xf32>, vector<256x64xf32>, vector<256x64xf32>, vector<256x64xf32> -> vector<256x256xf32>
    %broadcast_in_dim3A_290 = arith.constant 0.000000e+00 : f32
    %broadcast_in_dim3A_291 = vector.broadcast %broadcast_in_dim3A_290 : f32 to vector<256x256xf32>
    %eq3A_292 = arith.constant 0 : i32
    %eq3A_293 = vector.broadcast %eq3A_292 : i32 to vector<256x1xi32>
    %eq3A_294 = arith.cmpi eq, %get3A_14, %eq3A_293 : vector<256x1xi32>
    %broadcast_in_dim3A_295 = vector.shape_cast %eq3A_294 : vector<256x1xi1> to vector<256x1xi1>
    %broadcast_in_dim3A_296 = vector.broadcast %broadcast_in_dim3A_295 : vector<256x1xi1> to vector<256x256xi1>
    %broadcast_in_dim3A_297 = vector.shape_cast %mul3A_50 : vector<1x256xf32> to vector<1x256xf32>
    %broadcast_in_dim3A_298 = vector.broadcast %broadcast_in_dim3A_297 : vector<1x256xf32> to vector<256x256xf32>
    %select_n3A_299 = arith.select %broadcast_in_dim3A_296, %concatenate3A, %broadcast_in_dim3A_298 : vector<256x256xi1>, vector<256x256xf32>
    %get3A_300 = arith.constant 0 : index
    %get3A_301 = arith.constant 0 : index
    %get3A_302 = arith.constant 0 : index
    %get3A_303 = vector.load %arg7[%get3A_300, %get3A_301, %get3A_302] : memref<4x256x256xf32, #tpu.memory_space<vmem>>, vector<1x256x256xf32>
    %get3A_304 = vector.shape_cast %get3A_303 : vector<1x256x256xf32> to vector<256x256xf32>
    %dot_general3A_305 = arith.constant dense<0.000000e+00> : vector<256x256xf32>
    %dot_general3A_306 = tpu.matmul %select_n3A_299, %get3A_304, %dot_general3A_305 {dimension_numbers = #tpu.dot_dimension_numbers<[1], [0], [0], [1], [0, 0, 1, 1], [], []>, transpose_lhs_hint = false} : vector<256x256xf32>, vector<256x256xf32>, vector<256x256xf32> -> vector<256x256xf32>
    %get3A_307 = arith.constant 0 : index
    %get3A_308 = arith.constant 0 : index
    %get3A_309 = arith.constant 0 : index
    %get3A_310 = vector.load %arg8[%get3A_307, %get3A_308, %get3A_309] : memref<4x1x256xf32, #tpu.memory_space<vmem>>, vector<1x1x256xf32>
    %get3A_311 = vector.shape_cast %get3A_310 : vector<1x1x256xf32> to vector<1x256xf32>
    %add3A_312 = vector.broadcast %get3A_311 : vector<1x256xf32> to vector<256x256xf32>
    %add3A_313 = arith.addf %dot_general3A_306, %add3A_312 : vector<256x256xf32>
    %add3A_314 = arith.addf %add3A_313, %get3A_1 : vector<256x256xf32>
    %reduce_sum3A_315 = arith.constant dense<0.000000e+00> : vector<256xf32>
    %reduce_sum3A_316 = vector.multi_reduction <add>, %add3A_314, %reduce_sum3A_315 [1] : vector<256x256xf32> to vector<256xf32>
    %broadcast_in_dim3A_317 = vector.shape_cast %reduce_sum3A_316 : vector<256xf32> to vector<256x1xf32>
    %div3A_318 = arith.constant 2.560000e+02 : f32
    %div3A_319 = vector.broadcast %div3A_318 : f32 to vector<256x1xf32>
    %div3A_320 = arith.divf %broadcast_in_dim3A_317, %div3A_319 : vector<256x1xf32>
    %sub3A_321 = vector.broadcast %div3A_320 : vector<256x1xf32> to vector<256x256xf32>
    %sub3A_322 = arith.subf %add3A_314, %sub3A_321 : vector<256x256xf32>
    %mul3A_323 = arith.mulf %sub3A_322, %sub3A_322 : vector<256x256xf32>
    %reduce_sum3A_324 = arith.constant dense<0.000000e+00> : vector<256xf32>
    %reduce_sum3A_325 = vector.multi_reduction <add>, %mul3A_323, %reduce_sum3A_324 [1] : vector<256x256xf32> to vector<256xf32>
    %broadcast_in_dim3A_326 = vector.shape_cast %reduce_sum3A_325 : vector<256xf32> to vector<256x1xf32>
    %div3A_327 = arith.constant 2.560000e+02 : f32
    %div3A_328 = vector.broadcast %div3A_327 : f32 to vector<256x1xf32>
    %div3A_329 = arith.divf %broadcast_in_dim3A_326, %div3A_328 : vector<256x1xf32>
    %add3A_330 = arith.constant 9.99999996E-13 : f32
    %add3A_331 = vector.broadcast %add3A_330 : f32 to vector<256x1xf32>
    %add3A_332 = arith.addf %div3A_329, %add3A_331 : vector<256x1xf32>
    %sqrt3A = math.sqrt %add3A_332 : vector<256x1xf32>
    %div3A_333 = vector.broadcast %sqrt3A : vector<256x1xf32> to vector<256x256xf32>
    %div3A_334 = arith.divf %sub3A_322, %div3A_333 : vector<256x256xf32>
    %get3A_335 = arith.constant 0 : index
    %get3A_336 = arith.constant 0 : index
    %get3A_337 = arith.constant 0 : index
    %get3A_338 = vector.load %arg9[%get3A_335, %get3A_336, %get3A_337] : memref<4x1x256xf32, #tpu.memory_space<vmem>>, vector<1x1x256xf32>
    %get3A_339 = vector.shape_cast %get3A_338 : vector<1x1x256xf32> to vector<1x256xf32>
    %mul3A_340 = vector.broadcast %get3A_339 : vector<1x256xf32> to vector<256x256xf32>
    %mul3A_341 = arith.mulf %div3A_334, %mul3A_340 : vector<256x256xf32>
    %get3A_342 = arith.constant 0 : index
    %get3A_343 = arith.constant 0 : index
    %get3A_344 = arith.constant 0 : index
    %get3A_345 = vector.load %arg10[%get3A_342, %get3A_343, %get3A_344] : memref<4x1x256xf32, #tpu.memory_space<vmem>>, vector<1x1x256xf32>
    %get3A_346 = vector.shape_cast %get3A_345 : vector<1x1x256xf32> to vector<1x256xf32>
    %add3A_347 = vector.broadcast %get3A_346 : vector<1x256xf32> to vector<256x256xf32>
    %add3A_348 = arith.addf %mul3A_341, %add3A_347 : vector<256x256xf32>
    %get3A_349 = arith.constant 0 : index
    %get3A_350 = arith.constant 0 : index
    %get3A_351 = arith.constant 0 : index
    %get3A_352 = vector.load %arg11[%get3A_349, %get3A_350, %get3A_351] : memref<4x256x256xf32, #tpu.memory_space<vmem>>, vector<1x256x256xf32>
    %get3A_353 = vector.shape_cast %get3A_352 : vector<1x256x256xf32> to vector<256x256xf32>
    %dot_general3A_354 = arith.constant dense<0.000000e+00> : vector<256x256xf32>
    %dot_general3A_355 = tpu.matmul %add3A_348, %get3A_353, %dot_general3A_354 {dimension_numbers = #tpu.dot_dimension_numbers<[1], [0], [0], [1], [0, 0, 1, 1], [], []>, transpose_lhs_hint = false} : vector<256x256xf32>, vector<256x256xf32>, vector<256x256xf32> -> vector<256x256xf32>
    %add3A_356 = arith.addf %broadcast_in_dim3A_291, %dot_general3A_355 : vector<256x256xf32>
    %eq3A_357 = arith.constant 1 : i32
    %eq3A_358 = vector.broadcast %eq3A_357 : i32 to vector<256x1xi32>
    %eq3A_359 = arith.cmpi eq, %get3A_14, %eq3A_358 : vector<256x1xi32>
    %broadcast_in_dim3A_360 = vector.shape_cast %eq3A_359 : vector<256x1xi1> to vector<256x1xi1>
    %broadcast_in_dim3A_361 = vector.broadcast %broadcast_in_dim3A_360 : vector<256x1xi1> to vector<256x256xi1>
    %broadcast_in_dim3A_362 = vector.shape_cast %mul3A_89 : vector<1x256xf32> to vector<1x256xf32>
    %broadcast_in_dim3A_363 = vector.broadcast %broadcast_in_dim3A_362 : vector<1x256xf32> to vector<256x256xf32>
    %select_n3A_364 = arith.select %broadcast_in_dim3A_361, %concatenate3A, %broadcast_in_dim3A_363 : vector<256x256xi1>, vector<256x256xf32>
    %get3A_365 = arith.constant 1 : index
    %get3A_366 = arith.constant 0 : index
    %get3A_367 = arith.constant 0 : index
    %get3A_368 = vector.load %arg7[%get3A_365, %get3A_366, %get3A_367] : memref<4x256x256xf32, #tpu.memory_space<vmem>>, vector<1x256x256xf32>
    %get3A_369 = vector.shape_cast %get3A_368 : vector<1x256x256xf32> to vector<256x256xf32>
    %dot_general3A_370 = arith.constant dense<0.000000e+00> : vector<256x256xf32>
    %dot_general3A_371 = tpu.matmul %select_n3A_364, %get3A_369, %dot_general3A_370 {dimension_numbers = #tpu.dot_dimension_numbers<[1], [0], [0], [1], [0, 0, 1, 1], [], []>, transpose_lhs_hint = false} : vector<256x256xf32>, vector<256x256xf32>, vector<256x256xf32> -> vector<256x256xf32>
    %get3A_372 = arith.constant 1 : index
    %get3A_373 = arith.constant 0 : index
    %get3A_374 = arith.constant 0 : index
    %get3A_375 = vector.load %arg8[%get3A_372, %get3A_373, %get3A_374] : memref<4x1x256xf32, #tpu.memory_space<vmem>>, vector<1x1x256xf32>
    %get3A_376 = vector.shape_cast %get3A_375 : vector<1x1x256xf32> to vector<1x256xf32>
    %add3A_377 = vector.broadcast %get3A_376 : vector<1x256xf32> to vector<256x256xf32>
    %add3A_378 = arith.addf %dot_general3A_371, %add3A_377 : vector<256x256xf32>
    %add3A_379 = arith.addf %add3A_378, %get3A_1 : vector<256x256xf32>
    %reduce_sum3A_380 = arith.constant dense<0.000000e+00> : vector<256xf32>
    %reduce_sum3A_381 = vector.multi_reduction <add>, %add3A_379, %reduce_sum3A_380 [1] : vector<256x256xf32> to vector<256xf32>
    %broadcast_in_dim3A_382 = vector.shape_cast %reduce_sum3A_381 : vector<256xf32> to vector<256x1xf32>
    %div3A_383 = arith.constant 2.560000e+02 : f32
    %div3A_384 = vector.broadcast %div3A_383 : f32 to vector<256x1xf32>
    %div3A_385 = arith.divf %broadcast_in_dim3A_382, %div3A_384 : vector<256x1xf32>
    %sub3A_386 = vector.broadcast %div3A_385 : vector<256x1xf32> to vector<256x256xf32>
    %sub3A_387 = arith.subf %add3A_379, %sub3A_386 : vector<256x256xf32>
    %mul3A_388 = arith.mulf %sub3A_387, %sub3A_387 : vector<256x256xf32>
    %reduce_sum3A_389 = arith.constant dense<0.000000e+00> : vector<256xf32>
    %reduce_sum3A_390 = vector.multi_reduction <add>, %mul3A_388, %reduce_sum3A_389 [1] : vector<256x256xf32> to vector<256xf32>
    %broadcast_in_dim3A_391 = vector.shape_cast %reduce_sum3A_390 : vector<256xf32> to vector<256x1xf32>
    %div3A_392 = arith.constant 2.560000e+02 : f32
    %div3A_393 = vector.broadcast %div3A_392 : f32 to vector<256x1xf32>
    %div3A_394 = arith.divf %broadcast_in_dim3A_391, %div3A_393 : vector<256x1xf32>
    %add3A_395 = arith.constant 9.99999996E-13 : f32
    %add3A_396 = vector.broadcast %add3A_395 : f32 to vector<256x1xf32>
    %add3A_397 = arith.addf %div3A_394, %add3A_396 : vector<256x1xf32>
    %sqrt3A_398 = math.sqrt %add3A_397 : vector<256x1xf32>
    %div3A_399 = vector.broadcast %sqrt3A_398 : vector<256x1xf32> to vector<256x256xf32>
    %div3A_400 = arith.divf %sub3A_387, %div3A_399 : vector<256x256xf32>
    %get3A_401 = arith.constant 1 : index
    %get3A_402 = arith.constant 0 : index
    %get3A_403 = arith.constant 0 : index
    %get3A_404 = vector.load %arg9[%get3A_401, %get3A_402, %get3A_403] : memref<4x1x256xf32, #tpu.memory_space<vmem>>, vector<1x1x256xf32>
    %get3A_405 = vector.shape_cast %get3A_404 : vector<1x1x256xf32> to vector<1x256xf32>
    %mul3A_406 = vector.broadcast %get3A_405 : vector<1x256xf32> to vector<256x256xf32>
    %mul3A_407 = arith.mulf %div3A_400, %mul3A_406 : vector<256x256xf32>
    %get3A_408 = arith.constant 1 : index
    %get3A_409 = arith.constant 0 : index
    %get3A_410 = arith.constant 0 : index
    %get3A_411 = vector.load %arg10[%get3A_408, %get3A_409, %get3A_410] : memref<4x1x256xf32, #tpu.memory_space<vmem>>, vector<1x1x256xf32>
    %get3A_412 = vector.shape_cast %get3A_411 : vector<1x1x256xf32> to vector<1x256xf32>
    %add3A_413 = vector.broadcast %get3A_412 : vector<1x256xf32> to vector<256x256xf32>
    %add3A_414 = arith.addf %mul3A_407, %add3A_413 : vector<256x256xf32>
    %get3A_415 = arith.constant 1 : index
    %get3A_416 = arith.constant 0 : index
    %get3A_417 = arith.constant 0 : index
    %get3A_418 = vector.load %arg11[%get3A_415, %get3A_416, %get3A_417] : memref<4x256x256xf32, #tpu.memory_space<vmem>>, vector<1x256x256xf32>
    %get3A_419 = vector.shape_cast %get3A_418 : vector<1x256x256xf32> to vector<256x256xf32>
    %dot_general3A_420 = arith.constant dense<0.000000e+00> : vector<256x256xf32>
    %dot_general3A_421 = tpu.matmul %add3A_414, %get3A_419, %dot_general3A_420 {dimension_numbers = #tpu.dot_dimension_numbers<[1], [0], [0], [1], [0, 0, 1, 1], [], []>, transpose_lhs_hint = false} : vector<256x256xf32>, vector<256x256xf32>, vector<256x256xf32> -> vector<256x256xf32>
    %add3A_422 = arith.addf %add3A_356, %dot_general3A_421 : vector<256x256xf32>
    %eq3A_423 = arith.constant 2 : i32
    %eq3A_424 = vector.broadcast %eq3A_423 : i32 to vector<256x1xi32>
    %eq3A_425 = arith.cmpi eq, %get3A_14, %eq3A_424 : vector<256x1xi32>
    %broadcast_in_dim3A_426 = vector.shape_cast %eq3A_425 : vector<256x1xi1> to vector<256x1xi1>
    %broadcast_in_dim3A_427 = vector.broadcast %broadcast_in_dim3A_426 : vector<256x1xi1> to vector<256x256xi1>
    %broadcast_in_dim3A_428 = vector.shape_cast %mul3A_128 : vector<1x256xf32> to vector<1x256xf32>
    %broadcast_in_dim3A_429 = vector.broadcast %broadcast_in_dim3A_428 : vector<1x256xf32> to vector<256x256xf32>
    %select_n3A_430 = arith.select %broadcast_in_dim3A_427, %concatenate3A, %broadcast_in_dim3A_429 : vector<256x256xi1>, vector<256x256xf32>
    %get3A_431 = arith.constant 2 : index
    %get3A_432 = arith.constant 0 : index
    %get3A_433 = arith.constant 0 : index
    %get3A_434 = vector.load %arg7[%get3A_431, %get3A_432, %get3A_433] : memref<4x256x256xf32, #tpu.memory_space<vmem>>, vector<1x256x256xf32>
    %get3A_435 = vector.shape_cast %get3A_434 : vector<1x256x256xf32> to vector<256x256xf32>
    %dot_general3A_436 = arith.constant dense<0.000000e+00> : vector<256x256xf32>
    %dot_general3A_437 = tpu.matmul %select_n3A_430, %get3A_435, %dot_general3A_436 {dimension_numbers = #tpu.dot_dimension_numbers<[1], [0], [0], [1], [0, 0, 1, 1], [], []>, transpose_lhs_hint = false} : vector<256x256xf32>, vector<256x256xf32>, vector<256x256xf32> -> vector<256x256xf32>
    %get3A_438 = arith.constant 2 : index
    %get3A_439 = arith.constant 0 : index
    %get3A_440 = arith.constant 0 : index
    %get3A_441 = vector.load %arg8[%get3A_438, %get3A_439, %get3A_440] : memref<4x1x256xf32, #tpu.memory_space<vmem>>, vector<1x1x256xf32>
    %get3A_442 = vector.shape_cast %get3A_441 : vector<1x1x256xf32> to vector<1x256xf32>
    %add3A_443 = vector.broadcast %get3A_442 : vector<1x256xf32> to vector<256x256xf32>
    %add3A_444 = arith.addf %dot_general3A_437, %add3A_443 : vector<256x256xf32>
    %add3A_445 = arith.addf %add3A_444, %get3A_1 : vector<256x256xf32>
    %reduce_sum3A_446 = arith.constant dense<0.000000e+00> : vector<256xf32>
    %reduce_sum3A_447 = vector.multi_reduction <add>, %add3A_445, %reduce_sum3A_446 [1] : vector<256x256xf32> to vector<256xf32>
    %broadcast_in_dim3A_448 = vector.shape_cast %reduce_sum3A_447 : vector<256xf32> to vector<256x1xf32>
    %div3A_449 = arith.constant 2.560000e+02 : f32
    %div3A_450 = vector.broadcast %div3A_449 : f32 to vector<256x1xf32>
    %div3A_451 = arith.divf %broadcast_in_dim3A_448, %div3A_450 : vector<256x1xf32>
    %sub3A_452 = vector.broadcast %div3A_451 : vector<256x1xf32> to vector<256x256xf32>
    %sub3A_453 = arith.subf %add3A_445, %sub3A_452 : vector<256x256xf32>
    %mul3A_454 = arith.mulf %sub3A_453, %sub3A_453 : vector<256x256xf32>
    %reduce_sum3A_455 = arith.constant dense<0.000000e+00> : vector<256xf32>
    %reduce_sum3A_456 = vector.multi_reduction <add>, %mul3A_454, %reduce_sum3A_455 [1] : vector<256x256xf32> to vector<256xf32>
    %broadcast_in_dim3A_457 = vector.shape_cast %reduce_sum3A_456 : vector<256xf32> to vector<256x1xf32>
    %div3A_458 = arith.constant 2.560000e+02 : f32
    %div3A_459 = vector.broadcast %div3A_458 : f32 to vector<256x1xf32>
    %div3A_460 = arith.divf %broadcast_in_dim3A_457, %div3A_459 : vector<256x1xf32>
    %add3A_461 = arith.constant 9.99999996E-13 : f32
    %add3A_462 = vector.broadcast %add3A_461 : f32 to vector<256x1xf32>
    %add3A_463 = arith.addf %div3A_460, %add3A_462 : vector<256x1xf32>
    %sqrt3A_464 = math.sqrt %add3A_463 : vector<256x1xf32>
    %div3A_465 = vector.broadcast %sqrt3A_464 : vector<256x1xf32> to vector<256x256xf32>
    %div3A_466 = arith.divf %sub3A_453, %div3A_465 : vector<256x256xf32>
    %get3A_467 = arith.constant 2 : index
    %get3A_468 = arith.constant 0 : index
    %get3A_469 = arith.constant 0 : index
    %get3A_470 = vector.load %arg9[%get3A_467, %get3A_468, %get3A_469] : memref<4x1x256xf32, #tpu.memory_space<vmem>>, vector<1x1x256xf32>
    %get3A_471 = vector.shape_cast %get3A_470 : vector<1x1x256xf32> to vector<1x256xf32>
    %mul3A_472 = vector.broadcast %get3A_471 : vector<1x256xf32> to vector<256x256xf32>
    %mul3A_473 = arith.mulf %div3A_466, %mul3A_472 : vector<256x256xf32>
    %get3A_474 = arith.constant 2 : index
    %get3A_475 = arith.constant 0 : index
    %get3A_476 = arith.constant 0 : index
    %get3A_477 = vector.load %arg10[%get3A_474, %get3A_475, %get3A_476] : memref<4x1x256xf32, #tpu.memory_space<vmem>>, vector<1x1x256xf32>
    %get3A_478 = vector.shape_cast %get3A_477 : vector<1x1x256xf32> to vector<1x256xf32>
    %add3A_479 = vector.broadcast %get3A_478 : vector<1x256xf32> to vector<256x256xf32>
    %add3A_480 = arith.addf %mul3A_473, %add3A_479 : vector<256x256xf32>
    %get3A_481 = arith.constant 2 : index
    %get3A_482 = arith.constant 0 : index
    %get3A_483 = arith.constant 0 : index
    %get3A_484 = vector.load %arg11[%get3A_481, %get3A_482, %get3A_483] : memref<4x256x256xf32, #tpu.memory_space<vmem>>, vector<1x256x256xf32>
    %get3A_485 = vector.shape_cast %get3A_484 : vector<1x256x256xf32> to vector<256x256xf32>
    %dot_general3A_486 = arith.constant dense<0.000000e+00> : vector<256x256xf32>
    %dot_general3A_487 = tpu.matmul %add3A_480, %get3A_485, %dot_general3A_486 {dimension_numbers = #tpu.dot_dimension_numbers<[1], [0], [0], [1], [0, 0, 1, 1], [], []>, transpose_lhs_hint = false} : vector<256x256xf32>, vector<256x256xf32>, vector<256x256xf32> -> vector<256x256xf32>
    %add3A_488 = arith.addf %add3A_422, %dot_general3A_487 : vector<256x256xf32>
    %eq3A_489 = arith.constant 3 : i32
    %eq3A_490 = vector.broadcast %eq3A_489 : i32 to vector<256x1xi32>
    %eq3A_491 = arith.cmpi eq, %get3A_14, %eq3A_490 : vector<256x1xi32>
    %broadcast_in_dim3A_492 = vector.shape_cast %eq3A_491 : vector<256x1xi1> to vector<256x1xi1>
    %broadcast_in_dim3A_493 = vector.broadcast %broadcast_in_dim3A_492 : vector<256x1xi1> to vector<256x256xi1>
    %broadcast_in_dim3A_494 = vector.shape_cast %mul3A_167 : vector<1x256xf32> to vector<1x256xf32>
    %broadcast_in_dim3A_495 = vector.broadcast %broadcast_in_dim3A_494 : vector<1x256xf32> to vector<256x256xf32>
    %select_n3A_496 = arith.select %broadcast_in_dim3A_493, %concatenate3A, %broadcast_in_dim3A_495 : vector<256x256xi1>, vector<256x256xf32>
    %get3A_497 = arith.constant 3 : index
    %get3A_498 = arith.constant 0 : index
    %get3A_499 = arith.constant 0 : index
    %get3A_500 = vector.load %arg7[%get3A_497, %get3A_498, %get3A_499] : memref<4x256x256xf32, #tpu.memory_space<vmem>>, vector<1x256x256xf32>
    %get3A_501 = vector.shape_cast %get3A_500 : vector<1x256x256xf32> to vector<256x256xf32>
    %dot_general3A_502 = arith.constant dense<0.000000e+00> : vector<256x256xf32>
    %dot_general3A_503 = tpu.matmul %select_n3A_496, %get3A_501, %dot_general3A_502 {dimension_numbers = #tpu.dot_dimension_numbers<[1], [0], [0], [1], [0, 0, 1, 1], [], []>, transpose_lhs_hint = false} : vector<256x256xf32>, vector<256x256xf32>, vector<256x256xf32> -> vector<256x256xf32>
    %get3A_504 = arith.constant 3 : index
    %get3A_505 = arith.constant 0 : index
    %get3A_506 = arith.constant 0 : index
    %get3A_507 = vector.load %arg8[%get3A_504, %get3A_505, %get3A_506] : memref<4x1x256xf32, #tpu.memory_space<vmem>>, vector<1x1x256xf32>
    %get3A_508 = vector.shape_cast %get3A_507 : vector<1x1x256xf32> to vector<1x256xf32>
    %add3A_509 = vector.broadcast %get3A_508 : vector<1x256xf32> to vector<256x256xf32>
    %add3A_510 = arith.addf %dot_general3A_503, %add3A_509 : vector<256x256xf32>
    %add3A_511 = arith.addf %add3A_510, %get3A_1 : vector<256x256xf32>
    %reduce_sum3A_512 = arith.constant dense<0.000000e+00> : vector<256xf32>
    %reduce_sum3A_513 = vector.multi_reduction <add>, %add3A_511, %reduce_sum3A_512 [1] : vector<256x256xf32> to vector<256xf32>
    %broadcast_in_dim3A_514 = vector.shape_cast %reduce_sum3A_513 : vector<256xf32> to vector<256x1xf32>
    %div3A_515 = arith.constant 2.560000e+02 : f32
    %div3A_516 = vector.broadcast %div3A_515 : f32 to vector<256x1xf32>
    %div3A_517 = arith.divf %broadcast_in_dim3A_514, %div3A_516 : vector<256x1xf32>
    %sub3A_518 = vector.broadcast %div3A_517 : vector<256x1xf32> to vector<256x256xf32>
    %sub3A_519 = arith.subf %add3A_511, %sub3A_518 : vector<256x256xf32>
    %mul3A_520 = arith.mulf %sub3A_519, %sub3A_519 : vector<256x256xf32>
    %reduce_sum3A_521 = arith.constant dense<0.000000e+00> : vector<256xf32>
    %reduce_sum3A_522 = vector.multi_reduction <add>, %mul3A_520, %reduce_sum3A_521 [1] : vector<256x256xf32> to vector<256xf32>
    %broadcast_in_dim3A_523 = vector.shape_cast %reduce_sum3A_522 : vector<256xf32> to vector<256x1xf32>
    %div3A_524 = arith.constant 2.560000e+02 : f32
    %div3A_525 = vector.broadcast %div3A_524 : f32 to vector<256x1xf32>
    %div3A_526 = arith.divf %broadcast_in_dim3A_523, %div3A_525 : vector<256x1xf32>
    %add3A_527 = arith.constant 9.99999996E-13 : f32
    %add3A_528 = vector.broadcast %add3A_527 : f32 to vector<256x1xf32>
    %add3A_529 = arith.addf %div3A_526, %add3A_528 : vector<256x1xf32>
    %sqrt3A_530 = math.sqrt %add3A_529 : vector<256x1xf32>
    %div3A_531 = vector.broadcast %sqrt3A_530 : vector<256x1xf32> to vector<256x256xf32>
    %div3A_532 = arith.divf %sub3A_519, %div3A_531 : vector<256x256xf32>
    %get3A_533 = arith.constant 3 : index
    %get3A_534 = arith.constant 0 : index
    %get3A_535 = arith.constant 0 : index
    %get3A_536 = vector.load %arg9[%get3A_533, %get3A_534, %get3A_535] : memref<4x1x256xf32, #tpu.memory_space<vmem>>, vector<1x1x256xf32>
    %get3A_537 = vector.shape_cast %get3A_536 : vector<1x1x256xf32> to vector<1x256xf32>
    %mul3A_538 = vector.broadcast %get3A_537 : vector<1x256xf32> to vector<256x256xf32>
    %mul3A_539 = arith.mulf %div3A_532, %mul3A_538 : vector<256x256xf32>
    %get3A_540 = arith.constant 3 : index
    %get3A_541 = arith.constant 0 : index
    %get3A_542 = arith.constant 0 : index
    %get3A_543 = vector.load %arg10[%get3A_540, %get3A_541, %get3A_542] : memref<4x1x256xf32, #tpu.memory_space<vmem>>, vector<1x1x256xf32>
    %get3A_544 = vector.shape_cast %get3A_543 : vector<1x1x256xf32> to vector<1x256xf32>
    %add3A_545 = vector.broadcast %get3A_544 : vector<1x256xf32> to vector<256x256xf32>
    %add3A_546 = arith.addf %mul3A_539, %add3A_545 : vector<256x256xf32>
    %get3A_547 = arith.constant 3 : index
    %get3A_548 = arith.constant 0 : index
    %get3A_549 = arith.constant 0 : index
    %get3A_550 = vector.load %arg11[%get3A_547, %get3A_548, %get3A_549] : memref<4x256x256xf32, #tpu.memory_space<vmem>>, vector<1x256x256xf32>
    %get3A_551 = vector.shape_cast %get3A_550 : vector<1x256x256xf32> to vector<256x256xf32>
    %dot_general3A_552 = arith.constant dense<0.000000e+00> : vector<256x256xf32>
    %dot_general3A_553 = tpu.matmul %add3A_546, %get3A_551, %dot_general3A_552 {dimension_numbers = #tpu.dot_dimension_numbers<[1], [0], [0], [1], [0, 0, 1, 1], [], []>, transpose_lhs_hint = false} : vector<256x256xf32>, vector<256x256xf32>, vector<256x256xf32> -> vector<256x256xf32>
    %add3A_554 = arith.addf %add3A_488, %dot_general3A_553 : vector<256x256xf32>
    %get3A_555 = arith.constant 0 : index
    %get3A_556 = arith.constant 0 : index
    %get3A_557 = vector.load %arg12[%get3A_555, %get3A_556] : memref<1x256xf32, #tpu.memory_space<vmem>>, vector<1x256xf32>
    %add3A_558 = vector.broadcast %get3A_557 : vector<1x256xf32> to vector<256x256xf32>
    %add3A_559 = arith.addf %add3A_554, %add3A_558 : vector<256x256xf32>
    %swap3A = arith.constant 0 : index
    %swap3A_560 = arith.constant 0 : index
    %swap3A_561 = vector.load %arg13[%swap3A, %swap3A_560] : memref<256x256xf32, #tpu.memory_space<vmem>>, vector<256x256xf32>
    tpu.vector_store %arg13[%swap3A, %swap3A_560], %add3A_559 {strides = array<i32>} : memref<256x256xf32, #tpu.memory_space<vmem>>, vector<256x256xf32>,
    return
  }
  func.func @transform_0(%arg0: i32) -> (i32, i32) {
    %c0_i32 = arith.constant 0 : i32
    %c0_i32_0 = arith.constant 0 : i32
    return %arg0, %c0_i32 : i32, i32
  }
  func.func @transform_1(%arg0: i32) -> (i32, i32) {
    %c0_i32 = arith.constant 0 : i32
    %c0_i32_0 = arith.constant 0 : i32
    %c0_i32_1 = arith.constant 0 : i32
    return %c0_i32, %c0_i32_0 : i32, i32
  }
  func.func @transform_2(%arg0: i32) -> (i32, i32) {
    %c0_i32 = arith.constant 0 : i32
    %c0_i32_0 = arith.constant 0 : i32
    %c0_i32_1 = arith.constant 0 : i32
    return %c0_i32, %c0_i32_0 : i32, i32
  }
  func.func @transform_3(%arg0: i32) -> (i32, i32) {
    %c0_i32 = arith.constant 0 : i32
    %c0_i32_0 = arith.constant 0 : i32
    %c0_i32_1 = arith.constant 0 : i32
    return %c0_i32, %c0_i32_0 : i32, i32
  }
  func.func @transform_4(%arg0: i32) -> (i32, i32, i32) {
    %c0_i32 = arith.constant 0 : i32
    %c0_i32_0 = arith.constant 0 : i32
    %c0_i32_1 = arith.constant 0 : i32
    return %arg0, %c0_i32, %c0_i32_0 : i32, i32, i32
  }
  func.func @transform_5(%arg0: i32) -> (i32, i32, i32) {
    %c0_i32 = arith.constant 0 : i32
    %c0_i32_0 = arith.constant 0 : i32
    %c0_i32_1 = arith.constant 0 : i32
    return %arg0, %c0_i32, %c0_i32_0 : i32, i32, i32
  }
  func.func @transform_6(%arg0: i32) -> (i32, i32, i32) {
    %c0_i32 = arith.constant 0 : i32
    %c0_i32_0 = arith.constant 0 : i32
    %c0_i32_1 = arith.constant 0 : i32
    %c0_i32_2 = arith.constant 0 : i32
    return %c0_i32, %c0_i32_0, %c0_i32_1 : i32, i32, i32
  }
  func.func @transform_7(%arg0: i32) -> (i32, i32, i32) {
    %c0_i32 = arith.constant 0 : i32
    %c0_i32_0 = arith.constant 0 : i32
    %c0_i32_1 = arith.constant 0 : i32
    %c0_i32_2 = arith.constant 0 : i32
    return %c0_i32, %c0_i32_0, %c0_i32_1 : i32, i32, i32
  }
  func.func @transform_8(%arg0: i32) -> (i32, i32, i32) {
    %c0_i32 = arith.constant 0 : i32
    %c0_i32_0 = arith.constant 0 : i32
    %c0_i32_1 = arith.constant 0 : i32
    %c0_i32_2 = arith.constant 0 : i32
    return %c0_i32, %c0_i32_0, %c0_i32_1 : i32, i32, i32
  }
  func.func @transform_9(%arg0: i32) -> (i32, i32, i32) {
    %c0_i32 = arith.constant 0 : i32
    %c0_i32_0 = arith.constant 0 : i32
    %c0_i32_1 = arith.constant 0 : i32
    %c0_i32_2 = arith.constant 0 : i32
    return %c0_i32, %c0_i32_0, %c0_i32_1 : i32, i32, i32
  }
  func.func @transform_10(%arg0: i32) -> (i32, i32, i32) {
    %c0_i32 = arith.constant 0 : i32
    %c0_i32_0 = arith.constant 0 : i32
    %c0_i32_1 = arith.constant 0 : i32
    %c0_i32_2 = arith.constant 0 : i32
    return %c0_i32, %c0_i32_0, %c0_i32_1 : i32, i32, i32
  }
  func.func @transform_11(%arg0: i32) -> (i32, i32) {
    %c0_i32 = arith.constant 0 : i32
    %c0_i32_0 = arith.constant 0 : i32
    %c0_i32_1 = arith.constant 0 : i32
    return %c0_i32, %c0_i32_0 : i32, i32
  }
  func.func @transform_12(%arg0: i32) -> (i32, i32) {
    %c0_i32 = arith.constant 0 : i32
    %c0_i32_0 = arith.constant 0 : i32
    return %arg0, %c0_i32 : i32, i32
  }
}

</mosaic_0001>

<sc_bundles>
// kernel: gather_offload_async_start
scs
__scs_entry_jumppad:
0x0: {  	(pc) =	sbr.rel $0x88, $3  }
0x1: {  	(tag) =	ssettag $0x0;
	lr =	simm.s32 $0x1  }
0x2: {  	[smem:$0x3F75] =	sst lr;
	_ =	strace $0xD0000000  }
0x3: {  	_ = 	snop  }
0x4: {  	_ = 	snop  }
0x5: {  	_ = 	snop  }
0x6: {  	_ = 	snop  }
0x7: {  	_ = 	snop  }
__scs_overlays_trampoline_lowered:
0x8: {  	[smem:$0x3F84] =	sst s0  }
0x9: {  	[smem:$0x3F85] =	sst s1  }
0xa: {  	[smem:$0x3F86] =	sst s2  }
0xb: {  	[smem:$0x3F87] =	sst s3  }
0xc: {  	[smem:$0x3F88] =	sst s4  }
0xd: {  	[smem:$0x3F89] =	sst s5  }
0xe: {  	[smem:$0x3F8A] =	sst s6  }
0xf: {  	[smem:$0x3F8B] =	sst s7  }
0x10: {  	[smem:$0x3F8C] =	sst s8  }
0x11: {  	[smem:$0x3F8D] =	sst s9;
	s0 =	simm.s32 @!p0 $0x0  }
0x12: {  	s1 =	sld [smem:$0x3F73];
	s0 =	simm.s32 @p0 $0x1  }
0x13: {  	[smem:$0x3F8E] =	sst s0;
	s0 =	simm.s32 @!p1 $0x0  }
0x14: {  	s2 =	sld [smem:$0x3F72];
	s0 =	simm.s32 @p1 $0x1  }
0x15: {  	[smem:$0x3F8F] =	sst s0;
	s0 =	simm.s32 @!p2 $0x0  }
0x16: {  	s3 =	sld [smem:$0x3FDB];
	s0 =	simm.s32 @p2 $0x1  }
0x17: {  	s4 =	simm.s32 $0x1BF5;
	[smem:$0x3F91] =	sst s0  }
0x18: {  	s0 =	sld [smem:$0x3F74];
	_ =	swait.ge [sflag:s4], $0x0  }
0x19: {  	s7 =	sld [smem:$0x3F75]  }
0x1a: {  	s8 =	sadd.s32 $0xFFFFE003, lr  }
0x1b: {  	s9 =	sadd.s32 $0xFFFFFEF7, lr;
	s5 =	simm.s32 $0xFFFFFFFF;
	p2 =	slt.u32 s8, $0xFFFFF086  }
0x1c: {  	p1 =	slt.u32 s9, $0xF7A;
	s5 =	simm.s32 @!p2 $0x0  }
0x1d: {  	s5 =	simm.s32 @p1 $0x1;
	p0 =	seq.s32 s7, s2  }
0x1e: {  	s7 =	smul.u32 @!p0 $0xF7A, s2;
	p2 =	seq.s32 @!p0 s5, $0x0  }
0x1f: {  	s9 =	smul.u32 $0xF7A, s1;
	s8 =	simm.s32 @!p0 $0x1BF5;
	p2 =	por !p2, p0  }
0x20: {  	[sflag:s8] =	ssyncset.s32 @!p0 $0xFFFFF086;
	s6 =	sadd.s32 @!p0 s3, s7;
	s7 =	simm.s32 @!p0 $0x108  }
0x21: {  	s3 =	sadd.s32 s3, s9;
	s6 =	sadd.s32 @!p0 $0x88, s6;
	s7 =	simm.s32 @p2 $0x1082  }
0x22: {  	[simem:s7], [sflag:s8] =	dma.local @!p0 [hbm:s6], $0xF7A  }
0x23: {  	s9 =	sor.u32 $0xD0000000, s2;
	s6 =	simm.s32 $0x108;
	_ =	swait.ge @!p0 [sflag:s8], $0x0  }
0x24: {  	s3 =	sadd.s32 $0x88, s3;
	s6 =	simm.s32 @!p1 $0x1082;
	[sflag:s4] =	ssyncset.s32 $0xFFFFF086  }
0x25: {  	[simem:s6], [sflag:s4] =	dma.local [hbm:s3], $0xF7A  }
0x26: {  	[smem:$0x3F75] =	sst s1;
	(tag) =	ssettag s2;
	_ =	strace s9  }
0x27: {  	s1 =	sld [smem:$0x3F85]  }
0x28: {  	s2 =	sld [smem:$0x3F86]  }
0x29: {  	s4 =	sld [smem:$0x3F88]  }
0x2a: {  	p0 =	seq.s32 s5, $0x0;
	s5 =	sld [smem:$0x3F89]  }
0x2b: {  	s6 =	sld [smem:$0x3F8A]  }
0x2c: {  	s7 =	sld [smem:$0x3F8B]  }
0x2d: {  	s3 =	simm.s32 $0x108;
	s8 =	sld [smem:$0x3F8C]  }
0x2e: {  	s3 =	simm.s32 @!p0 $0x1082;
	s9 =	sld [smem:$0x3F8D]  }
0x2f: {  	lr =	sadd.s32 s0, s3;
	s0 =	sld [smem:$0x3F84]  }
0x30: {  	s3 =	sld [smem:$0x3F87]  }
0x31: {  	[smem:$0x3F90] =	sst s10  }
0x32: {  	s10 =	sld [smem:$0x3F8E];
	_ =	sdelay $0x3  }
0x33: {  	p0 =	seq.s32 s10, $0x1;
	s10 =	sld [smem:$0x3F90];
	_ =	sdelay $0x3  }
0x34: {  	[smem:$0x3F90] =	sst s10  }
0x35: {  	s10 =	sld [smem:$0x3F8F];
	_ =	sdelay $0x3  }
0x36: {  	p1 =	seq.s32 s10, $0x1;
	s10 =	sld [smem:$0x3F90];
	_ =	sdelay $0x3  }
0x37: {  	[smem:$0x3F90] =	sst s10  }
0x38: {  	s10 =	sld [smem:$0x3F91]  }
0x39: {  	_ = 	snop;
	(pc) =	sbr.ind lr, $3  }
0x3a: {  	_ = 	snop  }
0x3b: {  	_ = 	snop  }
0x3c: {  	p2 =	seq.s32 s10, $0x1;
	s10 =	sld [smem:$0x3F90]  }
0x3d: {  	_ =	shalt  }
0x3e: {  	_ =	shalt  }
0x3f: {  	_ =	shalt  }
0x40: {  	_ =	shalt  }
0x41: {  	_ =	shalt  }
0x42: {  	_ =	shalt  }
0x43: {  	_ =	shalt  }
0x44: {  	_ =	shalt  }
0x45: {  	_ =	shalt  }
0x46: {  	_ =	shalt  }
0x47: {  	_ =	shalt  }
0x48: {  	_ =	shalt  }
0x49: {  	_ =	shalt  }
0x4a: {  	_ =	shalt  }
0x4b: {  	_ =	shalt  }
0x4c: {  	_ =	shalt  }
0x4d: {  	_ =	shalt  }
0x4e: {  	_ =	shalt  }
0x4f: {  	_ =	shalt  }
0x50: {  	_ =	shalt  }
0x51: {  	_ =	shalt  }
0x52: {  	_ =	shalt  }
0x53: {  	_ =	shalt  }
0x54: {  	_ =	shalt  }
0x55: {  	_ =	shalt  }
0x56: {  	_ =	shalt  }
0x57: {  	_ =	shalt  }
0x58: {  	_ =	shalt  }
0x59: {  	_ =	shalt  }
0x5a: {  	_ =	shalt  }
0x5b: {  	_ =	shalt  }
0x5c: {  	_ =	shalt  }
0x5d: {  	_ =	shalt  }
0x5e: {  	_ =	shalt  }
0x5f: {  	_ =	shalt  }
0x60: {  	_ =	shalt  }
0x61: {  	_ =	shalt  }
0x62: {  	_ =	shalt  }
0x63: {  	_ =	shalt  }
0x64: {  	_ =	shalt  }
0x65: {  	_ =	shalt  }
0x66: {  	_ =	shalt  }
0x67: {  	_ =	shalt  }
0x68: {  	_ =	shalt  }
0x69: {  	_ =	shalt  }
0x6a: {  	_ =	shalt  }
0x6b: {  	_ =	shalt  }
0x6c: {  	_ =	shalt  }
0x6d: {  	_ =	shalt  }
0x6e: {  	_ =	shalt  }
0x6f: {  	_ =	shalt  }
0x70: {  	_ =	shalt  }
0x71: {  	_ =	shalt  }
0x72: {  	_ =	shalt  }
0x73: {  	_ =	shalt  }
0x74: {  	_ =	shalt  }
0x75: {  	_ =	shalt  }
0x76: {  	_ =	shalt  }
0x77: {  	_ =	shalt  }
0x78: {  	_ =	shalt  }
0x79: {  	_ =	shalt  }
0x7a: {  	_ =	shalt  }
0x7b: {  	_ =	shalt  }
0x7c: {  	_ =	shalt  }
0x7d: {  	_ =	shalt  }
0x7e: {  	_ =	shalt  }
0x7f: {  	_ =	shalt  }
0x80: {  	_ =	shalt  }
0x81: {  	_ =	shalt  }
0x82: {  	_ =	shalt  }
0x83: {  	_ =	shalt  }
0x84: {  	_ =	shalt  }
0x85: {  	_ =	shalt  }
0x86: {  	_ =	shalt  }
0x87: {  	_ =	shalt  }
.Lfunc_end0:
.L_simem_size_0:
called_computation_lowered:
.L_overlay_start_0:
0x88: {  	s2 =	sld [smem:$0x3FD9]  }
0x89: {  	s3 =	sld [smem:$0x3FFE];
	_ =	sdelay $0x1  }
0x8a: {  	s1 =	srdreg.scid  }
0x8b: {  	s0 =	sand.u32 $0x1, s1  }
0x8c: {  	s14 =	sshll.u32 s0, $0xA;
	s2 =	sadd.s32 s3, s2  }
0x8d: {  	s2 =	sadd.s32 s2, s14  }
0x8e: {  	[smem:$0x3F9C] =	sst s2  }
0x8f: {  	_ = 	snop  }
0x90: {  	s2 =	sld [smem:$0x3FD0];
	_ =	sdelay $0x2  }
0x91: {  	s4 =	simm.s32 $0xA;
	s5 =	simm.s32 $0x10;
	s15 =	sld [smem:$0x3FC9]  }
0x92: {  	[smem:s5], [sflag:s4] =	dma.local [hbm:s2], $0x1  }
0x93: {  	_ =	swait.eq [sflag:s4], $0x1  }
0x94: {  	[sflag:s4] =	ssyncset.done $0x0  }
0x95: {  	[sflag:s4] =	ssyncadd.s32 $0xFFFFFFFF  }
0x96: {  	s16 =	sld [smem:$0x10];
	(tm) =	ssettm $0x1  }
0x97: {  	s17 =	sld [smem:$0x3FFB];
	_ =	sdelay $0x3  }
0x98: {  	_ =	strace s17  }
0x99: {  	s4 =	sld [smem:$0x3FFC];
	_ =	sdelay $0x3  }
0x9a: {  	_ =	strace s4  }
0x9b: {  	s4 =	sld [smem:$0x3FFD];
	_ =	sdelay $0x3  }
0x9c: {  	_ =	strace s4  }
0x9d: {  	_ =	strace $0x8FFFFFFF  }
0x9e: {  	s18 =	sld [smem:$0x3FDB];
	_ =	sdelay $0x1  }
0x9f: {  	s19 =	simm.s32 $_scs_section_size  }
0xa0: {  	s6 =	simm.s32 $_size__tile_overlayer_lowered;
	s7 =	simm.s32 $_tile_overlayer_lowered  }
0xa1: {  	s22 =	simm.s32 $0x1BFF;
	s21 =	sshll.u32 s7, $0x1;
	s4 =	sadd.s32 s19, s18  }
0xa2: {  	s8 =	simm.s32 $0x0;
	s20 =	sshll.u32 s6, $0x1;
	s6 =	sadd.s32 s21, s4  }
0xa3: {  	[timem:s8], [sflag:s22] =	dma.local [hbm:s6], s20  }
0xa4: {  	_ =	swait.ge [sflag:s22], s20  }
0xa5: {  	s5 =	ssub.s32 $0x0, s20;
	[sflag:s22] =	ssyncset.done $0x0  }
0xa6: {  	[sflag:s22] =	ssyncadd.s32 s5;
	_ =	sdelay $0x1  }
0xa7: {  	s23 =	simm.s32 $0x1B8B  }
0xa8: {  	_ =	swait.ge [sflag:s23], $0x1  }
0xa9: {  	[sflag:s23] =	ssyncset.done $0x0  }
0xaa: {  	s25 =	simm.s32 $0x1B8E;
	s24 =	sld [smem:$0x3FFE];
	[sflag:s23] =	ssyncadd.s32 $0xFFFFFFFF  }
0xab: {  	s26 =	simm.s32 $execute0_lowered;
	[smem:$0x3FD2] =	sst s25  }
0xac: {  	s6 =	sshll.u32 s26, $0x1;
	_ =	strace $0x80000046;
	[dreg:$0x1] =	wrdreg $0xFFFFFFFF  }
0xad: {  	s28 =	simm.s32 $_size_execute0_lowered;
	s4 =	sadd.s32 s4, s6;
	[dreg:$0x0] =	wrdreg $0x0  }
0xae: {  	s6 =	sshll.u32 s28, $0x1;
	[dreg:$0x2] =	wrdreg s4  }
0xaf: {  	[dreg:$0x3] =	wrdreg s6  }
0xb0: {  	[dreg:$0x4] =	wrdreg $0xC0  }
0xb1: {  	_ =	task [dreg:s8], $0x5FFFF  }
0xb2: {  	[dreg:$0x1] =	wrdreg $0xFFFFFFFF  }
0xb3: {  	[dreg:$0x0] =	wrdreg $0x60  }
0xb4: {  	[dreg:$0x2] =	wrdreg s15  }
0xb5: {  	[dreg:$0x3] =	wrdreg s24  }
0xb6: {  	[dreg:$0x4] =	wrdreg s16  }
0xb7: {  	[dreg:$0x5] =	wrdreg $0x9  }
0xb8: {  	_ =	task.clear_ibuf [dreg:s8], $0x6FFFF;
	_ =	strace $0x90000046  }
0xb9: {  	s29 =	simm.s32 $0x9;
	_ =	strace $0x80000048  }
0xba: {  	_ =	swait.ge [sflag:s29], $0x1  }
0xbb: {  	[sflag:s29] =	ssyncadd.s32 $0xFFFFFFFF  }
0xbc: {  	_ =	strace $0x90000048  }
0xbd: {  	_ =	sfence  }
0xbe: {  	s30 =	sld [smem:$0x0];
	_ =	sdelay $0x2  }
0xbf: {  	s31 =	sshll.u32 s1, $0xD;
	s1 =	sshrl.u32 s1, $0x2  }
0xc0: {  	s3 =	sand.u32 $0x4000, s31;
	s1 =	sadd.s32 s1, s30  }
0xc1: {  	s0 =	sor.u32 s3, s0;
	s1 =	sshll.u32 s1, $0x11  }
0xc2: {  	s0 =	sor.u32 s1, s0  }
0xc3: {  	s0 =	sadd.s32 $0x8F2B, s0  }
0xc4: {  	[sflag:s0] =	ssyncadd.remote.s32 $0x1  }
0xc5: {  	_ =	sfence.sel $0xFFFF  }
0xc6: {  	[dreg:$0x0] =	wrdreg $0xFFFFFFFF;
	(pc) =	sbr.abs _section_cstart, $3  }
0xc7: {  	[dreg:$0x1] =	wrdreg $0xFFFFFFFF  }
0xc8: {  	_ =	task.clear_ibuf [dreg:s8], $0x2FFFF;
	_ =	strace $0x9FFFFFFF  }
0xc9: {  	(tm) =	ssettm $0x7FFFFFFF  }
tec
execute0_lowered:
.L_overlay_start_1:
0x0: {  	(tag) =	ssettag $0x1  }
0x1: {  	s2 =	rddreg [dreg:$0x0]  }
0x2: {  	s3 =	rddreg [dreg:$0x1]  }
0x3: {  	s4 =	rddreg [dreg:$0x2]  }
0x4: {  	s0 =	rddreg [dreg:$0x3];
	s1 =	srdreg.scid  }
0x5: {  	_ =	strace $0x80000047;
	s5 =	simm.s32 $0x1;
	s6 =	sshll.u32 s1, $0x4  }
.Ltmp0:
0x6: {  	s1 =	stileid.u32;
	s6 =	sand.u32 $0x10, s6;
	(pc) =	sbr.rel .LBB2_1-.Ltmp0, $4  }
0x7: {  	s9 =	simm.s32 $0x3;
	s12 =	simm.s32 $0x0;
	s7 =	sor.u32 s1, s6  }
0x8: {  	[sflag:s5] =	ssyncpa.u1 $0x0;
	s6 =	simm.s32 $0x2;
	s7 =	sshll.u32 s7, $0x6  }
0x9: {  	s10 =	simm.s32 $0x0;
	[sflag:s6] =	ssyncpa.u1 $0x0;
	s8 =	sadd.s32 $0x40, s7  }
0xa: {  	vm0 =	vmmov $0xff;
	vm1 =	vcmask $0x3F20;
	[sflag:s9] =	ssyncpa.u1 $0x0;
	s9 =	simm.s32 $0x40;
	s11 =	smov.u32 s7  }
.LBB2_10:
0xb: {  	[hbm:s16] =	stream.linear.scatter [tilespmem:s13], [sflag:$0x3], $0x800, $0x38;
	[tilespmem:$0x8080] =	vst v63  }
.LBB2_11:
0xc: {  	p0 =	seq.s32 s10, $0x2  }
.Ltmp1:
0xd: {  	_ = 	snop;
	(pc) =	sbr.rel @p0 .LBB2_13-.Ltmp1, $1  }
0xe: {  	_ =	sdelay $0x3  }
.LBB2_12:
0xf: {  	s12 =	sadd.s32 $0x40, s11  }
0x10: {  	s13 =	smov.u32 s7;
	p0 =	slt.s32 s12, s8  }
0x11: {  	s13 =	smov.u32 @p0 s12  }
0x12: {  	s10 =	sadd.s32 $0x1, s10;
	s12 =	smov.u32 s11;
	s11 =	smov.u32 s13  }
.LBB2_1:
0x13: {  	p0 =	sne.s32 s10, $0x0  }
.Ltmp2:
0x14: {  	_ = 	snop;
	(pc) =	sbr.rel @!p0 .LBB2_2-.Ltmp2, $1  }
0x15: {  	_ =	sdelay $0x3  }
0x16: {  	s13 =	sand.u32 $0x1, s10  }
0x17: {  	p0 =	seq.s32 s13, $0x0  }
.Ltmp3:
0x18: {  	_ = 	snop;
	(pc) =	sbr.rel @p0 .LBB2_11-.Ltmp3, $1  }
0x19: {  	_ =	sdelay $0x3  }
0x1a: {  	_ =	swait.ge [sflag:s6], $0x40  }
0x1b: {  	[sflag:s6] =	ssyncset.done $0x0  }
0x1c: {  	s13 =	simm.s32 $0x0;
	[sflag:s6] =	ssyncadd.s32 $0xFFFFFFC0  }
.LBB2_5:
0x1d: {  	s14 =	sshll.u32 s13, $0x4  }
0x1e: {  	s14 =	sand.u32 $0x3FFFFFF0, s14  }
0x1f: {  	v0 =	vld.msk [tilespmem:s14+$0x40 ss:$0x1], $0xffff;
	_ =	sdelay $0x4  }
0x20: {  	vm2 =	vgt.s32 v0, $0x0  }
0x21: {  	v0 =	vnsel vm2, $0x0, v0  }
0x22: {  	v0 =	vmin.u32 v0, $0x7FF  }
0x23: {  	s31 =	sshll.u32 s13, $0xC;
	v1 =	vshll.u32 v0, $0x5;
	v0 =	vshll.u32 v0, $0x4  }
0x24: {  	s14 =	sand.u32 $0x3FFFF000, s31;
	v1 =	vand.u32 $0xFF00, v1;
	v0 =	vand.u32 $0x70, v0  }
0x25: {  	p0 =	por $0x1, $0x1;
	s15 =	simm.s32 $0x0;
	s14 =	sadd.s32 $0x4080, s14;
	v0 =	vor.u32 v0, v1  }
.LBB2_6:
0x26: {  	_ =	sdelay $0x1  }
0x27: {  	s15 =	sshra.s32 s15, $0x2;
	p1 =	por p0, p0  }
.Ltmp4:
0x28: {  	s15 =	sadd.s32 s15, s14;
	(pc) =	sbr.rel @p1 .LBB2_6-.Ltmp4, $4  }
0x29: {  	[tilespmem:s15], [sflag:$0x1] =	stream.indirect_vreg.gather [hbm:s2], $0x80, v0, vm0, $0x38;
	[tilespmem:$0x8080] =	vst v63  }
0x2a: {  	s15 =	sadd.s32 $0x800, s15  }
0x2b: {  	[tilespmem:s15], [sflag:$0x1] =	stream.indirect_vreg.gather [hbm:s2], $0x80, v0, vm1, $0x38;
	[tilespmem:$0x8080] =	vst v63  }
0x2c: {  	p0 =	por $0x0, $0x0;
	v0 =	vadd.s32 $0x80, v0;
	s15 =	simm.s32 $0x1000  }
0x2d: {  	s13 =	sadd.s32 $0x1, s13  }
0x2e: {  	p0 =	sne.s32 s13, $0x4  }
.Ltmp5:
0x2f: {  	_ = 	snop;
	(pc) =	sbr.rel @p0 .LBB2_5-.Ltmp5, $1  }
0x30: {  	_ =	sdelay $0x3  }
0x31: {  	s13 =	sshll.u32 s12, $0x5  }
0x32: {  	_ =	swait.ge [sflag:s5], $0x4000;
	s31 =	sshll.u32 s12, $0x4;
	s13 =	sand.u32 $0xFFFFFF00, s13  }
0x33: {  	s14 =	simm.s32 $0x100;
	s12 =	sand.u32 $0x70, s31;
	s13 =	sadd.s32 s13, s4  }
0x34: {  	s15 =	simm.s32 $0x4880;
	[sflag:s5] =	ssyncset.done $0x0;
	s12 =	sadd.s32 s12, s13  }
0x35: {  	[sflag:s5] =	ssyncadd.s32 $0xFFFFC000;
	s13 =	simm.s32 $0x4080;
	s16 =	sadd.s32 $0x0, s12  }
.LBB2_9:
0x36: {  	[hbm:s16] =	stream.linear.scatter [tilespmem:s13], [sflag:$0x3], $0x800, $0x38;
	[tilespmem:$0x8080] =	vst v63  }
0x37: {  	s16 =	smov.u32 s14;
	s13 =	smov.u32 s15;
	p0 =	sne.s32 s14, $0x700  }
.Ltmp6:
0x38: {  	s14 =	sadd.s32 $0x100, s14;
	(pc) =	sbr.rel @p0 .LBB2_9-.Ltmp6, $2  }
0x39: {  	_ =	sdelay $0x2  }
0x3a: {  	s15 =	sadd.s32 $0x800, s15;
	s16 =	sadd.s32 s16, s12  }
.Ltmp7:
0x3b: {  	_ = 	snop;
	(pc) =	sbr.rel .LBB2_10-.Ltmp7, $1  }
0x3c: {  	_ =	sdelay $0x3  }
.LBB2_2:
.Ltmp8:
0x3d: {  	(pc) =	sbr.rel .LBB2_12-.Ltmp8, $4  }
0x3e: {  	_ = 	snop  }
0x3f: {  	s12 =	sshrl.u32 s11, $0x3  }
0x40: {  	s13 =	sand.u32 $0x7, s11;
	s12 =	sadd.s32 s3, s12  }
0x41: {  	[tilespmem:s9], [sflag:$0x2] =	stream.linear.gather [hbm4b:s12+s13], $0x40, $0x38;
	[tilespmem:$0x8080] =	vst v63  }
.LBB2_13:
0x42: {  	s2 =	simm.s32 $0x3  }
0x43: {  	_ =	swait.ge [sflag:s2], $0x4000  }
0x44: {  	[sflag:s2] =	ssyncset.done $0x0  }
0x45: {  	[sflag:s2] =	ssyncadd.s32 $0xFFFFC000  }
0x46: {  	_ =	sfence.sel $0x180000  }
0x47: {  	s3 =	simm.s32 $0x2;
	[bflag:$0x0] =	sbarrier.arrive $0xFFFF  }
0x48: {  	[sflag:s3] =	ssyncpa.u1 $0x1  }
0x49: {  	s31 =	simm.s32 $0x1;
	[sflag:s2] =	ssyncpa.u1 $0x1  }
0x4a: {  	[sflag:s31] =	ssyncpa.u1 $0x1  }
0x4b: {  	p0 =	sne.s32 s1, $0x0;
	_ =	strace $0x90000047  }
0x4c: {  	s0 =	sadd.s32 @!p0 $0x100000, s0;
	[bflag:$0x2] =	sbarrier.arrive $0xFFFF  }
0x4d: {  	[sflag:s0] =	ssyncadd.tile.s32 @!p0 $0x1;
	_ =	shalt  }
.Lfunc_end2:
_tile_overlayer_lowered:
.L_overlay_start_2:
0x4e: {  	(tag) =	ssettag $0x2  }
0x4f: {  	s0 =	rddreg [dreg:$0x0];
	s2 =	stileid.u32  }
0x50: {  	s1 =	rddreg [dreg:$0x1];
	p0 =	sne.s32 s2, $0x0  }
0x51: {  	s3 =	rddreg [dreg:$0x2];
	[bflag:$0x3] =	sbarrier.arrive $0xFFFF;
	s2 =	simm.s32 @!p0 $0x1C01  }
0x52: {  	[timem:s3], [sflag:s2] =	dma.local @!p0 [hbm:s0], s1  }
0x53: {  	s0 =	simm.s32 @!p0 $0x1  }
0x54: {  	_ =	swait.ge @!p0 [sflag:s0], s1  }
0x55: {  	s1 =	ssub.s32 @!p0 $0x0, s1;
	[sflag:s0] =	ssyncset.done @!p0 $0x0  }
0x56: {  	[sflag:s0] =	ssyncadd.s32 @!p0 s1  }
0x57: {  	[bflag:$0x3] =	sbarrier.arrive $0xFFFF  }
0x58: {  	_ =	shalt  }

// kernel: kernel.5.cloned.1.call-start
scs
__scs_entry_jumppad:
0x0: {  	(pc) =	sbr.rel $0x88, $3  }
0x1: {  	(tag) =	ssettag $0x0;
	lr =	simm.s32 $0x1  }
0x2: {  	[smem:$0x3F75] =	sst lr;
	_ =	strace $0xD0000000  }
0x3: {  	_ = 	snop  }
0x4: {  	_ = 	snop  }
0x5: {  	_ = 	snop  }
0x6: {  	_ = 	snop  }
0x7: {  	_ = 	snop  }
__scs_overlays_trampoline_lowered:
0x8: {  	[smem:$0x3F84] =	sst s0  }
0x9: {  	[smem:$0x3F85] =	sst s1  }
0xa: {  	[smem:$0x3F86] =	sst s2  }
0xb: {  	[smem:$0x3F87] =	sst s3  }
0xc: {  	[smem:$0x3F88] =	sst s4  }
0xd: {  	[smem:$0x3F89] =	sst s5  }
0xe: {  	[smem:$0x3F8A] =	sst s6  }
0xf: {  	[smem:$0x3F8B] =	sst s7  }
0x10: {  	[smem:$0x3F8C] =	sst s8  }
0x11: {  	[smem:$0x3F8D] =	sst s9;
	s0 =	simm.s32 @!p0 $0x0  }
0x12: {  	s1 =	sld [smem:$0x3F73];
	s0 =	simm.s32 @p0 $0x1  }
0x13: {  	[smem:$0x3F8E] =	sst s0;
	s0 =	simm.s32 @!p1 $0x0  }
0x14: {  	s2 =	sld [smem:$0x3F72];
	s0 =	simm.s32 @p1 $0x1  }
0x15: {  	[smem:$0x3F8F] =	sst s0;
	s0 =	simm.s32 @!p2 $0x0  }
0x16: {  	s3 =	sld [smem:$0x3FDB];
	s0 =	simm.s32 @p2 $0x1  }
0x17: {  	s4 =	simm.s32 $0x1BF5;
	[smem:$0x3F91] =	sst s0  }
0x18: {  	s0 =	sld [smem:$0x3F74];
	_ =	swait.ge [sflag:s4], $0x0  }
0x19: {  	s7 =	sld [smem:$0x3F75]  }
0x1a: {  	s8 =	sadd.s32 $0xFFFFE003, lr  }
0x1b: {  	s9 =	sadd.s32 $0xFFFFFEF7, lr;
	s5 =	simm.s32 $0xFFFFFFFF;
	p2 =	slt.u32 s8, $0xFFFFF086  }
0x1c: {  	p1 =	slt.u32 s9, $0xF7A;
	s5 =	simm.s32 @!p2 $0x0  }
0x1d: {  	s5 =	simm.s32 @p1 $0x1;
	p0 =	seq.s32 s7, s2  }
0x1e: {  	s7 =	smul.u32 @!p0 $0xF7A, s2;
	p2 =	seq.s32 @!p0 s5, $0x0  }
0x1f: {  	s9 =	smul.u32 $0xF7A, s1;
	s8 =	simm.s32 @!p0 $0x1BF5;
	p2 =	por !p2, p0  }
0x20: {  	[sflag:s8] =	ssyncset.s32 @!p0 $0xFFFFF086;
	s6 =	sadd.s32 @!p0 s3, s7;
	s7 =	simm.s32 @!p0 $0x108  }
0x21: {  	s3 =	sadd.s32 s3, s9;
	s6 =	sadd.s32 @!p0 $0x88, s6;
	s7 =	simm.s32 @p2 $0x1082  }
0x22: {  	[simem:s7], [sflag:s8] =	dma.local @!p0 [hbm:s6], $0xF7A  }
0x23: {  	s9 =	sor.u32 $0xD0000000, s2;
	s6 =	simm.s32 $0x108;
	_ =	swait.ge @!p0 [sflag:s8], $0x0  }
0x24: {  	s3 =	sadd.s32 $0x88, s3;
	s6 =	simm.s32 @!p1 $0x1082;
	[sflag:s4] =	ssyncset.s32 $0xFFFFF086  }
0x25: {  	[simem:s6], [sflag:s4] =	dma.local [hbm:s3], $0xF7A  }
0x26: {  	[smem:$0x3F75] =	sst s1;
	(tag) =	ssettag s2;
	_ =	strace s9  }
0x27: {  	s1 =	sld [smem:$0x3F85]  }
0x28: {  	s2 =	sld [smem:$0x3F86]  }
0x29: {  	s4 =	sld [smem:$0x3F88]  }
0x2a: {  	p0 =	seq.s32 s5, $0x0;
	s5 =	sld [smem:$0x3F89]  }
0x2b: {  	s6 =	sld [smem:$0x3F8A]  }
0x2c: {  	s7 =	sld [smem:$0x3F8B]  }
0x2d: {  	s3 =	simm.s32 $0x108;
	s8 =	sld [smem:$0x3F8C]  }
0x2e: {  	s3 =	simm.s32 @!p0 $0x1082;
	s9 =	sld [smem:$0x3F8D]  }
0x2f: {  	lr =	sadd.s32 s0, s3;
	s0 =	sld [smem:$0x3F84]  }
0x30: {  	s3 =	sld [smem:$0x3F87]  }
0x31: {  	[smem:$0x3F90] =	sst s10  }
0x32: {  	s10 =	sld [smem:$0x3F8E];
	_ =	sdelay $0x3  }
0x33: {  	p0 =	seq.s32 s10, $0x1;
	s10 =	sld [smem:$0x3F90];
	_ =	sdelay $0x3  }
0x34: {  	[smem:$0x3F90] =	sst s10  }
0x35: {  	s10 =	sld [smem:$0x3F8F];
	_ =	sdelay $0x3  }
0x36: {  	p1 =	seq.s32 s10, $0x1;
	s10 =	sld [smem:$0x3F90];
	_ =	sdelay $0x3  }
0x37: {  	[smem:$0x3F90] =	sst s10  }
0x38: {  	s10 =	sld [smem:$0x3F91]  }
0x39: {  	_ = 	snop;
	(pc) =	sbr.ind lr, $3  }
0x3a: {  	_ = 	snop  }
0x3b: {  	_ = 	snop  }
0x3c: {  	p2 =	seq.s32 s10, $0x1;
	s10 =	sld [smem:$0x3F90]  }
0x3d: {  	_ =	shalt  }
0x3e: {  	_ =	shalt  }
0x3f: {  	_ =	shalt  }
0x40: {  	_ =	shalt  }
0x41: {  	_ =	shalt  }
0x42: {  	_ =	shalt  }
0x43: {  	_ =	shalt  }
0x44: {  	_ =	shalt  }
0x45: {  	_ =	shalt  }
0x46: {  	_ =	shalt  }
0x47: {  	_ =	shalt  }
0x48: {  	_ =	shalt  }
0x49: {  	_ =	shalt  }
0x4a: {  	_ =	shalt  }
0x4b: {  	_ =	shalt  }
0x4c: {  	_ =	shalt  }
0x4d: {  	_ =	shalt  }
0x4e: {  	_ =	shalt  }
0x4f: {  	_ =	shalt  }
0x50: {  	_ =	shalt  }
0x51: {  	_ =	shalt  }
0x52: {  	_ =	shalt  }
0x53: {  	_ =	shalt  }
0x54: {  	_ =	shalt  }
0x55: {  	_ =	shalt  }
0x56: {  	_ =	shalt  }
0x57: {  	_ =	shalt  }
0x58: {  	_ =	shalt  }
0x59: {  	_ =	shalt  }
0x5a: {  	_ =	shalt  }
0x5b: {  	_ =	shalt  }
0x5c: {  	_ =	shalt  }
0x5d: {  	_ =	shalt  }
0x5e: {  	_ =	shalt  }
0x5f: {  	_ =	shalt  }
0x60: {  	_ =	shalt  }
0x61: {  	_ =	shalt  }
0x62: {  	_ =	shalt  }
0x63: {  	_ =	shalt  }
0x64: {  	_ =	shalt  }
0x65: {  	_ =	shalt  }
0x66: {  	_ =	shalt  }
0x67: {  	_ =	shalt  }
0x68: {  	_ =	shalt  }
0x69: {  	_ =	shalt  }
0x6a: {  	_ =	shalt  }
0x6b: {  	_ =	shalt  }
0x6c: {  	_ =	shalt  }
0x6d: {  	_ =	shalt  }
0x6e: {  	_ =	shalt  }
0x6f: {  	_ =	shalt  }
0x70: {  	_ =	shalt  }
0x71: {  	_ =	shalt  }
0x72: {  	_ =	shalt  }
0x73: {  	_ =	shalt  }
0x74: {  	_ =	shalt  }
0x75: {  	_ =	shalt  }
0x76: {  	_ =	shalt  }
0x77: {  	_ =	shalt  }
0x78: {  	_ =	shalt  }
0x79: {  	_ =	shalt  }
0x7a: {  	_ =	shalt  }
0x7b: {  	_ =	shalt  }
0x7c: {  	_ =	shalt  }
0x7d: {  	_ =	shalt  }
0x7e: {  	_ =	shalt  }
0x7f: {  	_ =	shalt  }
0x80: {  	_ =	shalt  }
0x81: {  	_ =	shalt  }
0x82: {  	_ =	shalt  }
0x83: {  	_ =	shalt  }
0x84: {  	_ =	shalt  }
0x85: {  	_ =	shalt  }
0x86: {  	_ =	shalt  }
0x87: {  	_ =	shalt  }
.Lfunc_end0:
.L_simem_size_0:
called_computation.1_lowered:
.L_overlay_start_0:
0x88: {  	s2 =	sld [smem:$0x3FD9]  }
0x89: {  	s3 =	sld [smem:$0x3FFE];
	_ =	sdelay $0x1  }
0x8a: {  	s1 =	srdreg.scid  }
0x8b: {  	s0 =	sand.u32 $0x1, s1  }
0x8c: {  	s14 =	sshll.u32 s0, $0xA;
	s2 =	sadd.s32 s3, s2  }
0x8d: {  	s2 =	sadd.s32 s2, s14  }
0x8e: {  	[smem:$0x3F9C] =	sst s2  }
0x8f: {  	_ = 	snop  }
0x90: {  	s2 =	sld [smem:$0x3FD0];
	_ =	sdelay $0x2  }
0x91: {  	s15 =	simm.s32 $0xA;
	s4 =	simm.s32 $0x10  }
0x92: {  	[smem:s4], [sflag:s15] =	dma.local [hbm:s2], $0x1  }
0x93: {  	_ =	swait.eq [sflag:s15], $0x1  }
0x94: {  	[sflag:s15] =	ssyncset.done $0x0  }
0x95: {  	[sflag:s15] =	ssyncadd.s32 $0xFFFFFFFF  }
0x96: {  	s16 =	sld [smem:$0x10];
	(tm) =	ssettm $0x1  }
0x97: {  	s17 =	sld [smem:$0x3FFB];
	_ =	sdelay $0x3  }
0x98: {  	_ =	strace s17  }
0x99: {  	s3 =	sld [smem:$0x3FFC];
	_ =	sdelay $0x3  }
0x9a: {  	_ =	strace s3  }
0x9b: {  	s3 =	sld [smem:$0x3FFD];
	_ =	sdelay $0x3  }
0x9c: {  	_ =	strace s3  }
0x9d: {  	_ =	strace $0x8FFFFFFF  }
0x9e: {  	s18 =	sld [smem:$0x3FDB];
	_ =	sdelay $0x1  }
0x9f: {  	s19 =	simm.s32 $_scs_section_size  }
0xa0: {  	s5 =	simm.s32 $_size__tile_overlayer_lowered;
	s6 =	simm.s32 $_tile_overlayer_lowered  }
0xa1: {  	s22 =	simm.s32 $0x1BFF;
	s21 =	sshll.u32 s6, $0x1;
	s3 =	sadd.s32 s19, s18  }
0xa2: {  	s7 =	simm.s32 $0x0;
	s20 =	sshll.u32 s5, $0x1;
	s5 =	sadd.s32 s21, s3  }
0xa3: {  	[timem:s7], [sflag:s22] =	dma.local [hbm:s5], s20  }
0xa4: {  	_ =	swait.ge [sflag:s22], s20  }
0xa5: {  	s4 =	ssub.s32 $0x0, s20;
	[sflag:s22] =	ssyncset.done $0x0  }
0xa6: {  	[sflag:s22] =	ssyncadd.s32 s4;
	_ =	sdelay $0x1  }
0xa7: {  	s23 =	simm.s32 $0x1B8B  }
0xa8: {  	_ =	swait.ge [sflag:s23], $0x1  }
0xa9: {  	[sflag:s23] =	ssyncset.done $0x0  }
0xaa: {  	s25 =	simm.s32 $0x1B8E;
	s24 =	sld [smem:$0x3FFE];
	[sflag:s23] =	ssyncadd.s32 $0xFFFFFFFF  }
0xab: {  	s26 =	simm.s32 $execute0_lowered;
	[smem:$0x3FD2] =	sst s25  }
0xac: {  	s5 =	sshll.u32 s26, $0x1;
	_ =	strace $0x80000049;
	[dreg:$0x1] =	wrdreg $0xFFFFFFFF  }
0xad: {  	s28 =	simm.s32 $_size_execute0_lowered;
	s3 =	sadd.s32 s3, s5;
	[dreg:$0x0] =	wrdreg $0x0  }
0xae: {  	s5 =	sshll.u32 s28, $0x1;
	[dreg:$0x2] =	wrdreg s3  }
0xaf: {  	[dreg:$0x3] =	wrdreg s5  }
0xb0: {  	[dreg:$0x4] =	wrdreg $0xC0  }
0xb1: {  	_ =	task [dreg:s7], $0x5FFFF  }
0xb2: {  	[dreg:$0x1] =	wrdreg $0xFFFFFFFF  }
0xb3: {  	[dreg:$0x0] =	wrdreg $0x60  }
0xb4: {  	[dreg:$0x2] =	wrdreg s16  }
0xb5: {  	[dreg:$0x3] =	wrdreg s24  }
0xb6: {  	[dreg:$0x4] =	wrdreg $0x9  }
0xb7: {  	_ =	task.clear_ibuf [dreg:s7], $0x5FFFF;
	_ =	strace $0x90000049  }
0xb8: {  	s29 =	simm.s32 $0x9;
	_ =	strace $0x8000004B  }
0xb9: {  	_ =	swait.ge [sflag:s29], $0x1  }
0xba: {  	[sflag:s29] =	ssyncadd.s32 $0xFFFFFFFF  }
0xbb: {  	_ =	strace $0x9000004B  }
0xbc: {  	_ =	sfence  }
0xbd: {  	s30 =	sld [smem:$0x0];
	_ =	sdelay $0x2  }
0xbe: {  	s31 =	sshll.u32 s1, $0xD;
	s1 =	sshrl.u32 s1, $0x2  }
0xbf: {  	s3 =	sand.u32 $0x4000, s31;
	s1 =	sadd.s32 s1, s30  }
0xc0: {  	s0 =	sor.u32 s3, s0;
	s1 =	sshll.u32 s1, $0x11  }
0xc1: {  	s0 =	sor.u32 s1, s0  }
0xc2: {  	s0 =	sadd.s32 $0x8F2B, s0  }
0xc3: {  	[sflag:s0] =	ssyncadd.remote.s32 $0x1  }
0xc4: {  	_ =	sfence.sel $0xFFFF  }
0xc5: {  	[dreg:$0x0] =	wrdreg $0xFFFFFFFF;
	(pc) =	sbr.abs _section_cstart, $3  }
0xc6: {  	[dreg:$0x1] =	wrdreg $0xFFFFFFFF  }
0xc7: {  	_ =	task.clear_ibuf [dreg:s7], $0x2FFFF;
	_ =	strace $0x9FFFFFFF  }
0xc8: {  	(tm) =	ssettm $0x7FFFFFFF  }
0xc9: {  	_ =	shalt  }
tec
execute0_lowered:
.L_overlay_start_1:
0x0: {  	(tag) =	ssettag $0x1  }
0x1: {  	s4 =	rddreg [dreg:$0x0]  }
0x2: {  	s8 =	rddreg [dreg:$0x1]  }
0x3: {  	s0 =	rddreg [dreg:$0x2]  }
0x4: {  	s2 =	simm.s32 $0x0;
	s3 =	srdreg.scid;
	s1 =	stileid.u32  }
0x5: {  	[smem:$0x7FF] =	sst s2;
	s3 =	sand.u32 $0x1, s3;
	s5 =	sshll.u32 s1, $0x1  }
0x6: {  	s9 =	sshll.u32 s1, $0x6;
	s29 =	sshll.u32 s1, $0xA;
	_ =	strace $0x8000004A  }
0x7: {  	s6 =	ssub.s32 $0x2, s3;
	s5 =	sand.u32 $0x2, s5;
	s25 =	sand.u32 $0x380, s9  }
0x8: {  	s7 =	sshrl.u32 s6, $0x1;
	s3 =	sor.u32 s3, s5;
	s26 =	sshrl.u32 s25, $0x3  }
0x9: {  	s10 =	ssub.s32 s6, s7;
	s3 =	sshll.u32 s3, $0x6;
	s4 =	sadd.s32 s4, s26  }
0xa: {  	s28 =	sor.u32 $0x10, s3;
	s11 =	sand.u32 $0x80, s3;
	s7 =	sor.u32 s3, s29  }
0xb: {  	v3 =	vlaneseq.u32;
	s30 =	sor.u32 $0x20, s3;
	s13 =	sor.u32 $0x30, s3;
	s9 =	smax.u32 s10, $0x1  }
0xc: {  	v0 =	vor.u32 s3, v3;
	s10 =	simm.s32 $0x80;
	s12 =	sand.u32 $0x50, s28;
	s7 =	sand.u32 $0x440, s7  }
0xd: {  	s31 =	sand.u32 $0x60, s30;
	s14 =	sand.u32 $0x70, s13;
	v1 =	vor.u32 s28, v3;
	v2 =	vor.u32 s30, v3;
	v3 =	vor.u32 s13, v3;
	s13 =	simm.s32 $0x100  }
0xe: {  	s5 =	sor.u32 s12, s11;
	s6 =	sor.u32 s25, s7;
	s7 =	sor.u32 s14, s11  }
0xf: {  	s12 =	simm.s32 $0x1;
	s14 =	simm.s32 $0x0;
	s15 =	sshrl.u32 s6, $0x3  }
0x10: {  	v4 =	vimm.s32 $0x0;
	s6 =	sor.u32 s31, s11;
	s11 =	simm.s32 $0x400;
	s8 =	sadd.s32 s8, s15  }
.LBB2_1:
0x11: {  	[tilespmem:s2], [sflag:$0x1] =	stream.strided.gather [hbm4b:s4+s10], $0x100, s11, s10, $0x38;
	[tilespmem:$0x180] =	vst v63  }
0x12: {  	s15 =	simm.s32 $0xF;
	s16 =	simm.s32 $0xE;
	s17 =	simm.s32 $0xC  }
0x13: {  	s18 =	simm.s32 $0xD;
	s21 =	simm.s32 $0x8;
	s22 =	simm.s32 $0x9;
	v5 =	vmov s15;
	v6 =	vmov s16  }
0x14: {  	s19 =	simm.s32 $0xA;
	s23 =	simm.s32 $0x5;
	s24 =	simm.s32 $0x6;
	v7 =	vmov s17;
	v8 =	vmov s18;
	v9 =	vmov s21  }
0x15: {  	s25 =	simm.s32 $0x7;
	s26 =	simm.s32 $0x2;
	s28 =	simm.s32 $0x3;
	v10 =	vmov s22;
	v11 =	vmov s19;
	v12 =	vmov s23  }
0x16: {  	s29 =	simm.s32 $0x4;
	s30 =	simm.s32 $0x0;
	_ =	swait.ge [sflag:s12], $0x100;
	v14 =	vmov s24;
	v15 =	vmov s25;
	v16 =	vmov s26  }
0x17: {  	s20 =	simm.s32 $0xB;
	s31 =	simm.s32 $0x1;
	v17 =	vmov s28;
	v18 =	vmov s29;
	v19 =	vmov s30;
	[sflag:s12] =	ssyncset.done $0x0  }
0x18: {  	v20 =	vmov s31;
	vm3 =	vlt.u32 v5, v0;
	v5 =	vmov s20;
	[sflag:s12] =	ssyncadd.s32 $0xFFFFFF00  }
0x19: {  	vm0 =	vlt.u32 v10, v0;
	vm4 =	vlt.u32 v5, v0;
	v5 =	vimm.s32 $0x0;
	v13 =	vld [tilespmem:s2+$0x0]  }
0x1a: {  	vm9 =	vlt.u32 v6, v0;
	vm11 =	vlt.u32 v7, v0;
	v5 =	vsel vm0, $0xFFFFFFFF, v5  }
0x1b: {  	vm12 =	vlt.u32 v8, v0;
	vm0 =	vlt.u32 v11, v0;
	[tilespmem:$0x1FEA0] =	vst v5;
	v5 =	vimm.s32 $0x0  }
0x1c: {  	vm7 =	vlt.u32 v9, v0;
	vm10 =	vlt.u32 v15, v0;
	v5 =	vsel vm0, $0xFFFFFFFF, v5  }
0x1d: {  	v6 =	vimm.s32 $0x0;
	vm0 =	vlt.u32 v14, v0;
	[tilespmem:$0x1FEB0] =	vst v5;
	v5 =	vimm.s32 $0x0  }
0x1e: {  	v5 =	vsel vm0, $0xFFFFFFFF, v5;
	vm0 =	vlt.u32 v12, v0;
	v21 =	vbroadcast v13, $0xE  }
0x1f: {  	v15 =	vbroadcast v13, $0xF;
	v22 =	vbroadcast v13, $0xC;
	[tilespmem:$0x1FEC0] =	vst v5;
	v5 =	vimm.s32 $0x0  }
0x20: {  	v14 =	vbroadcast v13, $0xD;
	v5 =	vsel vm0, $0xFFFFFFFF, v5;
	vm0 =	vlt.u32 v18, v0  }
0x21: {  	v23 =	vbroadcast v13, $0xA;
	v24 =	vbroadcast v13, $0xB;
	v6 =	vsel vm0, $0xFFFFFFFF, v6  }
0x22: {  	v25 =	vbroadcast v13, $0x8;
	vm0 =	vlt.u32 v17, v0;
	[tilespmem:$0x1FEE0] =	vst v6;
	v6 =	vimm.s32 $0x0  }
0x23: {  	v62 =	vbroadcast v13, $0x9;
	v26 =	vbroadcast v13, $0x6;
	[tilespmem:$0x1FED0] =	vst v5;
	v6 =	vsel vm0, $0xFFFFFFFF, v6  }
0x24: {  	v63 =	vbroadcast v13, $0x7;
	v5 =	vld [tilespmem:s3+$0x0];
	vm0 =	vlt.u32 v16, v0;
	[tilespmem:$0x1FEF0] =	vst v6;
	v6 =	vimm.s32 $0x0  }
0x25: {  	v7 =	vbroadcast v13, $0x4;
	v12 =	vbroadcast v13, $0x5;
	v6 =	vsel vm0, $0xFFFFFFFF, v6  }
0x26: {  	v8 =	vbroadcast v13, $0x2;
	vm0 =	vlt.u32 v20, v0;
	[tilespmem:$0x1FF00] =	vst v6;
	v6 =	vimm.s32 $0x0  }
0x27: {  	v9 =	vbroadcast v13, $0x3;
	v11 =	vbroadcast v13, $0x0;
	v6 =	vsel vm0, $0xFFFFFFFF, v6  }
0x28: {  	v10 =	vbroadcast v13, $0x1;
	vm0 =	vlt.u32 v19, v0;
	[tilespmem:$0x1FF10] =	vst v6;
	v6 =	vimm.s32 $0x0  }
0x29: {  	v13 =	vimm.s32 $0x0;
	v6 =	vsel vm0, $0xFFFFFFFF, v6;
	vm0 =	vlt.f32 v21, v5  }
0x2a: {  	v13 =	vsel vm0, $0xFFFFFFFF, v13  }
0x2b: {  	vm0 =	vlt.f32 v15, v5;
	[tilespmem:$0x1FF30] =	vst v13;
	v13 =	vimm.s32 $0x0  }
0x2c: {  	v13 =	vsel vm0, $0xFFFFFFFF, v13  }
0x2d: {  	vm0 =	veq.f32 v15, v5;
	[tilespmem:$0x1FF40] =	vst v13;
	v13 =	vimm.s32 $0x0  }
0x2e: {  	v13 =	vsel vm0, $0xFFFFFFFF, v13  }
0x2f: {  	vm0 =	vlt.f32 v22, v5;
	[tilespmem:$0x1FF50] =	vst v13;
	v13 =	vimm.s32 $0x0  }
0x30: {  	v13 =	vsel vm0, $0xFFFFFFFF, v13  }
0x31: {  	vm0 =	vlt.f32 v14, v5;
	[tilespmem:$0x1FF60] =	vst v13;
	v13 =	vimm.s32 $0x0  }
0x32: {  	v13 =	vsel vm0, $0xFFFFFFFF, v13  }
0x33: {  	vm0 =	vlt.f32 v24, v5;
	[tilespmem:$0x1FF70] =	vst v13;
	v13 =	vimm.s32 $0x0  }
0x34: {  	v13 =	vsel vm0, $0xFFFFFFFF, v13  }
0x35: {  	vm0 =	vlt.f32 v62, v5;
	[tilespmem:$0x1FF80] =	vst v13;
	v13 =	vimm.s32 $0x0  }
0x36: {  	v13 =	vsel vm0, $0xFFFFFFFF, v13  }
0x37: {  	vm0 =	vlt.f32 v23, v5;
	[tilespmem:$0x1FF90] =	vst v13;
	v13 =	vimm.s32 $0x0  }
0x38: {  	v13 =	vsel vm0, $0xFFFFFFFF, v13  }
0x39: {  	vm0 =	veq.f32 v24, v5;
	[tilespmem:$0x1FFA0] =	vst v13;
	v13 =	vimm.s32 $0x0  }
0x3a: {  	v13 =	vsel vm0, $0xFFFFFFFF, v13  }
0x3b: {  	vm0 =	vlt.f32 v25, v5;
	[tilespmem:$0x1FFB0] =	vst v13;
	v13 =	vimm.s32 $0x0  }
0x3c: {  	v13 =	vsel vm0, $0xFFFFFFFF, v13  }
0x3d: {  	vm0 =	vlt.f32 v26, v5;
	[tilespmem:$0x1FFC0] =	vst v13;
	v13 =	vimm.s32 $0x0  }
0x3e: {  	v13 =	vsel vm0, $0xFFFFFFFF, v13  }
0x3f: {  	vm13 =	veq.f32 v21, v5;
	vm0 =	vlt.f32 v63, v5;
	[tilespmem:$0x1FFD0] =	vst v13;
	v13 =	vimm.s32 $0x0  }
0x40: {  	vm8 =	veq.f32 v22, v5;
	vm1 =	veq.f32 v14, v5;
	v13 =	vsel vm0, $0xFFFFFFFF, v13  }
0x41: {  	vm15 =	veq.f32 v62, v5;
	vm0 =	vlt.f32 v12, v5;
	[tilespmem:$0x1FFE0] =	vst v13;
	v13 =	vimm.s32 $0x0  }
0x42: {  	vm2 =	veq.f32 v23, v5;
	vm14 =	veq.f32 v25, v5;
	[tilespmem:$0x1FF20] =	vst v6;
	v13 =	vsel vm0, $0xFFFFFFFF, v13  }
0x43: {  	s15 =	simm.s32 $0x1F;
	s16 =	simm.s32 $0x0;
	vm5 =	veq.f32 v26, v5;
	vm6 =	veq.f32 v63, v5;
	v6 =	vimm.s32 $0x0;
	[tilespmem:$0x1FFF0] =	vst v13  }
.LBB2_2:
0x44: {  	vm0 =	vlt.f32 v9, v5;
	v13 =	vimm.s32 $0x0  }
0x45: {  	v13 =	vsel vm0, $0xFFFFFFFF, v13  }
0x46: {  	vm0 =	vlt.f32 v7, v5;
	[tilespmem:$0x1FE60] =	vst v13;
	v13 =	vimm.s32 $0x0  }
0x47: {  	v13 =	vsel vm0, $0xFFFFFFFF, v13;
	vm0 =	veq.f32 v12, v5;
	v12 =	vimm.s32 $0x0  }
0x48: {  	v12 =	vsel vm0, $0xFFFFFFFF, v12  }
0x49: {  	vm0 =	vlt.f32 v8, v5;
	[tilespmem:$0x1FDF0] =	vst v12;
	v12 =	vimm.s32 $0x0  }
0x4a: {  	v12 =	vsel vm0, $0xFFFFFFFF, v12;
	vm0 =	veq.f32 v9, v5;
	v9 =	vimm.s32 $0x0  }
0x4b: {  	v9 =	vsel vm0, $0xFFFFFFFF, v9;
	vm0 =	veq.f32 v7, v5;
	v7 =	vimm.s32 $0x0  }
0x4c: {  	v7 =	vsel vm0, $0xFFFFFFFF, v7  }
0x4d: {  	vm0 =	vlt.f32 v11, v5;
	[tilespmem:$0x1FDE0] =	vst v7;
	v7 =	vimm.s32 $0x0  }
0x4e: {  	v7 =	vsel vm0, $0xFFFFFFFF, v7  }
0x4f: {  	vm0 =	vlt.f32 v10, v5;
	[tilespmem:$0x1FE00] =	vst v7;
	v7 =	vimm.s32 $0x0  }
0x50: {  	v7 =	vsel vm0, $0xFFFFFFFF, v7  }
0x51: {  	vm0 =	veq.f32 v8, v5;
	[tilespmem:$0x1FE30] =	vst v7;
	v7 =	vimm.s32 $0x0  }
0x52: {  	v7 =	vsel vm0, $0xFFFFFFFF, v7  }
0x53: {  	vm0 =	veq.f32 v11, v5;
	[tilespmem:$0x1FE40] =	vst v7;
	v7 =	vimm.s32 $0x0  }
0x54: {  	v7 =	vsel vm0, $0xFFFFFFFF, v7  }
0x55: {  	vm0 =	veq.f32 v10, v5;
	[tilespmem:$0x1FDD0] =	vst v7;
	v7 =	vimm.s32 $0x0  }
0x56: {  	v7 =	vsel vm0, $0xFFFFFFFF, v7  }
0x57: {  	[tilespmem:$0x1FE10] =	vst v7;
	v7 =	vld [tilespmem:$0x1FF50];
	_ =	sdelay $0x4  }
0x58: {  	vm0 =	vmmov vm13;
	vm13 =	vnez.u8 v7  }
0x59: {  	v7 =	vimm.s32 $0x0;
	vm3 =	vmand vm3, vm13  }
0x5a: {  	v7 =	vsel vm3, $0xFFFFFFFF, v7  }
0x5b: {  	vm3 =	vmand vm11, vm8;
	[tilespmem:$0x1FE90] =	vst v7;
	v7 =	vimm.s32 $0x0  }
0x5c: {  	v7 =	vsel vm3, $0xFFFFFFFF, v7  }
0x5d: {  	[tilespmem:$0x1FE80] =	vst v7;
	v7 =	vld [tilespmem:$0x1FEA0];
	_ =	sdelay $0x4  }
0x5e: {  	vm11 =	vmand vm12, vm1;
	vm1 =	vnez.u8 v7;
	v7 =	vld [tilespmem:$0x1FEB0];
	_ =	sdelay $0x4  }
0x5f: {  	vm15 =	vmand vm1, vm15;
	vm1 =	vnez.u8 v7;
	v7 =	vld [tilespmem:$0x1FFB0];
	_ =	sdelay $0x4  }
0x60: {  	vm1 =	vmand vm1, vm2;
	vm2 =	vnez.u8 v7;
	v7 =	vld [tilespmem:$0x1FEC0];
	_ =	sdelay $0x4  }
0x61: {  	vm8 =	vmand vm4, vm2;
	vm2 =	vnez.u8 v7;
	v7 =	vld [tilespmem:$0x1FF20];
	_ =	sdelay $0x4  }
0x62: {  	vm3 =	vnez.u8 v7;
	v7 =	vld [tilespmem:$0x1FDD0];
	_ =	sdelay $0x4  }
0x63: {  	vm9 =	vmand vm9, vm0;
	vm0 =	vnez.u8 v7;
	v7 =	vld [tilespmem:$0x1FEE0];
	_ =	sdelay $0x4  }
0x64: {  	vm0 =	vmand vm3, vm0;
	vm3 =	vnez.u8 v7;
	v7 =	vld [tilespmem:$0x1FDE0];
	_ =	sdelay $0x4  }
0x65: {  	vm4 =	vnez.u8 v7;
	v7 =	vld [tilespmem:$0x1FED0];
	_ =	sdelay $0x3  }
0x66: {  	vm13 =	vmand vm2, vm5  }
0x67: {  	vm5 =	vmand vm10, vm6;
	vm6 =	vmand vm3, vm4;
	vm3 =	vnez.u8 v7;
	v7 =	vld [tilespmem:$0x1FDF0];
	_ =	sdelay $0x4  }
0x68: {  	vm4 =	vnez.u8 v7;
	v7 =	vld [tilespmem:$0x1FE00];
	_ =	sdelay $0x4  }
0x69: {  	vm2 =	vmand vm7, vm14;
	vm7 =	vmand vm3, vm4;
	vm3 =	vnez.u8 v7;
	v7 =	vld [tilespmem:$0x1FF10];
	_ =	sdelay $0x4  }
0x6a: {  	vm0 =	vmor vm3, vm0;
	vm3 =	vnez.u8 v7;
	v7 =	vld [tilespmem:$0x1FE10];
	_ =	sdelay $0x4  }
0x6b: {  	vm4 =	vnez.u8 v7;
	v7 =	vld [tilespmem:$0x1FEF0];
	_ =	sdelay $0x3  }
0x6c: {  	[tilespmem:$0x1FE20] =	vst v9;
	v8 =	vld [tilespmem:$0x1FE30]  }
0x6d: {  	vm3 =	vmand vm3, vm4;
	vm4 =	vnez.u8 v7;
	v7 =	vld [tilespmem:$0x1FE20];
	_ =	sdelay $0x4  }
0x6e: {  	vm10 =	vnez.u8 v7;
	v7 =	vsel vm0, $0x1, v4;
	vm0 =	vnez.u8 v8;
	v8 =	vld [tilespmem:$0x1FF00];
	_ =	sdelay $0x4  }
0x6f: {  	vm0 =	vmor vm0, vm3;
	vm3 =	vnez.u8 v8;
	v8 =	vld [tilespmem:$0x1FE40];
	_ =	sdelay $0x3  }
0x70: {  	[tilespmem:$0x1FE50] =	vst v12  }
0x71: {  	vm4 =	vmand vm4, vm10;
	vm10 =	vnez.u8 v8;
	v8 =	vld [tilespmem:$0x1FE50];
	_ =	sdelay $0x4  }
0x72: {  	v6 =	vadd.s32 v7, v6;
	v7 =	vsel vm0, $0x1, v4;
	vm0 =	vnez.u8 v8;
	v8 =	vld [tilespmem:$0x1FE60];
	_ =	sdelay $0x2  }
0x73: {  	vm3 =	vmand vm3, vm10  }
0x74: {  	[tilespmem:$0x1FE70] =	vst v13;
	vm0 =	vmor vm0, vm3  }
0x75: {  	v6 =	vadd.s32 v7, v6;
	v7 =	vsel vm0, $0x1, v4;
	vm0 =	vnez.u8 v8;
	v8 =	vld [tilespmem:$0x1FE70];
	_ =	sdelay $0x3  }
0x76: {  	vm0 =	vmor vm0, vm4  }
0x77: {  	v6 =	vadd.s32 v7, v6;
	v7 =	vsel vm0, $0x1, v4;
	vm0 =	vnez.u8 v8;
	v8 =	vld [tilespmem:$0x1FFF0];
	_ =	sdelay $0x3  }
0x78: {  	vm0 =	vmor vm0, vm6  }
0x79: {  	v6 =	vadd.s32 v7, v6;
	v7 =	vsel vm0, $0x1, v4;
	vm0 =	vnez.u8 v8;
	v8 =	vld [tilespmem:$0x1FFD0];
	_ =	sdelay $0x3  }
0x7a: {  	vm0 =	vmor vm0, vm7  }
0x7b: {  	v6 =	vadd.s32 v7, v6;
	v7 =	vsel vm0, $0x1, v4;
	vm0 =	vnez.u8 v8;
	v8 =	vld [tilespmem:$0x1FFE0];
	_ =	sdelay $0x3  }
0x7c: {  	vm0 =	vmor vm0, vm13  }
0x7d: {  	v6 =	vadd.s32 v7, v6;
	v7 =	vsel vm0, $0x1, v4;
	vm0 =	vnez.u8 v8;
	v8 =	vld [tilespmem:$0x1FFC0];
	_ =	sdelay $0x3  }
0x7e: {  	vm0 =	vmor vm0, vm5  }
0x7f: {  	v6 =	vadd.s32 v7, v6;
	v7 =	vsel vm0, $0x1, v4;
	vm0 =	vnez.u8 v8;
	v8 =	vld [tilespmem:$0x1FF90];
	_ =	sdelay $0x3  }
0x80: {  	vm0 =	vmor vm0, vm2  }
0x81: {  	v6 =	vadd.s32 v7, v6;
	v7 =	vsel vm0, $0x1, v4;
	vm0 =	vnez.u8 v8;
	v8 =	vld [tilespmem:$0x1FFA0];
	_ =	sdelay $0x3  }
0x82: {  	vm0 =	vmor vm0, vm15  }
0x83: {  	v6 =	vadd.s32 v7, v6;
	v7 =	vsel vm0, $0x1, v4;
	vm0 =	vnez.u8 v8;
	v8 =	vld [tilespmem:$0x1FF80];
	_ =	sdelay $0x3  }
0x84: {  	vm0 =	vmor vm0, vm1  }
0x85: {  	v6 =	vadd.s32 v7, v6;
	v7 =	vsel vm0, $0x1, v4;
	vm0 =	vnez.u8 v8;
	v8 =	vld [tilespmem:$0x1FF60];
	_ =	sdelay $0x3  }
0x86: {  	vm0 =	vmor vm0, vm8  }
0x87: {  	v6 =	vadd.s32 v7, v6;
	v7 =	vsel vm0, $0x1, v4;
	vm0 =	vnez.u8 v8;
	v8 =	vld [tilespmem:$0x1FE80];
	_ =	sdelay $0x4  }
0x88: {  	vm1 =	vnez.u8 v8;
	v8 =	vld [tilespmem:$0x1FF70];
	_ =	sdelay $0x3  }
0x89: {  	vm0 =	vmor vm0, vm1  }
0x8a: {  	v6 =	vadd.s32 v7, v6;
	v7 =	vsel vm0, $0x1, v4;
	vm0 =	vnez.u8 v8;
	v8 =	vld [tilespmem:$0x1FF30];
	_ =	sdelay $0x3  }
0x8b: {  	vm0 =	vmor vm0, vm11  }
0x8c: {  	v6 =	vadd.s32 v7, v6;
	v7 =	vsel vm0, $0x1, v4;
	vm0 =	vnez.u8 v8;
	v8 =	vld [tilespmem:$0x1FF40];
	_ =	sdelay $0x2  }
0x8d: {  	s16 =	sadd.s32 $0x10, s16  }
0x8e: {  	v14 =	vld [tilespmem:s16+$0x0];
	vm0 =	vmor vm0, vm9  }
0x8f: {  	v6 =	vadd.s32 v7, v6;
	v7 =	vsel vm0, $0x1, v4;
	vm0 =	vnez.u8 v8;
	v8 =	vld [tilespmem:$0x1FE90]  }
0x90: {  	s23 =	sadd.s32 $0xFFFFFFF6, s15;
	s24 =	sadd.s32 $0xFFFFFFF7, s15  }
0x91: {  	s26 =	sadd.s32 $0xFFFFFFF3, s15;
	s28 =	sadd.s32 $0xFFFFFFF4, s15;
	s29 =	sadd.s32 $0xFFFFFFF5, s15;
	v15 =	vmov s23;
	v16 =	vmov s24  }
0x92: {  	s22 =	sadd.s32 $0xFFFFFFFB, s15;
	s30 =	sadd.s32 $0xFFFFFFF1, s15;
	v18 =	vmov s26;
	v19 =	vmov s28;
	v20 =	vmov s29  }
0x93: {  	v21 =	vmov s30;
	v13 =	vmov s22;
	v60 =	vbroadcast v14, $0xF  }
0x94: {  	v61 =	vbroadcast v14, $0xC;
	v23 =	vbroadcast v14, $0xD;
	vm1 =	vnez.u8 v8  }
0x95: {  	v24 =	vbroadcast v14, $0xB;
	v62 =	vbroadcast v14, $0x8;
	vm0 =	vmor vm0, vm1  }
0x96: {  	s18 =	sadd.s32 $0xFFFFFFFC, s15;
	s21 =	sadd.s32 $0xFFFFFFFA, s15;
	v25 =	vbroadcast v14, $0x9;
	v6 =	vadd.s32 v7, v6;
	v7 =	vsel vm0, $0x1, v4  }
0x97: {  	v12 =	vmov s21;
	v6 =	vadd.s32 v7, v6;
	v7 =	vmov s18  }
0x98: {  	vm0 =	vlt.u32 v12, v0;
	vm4 =	vlt.u32 v7, v0;
	v7 =	vimm.s32 $0x0  }
0x99: {  	s31 =	sadd.s32 $0xFFFFFFF9, s15;
	v63 =	vbroadcast v14, $0x6;
	v26 =	vbroadcast v14, $0x7;
	v7 =	vsel vm0, $0xFFFFFFFF, v7  }
0x9a: {  	s17 =	sadd.s32 $0xFFFFFFFF, s15;
	v11 =	vmov s31;
	s31 =	sadd.s32 $0xFFFFFFF2, s15;
	vm0 =	vlt.u32 v13, v0;
	[tilespmem:$0x1FEA0] =	vst v7;
	v7 =	vimm.s32 $0x0  }
0x9b: {  	s20 =	sadd.s32 $0xFFFFFFFE, s15;
	v9 =	vmov s17;
	v22 =	vmov s31;
	v7 =	vsel vm0, $0xFFFFFFFF, v7  }
0x9c: {  	v10 =	vmov s20;
	vm0 =	vlt.u32 v16, v0;
	[tilespmem:$0x1FEB0] =	vst v7;
	v7 =	vimm.s32 $0x0  }
0x9d: {  	vm12 =	vlt.u32 v10, v0;
	v10 =	vimm.s32 $0x0;
	v7 =	vsel vm0, $0xFFFFFFFF, v7  }
0x9e: {  	vm7 =	vlt.u32 v11, v0;
	vm0 =	vlt.u32 v15, v0;
	[tilespmem:$0x1FEC0] =	vst v7;
	v7 =	vimm.s32 $0x0  }
0x9f: {  	v11 =	vbroadcast v14, $0x0;
	vm9 =	vlt.u32 v9, v0;
	v7 =	vsel vm0, $0xFFFFFFFF, v7  }
0xa0: {  	v8 =	vmov s15;
	vm0 =	vlt.u32 v20, v0;
	[tilespmem:$0x1FED0] =	vst v7;
	v7 =	vimm.s32 $0x0  }
0xa1: {  	s19 =	sadd.s32 $0xFFFFFFFD, s15;
	v9 =	vbroadcast v14, $0x3;
	vm3 =	vlt.u32 v8, v0;
	v7 =	vsel vm0, $0xFFFFFFFF, v7  }
0xa2: {  	v8 =	vmov s19;
	vm0 =	vlt.u32 v19, v0;
	[tilespmem:$0x1FEE0] =	vst v7;
	v7 =	vimm.s32 $0x0  }
0xa3: {  	vm11 =	vlt.u32 v8, v0;
	v12 =	vbroadcast v14, $0x5;
	v7 =	vsel vm0, $0xFFFFFFFF, v7  }
0xa4: {  	v8 =	vimm.s32 $0x0;
	vm0 =	vlt.u32 v18, v0;
	[tilespmem:$0x1FEF0] =	vst v7;
	v7 =	vimm.s32 $0x0  }
0xa5: {  	v13 =	vbroadcast v14, $0xE;
	v7 =	vsel vm0, $0xFFFFFFFF, v7;
	vm0 =	vlt.u32 v22, v0  }
0xa6: {  	v15 =	vbroadcast v14, $0xA;
	[tilespmem:$0x1FF00] =	vst v7;
	v8 =	vsel vm0, $0xFFFFFFFF, v8;
	vm0 =	vlt.u32 v21, v0  }
0xa7: {  	v7 =	vbroadcast v14, $0x4;
	[tilespmem:$0x1FF10] =	vst v8;
	v8 =	vbroadcast v14, $0x2;
	v10 =	vsel vm0, $0xFFFFFFFF, v10  }
0xa8: {  	vm0 =	vlt.f32 v13, v5;
	[tilespmem:$0x1FF20] =	vst v10;
	v10 =	vbroadcast v14, $0x1;
	v14 =	vimm.s32 $0x0  }
0xa9: {  	v14 =	vsel vm0, $0xFFFFFFFF, v14  }
0xaa: {  	vm0 =	vlt.f32 v60, v5;
	[tilespmem:$0x1FF30] =	vst v14;
	v14 =	vimm.s32 $0x0  }
0xab: {  	v14 =	vsel vm0, $0xFFFFFFFF, v14  }
0xac: {  	vm0 =	veq.f32 v60, v5;
	[tilespmem:$0x1FF40] =	vst v14;
	v14 =	vimm.s32 $0x0  }
0xad: {  	v14 =	vsel vm0, $0xFFFFFFFF, v14  }
0xae: {  	vm0 =	vlt.f32 v61, v5;
	[tilespmem:$0x1FF50] =	vst v14;
	v14 =	vimm.s32 $0x0  }
0xaf: {  	v14 =	vsel vm0, $0xFFFFFFFF, v14  }
0xb0: {  	vm13 =	veq.f32 v13, v5;
	vm0 =	vlt.f32 v23, v5;
	[tilespmem:$0x1FF60] =	vst v14;
	v14 =	vimm.s32 $0x0  }
0xb1: {  	v13 =	vimm.s32 $0x0;
	v14 =	vsel vm0, $0xFFFFFFFF, v14;
	vm0 =	vlt.f32 v24, v5  }
0xb2: {  	v13 =	vsel vm0, $0xFFFFFFFF, v13  }
0xb3: {  	vm0 =	vlt.f32 v25, v5;
	[tilespmem:$0x1FF80] =	vst v13;
	v13 =	vimm.s32 $0x0  }
0xb4: {  	v13 =	vsel vm0, $0xFFFFFFFF, v13  }
0xb5: {  	vm0 =	vlt.f32 v15, v5;
	[tilespmem:$0x1FF90] =	vst v13;
	v13 =	vimm.s32 $0x0  }
0xb6: {  	v13 =	vsel vm0, $0xFFFFFFFF, v13  }
0xb7: {  	vm0 =	veq.f32 v24, v5;
	[tilespmem:$0x1FFA0] =	vst v13;
	v13 =	vimm.s32 $0x0  }
0xb8: {  	v13 =	vsel vm0, $0xFFFFFFFF, v13  }
0xb9: {  	vm0 =	vlt.f32 v62, v5;
	[tilespmem:$0x1FFB0] =	vst v13;
	v13 =	vimm.s32 $0x0  }
0xba: {  	v13 =	vsel vm0, $0xFFFFFFFF, v13  }
0xbb: {  	vm0 =	vlt.f32 v63, v5;
	[tilespmem:$0x1FFC0] =	vst v13;
	v13 =	vimm.s32 $0x0  }
0xbc: {  	p0 =	sne.s32 s15, $0xFF;
	s25 =	sadd.s32 $0xFFFFFFF8, s15;
	v13 =	vsel vm0, $0xFFFFFFFF, v13  }
.Ltmp0:
0xbd: {  	v17 =	vmov s25;
	vm0 =	vlt.f32 v26, v5;
	[tilespmem:$0x1FFD0] =	vst v13;
	v13 =	vimm.s32 $0x0;
	(pc) =	sbr.rel @p0 .LBB2_2-.Ltmp0, $4  }
0xbe: {  	vm14 =	veq.f32 v62, v5;
	vm10 =	vlt.u32 v17, v0;
	v13 =	vsel vm0, $0xFFFFFFFF, v13  }
0xbf: {  	vm6 =	veq.f32 v26, v5;
	vm0 =	vlt.f32 v12, v5;
	[tilespmem:$0x1FFE0] =	vst v13;
	v13 =	vimm.s32 $0x0  }
0xc0: {  	vm5 =	veq.f32 v63, v5;
	vm15 =	veq.f32 v25, v5;
	[tilespmem:$0x1FF70] =	vst v14;
	v13 =	vsel vm0, $0xFFFFFFFF, v13  }
0xc1: {  	vm8 =	veq.f32 v61, v5;
	s15 =	sadd.s32 $0x10, s15;
	vm1 =	veq.f32 v23, v5;
	vm2 =	veq.f32 v15, v5;
	[tilespmem:$0x1FFF0] =	vst v13  }
0xc2: {  	v13 =	vld [tilespmem:$0x1FF50];
	_ =	sdelay $0x4  }
0xc3: {  	vm0 =	vnez.u8 v13  }
0xc4: {  	v13 =	vimm.s32 $0x0;
	vm0 =	vmand vm3, vm0  }
0xc5: {  	v13 =	vsel vm0, $0xFFFFFFFF, v13  }
0xc6: {  	[tilespmem:$0x1FC60] =	vst v13;
	v13 =	vld [tilespmem:$0x1FEA0];
	_ =	sdelay $0x4  }
0xc7: {  	vm0 =	vnez.u8 v13;
	v13 =	vld [tilespmem:$0x1FEB0];
	_ =	sdelay $0x4  }
0xc8: {  	vm3 =	vmand vm0, vm15;
	vm0 =	vnez.u8 v13;
	v13 =	vld [tilespmem:$0x1FFB0];
	_ =	sdelay $0x4  }
0xc9: {  	vm15 =	vmand vm0, vm2;
	vm0 =	vnez.u8 v13;
	v13 =	vld [tilespmem:$0x1FEC0];
	_ =	sdelay $0x4  }
0xca: {  	vm2 =	vnez.u8 v13;
	v13 =	vld [tilespmem:$0x1FF20];
	_ =	sdelay $0x4  }
0xcb: {  	vm11 =	vmand vm11, vm8;
	vm8 =	vnez.u8 v13;
	v13 =	vld [tilespmem:$0x1FEE0];
	_ =	sdelay $0x2  }
0xcc: {  	vm0 =	vmand vm4, vm0  }
0xcd: {  	vm5 =	vmand vm2, vm5;
	vm2 =	vmand vm7, vm14;
	vm7 =	veq.f32 v11, v5  }
0xce: {  	vm4 =	veq.f32 v7, v5;
	vm7 =	vmand vm8, vm7;
	vm8 =	vnez.u8 v13  }
0xcf: {  	vm4 =	vmand vm8, vm4;
	vm8 =	veq.f32 v12, v5;
	v12 =	vld [tilespmem:$0x1FED0];
	_ =	sdelay $0x4  }
0xd0: {  	vm1 =	vmand vm12, vm1;
	vm12 =	vmand vm9, vm13;
	vm9 =	vnez.u8 v12  }
0xd1: {  	vm8 =	vmand vm9, vm8;
	vm9 =	vlt.f32 v11, v5;
	v11 =	vld [tilespmem:$0x1FF10];
	_ =	sdelay $0x4  }
0xd2: {  	vm7 =	vmor vm9, vm7;
	vm9 =	vnez.u8 v11;
	v11 =	vld [tilespmem:$0x1FEF0];
	_ =	sdelay $0x3  }
0xd3: {  	vm6 =	vmand vm10, vm6;
	vm10 =	veq.f32 v10, v5  }
0xd4: {  	vm9 =	vmand vm9, vm10;
	vm10 =	veq.f32 v9, v5;
	vm13 =	vnez.u8 v11  }
0xd5: {  	vm10 =	vmand vm13, vm10;
	vm13 =	vlt.f32 v10, v5;
	v10 =	vld [tilespmem:$0x1FF00];
	_ =	sdelay $0x4  }
0xd6: {  	vm14 =	veq.f32 v8, v5;
	vm9 =	vmor vm13, vm9;
	vm13 =	vnez.u8 v10  }
0xd7: {  	vm13 =	vmand vm13, vm14;
	vm14 =	vlt.f32 v8, v5;
	v8 =	vsel vm7, $0x1, v4  }
0xd8: {  	v6 =	vadd.s32 v8, v6;
	v8 =	vld [tilespmem:$0x1FFF0];
	_ =	sdelay $0x2  }
0xd9: {  	v10 =	vsel vm9, $0x1, v4;
	vm9 =	vlt.f32 v7, v5  }
0xda: {  	vm4 =	vmor vm9, vm4  }
0xdb: {  	v7 =	vsel vm4, $0x1, v4;
	vm4 =	vnez.u8 v8;
	v8 =	vld [tilespmem:$0x1FFD0]  }
0xdc: {  	vm7 =	vmor vm14, vm13  }
0xdd: {  	v11 =	vsel vm7, $0x1, v4;
	vm7 =	vlt.f32 v9, v5  }
0xde: {  	v6 =	vadd.s32 v10, v6;
	vm7 =	vmor vm7, vm10  }
0xdf: {  	v6 =	vadd.s32 v11, v6;
	v5 =	vsel vm7, $0x1, v4;
	vm4 =	vmor vm4, vm8  }
0xe0: {  	v5 =	vadd.s32 v5, v6;
	v6 =	vsel vm4, $0x1, v4;
	vm4 =	vnez.u8 v8  }
0xe1: {  	v5 =	vadd.s32 v7, v5;
	v8 =	vld [tilespmem:$0x1FFE0];
	vm4 =	vmor vm4, vm5  }
0xe2: {  	v5 =	vadd.s32 v6, v5;
	v7 =	vsel vm4, $0x1, v4  }
0xe3: {  	v5 =	vadd.s32 v7, v5;
	v7 =	vld [tilespmem:$0x1FFC0];
	_ =	sdelay $0x2  }
0xe4: {  	vm4 =	vnez.u8 v8  }
0xe5: {  	vm4 =	vmor vm4, vm6  }
0xe6: {  	v6 =	vsel vm4, $0x1, v4;
	vm4 =	vnez.u8 v7;
	v7 =	vld [tilespmem:$0x1FF90];
	_ =	sdelay $0x3  }
0xe7: {  	vm2 =	vmor vm4, vm2  }
0xe8: {  	v5 =	vadd.s32 v6, v5;
	v6 =	vsel vm2, $0x1, v4;
	vm2 =	vnez.u8 v7;
	v7 =	vld [tilespmem:$0x1FFA0];
	_ =	sdelay $0x3  }
0xe9: {  	vm2 =	vmor vm2, vm3  }
0xea: {  	v5 =	vadd.s32 v6, v5;
	v6 =	vsel vm2, $0x1, v4;
	vm2 =	vnez.u8 v7;
	v7 =	vld [tilespmem:$0x1FF80];
	_ =	sdelay $0x3  }
0xeb: {  	vm2 =	vmor vm2, vm15  }
0xec: {  	v5 =	vadd.s32 v6, v5;
	v6 =	vsel vm2, $0x1, v4;
	vm2 =	vnez.u8 v7;
	v7 =	vld [tilespmem:$0x1FF60];
	_ =	sdelay $0x3  }
0xed: {  	vm0 =	vmor vm2, vm0  }
0xee: {  	v5 =	vadd.s32 v6, v5;
	v6 =	vsel vm0, $0x1, v4;
	vm0 =	vnez.u8 v7;
	v7 =	vld [tilespmem:$0x1FF70];
	_ =	sdelay $0x3  }
0xef: {  	vm0 =	vmor vm0, vm11  }
0xf0: {  	v5 =	vadd.s32 v6, v5;
	v6 =	vsel vm0, $0x1, v4;
	vm0 =	vnez.u8 v7;
	v7 =	vld [tilespmem:$0x1FF30];
	_ =	sdelay $0x3  }
0xf1: {  	vm0 =	vmor vm0, vm1  }
0xf2: {  	v5 =	vadd.s32 v6, v5;
	v6 =	vsel vm0, $0x1, v4;
	vm0 =	vnez.u8 v7;
	v7 =	vld [tilespmem:$0x1FF40];
	_ =	sdelay $0x3  }
0xf3: {  	vm0 =	vmor vm0, vm12  }
0xf4: {  	v5 =	vadd.s32 v6, v5;
	v6 =	vsel vm0, $0x1, v4;
	vm0 =	vnez.u8 v7;
	v7 =	vld [tilespmem:$0x1FC60];
	_ =	sdelay $0x2  }
0xf5: {  	s23 =	simm.s32 $0x5;
	s24 =	simm.s32 $0x6;
	s26 =	simm.s32 $0x2  }
0xf6: {  	s28 =	simm.s32 $0x3;
	s29 =	simm.s32 $0x4;
	v14 =	vmov s23;
	v15 =	vmov s24;
	v17 =	vmov s26  }
0xf7: {  	s21 =	simm.s32 $0xA;
	s30 =	simm.s32 $0x0;
	v18 =	vmov s28;
	v19 =	vmov s29;
	vm1 =	vnez.u8 v7  }
0xf8: {  	s18 =	simm.s32 $0xC;
	v20 =	vmov s30;
	v12 =	vmov s21;
	vm0 =	vmor vm0, vm1  }
0xf9: {  	s19 =	simm.s32 $0xD;
	s20 =	simm.s32 $0x9;
	v9 =	vmov s18;
	v5 =	vadd.s32 v6, v5;
	v6 =	vsel vm0, $0x1, v4  }
0xfa: {  	s17 =	simm.s32 $0xE;
	v10 =	vmov s19;
	v11 =	vmov s20;
	v5 =	vadd.s32 v6, v5  }
0xfb: {  	vm10 =	vlt.u32 v14, v1;
	v8 =	vmov s17;
	v5 =	vshrl.u32 v5, $0x6  }
0xfc: {  	vm13 =	vlt.u32 v11, v1;
	vm8 =	vlt.u32 v8, v1;
	v5 =	vsub.s32 $0x3, v5  }
0xfd: {  	s16 =	simm.s32 $0xF;
	s15 =	simm.s32 $0x0;
	s22 =	simm.s32 $0x8;
	v8 =	vimm.s32 $0x0;
	vm11 =	vlt.u32 v9, v1;
	vm12 =	vlt.u32 v10, v1;
	[tilespmem:$0x100] =	vst v5  }
0xfe: {  	v10 =	vimm.s32 $0x0;
	v7 =	vmov s16;
	v5 =	vmov s22;
	v13 =	vld [tilespmem:s15+$0x0]  }
0xff: {  	s31 =	simm.s32 $0xB;
	vm0 =	vlt.u32 v12, v1;
	vm7 =	vlt.u32 v5, v1;
	v5 =	vimm.s32 $0x0  }
0x100: {  	vm3 =	vlt.u32 v7, v1;
	v7 =	vmov s31;
	s31 =	simm.s32 $0x1;
	v5 =	vsel vm0, $0xFFFFFFFF, v5  }
0x101: {  	v21 =	vmov s31;
	vm0 =	vlt.u32 v15, v1;
	[tilespmem:$0x1FC70] =	vst v5;
	v5 =	vimm.s32 $0x0  }
0x102: {  	vm4 =	vlt.u32 v7, v1;
	v7 =	vimm.s32 $0x0;
	v5 =	vsel vm0, $0xFFFFFFFF, v5  }
0x103: {  	vm0 =	vlt.u32 v19, v1;
	v61 =	vbroadcast v13, $0xE;
	v22 =	vbroadcast v13, $0xF  }
0x104: {  	v7 =	vsel vm0, $0xFFFFFFFF, v7;
	v15 =	vbroadcast v13, $0xC;
	v23 =	vbroadcast v13, $0xD  }
0x105: {  	vm0 =	vlt.u32 v18, v1;
	v14 =	vbroadcast v13, $0xA;
	v24 =	vbroadcast v13, $0xB  }
0x106: {  	[tilespmem:$0x1FC90] =	vst v7;
	v62 =	vbroadcast v13, $0x8;
	v25 =	vbroadcast v13, $0x9;
	v7 =	vimm.s32 $0x0  }
0x107: {  	[tilespmem:$0x1FC80] =	vst v5;
	v5 =	vld [tilespmem:s5+$0x0];
	v63 =	vbroadcast v13, $0x6;
	v26 =	vbroadcast v13, $0x7;
	v7 =	vsel vm0, $0xFFFFFFFF, v7  }
0x108: {  	v12 =	vbroadcast v13, $0x5;
	vm0 =	vlt.u32 v17, v1;
	[tilespmem:$0x1FCA0] =	vst v7;
	v7 =	vimm.s32 $0x0  }
0x109: {  	v9 =	vbroadcast v13, $0x3;
	v7 =	vsel vm0, $0xFFFFFFFF, v7;
	vm0 =	vlt.u32 v21, v1  }
0x10a: {  	v11 =	vbroadcast v13, $0x0;
	[tilespmem:$0x1FCB0] =	vst v7;
	v8 =	vsel vm0, $0xFFFFFFFF, v8;
	vm0 =	vlt.u32 v20, v1  }
0x10b: {  	v7 =	vbroadcast v13, $0x4;
	[tilespmem:$0x1FCC0] =	vst v8;
	v8 =	vbroadcast v13, $0x2;
	v10 =	vsel vm0, $0xFFFFFFFF, v10  }
0x10c: {  	vm0 =	vlt.f32 v61, v5;
	[tilespmem:$0x1FCD0] =	vst v10;
	v10 =	vbroadcast v13, $0x1;
	v13 =	vimm.s32 $0x0  }
0x10d: {  	v13 =	vsel vm0, $0xFFFFFFFF, v13  }
0x10e: {  	vm0 =	vlt.f32 v22, v5;
	[tilespmem:$0x1FCE0] =	vst v13;
	v13 =	vimm.s32 $0x0  }
0x10f: {  	v13 =	vsel vm0, $0xFFFFFFFF, v13  }
0x110: {  	vm0 =	veq.f32 v22, v5;
	[tilespmem:$0x1FCF0] =	vst v13;
	v13 =	vimm.s32 $0x0  }
0x111: {  	v13 =	vsel vm0, $0xFFFFFFFF, v13  }
0x112: {  	vm0 =	vlt.f32 v15, v5;
	[tilespmem:$0x1FD00] =	vst v13;
	v13 =	vimm.s32 $0x0  }
0x113: {  	v13 =	vsel vm0, $0xFFFFFFFF, v13  }
0x114: {  	vm0 =	vlt.f32 v23, v5;
	[tilespmem:$0x1FD10] =	vst v13;
	v13 =	vimm.s32 $0x0  }
0x115: {  	v13 =	vsel vm0, $0xFFFFFFFF, v13  }
0x116: {  	vm0 =	veq.f32 v61, v5;
	[tilespmem:$0x1FD20] =	vst v13;
	v13 =	vimm.s32 $0x0  }
0x117: {  	v13 =	vsel vm0, $0xFFFFFFFF, v13  }
0x118: {  	vm0 =	vlt.f32 v24, v5;
	[tilespmem:$0x1FD30] =	vst v13;
	v13 =	vimm.s32 $0x0  }
0x119: {  	v13 =	vsel vm0, $0xFFFFFFFF, v13  }
0x11a: {  	vm0 =	veq.f32 v15, v5;
	[tilespmem:$0x1FD40] =	vst v13;
	v13 =	vimm.s32 $0x0  }
0x11b: {  	v13 =	vsel vm0, $0xFFFFFFFF, v13  }
0x11c: {  	vm2 =	vlt.f32 v25, v5;
	[tilespmem:$0x1FD50] =	vst v13;
	v13 =	vimm.s32 $0x0  }
0x11d: {  	v13 =	vsel vm2, $0xFFFFFFFF, v13  }
0x11e: {  	vm2 =	vlt.f32 v14, v5;
	[tilespmem:$0x1FD60] =	vst v13;
	v13 =	vimm.s32 $0x0  }
0x11f: {  	v13 =	vsel vm2, $0xFFFFFFFF, v13  }
0x120: {  	vm0 =	veq.f32 v24, v5;
	[tilespmem:$0x1FD70] =	vst v13;
	v13 =	vimm.s32 $0x0  }
0x121: {  	v13 =	vsel vm0, $0xFFFFFFFF, v13  }
0x122: {  	vm2 =	vlt.f32 v62, v5;
	[tilespmem:$0x1FD80] =	vst v13;
	v13 =	vimm.s32 $0x0  }
0x123: {  	v13 =	vsel vm2, $0xFFFFFFFF, v13  }
0x124: {  	vm5 =	vlt.f32 v63, v5;
	[tilespmem:$0x1FD90] =	vst v13;
	v13 =	vimm.s32 $0x0  }
0x125: {  	s25 =	simm.s32 $0x7;
	v13 =	vsel vm5, $0xFFFFFFFF, v13  }
0x126: {  	v16 =	vmov s25;
	vm5 =	vlt.f32 v26, v5;
	[tilespmem:$0x1FDA0] =	vst v13;
	v13 =	vimm.s32 $0x0  }
0x127: {  	vm9 =	vlt.u32 v16, v1;
	v6 =	vimm.s32 $0x0;
	v13 =	vsel vm5, $0xFFFFFFFF, v13  }
0x128: {  	vm1 =	veq.f32 v23, v5;
	vm5 =	vlt.f32 v12, v5;
	[tilespmem:$0x1FDB0] =	vst v13;
	v13 =	vimm.s32 $0x0  }
0x129: {  	vm15 =	veq.f32 v25, v5;
	vm14 =	veq.f32 v62, v5;
	v13 =	vsel vm5, $0xFFFFFFFF, v13  }
0x12a: {  	s16 =	simm.s32 $0x1F;
	vm6 =	veq.f32 v26, v5;
	vm2 =	veq.f32 v14, v5;
	vm5 =	veq.f32 v63, v5;
	[tilespmem:$0x1FDC0] =	vst v13  }
.LBB2_4:
0x12b: {  	vm0 =	vlt.f32 v9, v5;
	v13 =	vimm.s32 $0x0  }
0x12c: {  	v13 =	vsel vm0, $0xFFFFFFFF, v13  }
0x12d: {  	vm0 =	vlt.f32 v7, v5;
	[tilespmem:$0x1FC10] =	vst v13;
	v13 =	vimm.s32 $0x0  }
0x12e: {  	v13 =	vsel vm0, $0xFFFFFFFF, v13;
	vm0 =	veq.f32 v12, v5;
	v12 =	vimm.s32 $0x0  }
0x12f: {  	v12 =	vsel vm0, $0xFFFFFFFF, v12  }
0x130: {  	vm0 =	vlt.f32 v8, v5;
	[tilespmem:$0x1FBA0] =	vst v12;
	v12 =	vimm.s32 $0x0  }
0x131: {  	v12 =	vsel vm0, $0xFFFFFFFF, v12;
	vm0 =	veq.f32 v9, v5;
	v9 =	vimm.s32 $0x0  }
0x132: {  	v9 =	vsel vm0, $0xFFFFFFFF, v9;
	vm0 =	veq.f32 v7, v5;
	v7 =	vimm.s32 $0x0  }
0x133: {  	v7 =	vsel vm0, $0xFFFFFFFF, v7  }
0x134: {  	vm0 =	vlt.f32 v11, v5;
	[tilespmem:$0x1FB90] =	vst v7;
	v7 =	vimm.s32 $0x0  }
0x135: {  	v7 =	vsel vm0, $0xFFFFFFFF, v7  }
0x136: {  	vm0 =	vlt.f32 v10, v5;
	[tilespmem:$0x1FBB0] =	vst v7;
	v7 =	vimm.s32 $0x0  }
0x137: {  	v7 =	vsel vm0, $0xFFFFFFFF, v7  }
0x138: {  	vm0 =	veq.f32 v8, v5;
	[tilespmem:$0x1FBE0] =	vst v7;
	v7 =	vimm.s32 $0x0  }
0x139: {  	v7 =	vsel vm0, $0xFFFFFFFF, v7  }
0x13a: {  	vm0 =	veq.f32 v11, v5;
	[tilespmem:$0x1FBF0] =	vst v7;
	v7 =	vimm.s32 $0x0  }
0x13b: {  	v7 =	vsel vm0, $0xFFFFFFFF, v7  }
0x13c: {  	vm0 =	veq.f32 v10, v5;
	[tilespmem:$0x1FB80] =	vst v7;
	v7 =	vimm.s32 $0x0  }
0x13d: {  	v7 =	vsel vm0, $0xFFFFFFFF, v7  }
0x13e: {  	[tilespmem:$0x1FBC0] =	vst v7;
	v7 =	vld [tilespmem:$0x1FD00];
	_ =	sdelay $0x4  }
0x13f: {  	vm0 =	vnez.u8 v7  }
0x140: {  	v7 =	vimm.s32 $0x0;
	vm3 =	vmand vm3, vm0  }
0x141: {  	v7 =	vsel vm3, $0xFFFFFFFF, v7  }
0x142: {  	[tilespmem:$0x1FC50] =	vst v7;
	v7 =	vld [tilespmem:$0x1FD50];
	_ =	sdelay $0x4  }
0x143: {  	vm0 =	vnez.u8 v7  }
0x144: {  	v7 =	vimm.s32 $0x0;
	vm0 =	vmand vm11, vm0  }
0x145: {  	v7 =	vsel vm0, $0xFFFFFFFF, v7  }
0x146: {  	vm0 =	vmand vm12, vm1;
	[tilespmem:$0x1FC30] =	vst v7;
	v7 =	vimm.s32 $0x0  }
0x147: {  	v7 =	vsel vm0, $0xFFFFFFFF, v7  }
0x148: {  	[tilespmem:$0x1FC40] =	vst v7;
	v7 =	vld [tilespmem:$0x1FD30];
	_ =	sdelay $0x4  }
0x149: {  	vm0 =	vnez.u8 v7;
	v7 =	vld [tilespmem:$0x1FC70];
	_ =	sdelay $0x4  }
0x14a: {  	vm12 =	vmand vm8, vm0;
	vm0 =	vnez.u8 v7;
	v7 =	vld [tilespmem:$0x1FD80];
	_ =	sdelay $0x4  }
0x14b: {  	vm1 =	vmand vm0, vm2;
	vm0 =	vnez.u8 v7;
	v7 =	vld [tilespmem:$0x1FC80];
	_ =	sdelay $0x4  }
0x14c: {  	vm2 =	vnez.u8 v7;
	v7 =	vld [tilespmem:$0x1FCD0];
	_ =	sdelay $0x4  }
0x14d: {  	vm3 =	vnez.u8 v7;
	v7 =	vld [tilespmem:$0x1FB80];
	_ =	sdelay $0x4  }
0x14e: {  	vm0 =	vmand vm4, vm0;
	vm4 =	vnez.u8 v7;
	v7 =	vld [tilespmem:$0x1FC90];
	_ =	sdelay $0x4  }
0x14f: {  	vm3 =	vmand vm3, vm4;
	vm4 =	vnez.u8 v7;
	v7 =	vld [tilespmem:$0x1FB90];
	_ =	sdelay $0x4  }
0x150: {  	vm11 =	vmand vm2, vm5;
	vm5 =	vmand vm9, vm6;
	vm6 =	vnez.u8 v7;
	v7 =	vld [tilespmem:$0x1FBA0];
	_ =	sdelay $0x4  }
0x151: {  	vm6 =	vmand vm4, vm6;
	vm4 =	vnez.u8 v7;
	v7 =	vld [tilespmem:$0x1FBB0];
	_ =	sdelay $0x4  }
0x152: {  	vm8 =	vmand vm10, vm4;
	vm4 =	vnez.u8 v7;
	v7 =	vld [tilespmem:$0x1FCC0];
	_ =	sdelay $0x4  }
0x153: {  	vm3 =	vmor vm4, vm3;
	vm4 =	vnez.u8 v7;
	v7 =	vld [tilespmem:$0x1FBC0];
	_ =	sdelay $0x4  }
0x154: {  	vm2 =	vmand vm7, vm14;
	vm7 =	vnez.u8 v7;
	v7 =	vld [tilespmem:$0x1FCA0];
	_ =	sdelay $0x3  }
0x155: {  	[tilespmem:$0x1FBD0] =	vst v9;
	v8 =	vld [tilespmem:$0x1FBE0]  }
0x156: {  	vm4 =	vmand vm4, vm7;
	vm7 =	vnez.u8 v7;
	v7 =	vld [tilespmem:$0x1FBD0];
	_ =	sdelay $0x4  }
0x157: {  	vm9 =	vnez.u8 v7;
	v7 =	vsel vm3, $0x1, v4;
	vm3 =	vnez.u8 v8;
	v8 =	vld [tilespmem:$0x1FCB0];
	_ =	sdelay $0x4  }
0x158: {  	vm3 =	vmor vm3, vm4;
	vm4 =	vnez.u8 v8;
	v8 =	vld [tilespmem:$0x1FBF0];
	_ =	sdelay $0x3  }
0x159: {  	[tilespmem:$0x1FC00] =	vst v12  }
0x15a: {  	vm7 =	vmand vm7, vm9;
	vm9 =	vnez.u8 v8;
	v8 =	vld [tilespmem:$0x1FC00];
	_ =	sdelay $0x4  }
0x15b: {  	v6 =	vadd.s32 v7, v6;
	v7 =	vsel vm3, $0x1, v4;
	vm3 =	vnez.u8 v8;
	v8 =	vld [tilespmem:$0x1FC10];
	_ =	sdelay $0x2  }
0x15c: {  	vm4 =	vmand vm4, vm9  }
0x15d: {  	[tilespmem:$0x1FC20] =	vst v13;
	vm3 =	vmor vm3, vm4  }
0x15e: {  	v6 =	vadd.s32 v7, v6;
	v7 =	vsel vm3, $0x1, v4;
	vm3 =	vnez.u8 v8;
	v8 =	vld [tilespmem:$0x1FC20];
	_ =	sdelay $0x3  }
0x15f: {  	vm3 =	vmor vm3, vm7  }
0x160: {  	v6 =	vadd.s32 v7, v6;
	v7 =	vsel vm3, $0x1, v4;
	vm3 =	vnez.u8 v8;
	v8 =	vld [tilespmem:$0x1FDC0];
	_ =	sdelay $0x3  }
0x161: {  	vm3 =	vmor vm3, vm6  }
0x162: {  	v6 =	vadd.s32 v7, v6;
	v7 =	vsel vm3, $0x1, v4;
	vm3 =	vnez.u8 v8;
	v8 =	vld [tilespmem:$0x1FDA0];
	_ =	sdelay $0x3  }
0x163: {  	vm3 =	vmor vm3, vm8  }
0x164: {  	v6 =	vadd.s32 v7, v6;
	v7 =	vsel vm3, $0x1, v4;
	vm3 =	vnez.u8 v8;
	v8 =	vld [tilespmem:$0x1FDB0];
	_ =	sdelay $0x3  }
0x165: {  	vm3 =	vmor vm3, vm11  }
0x166: {  	v6 =	vadd.s32 v7, v6;
	v7 =	vsel vm3, $0x1, v4;
	vm3 =	vnez.u8 v8;
	v8 =	vld [tilespmem:$0x1FD90];
	_ =	sdelay $0x3  }
0x167: {  	vm3 =	vmor vm3, vm5  }
0x168: {  	v6 =	vadd.s32 v7, v6;
	v7 =	vsel vm3, $0x1, v4;
	vm3 =	vnez.u8 v8;
	v8 =	vld [tilespmem:$0x1FD60];
	_ =	sdelay $0x3  }
0x169: {  	vm2 =	vmor vm3, vm2  }
0x16a: {  	v6 =	vadd.s32 v7, v6;
	v7 =	vsel vm2, $0x1, v4;
	vm2 =	vnez.u8 v8;
	v8 =	vld [tilespmem:$0x1FD70];
	_ =	sdelay $0x2  }
0x16b: {  	vm15 =	vmand vm13, vm15  }
0x16c: {  	vm2 =	vmor vm2, vm15  }
0x16d: {  	v6 =	vadd.s32 v7, v6;
	v7 =	vsel vm2, $0x1, v4;
	vm2 =	vnez.u8 v8;
	v8 =	vld [tilespmem:$0x1FD40];
	_ =	sdelay $0x3  }
0x16e: {  	vm1 =	vmor vm2, vm1  }
0x16f: {  	v6 =	vadd.s32 v7, v6;
	v7 =	vsel vm1, $0x1, v4;
	vm1 =	vnez.u8 v8;
	v8 =	vld [tilespmem:$0x1FD10];
	_ =	sdelay $0x3  }
0x170: {  	vm0 =	vmor vm1, vm0  }
0x171: {  	v6 =	vadd.s32 v7, v6;
	v7 =	vsel vm0, $0x1, v4;
	vm0 =	vnez.u8 v8;
	v8 =	vld [tilespmem:$0x1FC30];
	_ =	sdelay $0x4  }
0x172: {  	vm1 =	vnez.u8 v8;
	v8 =	vld [tilespmem:$0x1FD20];
	_ =	sdelay $0x3  }
0x173: {  	vm0 =	vmor vm0, vm1  }
0x174: {  	v6 =	vadd.s32 v7, v6;
	v7 =	vsel vm0, $0x1, v4;
	vm0 =	vnez.u8 v8;
	v8 =	vld [tilespmem:$0x1FC40];
	_ =	sdelay $0x4  }
0x175: {  	vm1 =	vnez.u8 v8;
	v8 =	vld [tilespmem:$0x1FCE0];
	_ =	sdelay $0x3  }
0x176: {  	vm0 =	vmor vm0, vm1  }
0x177: {  	s15 =	sadd.s32 $0x10, s15;
	v6 =	vadd.s32 v7, v6;
	v7 =	vsel vm0, $0x1, v4;
	vm0 =	vnez.u8 v8;
	v8 =	vld [tilespmem:$0x1FCF0]  }
0x178: {  	v14 =	vld [tilespmem:s15+$0x0]  }
0x179: {  	s23 =	sadd.s32 $0xFFFFFFF6, s16;
	s24 =	sadd.s32 $0xFFFFFFF7, s16  }
0x17a: {  	s26 =	sadd.s32 $0xFFFFFFF3, s16;
	s28 =	sadd.s32 $0xFFFFFFF4, s16;
	v15 =	vmov s23;
	v16 =	vmov s24  }
0x17b: {  	v18 =	vmov s26;
	v19 =	vmov s28;
	vm0 =	vmor vm0, vm12  }
0x17c: {  	s29 =	sadd.s32 $0xFFFFFFF5, s16;
	v6 =	vadd.s32 v7, v6;
	v7 =	vsel vm0, $0x1, v4;
	vm0 =	vnez.u8 v8;
	v8 =	vld [tilespmem:$0x1FC50]  }
0x17d: {  	s30 =	sadd.s32 $0xFFFFFFF1, s16;
	v20 =	vmov s29;
	v60 =	vbroadcast v14, $0xF;
	v61 =	vbroadcast v14, $0xC  }
0x17e: {  	s22 =	sadd.s32 $0xFFFFFFFB, s16;
	v21 =	vmov s30;
	v23 =	vbroadcast v14, $0xD;
	v24 =	vbroadcast v14, $0xB  }
0x17f: {  	s21 =	sadd.s32 $0xFFFFFFFA, s16;
	v13 =	vmov s22;
	v62 =	vbroadcast v14, $0x8;
	v25 =	vbroadcast v14, $0x9  }
0x180: {  	s17 =	sadd.s32 $0xFFFFFFFF, s16;
	v63 =	vbroadcast v14, $0x6;
	v26 =	vbroadcast v14, $0x7;
	v12 =	vmov s21  }
0x181: {  	s31 =	sadd.s32 $0xFFFFFFF9, s16;
	v9 =	vmov s17;
	vm13 =	vlt.u32 v12, v1;
	vm1 =	vnez.u8 v8  }
0x182: {  	v12 =	vbroadcast v14, $0x5;
	v11 =	vmov s31;
	s31 =	sadd.s32 $0xFFFFFFF2, s16;
	vm0 =	vmor vm0, vm1  }
0x183: {  	s18 =	sadd.s32 $0xFFFFFFFC, s16;
	s20 =	sadd.s32 $0xFFFFFFFE, s16;
	v22 =	vmov s31;
	v6 =	vadd.s32 v7, v6;
	v7 =	vsel vm0, $0x1, v4  }
0x184: {  	v10 =	vmov s20;
	v6 =	vadd.s32 v7, v6;
	v7 =	vmov s18  }
0x185: {  	vm0 =	vlt.u32 v13, v1;
	vm4 =	vlt.u32 v7, v1;
	v7 =	vimm.s32 $0x0  }
0x186: {  	vm10 =	vlt.u32 v15, v1;
	v15 =	vbroadcast v14, $0xA;
	v7 =	vsel vm0, $0xFFFFFFFF, v7  }
0x187: {  	vm7 =	vlt.u32 v11, v1;
	vm0 =	vlt.u32 v16, v1;
	[tilespmem:$0x1FC70] =	vst v7;
	v7 =	vimm.s32 $0x0  }
0x188: {  	v11 =	vbroadcast v14, $0x0;
	vm8 =	vlt.u32 v9, v1;
	v7 =	vsel vm0, $0xFFFFFFFF, v7  }
0x189: {  	v9 =	vbroadcast v14, $0x3;
	vm0 =	vlt.u32 v20, v1;
	[tilespmem:$0x1FC80] =	vst v7;
	v7 =	vimm.s32 $0x0  }
0x18a: {  	vm12 =	vlt.u32 v10, v1;
	v10 =	vimm.s32 $0x0;
	v7 =	vsel vm0, $0xFFFFFFFF, v7  }
0x18b: {  	s19 =	sadd.s32 $0xFFFFFFFD, s16;
	v8 =	vmov s16;
	vm0 =	vlt.u32 v19, v1;
	[tilespmem:$0x1FC90] =	vst v7;
	v7 =	vimm.s32 $0x0  }
0x18c: {  	vm3 =	vlt.u32 v8, v1;
	v8 =	vmov s19;
	v7 =	vsel vm0, $0xFFFFFFFF, v7  }
0x18d: {  	vm11 =	vlt.u32 v8, v1;
	vm0 =	vlt.u32 v18, v1;
	[tilespmem:$0x1FCA0] =	vst v7;
	v7 =	vimm.s32 $0x0  }
0x18e: {  	v8 =	vimm.s32 $0x0;
	v7 =	vsel vm0, $0xFFFFFFFF, v7;
	vm0 =	vlt.u32 v22, v1  }
0x18f: {  	v13 =	vbroadcast v14, $0xE;
	[tilespmem:$0x1FCB0] =	vst v7;
	v8 =	vsel vm0, $0xFFFFFFFF, v8;
	vm0 =	vlt.u32 v21, v1  }
0x190: {  	v7 =	vbroadcast v14, $0x4;
	[tilespmem:$0x1FCC0] =	vst v8;
	v8 =	vbroadcast v14, $0x2;
	v10 =	vsel vm0, $0xFFFFFFFF, v10  }
0x191: {  	vm0 =	vlt.f32 v13, v5;
	[tilespmem:$0x1FCD0] =	vst v10;
	v10 =	vbroadcast v14, $0x1;
	v14 =	vimm.s32 $0x0  }
0x192: {  	v14 =	vsel vm0, $0xFFFFFFFF, v14  }
0x193: {  	vm0 =	vlt.f32 v60, v5;
	[tilespmem:$0x1FCE0] =	vst v14;
	v14 =	vimm.s32 $0x0  }
0x194: {  	v14 =	vsel vm0, $0xFFFFFFFF, v14  }
0x195: {  	vm0 =	veq.f32 v60, v5;
	[tilespmem:$0x1FCF0] =	vst v14;
	v14 =	vimm.s32 $0x0  }
0x196: {  	v14 =	vsel vm0, $0xFFFFFFFF, v14  }
0x197: {  	vm0 =	vlt.f32 v61, v5;
	[tilespmem:$0x1FD00] =	vst v14;
	v14 =	vimm.s32 $0x0  }
0x198: {  	v14 =	vsel vm0, $0xFFFFFFFF, v14  }
0x199: {  	vm0 =	vlt.f32 v23, v5;
	[tilespmem:$0x1FD10] =	vst v14;
	v14 =	vimm.s32 $0x0  }
0x19a: {  	v14 =	vsel vm0, $0xFFFFFFFF, v14;
	vm0 =	veq.f32 v13, v5;
	v13 =	vimm.s32 $0x0  }
0x19b: {  	v13 =	vsel vm0, $0xFFFFFFFF, v13  }
0x19c: {  	vm0 =	vlt.f32 v24, v5;
	[tilespmem:$0x1FD30] =	vst v13;
	v13 =	vimm.s32 $0x0  }
0x19d: {  	v13 =	vsel vm0, $0xFFFFFFFF, v13  }
0x19e: {  	vm0 =	veq.f32 v61, v5;
	[tilespmem:$0x1FD40] =	vst v13;
	v13 =	vimm.s32 $0x0  }
0x19f: {  	v13 =	vsel vm0, $0xFFFFFFFF, v13  }
0x1a0: {  	vm2 =	vlt.f32 v25, v5;
	[tilespmem:$0x1FD50] =	vst v13;
	v13 =	vimm.s32 $0x0  }
0x1a1: {  	v13 =	vsel vm2, $0xFFFFFFFF, v13  }
0x1a2: {  	vm2 =	vlt.f32 v15, v5;
	[tilespmem:$0x1FD60] =	vst v13;
	v13 =	vimm.s32 $0x0  }
0x1a3: {  	v13 =	vsel vm2, $0xFFFFFFFF, v13  }
0x1a4: {  	vm0 =	veq.f32 v24, v5;
	[tilespmem:$0x1FD70] =	vst v13;
	v13 =	vimm.s32 $0x0  }
0x1a5: {  	v13 =	vsel vm0, $0xFFFFFFFF, v13  }
0x1a6: {  	vm2 =	vlt.f32 v62, v5;
	[tilespmem:$0x1FD80] =	vst v13;
	v13 =	vimm.s32 $0x0  }
0x1a7: {  	v13 =	vsel vm2, $0xFFFFFFFF, v13  }
0x1a8: {  	vm5 =	vlt.f32 v63, v5;
	[tilespmem:$0x1FD90] =	vst v13;
	v13 =	vimm.s32 $0x0  }
0x1a9: {  	p0 =	sne.s32 s16, $0xFF;
	v13 =	vsel vm5, $0xFFFFFFFF, v13  }
.Ltmp1:
0x1aa: {  	s25 =	sadd.s32 $0xFFFFFFF8, s16;
	vm5 =	vlt.f32 v26, v5;
	[tilespmem:$0x1FDA0] =	vst v13;
	v13 =	vimm.s32 $0x0;
	(pc) =	sbr.rel @p0 .LBB2_4-.Ltmp1, $4  }
0x1ab: {  	v17 =	vmov s25;
	vm14 =	veq.f32 v62, v5;
	v13 =	vsel vm5, $0xFFFFFFFF, v13  }
0x1ac: {  	vm9 =	vlt.u32 v17, v1;
	vm5 =	vlt.f32 v12, v5;
	[tilespmem:$0x1FDB0] =	vst v13;
	v13 =	vimm.s32 $0x0  }
0x1ad: {  	vm6 =	veq.f32 v26, v5;
	vm15 =	veq.f32 v25, v5;
	[tilespmem:$0x1FD20] =	vst v14;
	v13 =	vsel vm5, $0xFFFFFFFF, v13  }
0x1ae: {  	s16 =	sadd.s32 $0x10, s16;
	vm1 =	veq.f32 v23, v5;
	vm2 =	veq.f32 v15, v5;
	vm5 =	veq.f32 v63, v5;
	[tilespmem:$0x1FDC0] =	vst v13  }
0x1af: {  	v13 =	vld [tilespmem:$0x1FD00];
	_ =	sdelay $0x4  }
0x1b0: {  	vm0 =	vnez.u8 v13  }
0x1b1: {  	v13 =	vimm.s32 $0x0;
	vm3 =	vmand vm3, vm0  }
0x1b2: {  	v13 =	vsel vm3, $0xFFFFFFFF, v13  }
0x1b3: {  	[tilespmem:$0x1FA10] =	vst v13;
	v13 =	vld [tilespmem:$0x1FD50];
	_ =	sdelay $0x4  }
0x1b4: {  	vm0 =	vnez.u8 v13;
	v13 =	vld [tilespmem:$0x1FD30];
	_ =	sdelay $0x4  }
0x1b5: {  	vm11 =	vmand vm11, vm0;
	vm0 =	vnez.u8 v13;
	v13 =	vld [tilespmem:$0x1FC70];
	_ =	sdelay $0x4  }
0x1b6: {  	vm1 =	vmand vm12, vm1;
	vm12 =	vmand vm8, vm0;
	vm0 =	vnez.u8 v13;
	v13 =	vld [tilespmem:$0x1FD80];
	_ =	sdelay $0x4  }
0x1b7: {  	vm3 =	vmand vm13, vm15;
	vm15 =	vmand vm0, vm2;
	vm0 =	vnez.u8 v13;
	v13 =	vld [tilespmem:$0x1FC80];
	_ =	sdelay $0x4  }
0x1b8: {  	vm2 =	vnez.u8 v13;
	v13 =	vld [tilespmem:$0x1FCD0];
	_ =	sdelay $0x1  }
0x1b9: {  	vm6 =	vmand vm9, vm6;
	vm9 =	vlt.f32 v11, v5  }
0x1ba: {  	vm5 =	vmand vm2, vm5;
	vm2 =	vmand vm7, vm14;
	vm7 =	veq.f32 v11, v5;
	v11 =	vld [tilespmem:$0x1FCC0];
	_ =	sdelay $0x1  }
0x1bb: {  	vm8 =	vnez.u8 v13;
	v13 =	vld [tilespmem:$0x1FC90];
	_ =	sdelay $0x1  }
0x1bc: {  	vm7 =	vmand vm8, vm7  }
0x1bd: {  	vm7 =	vmor vm9, vm7;
	vm9 =	vnez.u8 v11;
	v11 =	vld [tilespmem:$0x1FCA0];
	_ =	sdelay $0x1  }
0x1be: {  	vm0 =	vmand vm4, vm0;
	vm4 =	veq.f32 v7, v5;
	vm8 =	vnez.u8 v13  }
0x1bf: {  	vm4 =	vmand vm8, vm4;
	vm8 =	veq.f32 v12, v5  }
0x1c0: {  	vm8 =	vmand vm10, vm8;
	vm10 =	veq.f32 v10, v5  }
0x1c1: {  	vm13 =	vnez.u8 v11;
	vm9 =	vmand vm9, vm10;
	vm10 =	veq.f32 v9, v5  }
0x1c2: {  	vm10 =	vmand vm13, vm10;
	vm13 =	vlt.f32 v10, v5;
	v10 =	vld [tilespmem:$0x1FCB0];
	_ =	sdelay $0x4  }
0x1c3: {  	vm14 =	veq.f32 v8, v5;
	vm9 =	vmor vm13, vm9;
	vm13 =	vnez.u8 v10  }
0x1c4: {  	vm13 =	vmand vm13, vm14;
	vm14 =	vlt.f32 v8, v5;
	v8 =	vsel vm7, $0x1, v4  }
0x1c5: {  	v6 =	vadd.s32 v8, v6;
	v8 =	vld [tilespmem:$0x1FDC0];
	_ =	sdelay $0x2  }
0x1c6: {  	v10 =	vsel vm9, $0x1, v4;
	vm9 =	vlt.f32 v7, v5  }
0x1c7: {  	vm4 =	vmor vm9, vm4  }
0x1c8: {  	v7 =	vsel vm4, $0x1, v4;
	vm4 =	vnez.u8 v8;
	v8 =	vld [tilespmem:$0x1FDA0]  }
0x1c9: {  	vm7 =	vmor vm14, vm13  }
0x1ca: {  	v11 =	vsel vm7, $0x1, v4;
	vm7 =	vlt.f32 v9, v5  }
0x1cb: {  	v6 =	vadd.s32 v10, v6;
	vm7 =	vmor vm7, vm10  }
0x1cc: {  	v6 =	vadd.s32 v11, v6;
	v5 =	vsel vm7, $0x1, v4;
	vm4 =	vmor vm4, vm8  }
0x1cd: {  	v5 =	vadd.s32 v5, v6;
	v6 =	vsel vm4, $0x1, v4;
	vm4 =	vnez.u8 v8  }
0x1ce: {  	v5 =	vadd.s32 v7, v5;
	v8 =	vld [tilespmem:$0x1FDB0];
	vm4 =	vmor vm4, vm5  }
0x1cf: {  	v5 =	vadd.s32 v6, v5;
	v7 =	vsel vm4, $0x1, v4  }
0x1d0: {  	v5 =	vadd.s32 v7, v5;
	v7 =	vld [tilespmem:$0x1FD90];
	_ =	sdelay $0x2  }
0x1d1: {  	vm4 =	vnez.u8 v8  }
0x1d2: {  	vm4 =	vmor vm4, vm6  }
0x1d3: {  	v6 =	vsel vm4, $0x1, v4;
	vm4 =	vnez.u8 v7;
	v7 =	vld [tilespmem:$0x1FD60];
	_ =	sdelay $0x3  }
0x1d4: {  	vm2 =	vmor vm4, vm2  }
0x1d5: {  	v5 =	vadd.s32 v6, v5;
	v6 =	vsel vm2, $0x1, v4;
	vm2 =	vnez.u8 v7;
	v7 =	vld [tilespmem:$0x1FD70];
	_ =	sdelay $0x3  }
0x1d6: {  	vm2 =	vmor vm2, vm3  }
0x1d7: {  	v5 =	vadd.s32 v6, v5;
	v6 =	vsel vm2, $0x1, v4;
	vm2 =	vnez.u8 v7;
	v7 =	vld [tilespmem:$0x1FD40];
	_ =	sdelay $0x3  }
0x1d8: {  	vm2 =	vmor vm2, vm15  }
0x1d9: {  	v5 =	vadd.s32 v6, v5;
	v6 =	vsel vm2, $0x1, v4;
	vm2 =	vnez.u8 v7;
	v7 =	vld [tilespmem:$0x1FD10];
	_ =	sdelay $0x3  }
0x1da: {  	vm0 =	vmor vm2, vm0  }
0x1db: {  	v5 =	vadd.s32 v6, v5;
	v6 =	vsel vm0, $0x1, v4;
	vm0 =	vnez.u8 v7;
	v7 =	vld [tilespmem:$0x1FD20];
	_ =	sdelay $0x3  }
0x1dc: {  	vm0 =	vmor vm0, vm11  }
0x1dd: {  	v5 =	vadd.s32 v6, v5;
	v6 =	vsel vm0, $0x1, v4;
	vm0 =	vnez.u8 v7;
	v7 =	vld [tilespmem:$0x1FCE0];
	_ =	sdelay $0x3  }
0x1de: {  	vm0 =	vmor vm0, vm1  }
0x1df: {  	v5 =	vadd.s32 v6, v5;
	v6 =	vsel vm0, $0x1, v4;
	vm0 =	vnez.u8 v7;
	v7 =	vld [tilespmem:$0x1FCF0];
	_ =	sdelay $0x3  }
0x1e0: {  	vm0 =	vmor vm0, vm12  }
0x1e1: {  	v5 =	vadd.s32 v6, v5;
	v6 =	vsel vm0, $0x1, v4;
	vm0 =	vnez.u8 v7;
	v7 =	vld [tilespmem:$0x1FA10];
	_ =	sdelay $0x2  }
0x1e2: {  	s23 =	simm.s32 $0x5;
	s24 =	simm.s32 $0x6;
	s26 =	simm.s32 $0x2  }
0x1e3: {  	s28 =	simm.s32 $0x3;
	s29 =	simm.s32 $0x4;
	v14 =	vmov s23;
	v15 =	vmov s24;
	v17 =	vmov s26  }
0x1e4: {  	s21 =	simm.s32 $0xA;
	s30 =	simm.s32 $0x0;
	v18 =	vmov s28;
	v19 =	vmov s29;
	vm1 =	vnez.u8 v7  }
0x1e5: {  	s18 =	simm.s32 $0xC;
	v20 =	vmov s30;
	v12 =	vmov s21;
	vm0 =	vmor vm0, vm1  }
0x1e6: {  	s19 =	simm.s32 $0xD;
	s20 =	simm.s32 $0x9;
	v9 =	vmov s18;
	v5 =	vadd.s32 v6, v5;
	v6 =	vsel vm0, $0x1, v4  }
0x1e7: {  	s17 =	simm.s32 $0xE;
	v10 =	vmov s19;
	v11 =	vmov s20;
	v5 =	vadd.s32 v6, v5  }
0x1e8: {  	vm10 =	vlt.u32 v14, v2;
	v8 =	vmov s17;
	v5 =	vshrl.u32 v5, $0x6  }
0x1e9: {  	vm13 =	vlt.u32 v11, v2;
	vm8 =	vlt.u32 v8, v2;
	v5 =	vsub.s32 $0x3, v5  }
0x1ea: {  	s16 =	simm.s32 $0xF;
	s15 =	simm.s32 $0x0;
	s22 =	simm.s32 $0x8;
	v8 =	vimm.s32 $0x0;
	vm11 =	vlt.u32 v9, v2;
	vm12 =	vlt.u32 v10, v2;
	[tilespmem:$0x110] =	vst v5  }
0x1eb: {  	v10 =	vimm.s32 $0x0;
	v7 =	vmov s16;
	v5 =	vmov s22;
	v13 =	vld [tilespmem:s15+$0x0]  }
0x1ec: {  	s31 =	simm.s32 $0xB;
	vm0 =	vlt.u32 v12, v2;
	vm7 =	vlt.u32 v5, v2;
	v5 =	vimm.s32 $0x0  }
0x1ed: {  	vm3 =	vlt.u32 v7, v2;
	v7 =	vmov s31;
	s31 =	simm.s32 $0x1;
	v5 =	vsel vm0, $0xFFFFFFFF, v5  }
0x1ee: {  	v21 =	vmov s31;
	vm0 =	vlt.u32 v15, v2;
	[tilespmem:$0x1FA20] =	vst v5;
	v5 =	vimm.s32 $0x0  }
0x1ef: {  	vm4 =	vlt.u32 v7, v2;
	v7 =	vimm.s32 $0x0;
	v5 =	vsel vm0, $0xFFFFFFFF, v5  }
0x1f0: {  	vm0 =	vlt.u32 v19, v2;
	v61 =	vbroadcast v13, $0xE;
	v22 =	vbroadcast v13, $0xF  }
0x1f1: {  	v7 =	vsel vm0, $0xFFFFFFFF, v7;
	v15 =	vbroadcast v13, $0xC;
	v23 =	vbroadcast v13, $0xD  }
0x1f2: {  	vm0 =	vlt.u32 v18, v2;
	v14 =	vbroadcast v13, $0xA;
	v24 =	vbroadcast v13, $0xB  }
0x1f3: {  	[tilespmem:$0x1FA40] =	vst v7;
	v62 =	vbroadcast v13, $0x8;
	v25 =	vbroadcast v13, $0x9;
	v7 =	vimm.s32 $0x0  }
0x1f4: {  	[tilespmem:$0x1FA30] =	vst v5;
	v5 =	vld [tilespmem:s6+$0x0];
	v63 =	vbroadcast v13, $0x6;
	v26 =	vbroadcast v13, $0x7;
	v7 =	vsel vm0, $0xFFFFFFFF, v7  }
0x1f5: {  	v12 =	vbroadcast v13, $0x5;
	vm0 =	vlt.u32 v17, v2;
	[tilespmem:$0x1FA50] =	vst v7;
	v7 =	vimm.s32 $0x0  }
0x1f6: {  	v9 =	vbroadcast v13, $0x3;
	v7 =	vsel vm0, $0xFFFFFFFF, v7;
	vm0 =	vlt.u32 v21, v2  }
0x1f7: {  	v11 =	vbroadcast v13, $0x0;
	[tilespmem:$0x1FA60] =	vst v7;
	v8 =	vsel vm0, $0xFFFFFFFF, v8;
	vm0 =	vlt.u32 v20, v2  }
0x1f8: {  	v7 =	vbroadcast v13, $0x4;
	[tilespmem:$0x1FA70] =	vst v8;
	v8 =	vbroadcast v13, $0x2;
	v10 =	vsel vm0, $0xFFFFFFFF, v10  }
0x1f9: {  	vm0 =	vlt.f32 v61, v5;
	[tilespmem:$0x1FA80] =	vst v10;
	v10 =	vbroadcast v13, $0x1;
	v13 =	vimm.s32 $0x0  }
0x1fa: {  	v13 =	vsel vm0, $0xFFFFFFFF, v13  }
0x1fb: {  	vm0 =	vlt.f32 v22, v5;
	[tilespmem:$0x1FA90] =	vst v13;
	v13 =	vimm.s32 $0x0  }
0x1fc: {  	v13 =	vsel vm0, $0xFFFFFFFF, v13  }
0x1fd: {  	vm0 =	veq.f32 v22, v5;
	[tilespmem:$0x1FAA0] =	vst v13;
	v13 =	vimm.s32 $0x0  }
0x1fe: {  	v13 =	vsel vm0, $0xFFFFFFFF, v13  }
0x1ff: {  	vm0 =	vlt.f32 v15, v5;
	[tilespmem:$0x1FAB0] =	vst v13;
	v13 =	vimm.s32 $0x0  }
0x200: {  	v13 =	vsel vm0, $0xFFFFFFFF, v13  }
0x201: {  	vm0 =	vlt.f32 v23, v5;
	[tilespmem:$0x1FAC0] =	vst v13;
	v13 =	vimm.s32 $0x0  }
0x202: {  	v13 =	vsel vm0, $0xFFFFFFFF, v13  }
0x203: {  	vm0 =	veq.f32 v61, v5;
	[tilespmem:$0x1FAD0] =	vst v13;
	v13 =	vimm.s32 $0x0  }
0x204: {  	v13 =	vsel vm0, $0xFFFFFFFF, v13  }
0x205: {  	vm0 =	vlt.f32 v24, v5;
	[tilespmem:$0x1FAE0] =	vst v13;
	v13 =	vimm.s32 $0x0  }
0x206: {  	v13 =	vsel vm0, $0xFFFFFFFF, v13  }
0x207: {  	vm0 =	veq.f32 v15, v5;
	[tilespmem:$0x1FAF0] =	vst v13;
	v13 =	vimm.s32 $0x0  }
0x208: {  	v13 =	vsel vm0, $0xFFFFFFFF, v13  }
0x209: {  	vm2 =	vlt.f32 v25, v5;
	[tilespmem:$0x1FB00] =	vst v13;
	v13 =	vimm.s32 $0x0  }
0x20a: {  	v13 =	vsel vm2, $0xFFFFFFFF, v13  }
0x20b: {  	vm2 =	vlt.f32 v14, v5;
	[tilespmem:$0x1FB10] =	vst v13;
	v13 =	vimm.s32 $0x0  }
0x20c: {  	v13 =	vsel vm2, $0xFFFFFFFF, v13  }
0x20d: {  	vm0 =	veq.f32 v24, v5;
	[tilespmem:$0x1FB20] =	vst v13;
	v13 =	vimm.s32 $0x0  }
0x20e: {  	v13 =	vsel vm0, $0xFFFFFFFF, v13  }
0x20f: {  	vm2 =	vlt.f32 v62, v5;
	[tilespmem:$0x1FB30] =	vst v13;
	v13 =	vimm.s32 $0x0  }
0x210: {  	v13 =	vsel vm2, $0xFFFFFFFF, v13  }
0x211: {  	vm5 =	vlt.f32 v63, v5;
	[tilespmem:$0x1FB40] =	vst v13;
	v13 =	vimm.s32 $0x0  }
0x212: {  	s25 =	simm.s32 $0x7;
	v13 =	vsel vm5, $0xFFFFFFFF, v13  }
0x213: {  	v16 =	vmov s25;
	vm5 =	vlt.f32 v26, v5;
	[tilespmem:$0x1FB50] =	vst v13;
	v13 =	vimm.s32 $0x0  }
0x214: {  	vm9 =	vlt.u32 v16, v2;
	v6 =	vimm.s32 $0x0;
	v13 =	vsel vm5, $0xFFFFFFFF, v13  }
0x215: {  	vm1 =	veq.f32 v23, v5;
	vm5 =	vlt.f32 v12, v5;
	[tilespmem:$0x1FB60] =	vst v13;
	v13 =	vimm.s32 $0x0  }
0x216: {  	vm15 =	veq.f32 v25, v5;
	vm14 =	veq.f32 v62, v5;
	v13 =	vsel vm5, $0xFFFFFFFF, v13  }
0x217: {  	s16 =	simm.s32 $0x1F;
	vm6 =	veq.f32 v26, v5;
	vm2 =	veq.f32 v14, v5;
	vm5 =	veq.f32 v63, v5;
	[tilespmem:$0x1FB70] =	vst v13  }
.LBB2_6:
0x218: {  	vm0 =	vlt.f32 v9, v5;
	v13 =	vimm.s32 $0x0  }
0x219: {  	v13 =	vsel vm0, $0xFFFFFFFF, v13  }
0x21a: {  	vm0 =	vlt.f32 v7, v5;
	[tilespmem:$0x1F9C0] =	vst v13;
	v13 =	vimm.s32 $0x0  }
0x21b: {  	v13 =	vsel vm0, $0xFFFFFFFF, v13;
	vm0 =	veq.f32 v12, v5;
	v12 =	vimm.s32 $0x0  }
0x21c: {  	v12 =	vsel vm0, $0xFFFFFFFF, v12  }
0x21d: {  	vm0 =	vlt.f32 v8, v5;
	[tilespmem:$0x1F950] =	vst v12;
	v12 =	vimm.s32 $0x0  }
0x21e: {  	v12 =	vsel vm0, $0xFFFFFFFF, v12;
	vm0 =	veq.f32 v9, v5;
	v9 =	vimm.s32 $0x0  }
0x21f: {  	v9 =	vsel vm0, $0xFFFFFFFF, v9;
	vm0 =	veq.f32 v7, v5;
	v7 =	vimm.s32 $0x0  }
0x220: {  	v7 =	vsel vm0, $0xFFFFFFFF, v7  }
0x221: {  	vm0 =	vlt.f32 v11, v5;
	[tilespmem:$0x1F940] =	vst v7;
	v7 =	vimm.s32 $0x0  }
0x222: {  	v7 =	vsel vm0, $0xFFFFFFFF, v7  }
0x223: {  	vm0 =	vlt.f32 v10, v5;
	[tilespmem:$0x1F960] =	vst v7;
	v7 =	vimm.s32 $0x0  }
0x224: {  	v7 =	vsel vm0, $0xFFFFFFFF, v7  }
0x225: {  	vm0 =	veq.f32 v8, v5;
	[tilespmem:$0x1F990] =	vst v7;
	v7 =	vimm.s32 $0x0  }
0x226: {  	v7 =	vsel vm0, $0xFFFFFFFF, v7  }
0x227: {  	vm0 =	veq.f32 v11, v5;
	[tilespmem:$0x1F9A0] =	vst v7;
	v7 =	vimm.s32 $0x0  }
0x228: {  	v7 =	vsel vm0, $0xFFFFFFFF, v7  }
0x229: {  	vm0 =	veq.f32 v10, v5;
	[tilespmem:$0x1F930] =	vst v7;
	v7 =	vimm.s32 $0x0  }
0x22a: {  	v7 =	vsel vm0, $0xFFFFFFFF, v7  }
0x22b: {  	[tilespmem:$0x1F970] =	vst v7;
	v7 =	vld [tilespmem:$0x1FAB0];
	_ =	sdelay $0x4  }
0x22c: {  	vm0 =	vnez.u8 v7  }
0x22d: {  	v7 =	vimm.s32 $0x0;
	vm3 =	vmand vm3, vm0  }
0x22e: {  	v7 =	vsel vm3, $0xFFFFFFFF, v7  }
0x22f: {  	[tilespmem:$0x1FA00] =	vst v7;
	v7 =	vld [tilespmem:$0x1FB00];
	_ =	sdelay $0x4  }
0x230: {  	vm0 =	vnez.u8 v7  }
0x231: {  	v7 =	vimm.s32 $0x0;
	vm0 =	vmand vm11, vm0  }
0x232: {  	v7 =	vsel vm0, $0xFFFFFFFF, v7  }
0x233: {  	vm0 =	vmand vm12, vm1;
	[tilespmem:$0x1F9E0] =	vst v7;
	v7 =	vimm.s32 $0x0  }
0x234: {  	v7 =	vsel vm0, $0xFFFFFFFF, v7  }
0x235: {  	[tilespmem:$0x1F9F0] =	vst v7;
	v7 =	vld [tilespmem:$0x1FAE0];
	_ =	sdelay $0x4  }
0x236: {  	vm0 =	vnez.u8 v7;
	v7 =	vld [tilespmem:$0x1FA20];
	_ =	sdelay $0x4  }
0x237: {  	vm12 =	vmand vm8, vm0;
	vm0 =	vnez.u8 v7;
	v7 =	vld [tilespmem:$0x1FB30];
	_ =	sdelay $0x4  }
0x238: {  	vm1 =	vmand vm0, vm2;
	vm0 =	vnez.u8 v7;
	v7 =	vld [tilespmem:$0x1FA30];
	_ =	sdelay $0x4  }
0x239: {  	vm2 =	vnez.u8 v7;
	v7 =	vld [tilespmem:$0x1FA80];
	_ =	sdelay $0x4  }
0x23a: {  	vm3 =	vnez.u8 v7;
	v7 =	vld [tilespmem:$0x1F930];
	_ =	sdelay $0x4  }
0x23b: {  	vm0 =	vmand vm4, vm0;
	vm4 =	vnez.u8 v7;
	v7 =	vld [tilespmem:$0x1FA40];
	_ =	sdelay $0x4  }
0x23c: {  	vm3 =	vmand vm3, vm4;
	vm4 =	vnez.u8 v7;
	v7 =	vld [tilespmem:$0x1F940];
	_ =	sdelay $0x4  }
0x23d: {  	vm11 =	vmand vm2, vm5;
	vm5 =	vmand vm9, vm6;
	vm6 =	vnez.u8 v7;
	v7 =	vld [tilespmem:$0x1F950];
	_ =	sdelay $0x4  }
0x23e: {  	vm6 =	vmand vm4, vm6;
	vm4 =	vnez.u8 v7;
	v7 =	vld [tilespmem:$0x1F960];
	_ =	sdelay $0x4  }
0x23f: {  	vm8 =	vmand vm10, vm4;
	vm4 =	vnez.u8 v7;
	v7 =	vld [tilespmem:$0x1FA70];
	_ =	sdelay $0x4  }
0x240: {  	vm3 =	vmor vm4, vm3;
	vm4 =	vnez.u8 v7;
	v7 =	vld [tilespmem:$0x1F970];
	_ =	sdelay $0x4  }
0x241: {  	vm2 =	vmand vm7, vm14;
	vm7 =	vnez.u8 v7;
	v7 =	vld [tilespmem:$0x1FA50];
	_ =	sdelay $0x3  }
0x242: {  	[tilespmem:$0x1F980] =	vst v9;
	v8 =	vld [tilespmem:$0x1F990]  }
0x243: {  	vm4 =	vmand vm4, vm7;
	vm7 =	vnez.u8 v7;
	v7 =	vld [tilespmem:$0x1F980];
	_ =	sdelay $0x4  }
0x244: {  	vm9 =	vnez.u8 v7;
	v7 =	vsel vm3, $0x1, v4;
	vm3 =	vnez.u8 v8;
	v8 =	vld [tilespmem:$0x1FA60];
	_ =	sdelay $0x4  }
0x245: {  	vm3 =	vmor vm3, vm4;
	vm4 =	vnez.u8 v8;
	v8 =	vld [tilespmem:$0x1F9A0];
	_ =	sdelay $0x3  }
0x246: {  	[tilespmem:$0x1F9B0] =	vst v12  }
0x247: {  	vm7 =	vmand vm7, vm9;
	vm9 =	vnez.u8 v8;
	v8 =	vld [tilespmem:$0x1F9B0];
	_ =	sdelay $0x4  }
0x248: {  	v6 =	vadd.s32 v7, v6;
	v7 =	vsel vm3, $0x1, v4;
	vm3 =	vnez.u8 v8;
	v8 =	vld [tilespmem:$0x1F9C0];
	_ =	sdelay $0x2  }
0x249: {  	vm4 =	vmand vm4, vm9  }
0x24a: {  	[tilespmem:$0x1F9D0] =	vst v13;
	vm3 =	vmor vm3, vm4  }
0x24b: {  	v6 =	vadd.s32 v7, v6;
	v7 =	vsel vm3, $0x1, v4;
	vm3 =	vnez.u8 v8;
	v8 =	vld [tilespmem:$0x1F9D0];
	_ =	sdelay $0x3  }
0x24c: {  	vm3 =	vmor vm3, vm7  }
0x24d: {  	v6 =	vadd.s32 v7, v6;
	v7 =	vsel vm3, $0x1, v4;
	vm3 =	vnez.u8 v8;
	v8 =	vld [tilespmem:$0x1FB70];
	_ =	sdelay $0x3  }
0x24e: {  	vm3 =	vmor vm3, vm6  }
0x24f: {  	v6 =	vadd.s32 v7, v6;
	v7 =	vsel vm3, $0x1, v4;
	vm3 =	vnez.u8 v8;
	v8 =	vld [tilespmem:$0x1FB50];
	_ =	sdelay $0x3  }
0x250: {  	vm3 =	vmor vm3, vm8  }
0x251: {  	v6 =	vadd.s32 v7, v6;
	v7 =	vsel vm3, $0x1, v4;
	vm3 =	vnez.u8 v8;
	v8 =	vld [tilespmem:$0x1FB60];
	_ =	sdelay $0x3  }
0x252: {  	vm3 =	vmor vm3, vm11  }
0x253: {  	v6 =	vadd.s32 v7, v6;
	v7 =	vsel vm3, $0x1, v4;
	vm3 =	vnez.u8 v8;
	v8 =	vld [tilespmem:$0x1FB40];
	_ =	sdelay $0x3  }
0x254: {  	vm3 =	vmor vm3, vm5  }
0x255: {  	v6 =	vadd.s32 v7, v6;
	v7 =	vsel vm3, $0x1, v4;
	vm3 =	vnez.u8 v8;
	v8 =	vld [tilespmem:$0x1FB10];
	_ =	sdelay $0x3  }
0x256: {  	vm2 =	vmor vm3, vm2  }
0x257: {  	v6 =	vadd.s32 v7, v6;
	v7 =	vsel vm2, $0x1, v4;
	vm2 =	vnez.u8 v8;
	v8 =	vld [tilespmem:$0x1FB20];
	_ =	sdelay $0x2  }
0x258: {  	vm15 =	vmand vm13, vm15  }
0x259: {  	vm2 =	vmor vm2, vm15  }
0x25a: {  	v6 =	vadd.s32 v7, v6;
	v7 =	vsel vm2, $0x1, v4;
	vm2 =	vnez.u8 v8;
	v8 =	vld [tilespmem:$0x1FAF0];
	_ =	sdelay $0x3  }
0x25b: {  	vm1 =	vmor vm2, vm1  }
0x25c: {  	v6 =	vadd.s32 v7, v6;
	v7 =	vsel vm1, $0x1, v4;
	vm1 =	vnez.u8 v8;
	v8 =	vld [tilespmem:$0x1FAC0];
	_ =	sdelay $0x3  }
0x25d: {  	vm0 =	vmor vm1, vm0  }
0x25e: {  	v6 =	vadd.s32 v7, v6;
	v7 =	vsel vm0, $0x1, v4;
	vm0 =	vnez.u8 v8;
	v8 =	vld [tilespmem:$0x1F9E0];
	_ =	sdelay $0x4  }
0x25f: {  	vm1 =	vnez.u8 v8;
	v8 =	vld [tilespmem:$0x1FAD0];
	_ =	sdelay $0x3  }
0x260: {  	vm0 =	vmor vm0, vm1  }
0x261: {  	v6 =	vadd.s32 v7, v6;
	v7 =	vsel vm0, $0x1, v4;
	vm0 =	vnez.u8 v8;
	v8 =	vld [tilespmem:$0x1F9F0];
	_ =	sdelay $0x4  }
0x262: {  	vm1 =	vnez.u8 v8;
	v8 =	vld [tilespmem:$0x1FA90];
	_ =	sdelay $0x3  }
0x263: {  	vm0 =	vmor vm0, vm1  }
0x264: {  	s15 =	sadd.s32 $0x10, s15;
	v6 =	vadd.s32 v7, v6;
	v7 =	vsel vm0, $0x1, v4;
	vm0 =	vnez.u8 v8;
	v8 =	vld [tilespmem:$0x1FAA0]  }
0x265: {  	v14 =	vld [tilespmem:s15+$0x0]  }
0x266: {  	s23 =	sadd.s32 $0xFFFFFFF6, s16;
	s24 =	sadd.s32 $0xFFFFFFF7, s16  }
0x267: {  	s26 =	sadd.s32 $0xFFFFFFF3, s16;
	s28 =	sadd.s32 $0xFFFFFFF4, s16;
	v15 =	vmov s23;
	v16 =	vmov s24  }
0x268: {  	v18 =	vmov s26;
	v19 =	vmov s28;
	vm0 =	vmor vm0, vm12  }
0x269: {  	s29 =	sadd.s32 $0xFFFFFFF5, s16;
	v6 =	vadd.s32 v7, v6;
	v7 =	vsel vm0, $0x1, v4;
	vm0 =	vnez.u8 v8;
	v8 =	vld [tilespmem:$0x1FA00]  }
0x26a: {  	s30 =	sadd.s32 $0xFFFFFFF1, s16;
	v20 =	vmov s29;
	v60 =	vbroadcast v14, $0xF;
	v61 =	vbroadcast v14, $0xC  }
0x26b: {  	s22 =	sadd.s32 $0xFFFFFFFB, s16;
	v21 =	vmov s30;
	v23 =	vbroadcast v14, $0xD;
	v24 =	vbroadcast v14, $0xB  }
0x26c: {  	s21 =	sadd.s32 $0xFFFFFFFA, s16;
	v13 =	vmov s22;
	v62 =	vbroadcast v14, $0x8;
	v25 =	vbroadcast v14, $0x9  }
0x26d: {  	s17 =	sadd.s32 $0xFFFFFFFF, s16;
	v63 =	vbroadcast v14, $0x6;
	v26 =	vbroadcast v14, $0x7;
	v12 =	vmov s21  }
0x26e: {  	s31 =	sadd.s32 $0xFFFFFFF9, s16;
	v9 =	vmov s17;
	vm13 =	vlt.u32 v12, v2;
	vm1 =	vnez.u8 v8  }
0x26f: {  	v12 =	vbroadcast v14, $0x5;
	v11 =	vmov s31;
	s31 =	sadd.s32 $0xFFFFFFF2, s16;
	vm0 =	vmor vm0, vm1  }
0x270: {  	s18 =	sadd.s32 $0xFFFFFFFC, s16;
	s20 =	sadd.s32 $0xFFFFFFFE, s16;
	v22 =	vmov s31;
	v6 =	vadd.s32 v7, v6;
	v7 =	vsel vm0, $0x1, v4  }
0x271: {  	v10 =	vmov s20;
	v6 =	vadd.s32 v7, v6;
	v7 =	vmov s18  }
0x272: {  	vm0 =	vlt.u32 v13, v2;
	vm4 =	vlt.u32 v7, v2;
	v7 =	vimm.s32 $0x0  }
0x273: {  	vm10 =	vlt.u32 v15, v2;
	v15 =	vbroadcast v14, $0xA;
	v7 =	vsel vm0, $0xFFFFFFFF, v7  }
0x274: {  	vm7 =	vlt.u32 v11, v2;
	vm0 =	vlt.u32 v16, v2;
	[tilespmem:$0x1FA20] =	vst v7;
	v7 =	vimm.s32 $0x0  }
0x275: {  	v11 =	vbroadcast v14, $0x0;
	vm8 =	vlt.u32 v9, v2;
	v7 =	vsel vm0, $0xFFFFFFFF, v7  }
0x276: {  	v9 =	vbroadcast v14, $0x3;
	vm0 =	vlt.u32 v20, v2;
	[tilespmem:$0x1FA30] =	vst v7;
	v7 =	vimm.s32 $0x0  }
0x277: {  	vm12 =	vlt.u32 v10, v2;
	v10 =	vimm.s32 $0x0;
	v7 =	vsel vm0, $0xFFFFFFFF, v7  }
0x278: {  	s19 =	sadd.s32 $0xFFFFFFFD, s16;
	v8 =	vmov s16;
	vm0 =	vlt.u32 v19, v2;
	[tilespmem:$0x1FA40] =	vst v7;
	v7 =	vimm.s32 $0x0  }
0x279: {  	vm3 =	vlt.u32 v8, v2;
	v8 =	vmov s19;
	v7 =	vsel vm0, $0xFFFFFFFF, v7  }
0x27a: {  	vm11 =	vlt.u32 v8, v2;
	vm0 =	vlt.u32 v18, v2;
	[tilespmem:$0x1FA50] =	vst v7;
	v7 =	vimm.s32 $0x0  }
0x27b: {  	v8 =	vimm.s32 $0x0;
	v7 =	vsel vm0, $0xFFFFFFFF, v7;
	vm0 =	vlt.u32 v22, v2  }
0x27c: {  	v13 =	vbroadcast v14, $0xE;
	[tilespmem:$0x1FA60] =	vst v7;
	v8 =	vsel vm0, $0xFFFFFFFF, v8;
	vm0 =	vlt.u32 v21, v2  }
0x27d: {  	v7 =	vbroadcast v14, $0x4;
	[tilespmem:$0x1FA70] =	vst v8;
	v8 =	vbroadcast v14, $0x2;
	v10 =	vsel vm0, $0xFFFFFFFF, v10  }
0x27e: {  	vm0 =	vlt.f32 v13, v5;
	[tilespmem:$0x1FA80] =	vst v10;
	v10 =	vbroadcast v14, $0x1;
	v14 =	vimm.s32 $0x0  }
0x27f: {  	v14 =	vsel vm0, $0xFFFFFFFF, v14  }
0x280: {  	vm0 =	vlt.f32 v60, v5;
	[tilespmem:$0x1FA90] =	vst v14;
	v14 =	vimm.s32 $0x0  }
0x281: {  	v14 =	vsel vm0, $0xFFFFFFFF, v14  }
0x282: {  	vm0 =	veq.f32 v60, v5;
	[tilespmem:$0x1FAA0] =	vst v14;
	v14 =	vimm.s32 $0x0  }
0x283: {  	v14 =	vsel vm0, $0xFFFFFFFF, v14  }
0x284: {  	vm0 =	vlt.f32 v61, v5;
	[tilespmem:$0x1FAB0] =	vst v14;
	v14 =	vimm.s32 $0x0  }
0x285: {  	v14 =	vsel vm0, $0xFFFFFFFF, v14  }
0x286: {  	vm0 =	vlt.f32 v23, v5;
	[tilespmem:$0x1FAC0] =	vst v14;
	v14 =	vimm.s32 $0x0  }
0x287: {  	v14 =	vsel vm0, $0xFFFFFFFF, v14;
	vm0 =	veq.f32 v13, v5;
	v13 =	vimm.s32 $0x0  }
0x288: {  	v13 =	vsel vm0, $0xFFFFFFFF, v13  }
0x289: {  	vm0 =	vlt.f32 v24, v5;
	[tilespmem:$0x1FAE0] =	vst v13;
	v13 =	vimm.s32 $0x0  }
0x28a: {  	v13 =	vsel vm0, $0xFFFFFFFF, v13  }
0x28b: {  	vm0 =	veq.f32 v61, v5;
	[tilespmem:$0x1FAF0] =	vst v13;
	v13 =	vimm.s32 $0x0  }
0x28c: {  	v13 =	vsel vm0, $0xFFFFFFFF, v13  }
0x28d: {  	vm2 =	vlt.f32 v25, v5;
	[tilespmem:$0x1FB00] =	vst v13;
	v13 =	vimm.s32 $0x0  }
0x28e: {  	v13 =	vsel vm2, $0xFFFFFFFF, v13  }
0x28f: {  	vm2 =	vlt.f32 v15, v5;
	[tilespmem:$0x1FB10] =	vst v13;
	v13 =	vimm.s32 $0x0  }
0x290: {  	v13 =	vsel vm2, $0xFFFFFFFF, v13  }
0x291: {  	vm0 =	veq.f32 v24, v5;
	[tilespmem:$0x1FB20] =	vst v13;
	v13 =	vimm.s32 $0x0  }
0x292: {  	v13 =	vsel vm0, $0xFFFFFFFF, v13  }
0x293: {  	vm2 =	vlt.f32 v62, v5;
	[tilespmem:$0x1FB30] =	vst v13;
	v13 =	vimm.s32 $0x0  }
0x294: {  	v13 =	vsel vm2, $0xFFFFFFFF, v13  }
0x295: {  	vm5 =	vlt.f32 v63, v5;
	[tilespmem:$0x1FB40] =	vst v13;
	v13 =	vimm.s32 $0x0  }
0x296: {  	p0 =	sne.s32 s16, $0xFF;
	v13 =	vsel vm5, $0xFFFFFFFF, v13  }
.Ltmp2:
0x297: {  	s25 =	sadd.s32 $0xFFFFFFF8, s16;
	vm5 =	vlt.f32 v26, v5;
	[tilespmem:$0x1FB50] =	vst v13;
	v13 =	vimm.s32 $0x0;
	(pc) =	sbr.rel @p0 .LBB2_6-.Ltmp2, $4  }
0x298: {  	v17 =	vmov s25;
	vm14 =	veq.f32 v62, v5;
	v13 =	vsel vm5, $0xFFFFFFFF, v13  }
0x299: {  	vm9 =	vlt.u32 v17, v2;
	vm5 =	vlt.f32 v12, v5;
	[tilespmem:$0x1FB60] =	vst v13;
	v13 =	vimm.s32 $0x0  }
0x29a: {  	vm6 =	veq.f32 v26, v5;
	vm15 =	veq.f32 v25, v5;
	[tilespmem:$0x1FAD0] =	vst v14;
	v13 =	vsel vm5, $0xFFFFFFFF, v13  }
0x29b: {  	s16 =	sadd.s32 $0x10, s16;
	vm1 =	veq.f32 v23, v5;
	vm2 =	veq.f32 v15, v5;
	vm5 =	veq.f32 v63, v5;
	[tilespmem:$0x1FB70] =	vst v13  }
0x29c: {  	v13 =	vld [tilespmem:$0x1FAB0];
	_ =	sdelay $0x4  }
0x29d: {  	vm0 =	vnez.u8 v13  }
0x29e: {  	v13 =	vimm.s32 $0x0;
	vm3 =	vmand vm3, vm0  }
0x29f: {  	v13 =	vsel vm3, $0xFFFFFFFF, v13  }
0x2a0: {  	[tilespmem:$0x1F7C0] =	vst v13;
	v13 =	vld [tilespmem:$0x1FB00];
	_ =	sdelay $0x4  }
0x2a1: {  	vm0 =	vnez.u8 v13;
	v13 =	vld [tilespmem:$0x1FAE0];
	_ =	sdelay $0x4  }
0x2a2: {  	vm11 =	vmand vm11, vm0;
	vm0 =	vnez.u8 v13;
	v13 =	vld [tilespmem:$0x1FA20];
	_ =	sdelay $0x4  }
0x2a3: {  	vm1 =	vmand vm12, vm1;
	vm12 =	vmand vm8, vm0;
	vm0 =	vnez.u8 v13;
	v13 =	vld [tilespmem:$0x1FB30];
	_ =	sdelay $0x4  }
0x2a4: {  	vm3 =	vmand vm13, vm15;
	vm15 =	vmand vm0, vm2;
	vm0 =	vnez.u8 v13;
	v13 =	vld [tilespmem:$0x1FA30];
	_ =	sdelay $0x4  }
0x2a5: {  	vm2 =	vnez.u8 v13;
	v13 =	vld [tilespmem:$0x1FA80];
	_ =	sdelay $0x1  }
0x2a6: {  	vm6 =	vmand vm9, vm6;
	vm9 =	vlt.f32 v11, v5  }
0x2a7: {  	vm5 =	vmand vm2, vm5;
	vm2 =	vmand vm7, vm14;
	vm7 =	veq.f32 v11, v5;
	v11 =	vld [tilespmem:$0x1FA70];
	_ =	sdelay $0x1  }
0x2a8: {  	vm8 =	vnez.u8 v13;
	v13 =	vld [tilespmem:$0x1FA40];
	_ =	sdelay $0x1  }
0x2a9: {  	vm7 =	vmand vm8, vm7  }
0x2aa: {  	vm7 =	vmor vm9, vm7;
	vm9 =	vnez.u8 v11;
	v11 =	vld [tilespmem:$0x1FA50];
	_ =	sdelay $0x1  }
0x2ab: {  	vm0 =	vmand vm4, vm0;
	vm4 =	veq.f32 v7, v5;
	vm8 =	vnez.u8 v13  }
0x2ac: {  	vm4 =	vmand vm8, vm4;
	vm8 =	veq.f32 v12, v5  }
0x2ad: {  	vm8 =	vmand vm10, vm8;
	vm10 =	veq.f32 v10, v5  }
0x2ae: {  	vm13 =	vnez.u8 v11;
	vm9 =	vmand vm9, vm10;
	vm10 =	veq.f32 v9, v5  }
0x2af: {  	vm10 =	vmand vm13, vm10;
	vm13 =	vlt.f32 v10, v5;
	v10 =	vld [tilespmem:$0x1FA60];
	_ =	sdelay $0x4  }
0x2b0: {  	vm14 =	veq.f32 v8, v5;
	vm9 =	vmor vm13, vm9;
	vm13 =	vnez.u8 v10  }
0x2b1: {  	vm13 =	vmand vm13, vm14;
	vm14 =	vlt.f32 v8, v5;
	v8 =	vsel vm7, $0x1, v4  }
0x2b2: {  	v6 =	vadd.s32 v8, v6;
	v8 =	vld [tilespmem:$0x1FB70];
	_ =	sdelay $0x2  }
0x2b3: {  	v10 =	vsel vm9, $0x1, v4;
	vm9 =	vlt.f32 v7, v5  }
0x2b4: {  	vm4 =	vmor vm9, vm4  }
0x2b5: {  	v7 =	vsel vm4, $0x1, v4;
	vm4 =	vnez.u8 v8;
	v8 =	vld [tilespmem:$0x1FB50]  }
0x2b6: {  	vm7 =	vmor vm14, vm13  }
0x2b7: {  	v11 =	vsel vm7, $0x1, v4;
	vm7 =	vlt.f32 v9, v5  }
0x2b8: {  	v6 =	vadd.s32 v10, v6;
	vm7 =	vmor vm7, vm10  }
0x2b9: {  	v6 =	vadd.s32 v11, v6;
	v5 =	vsel vm7, $0x1, v4;
	vm4 =	vmor vm4, vm8  }
0x2ba: {  	v5 =	vadd.s32 v5, v6;
	v6 =	vsel vm4, $0x1, v4;
	vm4 =	vnez.u8 v8  }
0x2bb: {  	v5 =	vadd.s32 v7, v5;
	v8 =	vld [tilespmem:$0x1FB60];
	vm4 =	vmor vm4, vm5  }
0x2bc: {  	v5 =	vadd.s32 v6, v5;
	v7 =	vsel vm4, $0x1, v4  }
0x2bd: {  	v5 =	vadd.s32 v7, v5;
	v7 =	vld [tilespmem:$0x1FB40];
	_ =	sdelay $0x2  }
0x2be: {  	vm4 =	vnez.u8 v8  }
0x2bf: {  	vm4 =	vmor vm4, vm6  }
0x2c0: {  	v6 =	vsel vm4, $0x1, v4;
	vm4 =	vnez.u8 v7;
	v7 =	vld [tilespmem:$0x1FB10];
	_ =	sdelay $0x3  }
0x2c1: {  	vm2 =	vmor vm4, vm2  }
0x2c2: {  	v5 =	vadd.s32 v6, v5;
	v6 =	vsel vm2, $0x1, v4;
	vm2 =	vnez.u8 v7;
	v7 =	vld [tilespmem:$0x1FB20];
	_ =	sdelay $0x3  }
0x2c3: {  	vm2 =	vmor vm2, vm3  }
0x2c4: {  	v5 =	vadd.s32 v6, v5;
	v6 =	vsel vm2, $0x1, v4;
	vm2 =	vnez.u8 v7;
	v7 =	vld [tilespmem:$0x1FAF0];
	_ =	sdelay $0x3  }
0x2c5: {  	vm2 =	vmor vm2, vm15  }
0x2c6: {  	v5 =	vadd.s32 v6, v5;
	v6 =	vsel vm2, $0x1, v4;
	vm2 =	vnez.u8 v7;
	v7 =	vld [tilespmem:$0x1FAC0];
	_ =	sdelay $0x3  }
0x2c7: {  	vm0 =	vmor vm2, vm0  }
0x2c8: {  	v5 =	vadd.s32 v6, v5;
	v6 =	vsel vm0, $0x1, v4;
	vm0 =	vnez.u8 v7;
	v7 =	vld [tilespmem:$0x1FAD0];
	_ =	sdelay $0x3  }
0x2c9: {  	vm0 =	vmor vm0, vm11  }
0x2ca: {  	v5 =	vadd.s32 v6, v5;
	v6 =	vsel vm0, $0x1, v4;
	vm0 =	vnez.u8 v7;
	v7 =	vld [tilespmem:$0x1FA90];
	_ =	sdelay $0x3  }
0x2cb: {  	vm0 =	vmor vm0, vm1  }
0x2cc: {  	v5 =	vadd.s32 v6, v5;
	v6 =	vsel vm0, $0x1, v4;
	vm0 =	vnez.u8 v7;
	v7 =	vld [tilespmem:$0x1FAA0];
	_ =	sdelay $0x3  }
0x2cd: {  	vm0 =	vmor vm0, vm12  }
0x2ce: {  	v5 =	vadd.s32 v6, v5;
	v6 =	vsel vm0, $0x1, v4;
	vm0 =	vnez.u8 v7;
	v7 =	vld [tilespmem:$0x1F7C0];
	_ =	sdelay $0x2  }
0x2cf: {  	s23 =	simm.s32 $0x5;
	s24 =	simm.s32 $0x6;
	s26 =	simm.s32 $0x2  }
0x2d0: {  	s28 =	simm.s32 $0x3;
	s29 =	simm.s32 $0x4;
	v14 =	vmov s23;
	v15 =	vmov s24;
	v17 =	vmov s26  }
0x2d1: {  	s21 =	simm.s32 $0xA;
	s30 =	simm.s32 $0x0;
	v18 =	vmov s28;
	v19 =	vmov s29;
	vm1 =	vnez.u8 v7  }
0x2d2: {  	s18 =	simm.s32 $0xC;
	v20 =	vmov s30;
	v12 =	vmov s21;
	vm0 =	vmor vm0, vm1  }
0x2d3: {  	s19 =	simm.s32 $0xD;
	s20 =	simm.s32 $0x9;
	v9 =	vmov s18;
	v5 =	vadd.s32 v6, v5;
	v6 =	vsel vm0, $0x1, v4  }
0x2d4: {  	s17 =	simm.s32 $0xE;
	v10 =	vmov s19;
	v11 =	vmov s20;
	v5 =	vadd.s32 v6, v5  }
0x2d5: {  	vm10 =	vlt.u32 v14, v3;
	v8 =	vmov s17;
	v5 =	vshrl.u32 v5, $0x6  }
0x2d6: {  	vm13 =	vlt.u32 v11, v3;
	vm8 =	vlt.u32 v8, v3;
	v5 =	vsub.s32 $0x3, v5  }
0x2d7: {  	s16 =	simm.s32 $0xF;
	s15 =	simm.s32 $0x0;
	s22 =	simm.s32 $0x8;
	v8 =	vimm.s32 $0x0;
	vm11 =	vlt.u32 v9, v3;
	vm12 =	vlt.u32 v10, v3;
	[tilespmem:$0x120] =	vst v5  }
0x2d8: {  	v10 =	vimm.s32 $0x0;
	v7 =	vmov s16;
	v5 =	vmov s22;
	v13 =	vld [tilespmem:s15+$0x0]  }
0x2d9: {  	s31 =	simm.s32 $0xB;
	vm0 =	vlt.u32 v12, v3;
	vm7 =	vlt.u32 v5, v3;
	v5 =	vimm.s32 $0x0  }
0x2da: {  	vm3 =	vlt.u32 v7, v3;
	v7 =	vmov s31;
	s31 =	simm.s32 $0x1;
	v5 =	vsel vm0, $0xFFFFFFFF, v5  }
0x2db: {  	v21 =	vmov s31;
	vm0 =	vlt.u32 v15, v3;
	[tilespmem:$0x1F7D0] =	vst v5;
	v5 =	vimm.s32 $0x0  }
0x2dc: {  	vm4 =	vlt.u32 v7, v3;
	v7 =	vimm.s32 $0x0;
	v5 =	vsel vm0, $0xFFFFFFFF, v5  }
0x2dd: {  	vm0 =	vlt.u32 v19, v3;
	v61 =	vbroadcast v13, $0xE;
	v22 =	vbroadcast v13, $0xF  }
0x2de: {  	v7 =	vsel vm0, $0xFFFFFFFF, v7;
	v15 =	vbroadcast v13, $0xC;
	v23 =	vbroadcast v13, $0xD  }
0x2df: {  	vm0 =	vlt.u32 v18, v3;
	v14 =	vbroadcast v13, $0xA;
	v24 =	vbroadcast v13, $0xB  }
0x2e0: {  	[tilespmem:$0x1F7F0] =	vst v7;
	v62 =	vbroadcast v13, $0x8;
	v25 =	vbroadcast v13, $0x9;
	v7 =	vimm.s32 $0x0  }
0x2e1: {  	[tilespmem:$0x1F7E0] =	vst v5;
	v5 =	vld [tilespmem:s7+$0x0];
	v63 =	vbroadcast v13, $0x6;
	v26 =	vbroadcast v13, $0x7;
	v7 =	vsel vm0, $0xFFFFFFFF, v7  }
0x2e2: {  	v12 =	vbroadcast v13, $0x5;
	vm0 =	vlt.u32 v17, v3;
	[tilespmem:$0x1F800] =	vst v7;
	v7 =	vimm.s32 $0x0  }
0x2e3: {  	v9 =	vbroadcast v13, $0x3;
	v7 =	vsel vm0, $0xFFFFFFFF, v7;
	vm0 =	vlt.u32 v21, v3  }
0x2e4: {  	v11 =	vbroadcast v13, $0x0;
	[tilespmem:$0x1F810] =	vst v7;
	v8 =	vsel vm0, $0xFFFFFFFF, v8;
	vm0 =	vlt.u32 v20, v3  }
0x2e5: {  	v7 =	vbroadcast v13, $0x4;
	[tilespmem:$0x1F820] =	vst v8;
	v8 =	vbroadcast v13, $0x2;
	v10 =	vsel vm0, $0xFFFFFFFF, v10  }
0x2e6: {  	vm0 =	vlt.f32 v61, v5;
	[tilespmem:$0x1F830] =	vst v10;
	v10 =	vbroadcast v13, $0x1;
	v13 =	vimm.s32 $0x0  }
0x2e7: {  	v13 =	vsel vm0, $0xFFFFFFFF, v13  }
0x2e8: {  	vm0 =	vlt.f32 v22, v5;
	[tilespmem:$0x1F840] =	vst v13;
	v13 =	vimm.s32 $0x0  }
0x2e9: {  	v13 =	vsel vm0, $0xFFFFFFFF, v13  }
0x2ea: {  	vm0 =	veq.f32 v22, v5;
	[tilespmem:$0x1F850] =	vst v13;
	v13 =	vimm.s32 $0x0  }
0x2eb: {  	v13 =	vsel vm0, $0xFFFFFFFF, v13  }
0x2ec: {  	vm0 =	vlt.f32 v15, v5;
	[tilespmem:$0x1F860] =	vst v13;
	v13 =	vimm.s32 $0x0  }
0x2ed: {  	v13 =	vsel vm0, $0xFFFFFFFF, v13  }
0x2ee: {  	vm0 =	vlt.f32 v23, v5;
	[tilespmem:$0x1F870] =	vst v13;
	v13 =	vimm.s32 $0x0  }
0x2ef: {  	v13 =	vsel vm0, $0xFFFFFFFF, v13  }
0x2f0: {  	vm0 =	veq.f32 v61, v5;
	[tilespmem:$0x1F880] =	vst v13;
	v13 =	vimm.s32 $0x0  }
0x2f1: {  	v13 =	vsel vm0, $0xFFFFFFFF, v13  }
0x2f2: {  	vm0 =	vlt.f32 v24, v5;
	[tilespmem:$0x1F890] =	vst v13;
	v13 =	vimm.s32 $0x0  }
0x2f3: {  	v13 =	vsel vm0, $0xFFFFFFFF, v13  }
0x2f4: {  	vm0 =	veq.f32 v15, v5;
	[tilespmem:$0x1F8A0] =	vst v13;
	v13 =	vimm.s32 $0x0  }
0x2f5: {  	v13 =	vsel vm0, $0xFFFFFFFF, v13  }
0x2f6: {  	vm2 =	vlt.f32 v25, v5;
	[tilespmem:$0x1F8B0] =	vst v13;
	v13 =	vimm.s32 $0x0  }
0x2f7: {  	v13 =	vsel vm2, $0xFFFFFFFF, v13  }
0x2f8: {  	vm2 =	vlt.f32 v14, v5;
	[tilespmem:$0x1F8C0] =	vst v13;
	v13 =	vimm.s32 $0x0  }
0x2f9: {  	v13 =	vsel vm2, $0xFFFFFFFF, v13  }
0x2fa: {  	vm0 =	veq.f32 v24, v5;
	[tilespmem:$0x1F8D0] =	vst v13;
	v13 =	vimm.s32 $0x0  }
0x2fb: {  	v13 =	vsel vm0, $0xFFFFFFFF, v13  }
0x2fc: {  	vm2 =	vlt.f32 v62, v5;
	[tilespmem:$0x1F8E0] =	vst v13;
	v13 =	vimm.s32 $0x0  }
0x2fd: {  	v13 =	vsel vm2, $0xFFFFFFFF, v13  }
0x2fe: {  	vm5 =	vlt.f32 v63, v5;
	[tilespmem:$0x1F8F0] =	vst v13;
	v13 =	vimm.s32 $0x0  }
0x2ff: {  	s25 =	simm.s32 $0x7;
	v13 =	vsel vm5, $0xFFFFFFFF, v13  }
0x300: {  	v16 =	vmov s25;
	vm5 =	vlt.f32 v26, v5;
	[tilespmem:$0x1F900] =	vst v13;
	v13 =	vimm.s32 $0x0  }
0x301: {  	vm9 =	vlt.u32 v16, v3;
	v6 =	vimm.s32 $0x0;
	v13 =	vsel vm5, $0xFFFFFFFF, v13  }
0x302: {  	vm1 =	veq.f32 v23, v5;
	vm5 =	vlt.f32 v12, v5;
	[tilespmem:$0x1F910] =	vst v13;
	v13 =	vimm.s32 $0x0  }
0x303: {  	vm15 =	veq.f32 v25, v5;
	vm14 =	veq.f32 v62, v5;
	v13 =	vsel vm5, $0xFFFFFFFF, v13  }
0x304: {  	s16 =	simm.s32 $0x1F;
	vm6 =	veq.f32 v26, v5;
	vm2 =	veq.f32 v14, v5;
	vm5 =	veq.f32 v63, v5;
	[tilespmem:$0x1F920] =	vst v13  }
.LBB2_8:
0x305: {  	vm0 =	vlt.f32 v9, v5;
	v13 =	vimm.s32 $0x0  }
0x306: {  	v13 =	vsel vm0, $0xFFFFFFFF, v13  }
0x307: {  	vm0 =	vlt.f32 v7, v5;
	[tilespmem:$0x1F770] =	vst v13;
	v13 =	vimm.s32 $0x0  }
0x308: {  	v13 =	vsel vm0, $0xFFFFFFFF, v13;
	vm0 =	veq.f32 v12, v5;
	v12 =	vimm.s32 $0x0  }
0x309: {  	v12 =	vsel vm0, $0xFFFFFFFF, v12  }
0x30a: {  	vm0 =	vlt.f32 v8, v5;
	[tilespmem:$0x1F700] =	vst v12;
	v12 =	vimm.s32 $0x0  }
0x30b: {  	v12 =	vsel vm0, $0xFFFFFFFF, v12;
	vm0 =	veq.f32 v9, v5;
	v9 =	vimm.s32 $0x0  }
0x30c: {  	v9 =	vsel vm0, $0xFFFFFFFF, v9;
	vm0 =	veq.f32 v7, v5;
	v7 =	vimm.s32 $0x0  }
0x30d: {  	v7 =	vsel vm0, $0xFFFFFFFF, v7  }
0x30e: {  	vm0 =	vlt.f32 v11, v5;
	[tilespmem:$0x1F6F0] =	vst v7;
	v7 =	vimm.s32 $0x0  }
0x30f: {  	v7 =	vsel vm0, $0xFFFFFFFF, v7  }
0x310: {  	vm0 =	vlt.f32 v10, v5;
	[tilespmem:$0x1F710] =	vst v7;
	v7 =	vimm.s32 $0x0  }
0x311: {  	v7 =	vsel vm0, $0xFFFFFFFF, v7  }
0x312: {  	vm0 =	veq.f32 v8, v5;
	[tilespmem:$0x1F740] =	vst v7;
	v7 =	vimm.s32 $0x0  }
0x313: {  	v7 =	vsel vm0, $0xFFFFFFFF, v7  }
0x314: {  	vm0 =	veq.f32 v11, v5;
	[tilespmem:$0x1F750] =	vst v7;
	v7 =	vimm.s32 $0x0  }
0x315: {  	v7 =	vsel vm0, $0xFFFFFFFF, v7  }
0x316: {  	vm0 =	veq.f32 v10, v5;
	[tilespmem:$0x1F6E0] =	vst v7;
	v7 =	vimm.s32 $0x0  }
0x317: {  	v7 =	vsel vm0, $0xFFFFFFFF, v7  }
0x318: {  	[tilespmem:$0x1F720] =	vst v7;
	v7 =	vld [tilespmem:$0x1F860];
	_ =	sdelay $0x4  }
0x319: {  	vm0 =	vnez.u8 v7  }
0x31a: {  	v7 =	vimm.s32 $0x0;
	vm3 =	vmand vm3, vm0  }
0x31b: {  	v7 =	vsel vm3, $0xFFFFFFFF, v7  }
0x31c: {  	[tilespmem:$0x1F7B0] =	vst v7;
	v7 =	vld [tilespmem:$0x1F8B0];
	_ =	sdelay $0x4  }
0x31d: {  	vm0 =	vnez.u8 v7  }
0x31e: {  	v7 =	vimm.s32 $0x0;
	vm0 =	vmand vm11, vm0  }
0x31f: {  	v7 =	vsel vm0, $0xFFFFFFFF, v7  }
0x320: {  	vm0 =	vmand vm12, vm1;
	[tilespmem:$0x1F790] =	vst v7;
	v7 =	vimm.s32 $0x0  }
0x321: {  	v7 =	vsel vm0, $0xFFFFFFFF, v7  }
0x322: {  	[tilespmem:$0x1F7A0] =	vst v7;
	v7 =	vld [tilespmem:$0x1F890];
	_ =	sdelay $0x4  }
0x323: {  	vm0 =	vnez.u8 v7;
	v7 =	vld [tilespmem:$0x1F7D0];
	_ =	sdelay $0x4  }
0x324: {  	vm12 =	vmand vm8, vm0;
	vm0 =	vnez.u8 v7;
	v7 =	vld [tilespmem:$0x1F8E0];
	_ =	sdelay $0x4  }
0x325: {  	vm1 =	vmand vm0, vm2;
	vm0 =	vnez.u8 v7;
	v7 =	vld [tilespmem:$0x1F7E0];
	_ =	sdelay $0x4  }
0x326: {  	vm2 =	vnez.u8 v7;
	v7 =	vld [tilespmem:$0x1F830];
	_ =	sdelay $0x4  }
0x327: {  	vm3 =	vnez.u8 v7;
	v7 =	vld [tilespmem:$0x1F6E0];
	_ =	sdelay $0x4  }
0x328: {  	vm0 =	vmand vm4, vm0;
	vm4 =	vnez.u8 v7;
	v7 =	vld [tilespmem:$0x1F7F0];
	_ =	sdelay $0x4  }
0x329: {  	vm3 =	vmand vm3, vm4;
	vm4 =	vnez.u8 v7;
	v7 =	vld [tilespmem:$0x1F6F0];
	_ =	sdelay $0x4  }
0x32a: {  	vm11 =	vmand vm2, vm5;
	vm5 =	vmand vm9, vm6;
	vm6 =	vnez.u8 v7;
	v7 =	vld [tilespmem:$0x1F700];
	_ =	sdelay $0x4  }
0x32b: {  	vm6 =	vmand vm4, vm6;
	vm4 =	vnez.u8 v7;
	v7 =	vld [tilespmem:$0x1F710];
	_ =	sdelay $0x4  }
0x32c: {  	vm8 =	vmand vm10, vm4;
	vm4 =	vnez.u8 v7;
	v7 =	vld [tilespmem:$0x1F820];
	_ =	sdelay $0x4  }
0x32d: {  	vm3 =	vmor vm4, vm3;
	vm4 =	vnez.u8 v7;
	v7 =	vld [tilespmem:$0x1F720];
	_ =	sdelay $0x4  }
0x32e: {  	vm2 =	vmand vm7, vm14;
	vm7 =	vnez.u8 v7;
	v7 =	vld [tilespmem:$0x1F800];
	_ =	sdelay $0x3  }
0x32f: {  	[tilespmem:$0x1F730] =	vst v9;
	v8 =	vld [tilespmem:$0x1F740]  }
0x330: {  	vm4 =	vmand vm4, vm7;
	vm7 =	vnez.u8 v7;
	v7 =	vld [tilespmem:$0x1F730];
	_ =	sdelay $0x4  }
0x331: {  	vm9 =	vnez.u8 v7;
	v7 =	vsel vm3, $0x1, v4;
	vm3 =	vnez.u8 v8;
	v8 =	vld [tilespmem:$0x1F810];
	_ =	sdelay $0x4  }
0x332: {  	vm3 =	vmor vm3, vm4;
	vm4 =	vnez.u8 v8;
	v8 =	vld [tilespmem:$0x1F750];
	_ =	sdelay $0x3  }
0x333: {  	[tilespmem:$0x1F760] =	vst v12  }
0x334: {  	vm7 =	vmand vm7, vm9;
	vm9 =	vnez.u8 v8;
	v8 =	vld [tilespmem:$0x1F760];
	_ =	sdelay $0x4  }
0x335: {  	v6 =	vadd.s32 v7, v6;
	v7 =	vsel vm3, $0x1, v4;
	vm3 =	vnez.u8 v8;
	v8 =	vld [tilespmem:$0x1F770];
	_ =	sdelay $0x2  }
0x336: {  	vm4 =	vmand vm4, vm9  }
0x337: {  	[tilespmem:$0x1F780] =	vst v13;
	vm3 =	vmor vm3, vm4  }
0x338: {  	v6 =	vadd.s32 v7, v6;
	v7 =	vsel vm3, $0x1, v4;
	vm3 =	vnez.u8 v8;
	v8 =	vld [tilespmem:$0x1F780];
	_ =	sdelay $0x3  }
0x339: {  	vm3 =	vmor vm3, vm7  }
0x33a: {  	v6 =	vadd.s32 v7, v6;
	v7 =	vsel vm3, $0x1, v4;
	vm3 =	vnez.u8 v8;
	v8 =	vld [tilespmem:$0x1F920];
	_ =	sdelay $0x3  }
0x33b: {  	vm3 =	vmor vm3, vm6  }
0x33c: {  	v6 =	vadd.s32 v7, v6;
	v7 =	vsel vm3, $0x1, v4;
	vm3 =	vnez.u8 v8;
	v8 =	vld [tilespmem:$0x1F900];
	_ =	sdelay $0x3  }
0x33d: {  	vm3 =	vmor vm3, vm8  }
0x33e: {  	v6 =	vadd.s32 v7, v6;
	v7 =	vsel vm3, $0x1, v4;
	vm3 =	vnez.u8 v8;
	v8 =	vld [tilespmem:$0x1F910];
	_ =	sdelay $0x3  }
0x33f: {  	vm3 =	vmor vm3, vm11  }
0x340: {  	v6 =	vadd.s32 v7, v6;
	v7 =	vsel vm3, $0x1, v4;
	vm3 =	vnez.u8 v8;
	v8 =	vld [tilespmem:$0x1F8F0];
	_ =	sdelay $0x3  }
0x341: {  	vm3 =	vmor vm3, vm5  }
0x342: {  	v6 =	vadd.s32 v7, v6;
	v7 =	vsel vm3, $0x1, v4;
	vm3 =	vnez.u8 v8;
	v8 =	vld [tilespmem:$0x1F8C0];
	_ =	sdelay $0x3  }
0x343: {  	vm2 =	vmor vm3, vm2  }
0x344: {  	v6 =	vadd.s32 v7, v6;
	v7 =	vsel vm2, $0x1, v4;
	vm2 =	vnez.u8 v8;
	v8 =	vld [tilespmem:$0x1F8D0];
	_ =	sdelay $0x2  }
0x345: {  	vm15 =	vmand vm13, vm15  }
0x346: {  	vm2 =	vmor vm2, vm15  }
0x347: {  	v6 =	vadd.s32 v7, v6;
	v7 =	vsel vm2, $0x1, v4;
	vm2 =	vnez.u8 v8;
	v8 =	vld [tilespmem:$0x1F8A0];
	_ =	sdelay $0x3  }
0x348: {  	vm1 =	vmor vm2, vm1  }
0x349: {  	v6 =	vadd.s32 v7, v6;
	v7 =	vsel vm1, $0x1, v4;
	vm1 =	vnez.u8 v8;
	v8 =	vld [tilespmem:$0x1F870];
	_ =	sdelay $0x3  }
0x34a: {  	vm0 =	vmor vm1, vm0  }
0x34b: {  	v6 =	vadd.s32 v7, v6;
	v7 =	vsel vm0, $0x1, v4;
	vm0 =	vnez.u8 v8;
	v8 =	vld [tilespmem:$0x1F790];
	_ =	sdelay $0x4  }
0x34c: {  	vm1 =	vnez.u8 v8;
	v8 =	vld [tilespmem:$0x1F880];
	_ =	sdelay $0x3  }
0x34d: {  	vm0 =	vmor vm0, vm1  }
0x34e: {  	v6 =	vadd.s32 v7, v6;
	v7 =	vsel vm0, $0x1, v4;
	vm0 =	vnez.u8 v8;
	v8 =	vld [tilespmem:$0x1F7A0];
	_ =	sdelay $0x4  }
0x34f: {  	vm1 =	vnez.u8 v8;
	v8 =	vld [tilespmem:$0x1F840];
	_ =	sdelay $0x3  }
0x350: {  	vm0 =	vmor vm0, vm1  }
0x351: {  	s15 =	sadd.s32 $0x10, s15;
	v6 =	vadd.s32 v7, v6;
	v7 =	vsel vm0, $0x1, v4;
	vm0 =	vnez.u8 v8;
	v8 =	vld [tilespmem:$0x1F850]  }
0x352: {  	v14 =	vld [tilespmem:s15+$0x0]  }
0x353: {  	s23 =	sadd.s32 $0xFFFFFFF6, s16;
	s24 =	sadd.s32 $0xFFFFFFF7, s16  }
0x354: {  	s26 =	sadd.s32 $0xFFFFFFF3, s16;
	s28 =	sadd.s32 $0xFFFFFFF4, s16;
	v15 =	vmov s23;
	v16 =	vmov s24  }
0x355: {  	v18 =	vmov s26;
	v19 =	vmov s28;
	vm0 =	vmor vm0, vm12  }
0x356: {  	s29 =	sadd.s32 $0xFFFFFFF5, s16;
	v6 =	vadd.s32 v7, v6;
	v7 =	vsel vm0, $0x1, v4;
	vm0 =	vnez.u8 v8;
	v8 =	vld [tilespmem:$0x1F7B0]  }
0x357: {  	s30 =	sadd.s32 $0xFFFFFFF1, s16;
	v20 =	vmov s29;
	v60 =	vbroadcast v14, $0xF;
	v61 =	vbroadcast v14, $0xC  }
0x358: {  	s22 =	sadd.s32 $0xFFFFFFFB, s16;
	v21 =	vmov s30;
	v23 =	vbroadcast v14, $0xD;
	v24 =	vbroadcast v14, $0xB  }
0x359: {  	s21 =	sadd.s32 $0xFFFFFFFA, s16;
	v13 =	vmov s22;
	v62 =	vbroadcast v14, $0x8;
	v25 =	vbroadcast v14, $0x9  }
0x35a: {  	s17 =	sadd.s32 $0xFFFFFFFF, s16;
	v63 =	vbroadcast v14, $0x6;
	v26 =	vbroadcast v14, $0x7;
	v12 =	vmov s21  }
0x35b: {  	s31 =	sadd.s32 $0xFFFFFFF9, s16;
	v9 =	vmov s17;
	vm13 =	vlt.u32 v12, v3;
	vm1 =	vnez.u8 v8  }
0x35c: {  	v12 =	vbroadcast v14, $0x5;
	v11 =	vmov s31;
	s31 =	sadd.s32 $0xFFFFFFF2, s16;
	vm0 =	vmor vm0, vm1  }
0x35d: {  	s18 =	sadd.s32 $0xFFFFFFFC, s16;
	s20 =	sadd.s32 $0xFFFFFFFE, s16;
	v22 =	vmov s31;
	v6 =	vadd.s32 v7, v6;
	v7 =	vsel vm0, $0x1, v4  }
0x35e: {  	v10 =	vmov s20;
	v6 =	vadd.s32 v7, v6;
	v7 =	vmov s18  }
0x35f: {  	vm0 =	vlt.u32 v13, v3;
	vm4 =	vlt.u32 v7, v3;
	v7 =	vimm.s32 $0x0  }
0x360: {  	vm10 =	vlt.u32 v15, v3;
	v15 =	vbroadcast v14, $0xA;
	v7 =	vsel vm0, $0xFFFFFFFF, v7  }
0x361: {  	vm7 =	vlt.u32 v11, v3;
	vm0 =	vlt.u32 v16, v3;
	[tilespmem:$0x1F7D0] =	vst v7;
	v7 =	vimm.s32 $0x0  }
0x362: {  	v11 =	vbroadcast v14, $0x0;
	vm8 =	vlt.u32 v9, v3;
	v7 =	vsel vm0, $0xFFFFFFFF, v7  }
0x363: {  	v9 =	vbroadcast v14, $0x3;
	vm0 =	vlt.u32 v20, v3;
	[tilespmem:$0x1F7E0] =	vst v7;
	v7 =	vimm.s32 $0x0  }
0x364: {  	vm12 =	vlt.u32 v10, v3;
	v10 =	vimm.s32 $0x0;
	v7 =	vsel vm0, $0xFFFFFFFF, v7  }
0x365: {  	s19 =	sadd.s32 $0xFFFFFFFD, s16;
	v8 =	vmov s16;
	vm0 =	vlt.u32 v19, v3;
	[tilespmem:$0x1F7F0] =	vst v7;
	v7 =	vimm.s32 $0x0  }
0x366: {  	vm3 =	vlt.u32 v8, v3;
	v8 =	vmov s19;
	v7 =	vsel vm0, $0xFFFFFFFF, v7  }
0x367: {  	vm11 =	vlt.u32 v8, v3;
	vm0 =	vlt.u32 v18, v3;
	[tilespmem:$0x1F800] =	vst v7;
	v7 =	vimm.s32 $0x0  }
0x368: {  	v8 =	vimm.s32 $0x0;
	v7 =	vsel vm0, $0xFFFFFFFF, v7;
	vm0 =	vlt.u32 v22, v3  }
0x369: {  	v13 =	vbroadcast v14, $0xE;
	[tilespmem:$0x1F810] =	vst v7;
	v8 =	vsel vm0, $0xFFFFFFFF, v8;
	vm0 =	vlt.u32 v21, v3  }
0x36a: {  	v7 =	vbroadcast v14, $0x4;
	[tilespmem:$0x1F820] =	vst v8;
	v8 =	vbroadcast v14, $0x2;
	v10 =	vsel vm0, $0xFFFFFFFF, v10  }
0x36b: {  	vm0 =	vlt.f32 v13, v5;
	[tilespmem:$0x1F830] =	vst v10;
	v10 =	vbroadcast v14, $0x1;
	v14 =	vimm.s32 $0x0  }
0x36c: {  	v14 =	vsel vm0, $0xFFFFFFFF, v14  }
0x36d: {  	vm0 =	vlt.f32 v60, v5;
	[tilespmem:$0x1F840] =	vst v14;
	v14 =	vimm.s32 $0x0  }
0x36e: {  	v14 =	vsel vm0, $0xFFFFFFFF, v14  }
0x36f: {  	vm0 =	veq.f32 v60, v5;
	[tilespmem:$0x1F850] =	vst v14;
	v14 =	vimm.s32 $0x0  }
0x370: {  	v14 =	vsel vm0, $0xFFFFFFFF, v14  }
0x371: {  	vm0 =	vlt.f32 v61, v5;
	[tilespmem:$0x1F860] =	vst v14;
	v14 =	vimm.s32 $0x0  }
0x372: {  	v14 =	vsel vm0, $0xFFFFFFFF, v14  }
0x373: {  	vm0 =	vlt.f32 v23, v5;
	[tilespmem:$0x1F870] =	vst v14;
	v14 =	vimm.s32 $0x0  }
0x374: {  	v14 =	vsel vm0, $0xFFFFFFFF, v14;
	vm0 =	veq.f32 v13, v5;
	v13 =	vimm.s32 $0x0  }
0x375: {  	v13 =	vsel vm0, $0xFFFFFFFF, v13  }
0x376: {  	vm0 =	vlt.f32 v24, v5;
	[tilespmem:$0x1F890] =	vst v13;
	v13 =	vimm.s32 $0x0  }
0x377: {  	v13 =	vsel vm0, $0xFFFFFFFF, v13  }
0x378: {  	vm0 =	veq.f32 v61, v5;
	[tilespmem:$0x1F8A0] =	vst v13;
	v13 =	vimm.s32 $0x0  }
0x379: {  	v13 =	vsel vm0, $0xFFFFFFFF, v13  }
0x37a: {  	vm2 =	vlt.f32 v25, v5;
	[tilespmem:$0x1F8B0] =	vst v13;
	v13 =	vimm.s32 $0x0  }
0x37b: {  	v13 =	vsel vm2, $0xFFFFFFFF, v13  }
0x37c: {  	vm2 =	vlt.f32 v15, v5;
	[tilespmem:$0x1F8C0] =	vst v13;
	v13 =	vimm.s32 $0x0  }
0x37d: {  	v13 =	vsel vm2, $0xFFFFFFFF, v13  }
0x37e: {  	vm0 =	veq.f32 v24, v5;
	[tilespmem:$0x1F8D0] =	vst v13;
	v13 =	vimm.s32 $0x0  }
0x37f: {  	v13 =	vsel vm0, $0xFFFFFFFF, v13  }
0x380: {  	vm2 =	vlt.f32 v62, v5;
	[tilespmem:$0x1F8E0] =	vst v13;
	v13 =	vimm.s32 $0x0  }
0x381: {  	v13 =	vsel vm2, $0xFFFFFFFF, v13  }
0x382: {  	vm5 =	vlt.f32 v63, v5;
	[tilespmem:$0x1F8F0] =	vst v13;
	v13 =	vimm.s32 $0x0  }
0x383: {  	p0 =	sne.s32 s16, $0xFF;
	v13 =	vsel vm5, $0xFFFFFFFF, v13  }
.Ltmp3:
0x384: {  	s25 =	sadd.s32 $0xFFFFFFF8, s16;
	vm5 =	vlt.f32 v26, v5;
	[tilespmem:$0x1F900] =	vst v13;
	v13 =	vimm.s32 $0x0;
	(pc) =	sbr.rel @p0 .LBB2_8-.Ltmp3, $4  }
0x385: {  	v17 =	vmov s25;
	vm14 =	veq.f32 v62, v5;
	v13 =	vsel vm5, $0xFFFFFFFF, v13  }
0x386: {  	vm9 =	vlt.u32 v17, v3;
	vm5 =	vlt.f32 v12, v5;
	[tilespmem:$0x1F910] =	vst v13;
	v13 =	vimm.s32 $0x0  }
0x387: {  	vm6 =	veq.f32 v26, v5;
	vm15 =	veq.f32 v25, v5;
	[tilespmem:$0x1F880] =	vst v14;
	v13 =	vsel vm5, $0xFFFFFFFF, v13  }
0x388: {  	s16 =	sadd.s32 $0x10, s16;
	vm1 =	veq.f32 v23, v5;
	vm2 =	veq.f32 v15, v5;
	vm5 =	veq.f32 v63, v5;
	[tilespmem:$0x1F920] =	vst v13  }
0x389: {  	v13 =	vld [tilespmem:$0x1F860]  }
0x38a: {  	v39 =	vld [tilespmem:$0x1F8B0]  }
0x38b: {  	v40 =	vld [tilespmem:$0x1F890]  }
0x38c: {  	v41 =	vld [tilespmem:$0x1F7D0]  }
0x38d: {  	v42 =	vld [tilespmem:$0x1F8E0]  }
0x38e: {  	v43 =	vld [tilespmem:$0x1F7E0]  }
0x38f: {  	v38 =	vimm.s32 $0x0  }
0x390: {  	vm1 =	vmand vm12, vm1;
	v44 =	vld [tilespmem:$0x1F830];
	vm0 =	vnez.u8 v13;
	vm12 =	vnez.u8 v40  }
0x391: {  	v45 =	vld [tilespmem:$0x1F7F0];
	vm3 =	vmand vm3, vm0;
	vm0 =	vnez.u8 v39;
	vm12 =	vmand vm8, vm12  }
0x392: {  	vm8 =	vnez.u8 v42;
	v13 =	vsel vm3, $0xFFFFFFFF, v38;
	vm11 =	vmand vm11, vm0  }
0x393: {  	vm3 =	vmand vm13, vm15;
	vm15 =	vnez.u8 v41;
	vm13 =	vnez.u8 v43  }
0x394: {  	v46 =	vld [tilespmem:$0x1F820];
	vm0 =	vmand vm4, vm8;
	vm15 =	vmand vm15, vm2;
	vm5 =	vmand vm13, vm5  }
0x395: {  	v47 =	vld [tilespmem:$0x1F800];
	vm2 =	vmand vm7, vm14;
	vm14 =	veq.f32 v11, v5;
	vm13 =	vnez.u8 v44  }
0x396: {  	vm4 =	veq.f32 v7, v5;
	vm7 =	vmand vm13, vm14;
	vm14 =	vnez.u8 v45  }
0x397: {  	vm6 =	vmand vm9, vm6;
	v48 =	vld [tilespmem:$0x1F810];
	vm13 =	veq.f32 v12, v5;
	vm4 =	vmand vm14, vm4  }
0x398: {  	v52 =	vld [tilespmem:$0x1F920];
	vm8 =	vmand vm10, vm13;
	vm14 =	vlt.f32 v11, v5;
	vm13 =	veq.f32 v10, v5  }
0x399: {  	v53 =	vld [tilespmem:$0x1F900];
	vm10 =	veq.f32 v9, v5;
	vm7 =	vmor vm14, vm7;
	vm14 =	vnez.u8 v46  }
0x39a: {  	v54 =	vld [tilespmem:$0x1F910];
	vm9 =	vmand vm14, vm13;
	vm13 =	vnez.u8 v47;
	vm14 =	veq.f32 v8, v5  }
0x39b: {  	v55 =	vld [tilespmem:$0x1F8F0];
	v49 =	vsel vm7, $0x1, v4;
	vm10 =	vmand vm13, vm10;
	vm13 =	vlt.f32 v10, v5  }
0x39c: {  	v56 =	vld [tilespmem:$0x1F8C0];
	v6 =	vadd.s32 v49, v6;
	vm9 =	vmor vm13, vm9;
	vm13 =	vnez.u8 v48  }
0x39d: {  	v57 =	vld [tilespmem:$0x1F8D0];
	vm13 =	vmand vm13, vm14;
	vm14 =	vlt.f32 v8, v5;
	v50 =	vsel vm9, $0x1, v4  }
0x39e: {  	v58 =	vld [tilespmem:$0x1F8A0];
	vm9 =	vmor vm14, vm13;
	vm13 =	vlt.f32 v9, v5;
	v6 =	vadd.s32 v50, v6  }
0x39f: {  	v62 =	vld [tilespmem:$0x1F850];
	vm14 =	vlt.f32 v7, v5;
	v51 =	vsel vm9, $0x1, v4;
	vm7 =	vmor vm13, vm10  }
0x3a0: {  	vm4 =	vmor vm14, vm4;
	vm9 =	vnez.u8 v52;
	vm10 =	vnez.u8 v53  }
0x3a1: {  	vm13 =	vnez.u8 v54;
	vm14 =	vnez.u8 v55;
	v5 =	vsel vm7, $0x1, v4  }
0x3a2: {  	v59 =	vld [tilespmem:$0x1F870];
	v6 =	vadd.s32 v51, v6;
	v7 =	vsel vm4, $0x1, v4;
	vm4 =	vmor vm9, vm8  }
0x3a3: {  	vm2 =	vmor vm14, vm2;
	vm7 =	vnez.u8 v56;
	vm8 =	vnez.u8 v57  }
0x3a4: {  	v61 =	vld [tilespmem:$0x1F840];
	[tilespmem:$0x1F6D0] =	vst v13;
	vm9 =	vnez.u8 v58;
	vm14 =	vnez.u8 v62;
	v5 =	vadd.s32 v5, v6  }
0x3a5: {  	v63 =	vld [tilespmem:$0x1F6D0];
	v6 =	vsel vm4, $0x1, v4;
	vm4 =	vmor vm10, vm5;
	vm0 =	vmor vm9, vm0  }
0x3a6: {  	v5 =	vadd.s32 v7, v5;
	v7 =	vsel vm4, $0x1, v4;
	vm4 =	vmor vm13, vm6  }
0x3a7: {  	v60 =	vld [tilespmem:$0x1F880];
	vm10 =	vnez.u8 v59;
	v5 =	vadd.s32 v6, v5;
	v6 =	vsel vm4, $0x1, v4  }
0x3a8: {  	v5 =	vadd.s32 v7, v5;
	v7 =	vsel vm2, $0x1, v4;
	vm2 =	vmor vm7, vm3  }
0x3a9: {  	vm13 =	vnez.u8 v61;
	v5 =	vadd.s32 v6, v5;
	v6 =	vsel vm2, $0x1, v4  }
0x3aa: {  	vm2 =	vmor vm8, vm15;
	vm15 =	vnez.u8 v63;
	v5 =	vadd.s32 v7, v5  }
0x3ab: {  	v7 =	vsel vm2, $0x1, v4;
	v5 =	vadd.s32 v6, v5;
	v6 =	vsel vm0, $0x1, v4  }
0x3ac: {  	vm0 =	vmor vm10, vm11;
	vm11 =	vnez.u8 v60;
	v5 =	vadd.s32 v7, v5  }
0x3ad: {  	v7 =	vsel vm0, $0x1, v4;
	vm0 =	vmor vm11, vm1;
	v5 =	vadd.s32 v6, v5  }
0x3ae: {  	v6 =	vsel vm0, $0x1, v4;
	vm0 =	vmor vm13, vm12;
	v5 =	vadd.s32 v7, v5  }
0x3af: {  	v7 =	vsel vm0, $0x1, v4;
	vm0 =	vmor vm14, vm15;
	v5 =	vadd.s32 v6, v5  }
0x3b0: {  	v6 =	vsel vm0, $0x1, v4;
	v5 =	vadd.s32 v7, v5  }
0x3b1: {  	v5 =	vadd.s32 v6, v5  }
0x3b2: {  	s14 =	sadd.s32 $0x1, s14;
	v5 =	vshrl.u32 v5, $0x6  }
0x3b3: {  	p0 =	sne.s32 s14, s9;
	v5 =	vsub.s32 $0x3, v5  }
.Ltmp4:
0x3b4: {  	[tilespmem:$0x130] =	vst v5;
	(pc) =	sbr.rel @p0 .LBB2_1-.Ltmp4, $4  }
0x3b5: {  	[hbm4b:s8+s2] =	stream.linear.scatter [tilespmem:s13], [sflag:$0x1], $0x40, $0x38;
	[tilespmem:$0x180] =	vst v63  }
0x3b6: {  	_ =	swait.ge [sflag:s12], $0x40  }
0x3b7: {  	[sflag:s12] =	ssyncset.done $0x0  }
0x3b8: {  	[sflag:s12] =	ssyncadd.s32 $0xFFFFFFC0  }
0x3b9: {  	_ =	sfence.sel $0x180000  }
0x3ba: {  	[bflag:$0x0] =	sbarrier.arrive $0xFFFF  }
0x3bb: {  	p0 =	sne.s32 s1, $0x0;
	_ =	strace $0x9000004A  }
0x3bc: {  	s0 =	sadd.s32 @!p0 $0x100000, s0;
	[bflag:$0x2] =	sbarrier.arrive $0xFFFF  }
0x3bd: {  	[sflag:s0] =	ssyncadd.tile.s32 @!p0 $0x1;
	_ =	shalt  }
.Lfunc_end2:
_tile_overlayer_lowered:
.L_overlay_start_2:
0x3be: {  	(tag) =	ssettag $0x2  }
0x3bf: {  	s0 =	rddreg [dreg:$0x0];
	s2 =	stileid.u32  }
0x3c0: {  	s1 =	rddreg [dreg:$0x1];
	p0 =	sne.s32 s2, $0x0  }
0x3c1: {  	s3 =	rddreg [dreg:$0x2];
	[bflag:$0x3] =	sbarrier.arrive $0xFFFF;
	s2 =	simm.s32 @!p0 $0x1C01  }
0x3c2: {  	[timem:s3], [sflag:s2] =	dma.local @!p0 [hbm:s0], s1  }
0x3c3: {  	s0 =	simm.s32 @!p0 $0x1  }
0x3c4: {  	_ =	swait.ge @!p0 [sflag:s0], s1  }
0x3c5: {  	s1 =	ssub.s32 @!p0 $0x0, s1;
	[sflag:s0] =	ssyncset.done @!p0 $0x0  }
0x3c6: {  	[sflag:s0] =	ssyncadd.s32 @!p0 s1  }
0x3c7: {  	[bflag:$0x3] =	sbarrier.arrive $0xFFFF  }
0x3c8: {  	_ =	shalt  }

</sc_bundles>
